<compile_context>
chip_gen: v7x
topology: tpu7x:2x2x1
jax: 0.10.2.dev20260603
libtpu: 0.0.44.dev20260713+nightly
codegen_flags: <defaults>
</compile_context>

<pallas_src>
import functools

import jax
import jax.numpy as jnp
from jax import lax
from jax.experimental import pallas as pl
from jax.experimental.pallas import tpu as pltpu
from jax.experimental.pallas import tpu_sc as plsc

_NC = 2
_NS = 16
_NW = _NC * _NS
_CHUNK = 112


def _sc_gather(tables, idx_r, n_pad, k, w):
    mesh = plsc.VectorSubcoreMesh(
        core_axis_name="c", subcore_axis_name="s",
        num_cores=_NC, num_subcores=_NS)
    dt = tables[0].dtype
    nt = len(tables)
    ns = 2 * nt
    out_sds = jax.ShapeDtypeStruct((n_pad, w), dt)

    @functools.partial(
        pl.kernel,
        mesh=mesh,
        out_type=[out_sds] * ns,
        scratch_types=(
            [pltpu.VMEM((k, _CHUNK), jnp.int32)] * 2
            + [pltpu.VMEM((_CHUNK, w), dt)] * (2 * ns)
            + [pltpu.SemaphoreType.DMA] * 4
        ),
    )
    def gather_kernel(*refs):
        tabs_in = refs[:nt]
        idx_hbm = refs[nt]
        outs = refs[nt + 1:nt + 1 + ns]
        i0_v, i1_v = refs[nt + 1 + ns:nt + 3 + ns]
        bufs = refs[nt + 3 + ns:nt + 3 + ns + 2 * ns]
        bufs_a, bufs_b = bufs[:ns], bufs[ns:]
        gsa, gsb, ssa, ssb = refs[-4:]

        wid = lax.axis_index("s") * _NC + lax.axis_index("c")
        pltpu.sync_copy(idx_hbm.at[0, wid], i0_v)
        pltpu.sync_copy(idx_hbm.at[1, wid], i1_v)
        tabs = tuple(t for t in tabs_in for _ in range(2))
        idxs = (i0_v, i1_v) * nt
        base0 = wid * (k * _CHUNK)

        def gissue(j, bufs, sem):
            for t in range(ns):
                pltpu.async_copy(tabs[t].at[idxs[t].at[j]], bufs[t], sem)

        def gwait(bufs, sem):
            for t in range(ns):
                pltpu.make_async_copy(
                    tabs[t].at[idxs[t].at[0]], bufs[t], sem).wait()

        def sissue(j, bufs, sem):
            for t in range(ns):
                pltpu.async_copy(
                    bufs[t], outs[t].at[pl.ds(base0 + j * _CHUNK, _CHUNK)],
                    sem)

        def sdrain(bufs, sem):
            for t in range(ns):
                pltpu.make_async_copy(
                    bufs[t], outs[t].at[pl.ds(0, _CHUNK)], sem).wait()

        gissue(0, bufs_a, gsa)

        def body(it, carry):
            ja = 2 * it
            jb = ja + 1
            jn = lax.min(ja + 2, k - 1)
            gwait(bufs_a, gsa)

            @pl.when(it > 0)
            def _():
                sdrain(bufs_b, ssb)

            gissue(jb, bufs_b, gsb)
            sissue(ja, bufs_a, ssa)
            gwait(bufs_b, gsb)
            sdrain(bufs_a, ssa)
            gissue(jn, bufs_a, gsa)
            sissue(jb, bufs_b, ssb)
            return carry

        lax.fori_loop(0, k // 2, body, 0)
        gwait(bufs_a, gsa)
        sdrain(bufs_b, ssb)

    return gather_kernel(*tables, idx_r)


def _tc_pack(h_all, c_all, n, hs, block):
    i32 = jnp.int32
    hh = hs // 2

    def body(h_ref, c_ref, o_ref):
        def packw(a):
            rb = a.astype(jnp.bfloat16).astype(jnp.float32)
            bits = jax.lax.bitcast_convert_type(rb, i32)
            p = jax.lax.shift_right_logical(bits, 16)
            return jax.lax.shift_left(p[:, hh:], 16) | p[:, :hh]

        o_ref[:, :hh] = packw(h_ref[...])
        o_ref[:, hh:] = packw(c_ref[...])

    row = lambda i: (i, 0)
    return pl.pallas_call(
        body,
        grid=(pl.cdiv(n, block),),
        in_specs=[pl.BlockSpec((block, hs), row)] * 2,
        out_specs=pl.BlockSpec((block, hs), row),
        out_shape=jax.ShapeDtypeStruct((n, hs), i32),
        compiler_params=pltpu.CompilerParams(
            dimension_semantics=("parallel",)),
    )(h_all, c_all)


def _tc_fused(x, gathered, w_iou, ui0, ui1, uf0, uf1, ufb, biou,
              prev_out, off_blocks, slice_blocks, n, hs, block):
    grid = (slice_blocks,)
    packed = len(gathered) == 2
    f32 = jnp.float32

    def gates(x_ref, w_refs, out_ref, h0b, h1b, c0v, c1v):
        wiou_ref, ui0_ref, ui1_ref, uf0_ref, uf1_ref, ufb_ref, biou_ref = \
            w_refs
        fpre = (jnp.dot(h0b, uf0_ref[...], preferred_element_type=f32)
                + jnp.dot(h1b, uf1_ref[...], preferred_element_type=f32)
                + ufb_ref[...])
        f0 = jax.nn.sigmoid(fpre[:, :hs])
        f1 = jax.nn.sigmoid(fpre[:, hs:])
        cred = f0 * c0v + f1 * c1v
        iou = (jnp.dot(x_ref[...], wiou_ref[...], preferred_element_type=f32)
               + jnp.dot(h0b, ui0_ref[...], preferred_element_type=f32)
               + jnp.dot(h1b, ui1_ref[...], preferred_element_type=f32)
               + biou_ref[...])
        i = jax.nn.sigmoid(iou[:, :hs])
        o = jax.nn.sigmoid(iou[:, hs:2 * hs])
        u = jnp.tanh(iou[:, 2 * hs:])
        c = i * u + cred
        h = o * jnp.tanh(c)
        out_ref[:, :hs] = h
        out_ref[:, hs:] = c

    if packed:
        hh = hs // 2

        def unpackf(w):
            lo = jax.lax.bitcast_convert_type(jax.lax.shift_left(w, 16), f32)
            hi = jax.lax.bitcast_convert_type(w & jnp.int32(-65536), f32)
            return jnp.concatenate([lo, hi], axis=1)

        def body(x_ref, hc0_ref, hc1_ref, *rest):
            hc0b = hc0_ref[...]
            hc1b = hc1_ref[...]
            bf = jnp.bfloat16
            gates(x_ref, rest[:7], rest[-1],
                  unpackf(hc0b[:, :hh]).astype(bf),
                  unpackf(hc1b[:, :hh]).astype(bf),
                  unpackf(hc0b[:, hh:]), unpackf(hc1b[:, hh:]))
        g_specs = [pl.BlockSpec((block, hs), lambda i: (i, 0))] * 2
    else:
        def body(x_ref, h0_ref, h1_ref, c0_ref, c1_ref, *rest):
            gates(x_ref, rest[:7], rest[-1],
                  h0_ref[...], h1_ref[...],
                  c0_ref[...].astype(f32), c1_ref[...].astype(f32))
        g_specs = [pl.BlockSpec((block, hs), lambda i: (i, 0))] * 4

    row_g = lambda i: (i + off_blocks, 0)
    full = lambda i: (0, 0)
    in_specs = (
        [pl.BlockSpec((block, x.shape[1]), row_g)]
        + g_specs
        + [pl.BlockSpec(w.shape, full)
           for w in (w_iou, ui0, ui1, uf0, uf1, ufb, biou)]
    )
    args = [x, *gathered, w_iou, ui0, ui1, uf0, uf1, ufb, biou]
    aliases = {}
    if prev_out is not None:
        in_specs.append(pl.BlockSpec(memory_space=pl.ANY))
        aliases = {len(args): 0}
        args.append(prev_out)
    return pl.pallas_call(
        body,
        grid=grid,
        in_specs=in_specs,
        out_specs=pl.BlockSpec((block, 2 * hs), row_g),
        out_shape=jax.ShapeDtypeStruct((n, 2 * hs), jnp.float32),
        input_output_aliases=aliases,
        compiler_params=pltpu.CompilerParams(
            dimension_semantics=("parallel",)),
    )(*args)


_BLOCK = 2048
_KS = 8


def kernel(x, h_all, c_all, child_idx, W_iou, U_iou, U_f_w, U_f_b, b_iou):
    n, _ = x.shape
    hs = h_all.shape[1]
    bf = jnp.bfloat16
    f32 = jnp.float32

    k = pl.cdiv(n, _NW * _CHUNK)
    k += k & 1
    n_pad = _NW * k * _CHUNK

    idx32 = child_idx.astype(jnp.int32)
    idx_t = jnp.pad(idx32.T, ((0, 0), (0, n_pad - n)))

    ks_list = []
    rem = k
    while rem > 0:
        ks_list.append(min(_KS, rem))
        rem -= ks_list[-1]

    ui0, ui1 = U_iou[:hs], U_iou[hs:]
    uf0, uf1 = U_f_w[:hs], U_f_w[hs:]
    ufb = U_f_b.reshape(1, 2 * hs)

    hc16 = _tc_pack(h_all, c_all, n, hs, _BLOCK)
    ui0_16, ui1_16 = ui0.astype(bf), ui1.astype(bf)
    uf0_16, uf1_16 = uf0.astype(bf), uf1.astype(bf)

    out = None
    base = 0
    for s, ks in enumerate(ks_list):
        rows = _NW * ks * _CHUNK
        idx_r = idx_t[:, base:base + rows].reshape(2, _NW, ks, _CHUNK)
        if s == 0:
            gathered = _sc_gather([h_all, c_all], idx_r, rows, ks, hs)
            ws = (ui0, ui1, uf0, uf1)
        else:
            gathered = _sc_gather([hc16], idx_r, rows, ks, hs)
            ws = (ui0_16, ui1_16, uf0_16, uf1_16)
        out = _tc_fused(x, gathered, W_iou, ws[0], ws[1], ws[2], ws[3],
                        ufb, b_iou, out, base // _BLOCK, rows // _BLOCK,
                        n, hs, _BLOCK)
        base += rows
    return out

# --- scband reference (transcript-rebuilt; emitter-appended) ---
"""Pipeline reference for scband-nary-tree-lstmcell-26912265077354 (READ-ONLY COPY).

The authoritative reference and input builder live on the scoring server;
editing this copy changes nothing except your own understanding.
"""

import jax, jax.numpy as jnp
import numpy as np

N = 100000
NARY = 2
XS = 128
HS = 128

def setup_inputs(seed: int = 0) -> dict:
    key = jax.random.key(seed)
    ks = jax.random.split(key, 9)
    x = jax.random.normal(ks[0], (N, XS), dtype=jnp.float32)
    h_all = jax.random.normal(ks[1], (N, HS), dtype=jnp.float32)
    c_all = jax.random.normal(ks[2], (N, HS), dtype=jnp.float32)
    child_idx = jax.random.randint(ks[3], (N, NARY), 0, N, dtype=jnp.int64)
    # Parameters sized per init_kwargs (torch Linear weights stored transposed: [in, out])
    W_iou = jax.random.normal(ks[4], (XS, 3 * HS), dtype=jnp.float32) * 0.02
    U_iou = jax.random.normal(ks[5], (NARY * HS, 3 * HS), dtype=jnp.float32) * 0.02
    U_f_w = jax.random.normal(ks[6], (NARY * HS, NARY * HS), dtype=jnp.float32) * 0.02
    U_f_b = jnp.zeros((NARY * HS,), dtype=jnp.float32)
    b_iou = jnp.zeros((1, 3 * HS), dtype=jnp.float32)
    return {"x": x, "h_all": h_all, "c_all": c_all, "child_idx": child_idx,
            "W_iou": W_iou, "U_iou": U_iou, "U_f_w": U_f_w, "U_f_b": U_f_b, "b_iou": b_iou}

def reference(x, h_all, c_all, child_idx, W_iou, U_iou, U_f_w, U_f_b, b_iou):
    # message_func + mailbox: gather children's h and c (fixed fan-in NARY, no padding needed)
    child_h = jnp.take(h_all, child_idx, axis=0)  # [N, NARY, HS]
    child_c = jnp.take(c_all, child_idx, axis=0)  # [N, NARY, HS]
    # reduce_func
    h_cat = child_h.reshape(N, NARY * HS)
    f = jax.nn.sigmoid(h_cat @ U_f_w + U_f_b).reshape(N, NARY, HS)
    c_red = jnp.sum(f * child_c, axis=1)  # [N, HS]
    iou = x @ W_iou + h_cat @ U_iou  # nodes.data['iou'] (W_iou(x)) + U_iou(h_cat)
    # apply_node_func
    iou = iou + b_iou
    i, o, u = jnp.split(iou, 3, axis=1)
    i = jax.nn.sigmoid(i)
    o = jax.nn.sigmoid(o)
    u = jnp.tanh(u)
    c = i * u + c_red
    h = o * jnp.tanh(c)
    return jnp.concatenate([h, c], axis=1)  # [N, 2*HS]

if __name__ == "__main__":
    import jax
    _d = setup_inputs()
    print(jax.jit(kernel)(*tuple(_d.values())))

</pallas_src>

<mosaic_0001>
#map = affine_map<(d0, d1) -> (0, 0)>
#map1 = affine_map<(d0, d1) -> (0, 0, 0, 0)>
module attributes {stable_mosaic.version = 14 : i64} {
  func.func @gather_kernel(%arg0: i32, %arg1: i32, %arg2: memref<100000x128xi32, #tpu.memory_space<hbm>>, %arg3: memref<2x32x8x112xi32, #tpu.memory_space<hbm>>, %arg4: memref<28672x128xi32, #tpu.memory_space<hbm>>, %arg5: memref<28672x128xi32, #tpu.memory_space<hbm>>, %arg6: memref<8x112xi32, #tpu.memory_space<vmem>>, %arg7: memref<8x112xi32, #tpu.memory_space<vmem>>, %arg8: memref<112x128xi32, #tpu.memory_space<vmem>>, %arg9: memref<112x128xi32, #tpu.memory_space<vmem>>, %arg10: memref<112x128xi32, #tpu.memory_space<vmem>>, %arg11: memref<112x128xi32, #tpu.memory_space<vmem>>, %arg12: memref<!tpu.dma_semaphore, #tpu.memory_space<semaphore_mem>>, %arg13: memref<!tpu.dma_semaphore, #tpu.memory_space<semaphore_mem>>, %arg14: memref<!tpu.dma_semaphore, #tpu.memory_space<semaphore_mem>>, %arg15: memref<!tpu.dma_semaphore, #tpu.memory_space<semaphore_mem>>) attributes {dimension_semantics = [#tpu.dimension_semantics<core_parallel>, #tpu.dimension_semantics<subcore_parallel>], iteration_bounds = array<i64: 2, 16>, scalar_prefetch = 0 : i64, scratch_operands = 10 : i64, tpu.core_type = #tpu.core_type<sc_vector_subcore>, window_params = [{transform_indices = #map}, {transform_indices = #map1}, {transform_indices = #map}, {transform_indices = #map}]} {
    %mul3A = arith.constant 2 : i32
    %mul3A_0 = arith.muli %arg1, %mul3A : i32
    %add3A = arith.addi %mul3A_0, %arg0 : i32
    %run_scoped3A = arith.constant 0 : i32
    "tpu.region"() ({
      %run_scoped3A_47 = tpu.sem_alloc : memref<!tpu.dma_semaphore, #tpu.memory_space<semaphore_mem>>
      %dma_start3A_48 = arith.constant 0 : i32
      %dma_start3A_49 = arith.constant 0 : i32
      %dma_start3A_50 = tpu.memref_slice %arg3[%run_scoped3A, %add3A, %dma_start3A_48, %dma_start3A_49] : memref<2x32x8x112xi32, #tpu.memory_space<hbm>> -> memref<1x1x8x112xi32, #tpu.memory_space<hbm>>
      %dma_start3A_51 = tpu.memref_squeeze %dma_start3A_50 : memref<1x1x8x112xi32, #tpu.memory_space<hbm>> -> memref<8x112xi32, #tpu.memory_space<hbm>>
      %dma_start3A_52 = arith.constant 0 : i32
      %dma_start3A_53 = arith.constant 0 : i32
      %dma_start3A_54 = tpu.memref_slice %arg3[%run_scoped3A, %add3A, %dma_start3A_52, %dma_start3A_53] : memref<2x32x8x112xi32, #tpu.memory_space<hbm>> -> memref<1x1x8x112xi32, #tpu.memory_space<hbm>>
      %dma_start3A_55 = tpu.memref_squeeze %dma_start3A_54 : memref<1x1x8x112xi32, #tpu.memory_space<hbm>> -> memref<8x112xi32, #tpu.memory_space<hbm>>
      tpu.enqueue_dma source(%dma_start3A_55 : memref<8x112xi32, #tpu.memory_space<hbm>>) target(%arg6 : memref<8x112xi32, #tpu.memory_space<vmem>>) target_semaphore(%run_scoped3A_47 : memref<!tpu.dma_semaphore, #tpu.memory_space<semaphore_mem>>)
      %dma_wait3A_56 = arith.constant 0 : i32
      %dma_wait3A_57 = arith.constant 0 : i32
      %dma_wait3A_58 = tpu.memref_slice %arg3[%run_scoped3A, %add3A, %dma_wait3A_56, %dma_wait3A_57] : memref<2x32x8x112xi32, #tpu.memory_space<hbm>> -> memref<1x1x8x112xi32, #tpu.memory_space<hbm>>
      %dma_wait3A_59 = tpu.memref_squeeze %dma_wait3A_58 : memref<1x1x8x112xi32, #tpu.memory_space<hbm>> -> memref<8x112xi32, #tpu.memory_space<hbm>>
      %dma_wait3A_60 = arith.constant 0 : i32
      %dma_wait3A_61 = arith.constant 0 : i32
      %dma_wait3A_62 = tpu.memref_slice %arg3[%run_scoped3A, %add3A, %dma_wait3A_60, %dma_wait3A_61] : memref<2x32x8x112xi32, #tpu.memory_space<hbm>> -> memref<1x1x8x112xi32, #tpu.memory_space<hbm>>
      %dma_wait3A_63 = tpu.memref_squeeze %dma_wait3A_62 : memref<1x1x8x112xi32, #tpu.memory_space<hbm>> -> memref<8x112xi32, #tpu.memory_space<hbm>>
      tpu.wait_dma2 semaphore(%run_scoped3A_47 : memref<!tpu.dma_semaphore, #tpu.memory_space<semaphore_mem>>) src(%dma_wait3A_63 : memref<8x112xi32, #tpu.memory_space<hbm>>) dst(%arg6 : memref<8x112xi32, #tpu.memory_space<vmem>>)
      tpu.yield
    }) : () -> ()
    %run_scoped3A_1 = arith.constant 1 : i32
    "tpu.region"() ({
      %run_scoped3A_47 = tpu.sem_alloc : memref<!tpu.dma_semaphore, #tpu.memory_space<semaphore_mem>>
      %dma_start3A_48 = arith.constant 0 : i32
      %dma_start3A_49 = arith.constant 0 : i32
      %dma_start3A_50 = tpu.memref_slice %arg3[%run_scoped3A_1, %add3A, %dma_start3A_48, %dma_start3A_49] : memref<2x32x8x112xi32, #tpu.memory_space<hbm>> -> memref<1x1x8x112xi32, #tpu.memory_space<hbm>>
      %dma_start3A_51 = tpu.memref_squeeze %dma_start3A_50 : memref<1x1x8x112xi32, #tpu.memory_space<hbm>> -> memref<8x112xi32, #tpu.memory_space<hbm>>
      %dma_start3A_52 = arith.constant 0 : i32
      %dma_start3A_53 = arith.constant 0 : i32
      %dma_start3A_54 = tpu.memref_slice %arg3[%run_scoped3A_1, %add3A, %dma_start3A_52, %dma_start3A_53] : memref<2x32x8x112xi32, #tpu.memory_space<hbm>> -> memref<1x1x8x112xi32, #tpu.memory_space<hbm>>
      %dma_start3A_55 = tpu.memref_squeeze %dma_start3A_54 : memref<1x1x8x112xi32, #tpu.memory_space<hbm>> -> memref<8x112xi32, #tpu.memory_space<hbm>>
      tpu.enqueue_dma source(%dma_start3A_55 : memref<8x112xi32, #tpu.memory_space<hbm>>) target(%arg7 : memref<8x112xi32, #tpu.memory_space<vmem>>) target_semaphore(%run_scoped3A_47 : memref<!tpu.dma_semaphore, #tpu.memory_space<semaphore_mem>>)
      %dma_wait3A_56 = arith.constant 0 : i32
      %dma_wait3A_57 = arith.constant 0 : i32
      %dma_wait3A_58 = tpu.memref_slice %arg3[%run_scoped3A_1, %add3A, %dma_wait3A_56, %dma_wait3A_57] : memref<2x32x8x112xi32, #tpu.memory_space<hbm>> -> memref<1x1x8x112xi32, #tpu.memory_space<hbm>>
      %dma_wait3A_59 = tpu.memref_squeeze %dma_wait3A_58 : memref<1x1x8x112xi32, #tpu.memory_space<hbm>> -> memref<8x112xi32, #tpu.memory_space<hbm>>
      %dma_wait3A_60 = arith.constant 0 : i32
      %dma_wait3A_61 = arith.constant 0 : i32
      %dma_wait3A_62 = tpu.memref_slice %arg3[%run_scoped3A_1, %add3A, %dma_wait3A_60, %dma_wait3A_61] : memref<2x32x8x112xi32, #tpu.memory_space<hbm>> -> memref<1x1x8x112xi32, #tpu.memory_space<hbm>>
      %dma_wait3A_63 = tpu.memref_squeeze %dma_wait3A_62 : memref<1x1x8x112xi32, #tpu.memory_space<hbm>> -> memref<8x112xi32, #tpu.memory_space<hbm>>
      tpu.wait_dma2 semaphore(%run_scoped3A_47 : memref<!tpu.dma_semaphore, #tpu.memory_space<semaphore_mem>>) src(%dma_wait3A_63 : memref<8x112xi32, #tpu.memory_space<hbm>>) dst(%arg7 : memref<8x112xi32, #tpu.memory_space<vmem>>)
      tpu.yield
    }) : () -> ()
    %mul3A_2 = arith.constant 896 : i32
    %mul3A_3 = arith.muli %add3A, %mul3A_2 : i32
    %dma_start3A = arith.constant 0 : i32
    %dma_start3A_4 = arith.constant 0 : i32
    %dma_start3A_5 = tpu.memref_slice %arg6[%dma_start3A, %dma_start3A_4] : memref<8x112xi32, #tpu.memory_space<vmem>> -> memref<1x112xi32, #tpu.memory_space<vmem>>
    %dma_start3A_6 = tpu.memref_squeeze %dma_start3A_5 : memref<1x112xi32, #tpu.memory_space<vmem>> -> memref<112xi32, #tpu.memory_space<vmem>>
    %dma_start3A_7 = arith.constant 0 : i32
    %dma_start3A_8 = arith.constant 0 : i32
    %dma_start3A_9 = tpu.memref_slice %arg2[%dma_start3A_7, %dma_start3A_8] : memref<100000x128xi32, #tpu.memory_space<hbm>> -> memref<100000x128xi32, #tpu.memory_space<hbm>>
    tpu.enqueue_indirect_dma source(%dma_start3A_9 : memref<100000x128xi32, #tpu.memory_space<hbm>>) target(%arg8 : memref<112x128xi32, #tpu.memory_space<vmem>>) offsets(%dma_start3A_6 : memref<112xi32, #tpu.memory_space<vmem>>) semaphore(%arg12 : memref<!tpu.dma_semaphore, #tpu.memory_space<semaphore_mem>>)
    %dma_start3A_10 = arith.constant 0 : i32
    %dma_start3A_11 = arith.constant 0 : i32
    %dma_start3A_12 = tpu.memref_slice %arg7[%dma_start3A_10, %dma_start3A_11] : memref<8x112xi32, #tpu.memory_space<vmem>> -> memref<1x112xi32, #tpu.memory_space<vmem>>
    %dma_start3A_13 = tpu.memref_squeeze %dma_start3A_12 : memref<1x112xi32, #tpu.memory_space<vmem>> -> memref<112xi32, #tpu.memory_space<vmem>>
    %dma_start3A_14 = arith.constant 0 : i32
    %dma_start3A_15 = arith.constant 0 : i32
    %dma_start3A_16 = tpu.memref_slice %arg2[%dma_start3A_14, %dma_start3A_15] : memref<100000x128xi32, #tpu.memory_space<hbm>> -> memref<100000x128xi32, #tpu.memory_space<hbm>>
    tpu.enqueue_indirect_dma source(%dma_start3A_16 : memref<100000x128xi32, #tpu.memory_space<hbm>>) target(%arg9 : memref<112x128xi32, #tpu.memory_space<vmem>>) offsets(%dma_start3A_13 : memref<112xi32, #tpu.memory_space<vmem>>) semaphore(%arg12 : memref<!tpu.dma_semaphore, #tpu.memory_space<semaphore_mem>>)
    %scan3A = arith.constant 0 : i32
    %scan3A_17 = arith.constant 0 : i32
    %scan3A_18 = arith.constant 4 : i32
    %scan3A_19 = arith.addi %scan3A_17, %scan3A_18 : i32
    %scan3A_20 = arith.constant 1 : i32
    scf.for %scan3A_47 = %scan3A_17 to %scan3A_19 step %scan3A_20  : i32 {
      %mul3A_48 = arith.constant 2 : i32
      %mul3A_49 = arith.muli %mul3A_48, %scan3A_47 : i32
      %add3A_50 = arith.constant 1 : i32
      %add3A_51 = arith.addi %mul3A_49, %add3A_50 : i32
      %add3A_52 = arith.constant 2 : i32
      %add3A_53 = arith.addi %mul3A_49, %add3A_52 : i32
      %min3A = arith.constant 7 : i32
      %min3A_54 = arith.minsi %add3A_53, %min3A : i32
      %dma_wait3A_55 = arith.constant 0 : i32
      %dma_wait3A_56 = arith.constant 0 : i32
      %dma_wait3A_57 = tpu.memref_slice %arg6[%dma_wait3A_55, %dma_wait3A_56] : memref<8x112xi32, #tpu.memory_space<vmem>> -> memref<1x112xi32, #tpu.memory_space<vmem>>
      %dma_wait3A_58 = tpu.memref_squeeze %dma_wait3A_57 : memref<1x112xi32, #tpu.memory_space<vmem>> -> memref<112xi32, #tpu.memory_space<vmem>>
      %dma_wait3A_59 = arith.constant 0 : i32
      %dma_wait3A_60 = arith.constant 0 : i32
      %dma_wait3A_61 = tpu.memref_slice %arg2[%dma_wait3A_59, %dma_wait3A_60] : memref<100000x128xi32, #tpu.memory_space<hbm>> -> memref<100000x128xi32, #tpu.memory_space<hbm>>
      tpu.wait_indirect_dma semaphore(%arg12 : memref<!tpu.dma_semaphore, #tpu.memory_space<semaphore_mem>>) src(%dma_wait3A_61 : memref<100000x128xi32, #tpu.memory_space<hbm>>) dst(%arg8 : memref<112x128xi32, #tpu.memory_space<vmem>>)
      %dma_wait3A_62 = arith.constant 0 : i32
      %dma_wait3A_63 = arith.constant 0 : i32
      %dma_wait3A_64 = tpu.memref_slice %arg7[%dma_wait3A_62, %dma_wait3A_63] : memref<8x112xi32, #tpu.memory_space<vmem>> -> memref<1x112xi32, #tpu.memory_space<vmem>>
      %dma_wait3A_65 = tpu.memref_squeeze %dma_wait3A_64 : memref<1x112xi32, #tpu.memory_space<vmem>> -> memref<112xi32, #tpu.memory_space<vmem>>
      %dma_wait3A_66 = arith.constant 0 : i32
      %dma_wait3A_67 = arith.constant 0 : i32
      %dma_wait3A_68 = tpu.memref_slice %arg2[%dma_wait3A_66, %dma_wait3A_67] : memref<100000x128xi32, #tpu.memory_space<hbm>> -> memref<100000x128xi32, #tpu.memory_space<hbm>>
      tpu.wait_indirect_dma semaphore(%arg12 : memref<!tpu.dma_semaphore, #tpu.memory_space<semaphore_mem>>) src(%dma_wait3A_68 : memref<100000x128xi32, #tpu.memory_space<hbm>>) dst(%arg9 : memref<112x128xi32, #tpu.memory_space<vmem>>)
      %gt3A = arith.constant 0 : i32
      %gt3A_69 = arith.cmpi sgt, %scan3A_47, %gt3A : i32
      %convert_element_type3A = arith.extui %gt3A_69 : i1 to i32
      %cond3A = arith.constant 0 : i32
      %cond3A_70 = arith.cmpi ne, %convert_element_type3A, %cond3A : i32
      scf.if %cond3A_70 {
        %dma_wait3A_149 = arith.constant 0 : i32
        %dma_wait3A_150 = arith.constant 0 : i32
        %dma_wait3A_151 = tpu.memref_slice %arg4[%dma_wait3A_149, %dma_wait3A_150] : memref<28672x128xi32, #tpu.memory_space<hbm>> -> memref<112x128xi32, #tpu.memory_space<hbm>>
        %dma_wait3A_152 = arith.constant 0 : i32
        %dma_wait3A_153 = arith.constant 0 : i32
        %dma_wait3A_154 = tpu.memref_slice %arg4[%dma_wait3A_152, %dma_wait3A_153] : memref<28672x128xi32, #tpu.memory_space<hbm>> -> memref<112x128xi32, #tpu.memory_space<hbm>>
        tpu.wait_dma2 semaphore(%arg15 : memref<!tpu.dma_semaphore, #tpu.memory_space<semaphore_mem>>) src(%arg10 : memref<112x128xi32, #tpu.memory_space<vmem>>) dst(%dma_wait3A_154 : memref<112x128xi32, #tpu.memory_space<hbm>>)
        %dma_wait3A_155 = arith.constant 0 : i32
        %dma_wait3A_156 = arith.constant 0 : i32
        %dma_wait3A_157 = tpu.memref_slice %arg5[%dma_wait3A_155, %dma_wait3A_156] : memref<28672x128xi32, #tpu.memory_space<hbm>> -> memref<112x128xi32, #tpu.memory_space<hbm>>
        %dma_wait3A_158 = arith.constant 0 : i32
        %dma_wait3A_159 = arith.constant 0 : i32
        %dma_wait3A_160 = tpu.memref_slice %arg5[%dma_wait3A_158, %dma_wait3A_159] : memref<28672x128xi32, #tpu.memory_space<hbm>> -> memref<112x128xi32, #tpu.memory_space<hbm>>
        tpu.wait_dma2 semaphore(%arg15 : memref<!tpu.dma_semaphore, #tpu.memory_space<semaphore_mem>>) src(%arg11 : memref<112x128xi32, #tpu.memory_space<vmem>>) dst(%dma_wait3A_160 : memref<112x128xi32, #tpu.memory_space<hbm>>)
      } else {
      }
      %dma_start3A_71 = arith.constant 0 : i32
      %dma_start3A_72 = tpu.memref_slice %arg6[%add3A_51, %dma_start3A_71] : memref<8x112xi32, #tpu.memory_space<vmem>> -> memref<1x112xi32, #tpu.memory_space<vmem>>
      %dma_start3A_73 = tpu.memref_squeeze %dma_start3A_72 : memref<1x112xi32, #tpu.memory_space<vmem>> -> memref<112xi32, #tpu.memory_space<vmem>>
      %dma_start3A_74 = arith.constant 0 : i32
      %dma_start3A_75 = arith.constant 0 : i32
      %dma_start3A_76 = tpu.memref_slice %arg2[%dma_start3A_74, %dma_start3A_75] : memref<100000x128xi32, #tpu.memory_space<hbm>> -> memref<100000x128xi32, #tpu.memory_space<hbm>>
      tpu.enqueue_indirect_dma source(%dma_start3A_76 : memref<100000x128xi32, #tpu.memory_space<hbm>>) target(%arg10 : memref<112x128xi32, #tpu.memory_space<vmem>>) offsets(%dma_start3A_73 : memref<112xi32, #tpu.memory_space<vmem>>) semaphore(%arg13 : memref<!tpu.dma_semaphore, #tpu.memory_space<semaphore_mem>>)
      %dma_start3A_77 = arith.constant 0 : i32
      %dma_start3A_78 = tpu.memref_slice %arg7[%add3A_51, %dma_start3A_77] : memref<8x112xi32, #tpu.memory_space<vmem>> -> memref<1x112xi32, #tpu.memory_space<vmem>>
      %dma_start3A_79 = tpu.memref_squeeze %dma_start3A_78 : memref<1x112xi32, #tpu.memory_space<vmem>> -> memref<112xi32, #tpu.memory_space<vmem>>
      %dma_start3A_80 = arith.constant 0 : i32
      %dma_start3A_81 = arith.constant 0 : i32
      %dma_start3A_82 = tpu.memref_slice %arg2[%dma_start3A_80, %dma_start3A_81] : memref<100000x128xi32, #tpu.memory_space<hbm>> -> memref<100000x128xi32, #tpu.memory_space<hbm>>
      tpu.enqueue_indirect_dma source(%dma_start3A_82 : memref<100000x128xi32, #tpu.memory_space<hbm>>) target(%arg11 : memref<112x128xi32, #tpu.memory_space<vmem>>) offsets(%dma_start3A_79 : memref<112xi32, #tpu.memory_space<vmem>>) semaphore(%arg13 : memref<!tpu.dma_semaphore, #tpu.memory_space<semaphore_mem>>)
      %mul3A_83 = arith.constant 112 : i32
      %mul3A_84 = arith.muli %mul3A_49, %mul3A_83 : i32
      %add3A_85 = arith.addi %mul3A_3, %mul3A_84 : i32
      %dma_start3A_86 = arith.constant 0 : i32
      %dma_start3A_87 = tpu.memref_slice %arg4[%add3A_85, %dma_start3A_86] : memref<28672x128xi32, #tpu.memory_space<hbm>> -> memref<112x128xi32, #tpu.memory_space<hbm>>
      %dma_start3A_88 = arith.constant 0 : i32
      %dma_start3A_89 = tpu.memref_slice %arg4[%add3A_85, %dma_start3A_88] : memref<28672x128xi32, #tpu.memory_space<hbm>> -> memref<112x128xi32, #tpu.memory_space<hbm>>
      tpu.enqueue_dma source(%arg8 : memref<112x128xi32, #tpu.memory_space<vmem>>) target(%dma_start3A_89 : memref<112x128xi32, #tpu.memory_space<hbm>>) target_semaphore(%arg14 : memref<!tpu.dma_semaphore, #tpu.memory_space<semaphore_mem>>)
      %mul3A_90 = arith.constant 112 : i32
      %mul3A_91 = arith.muli %mul3A_49, %mul3A_90 : i32
      %add3A_92 = arith.addi %mul3A_3, %mul3A_91 : i32
      %dma_start3A_93 = arith.constant 0 : i32
      %dma_start3A_94 = tpu.memref_slice %arg5[%add3A_92, %dma_start3A_93] : memref<28672x128xi32, #tpu.memory_space<hbm>> -> memref<112x128xi32, #tpu.memory_space<hbm>>
      %dma_start3A_95 = arith.constant 0 : i32
      %dma_start3A_96 = tpu.memref_slice %arg5[%add3A_92, %dma_start3A_95] : memref<28672x128xi32, #tpu.memory_space<hbm>> -> memref<112x128xi32, #tpu.memory_space<hbm>>
      tpu.enqueue_dma source(%arg9 : memref<112x128xi32, #tpu.memory_space<vmem>>) target(%dma_start3A_96 : memref<112x128xi32, #tpu.memory_space<hbm>>) target_semaphore(%arg14 : memref<!tpu.dma_semaphore, #tpu.memory_space<semaphore_mem>>)
      %dma_wait3A_97 = arith.constant 0 : i32
      %dma_wait3A_98 = arith.constant 0 : i32
      %dma_wait3A_99 = tpu.memref_slice %arg6[%dma_wait3A_97, %dma_wait3A_98] : memref<8x112xi32, #tpu.memory_space<vmem>> -> memref<1x112xi32, #tpu.memory_space<vmem>>
      %dma_wait3A_100 = tpu.memref_squeeze %dma_wait3A_99 : memref<1x112xi32, #tpu.memory_space<vmem>> -> memref<112xi32, #tpu.memory_space<vmem>>
      %dma_wait3A_101 = arith.constant 0 : i32
      %dma_wait3A_102 = arith.constant 0 : i32
      %dma_wait3A_103 = tpu.memref_slice %arg2[%dma_wait3A_101, %dma_wait3A_102] : memref<100000x128xi32, #tpu.memory_space<hbm>> -> memref<100000x128xi32, #tpu.memory_space<hbm>>
      tpu.wait_indirect_dma semaphore(%arg13 : memref<!tpu.dma_semaphore, #tpu.memory_space<semaphore_mem>>) src(%dma_wait3A_103 : memref<100000x128xi32, #tpu.memory_space<hbm>>) dst(%arg10 : memref<112x128xi32, #tpu.memory_space<vmem>>)
      %dma_wait3A_104 = arith.constant 0 : i32
      %dma_wait3A_105 = arith.constant 0 : i32
      %dma_wait3A_106 = tpu.memref_slice %arg7[%dma_wait3A_104, %dma_wait3A_105] : memref<8x112xi32, #tpu.memory_space<vmem>> -> memref<1x112xi32, #tpu.memory_space<vmem>>
      %dma_wait3A_107 = tpu.memref_squeeze %dma_wait3A_106 : memref<1x112xi32, #tpu.memory_space<vmem>> -> memref<112xi32, #tpu.memory_space<vmem>>
      %dma_wait3A_108 = arith.constant 0 : i32
      %dma_wait3A_109 = arith.constant 0 : i32
      %dma_wait3A_110 = tpu.memref_slice %arg2[%dma_wait3A_108, %dma_wait3A_109] : memref<100000x128xi32, #tpu.memory_space<hbm>> -> memref<100000x128xi32, #tpu.memory_space<hbm>>
      tpu.wait_indirect_dma semaphore(%arg13 : memref<!tpu.dma_semaphore, #tpu.memory_space<semaphore_mem>>) src(%dma_wait3A_110 : memref<100000x128xi32, #tpu.memory_space<hbm>>) dst(%arg11 : memref<112x128xi32, #tpu.memory_space<vmem>>)
      %dma_wait3A_111 = arith.constant 0 : i32
      %dma_wait3A_112 = arith.constant 0 : i32
      %dma_wait3A_113 = tpu.memref_slice %arg4[%dma_wait3A_111, %dma_wait3A_112] : memref<28672x128xi32, #tpu.memory_space<hbm>> -> memref<112x128xi32, #tpu.memory_space<hbm>>
      %dma_wait3A_114 = arith.constant 0 : i32
      %dma_wait3A_115 = arith.constant 0 : i32
      %dma_wait3A_116 = tpu.memref_slice %arg4[%dma_wait3A_114, %dma_wait3A_115] : memref<28672x128xi32, #tpu.memory_space<hbm>> -> memref<112x128xi32, #tpu.memory_space<hbm>>
      tpu.wait_dma2 semaphore(%arg14 : memref<!tpu.dma_semaphore, #tpu.memory_space<semaphore_mem>>) src(%arg8 : memref<112x128xi32, #tpu.memory_space<vmem>>) dst(%dma_wait3A_116 : memref<112x128xi32, #tpu.memory_space<hbm>>)
      %dma_wait3A_117 = arith.constant 0 : i32
      %dma_wait3A_118 = arith.constant 0 : i32
      %dma_wait3A_119 = tpu.memref_slice %arg5[%dma_wait3A_117, %dma_wait3A_118] : memref<28672x128xi32, #tpu.memory_space<hbm>> -> memref<112x128xi32, #tpu.memory_space<hbm>>
      %dma_wait3A_120 = arith.constant 0 : i32
      %dma_wait3A_121 = arith.constant 0 : i32
      %dma_wait3A_122 = tpu.memref_slice %arg5[%dma_wait3A_120, %dma_wait3A_121] : memref<28672x128xi32, #tpu.memory_space<hbm>> -> memref<112x128xi32, #tpu.memory_space<hbm>>
      tpu.wait_dma2 semaphore(%arg14 : memref<!tpu.dma_semaphore, #tpu.memory_space<semaphore_mem>>) src(%arg9 : memref<112x128xi32, #tpu.memory_space<vmem>>) dst(%dma_wait3A_122 : memref<112x128xi32, #tpu.memory_space<hbm>>)
      %dma_start3A_123 = arith.constant 0 : i32
      %dma_start3A_124 = tpu.memref_slice %arg6[%min3A_54, %dma_start3A_123] : memref<8x112xi32, #tpu.memory_space<vmem>> -> memref<1x112xi32, #tpu.memory_space<vmem>>
      %dma_start3A_125 = tpu.memref_squeeze %dma_start3A_124 : memref<1x112xi32, #tpu.memory_space<vmem>> -> memref<112xi32, #tpu.memory_space<vmem>>
      %dma_start3A_126 = arith.constant 0 : i32
      %dma_start3A_127 = arith.constant 0 : i32
      %dma_start3A_128 = tpu.memref_slice %arg2[%dma_start3A_126, %dma_start3A_127] : memref<100000x128xi32, #tpu.memory_space<hbm>> -> memref<100000x128xi32, #tpu.memory_space<hbm>>
      tpu.enqueue_indirect_dma source(%dma_start3A_128 : memref<100000x128xi32, #tpu.memory_space<hbm>>) target(%arg8 : memref<112x128xi32, #tpu.memory_space<vmem>>) offsets(%dma_start3A_125 : memref<112xi32, #tpu.memory_space<vmem>>) semaphore(%arg12 : memref<!tpu.dma_semaphore, #tpu.memory_space<semaphore_mem>>)
      %dma_start3A_129 = arith.constant 0 : i32
      %dma_start3A_130 = tpu.memref_slice %arg7[%min3A_54, %dma_start3A_129] : memref<8x112xi32, #tpu.memory_space<vmem>> -> memref<1x112xi32, #tpu.memory_space<vmem>>
      %dma_start3A_131 = tpu.memref_squeeze %dma_start3A_130 : memref<1x112xi32, #tpu.memory_space<vmem>> -> memref<112xi32, #tpu.memory_space<vmem>>
      %dma_start3A_132 = arith.constant 0 : i32
      %dma_start3A_133 = arith.constant 0 : i32
      %dma_start3A_134 = tpu.memref_slice %arg2[%dma_start3A_132, %dma_start3A_133] : memref<100000x128xi32, #tpu.memory_space<hbm>> -> memref<100000x128xi32, #tpu.memory_space<hbm>>
      tpu.enqueue_indirect_dma source(%dma_start3A_134 : memref<100000x128xi32, #tpu.memory_space<hbm>>) target(%arg9 : memref<112x128xi32, #tpu.memory_space<vmem>>) offsets(%dma_start3A_131 : memref<112xi32, #tpu.memory_space<vmem>>) semaphore(%arg12 : memref<!tpu.dma_semaphore, #tpu.memory_space<semaphore_mem>>)
      %mul3A_135 = arith.constant 112 : i32
      %mul3A_136 = arith.muli %add3A_51, %mul3A_135 : i32
      %add3A_137 = arith.addi %mul3A_3, %mul3A_136 : i32
      %dma_start3A_138 = arith.constant 0 : i32
      %dma_start3A_139 = tpu.memref_slice %arg4[%add3A_137, %dma_start3A_138] : memref<28672x128xi32, #tpu.memory_space<hbm>> -> memref<112x128xi32, #tpu.memory_space<hbm>>
      %dma_start3A_140 = arith.constant 0 : i32
      %dma_start3A_141 = tpu.memref_slice %arg4[%add3A_137, %dma_start3A_140] : memref<28672x128xi32, #tpu.memory_space<hbm>> -> memref<112x128xi32, #tpu.memory_space<hbm>>
      tpu.enqueue_dma source(%arg10 : memref<112x128xi32, #tpu.memory_space<vmem>>) target(%dma_start3A_141 : memref<112x128xi32, #tpu.memory_space<hbm>>) target_semaphore(%arg15 : memref<!tpu.dma_semaphore, #tpu.memory_space<semaphore_mem>>)
      %mul3A_142 = arith.constant 112 : i32
      %mul3A_143 = arith.muli %add3A_51, %mul3A_142 : i32
      %add3A_144 = arith.addi %mul3A_3, %mul3A_143 : i32
      %dma_start3A_145 = arith.constant 0 : i32
      %dma_start3A_146 = tpu.memref_slice %arg5[%add3A_144, %dma_start3A_145] : memref<28672x128xi32, #tpu.memory_space<hbm>> -> memref<112x128xi32, #tpu.memory_space<hbm>>
      %dma_start3A_147 = arith.constant 0 : i32
      %dma_start3A_148 = tpu.memref_slice %arg5[%add3A_144, %dma_start3A_147] : memref<28672x128xi32, #tpu.memory_space<hbm>> -> memref<112x128xi32, #tpu.memory_space<hbm>>
      tpu.enqueue_dma source(%arg11 : memref<112x128xi32, #tpu.memory_space<vmem>>) target(%dma_start3A_148 : memref<112x128xi32, #tpu.memory_space<hbm>>) target_semaphore(%arg15 : memref<!tpu.dma_semaphore, #tpu.memory_space<semaphore_mem>>)
    }
    %scan3A_21 = arith.constant 4 : i32
    %dma_wait3A = arith.constant 0 : i32
    %dma_wait3A_22 = arith.constant 0 : i32
    %dma_wait3A_23 = tpu.memref_slice %arg6[%dma_wait3A, %dma_wait3A_22] : memref<8x112xi32, #tpu.memory_space<vmem>> -> memref<1x112xi32, #tpu.memory_space<vmem>>
    %dma_wait3A_24 = tpu.memref_squeeze %dma_wait3A_23 : memref<1x112xi32, #tpu.memory_space<vmem>> -> memref<112xi32, #tpu.memory_space<vmem>>
    %dma_wait3A_25 = arith.constant 0 : i32
    %dma_wait3A_26 = arith.constant 0 : i32
    %dma_wait3A_27 = tpu.memref_slice %arg2[%dma_wait3A_25, %dma_wait3A_26] : memref<100000x128xi32, #tpu.memory_space<hbm>> -> memref<100000x128xi32, #tpu.memory_space<hbm>>
    tpu.wait_indirect_dma semaphore(%arg12 : memref<!tpu.dma_semaphore, #tpu.memory_space<semaphore_mem>>) src(%dma_wait3A_27 : memref<100000x128xi32, #tpu.memory_space<hbm>>) dst(%arg8 : memref<112x128xi32, #tpu.memory_space<vmem>>)
    %dma_wait3A_28 = arith.constant 0 : i32
    %dma_wait3A_29 = arith.constant 0 : i32
    %dma_wait3A_30 = tpu.memref_slice %arg7[%dma_wait3A_28, %dma_wait3A_29] : memref<8x112xi32, #tpu.memory_space<vmem>> -> memref<1x112xi32, #tpu.memory_space<vmem>>
    %dma_wait3A_31 = tpu.memref_squeeze %dma_wait3A_30 : memref<1x112xi32, #tpu.memory_space<vmem>> -> memref<112xi32, #tpu.memory_space<vmem>>
    %dma_wait3A_32 = arith.constant 0 : i32
    %dma_wait3A_33 = arith.constant 0 : i32
    %dma_wait3A_34 = tpu.memref_slice %arg2[%dma_wait3A_32, %dma_wait3A_33] : memref<100000x128xi32, #tpu.memory_space<hbm>> -> memref<100000x128xi32, #tpu.memory_space<hbm>>
    tpu.wait_indirect_dma semaphore(%arg12 : memref<!tpu.dma_semaphore, #tpu.memory_space<semaphore_mem>>) src(%dma_wait3A_34 : memref<100000x128xi32, #tpu.memory_space<hbm>>) dst(%arg9 : memref<112x128xi32, #tpu.memory_space<vmem>>)
    %dma_wait3A_35 = arith.constant 0 : i32
    %dma_wait3A_36 = arith.constant 0 : i32
    %dma_wait3A_37 = tpu.memref_slice %arg4[%dma_wait3A_35, %dma_wait3A_36] : memref<28672x128xi32, #tpu.memory_space<hbm>> -> memref<112x128xi32, #tpu.memory_space<hbm>>
    %dma_wait3A_38 = arith.constant 0 : i32
    %dma_wait3A_39 = arith.constant 0 : i32
    %dma_wait3A_40 = tpu.memref_slice %arg4[%dma_wait3A_38, %dma_wait3A_39] : memref<28672x128xi32, #tpu.memory_space<hbm>> -> memref<112x128xi32, #tpu.memory_space<hbm>>
    tpu.wait_dma2 semaphore(%arg15 : memref<!tpu.dma_semaphore, #tpu.memory_space<semaphore_mem>>) src(%arg10 : memref<112x128xi32, #tpu.memory_space<vmem>>) dst(%dma_wait3A_40 : memref<112x128xi32, #tpu.memory_space<hbm>>)
    %dma_wait3A_41 = arith.constant 0 : i32
    %dma_wait3A_42 = arith.constant 0 : i32
    %dma_wait3A_43 = tpu.memref_slice %arg5[%dma_wait3A_41, %dma_wait3A_42] : memref<28672x128xi32, #tpu.memory_space<hbm>> -> memref<112x128xi32, #tpu.memory_space<hbm>>
    %dma_wait3A_44 = arith.constant 0 : i32
    %dma_wait3A_45 = arith.constant 0 : i32
    %dma_wait3A_46 = tpu.memref_slice %arg5[%dma_wait3A_44, %dma_wait3A_45] : memref<28672x128xi32, #tpu.memory_space<hbm>> -> memref<112x128xi32, #tpu.memory_space<hbm>>
    tpu.wait_dma2 semaphore(%arg15 : memref<!tpu.dma_semaphore, #tpu.memory_space<semaphore_mem>>) src(%arg11 : memref<112x128xi32, #tpu.memory_space<vmem>>) dst(%dma_wait3A_46 : memref<112x128xi32, #tpu.memory_space<hbm>>)
    return
  }
}

#map = affine_map<(d0, d1) -> (0, 0)>
#map1 = affine_map<(d0, d1) -> (0, 0, 0, 0)>
module attributes {stable_mosaic.version = 14 : i64} {
  func.func @gather_kernel(%arg0: i32, %arg1: i32, %arg2: memref<100000x128xi32, #tpu.memory_space<hbm>>, %arg3: memref<2x32x4x112xi32, #tpu.memory_space<hbm>>, %arg4: memref<14336x128xi32, #tpu.memory_space<hbm>>, %arg5: memref<14336x128xi32, #tpu.memory_space<hbm>>, %arg6: memref<4x112xi32, #tpu.memory_space<vmem>>, %arg7: memref<4x112xi32, #tpu.memory_space<vmem>>, %arg8: memref<112x128xi32, #tpu.memory_space<vmem>>, %arg9: memref<112x128xi32, #tpu.memory_space<vmem>>, %arg10: memref<112x128xi32, #tpu.memory_space<vmem>>, %arg11: memref<112x128xi32, #tpu.memory_space<vmem>>, %arg12: memref<!tpu.dma_semaphore, #tpu.memory_space<semaphore_mem>>, %arg13: memref<!tpu.dma_semaphore, #tpu.memory_space<semaphore_mem>>, %arg14: memref<!tpu.dma_semaphore, #tpu.memory_space<semaphore_mem>>, %arg15: memref<!tpu.dma_semaphore, #tpu.memory_space<semaphore_mem>>) attributes {dimension_semantics = [#tpu.dimension_semantics<core_parallel>, #tpu.dimension_semantics<subcore_parallel>], iteration_bounds = array<i64: 2, 16>, scalar_prefetch = 0 : i64, scratch_operands = 10 : i64, tpu.core_type = #tpu.core_type<sc_vector_subcore>, window_params = [{transform_indices = #map}, {transform_indices = #map1}, {transform_indices = #map}, {transform_indices = #map}]} {
    %mul3A = arith.constant 2 : i32
    %mul3A_0 = arith.muli %arg1, %mul3A : i32
    %add3A = arith.addi %mul3A_0, %arg0 : i32
    %run_scoped3A = arith.constant 0 : i32
    "tpu.region"() ({
      %run_scoped3A_47 = tpu.sem_alloc : memref<!tpu.dma_semaphore, #tpu.memory_space<semaphore_mem>>
      %dma_start3A_48 = arith.constant 0 : i32
      %dma_start3A_49 = arith.constant 0 : i32
      %dma_start3A_50 = tpu.memref_slice %arg3[%run_scoped3A, %add3A, %dma_start3A_48, %dma_start3A_49] : memref<2x32x4x112xi32, #tpu.memory_space<hbm>> -> memref<1x1x4x112xi32, #tpu.memory_space<hbm>>
      %dma_start3A_51 = tpu.memref_squeeze %dma_start3A_50 : memref<1x1x4x112xi32, #tpu.memory_space<hbm>> -> memref<4x112xi32, #tpu.memory_space<hbm>>
      %dma_start3A_52 = arith.constant 0 : i32
      %dma_start3A_53 = arith.constant 0 : i32
      %dma_start3A_54 = tpu.memref_slice %arg3[%run_scoped3A, %add3A, %dma_start3A_52, %dma_start3A_53] : memref<2x32x4x112xi32, #tpu.memory_space<hbm>> -> memref<1x1x4x112xi32, #tpu.memory_space<hbm>>
      %dma_start3A_55 = tpu.memref_squeeze %dma_start3A_54 : memref<1x1x4x112xi32, #tpu.memory_space<hbm>> -> memref<4x112xi32, #tpu.memory_space<hbm>>
      tpu.enqueue_dma source(%dma_start3A_55 : memref<4x112xi32, #tpu.memory_space<hbm>>) target(%arg6 : memref<4x112xi32, #tpu.memory_space<vmem>>) target_semaphore(%run_scoped3A_47 : memref<!tpu.dma_semaphore, #tpu.memory_space<semaphore_mem>>)
      %dma_wait3A_56 = arith.constant 0 : i32
      %dma_wait3A_57 = arith.constant 0 : i32
      %dma_wait3A_58 = tpu.memref_slice %arg3[%run_scoped3A, %add3A, %dma_wait3A_56, %dma_wait3A_57] : memref<2x32x4x112xi32, #tpu.memory_space<hbm>> -> memref<1x1x4x112xi32, #tpu.memory_space<hbm>>
      %dma_wait3A_59 = tpu.memref_squeeze %dma_wait3A_58 : memref<1x1x4x112xi32, #tpu.memory_space<hbm>> -> memref<4x112xi32, #tpu.memory_space<hbm>>
      %dma_wait3A_60 = arith.constant 0 : i32
      %dma_wait3A_61 = arith.constant 0 : i32
      %dma_wait3A_62 = tpu.memref_slice %arg3[%run_scoped3A, %add3A, %dma_wait3A_60, %dma_wait3A_61] : memref<2x32x4x112xi32, #tpu.memory_space<hbm>> -> memref<1x1x4x112xi32, #tpu.memory_space<hbm>>
      %dma_wait3A_63 = tpu.memref_squeeze %dma_wait3A_62 : memref<1x1x4x112xi32, #tpu.memory_space<hbm>> -> memref<4x112xi32, #tpu.memory_space<hbm>>
      tpu.wait_dma2 semaphore(%run_scoped3A_47 : memref<!tpu.dma_semaphore, #tpu.memory_space<semaphore_mem>>) src(%dma_wait3A_63 : memref<4x112xi32, #tpu.memory_space<hbm>>) dst(%arg6 : memref<4x112xi32, #tpu.memory_space<vmem>>)
      tpu.yield
    }) : () -> ()
    %run_scoped3A_1 = arith.constant 1 : i32
    "tpu.region"() ({
      %run_scoped3A_47 = tpu.sem_alloc : memref<!tpu.dma_semaphore, #tpu.memory_space<semaphore_mem>>
      %dma_start3A_48 = arith.constant 0 : i32
      %dma_start3A_49 = arith.constant 0 : i32
      %dma_start3A_50 = tpu.memref_slice %arg3[%run_scoped3A_1, %add3A, %dma_start3A_48, %dma_start3A_49] : memref<2x32x4x112xi32, #tpu.memory_space<hbm>> -> memref<1x1x4x112xi32, #tpu.memory_space<hbm>>
      %dma_start3A_51 = tpu.memref_squeeze %dma_start3A_50 : memref<1x1x4x112xi32, #tpu.memory_space<hbm>> -> memref<4x112xi32, #tpu.memory_space<hbm>>
      %dma_start3A_52 = arith.constant 0 : i32
      %dma_start3A_53 = arith.constant 0 : i32
      %dma_start3A_54 = tpu.memref_slice %arg3[%run_scoped3A_1, %add3A, %dma_start3A_52, %dma_start3A_53] : memref<2x32x4x112xi32, #tpu.memory_space<hbm>> -> memref<1x1x4x112xi32, #tpu.memory_space<hbm>>
      %dma_start3A_55 = tpu.memref_squeeze %dma_start3A_54 : memref<1x1x4x112xi32, #tpu.memory_space<hbm>> -> memref<4x112xi32, #tpu.memory_space<hbm>>
      tpu.enqueue_dma source(%dma_start3A_55 : memref<4x112xi32, #tpu.memory_space<hbm>>) target(%arg7 : memref<4x112xi32, #tpu.memory_space<vmem>>) target_semaphore(%run_scoped3A_47 : memref<!tpu.dma_semaphore, #tpu.memory_space<semaphore_mem>>)
      %dma_wait3A_56 = arith.constant 0 : i32
      %dma_wait3A_57 = arith.constant 0 : i32
      %dma_wait3A_58 = tpu.memref_slice %arg3[%run_scoped3A_1, %add3A, %dma_wait3A_56, %dma_wait3A_57] : memref<2x32x4x112xi32, #tpu.memory_space<hbm>> -> memref<1x1x4x112xi32, #tpu.memory_space<hbm>>
      %dma_wait3A_59 = tpu.memref_squeeze %dma_wait3A_58 : memref<1x1x4x112xi32, #tpu.memory_space<hbm>> -> memref<4x112xi32, #tpu.memory_space<hbm>>
      %dma_wait3A_60 = arith.constant 0 : i32
      %dma_wait3A_61 = arith.constant 0 : i32
      %dma_wait3A_62 = tpu.memref_slice %arg3[%run_scoped3A_1, %add3A, %dma_wait3A_60, %dma_wait3A_61] : memref<2x32x4x112xi32, #tpu.memory_space<hbm>> -> memref<1x1x4x112xi32, #tpu.memory_space<hbm>>
      %dma_wait3A_63 = tpu.memref_squeeze %dma_wait3A_62 : memref<1x1x4x112xi32, #tpu.memory_space<hbm>> -> memref<4x112xi32, #tpu.memory_space<hbm>>
      tpu.wait_dma2 semaphore(%run_scoped3A_47 : memref<!tpu.dma_semaphore, #tpu.memory_space<semaphore_mem>>) src(%dma_wait3A_63 : memref<4x112xi32, #tpu.memory_space<hbm>>) dst(%arg7 : memref<4x112xi32, #tpu.memory_space<vmem>>)
      tpu.yield
    }) : () -> ()
    %mul3A_2 = arith.constant 448 : i32
    %mul3A_3 = arith.muli %add3A, %mul3A_2 : i32
    %dma_start3A = arith.constant 0 : i32
    %dma_start3A_4 = arith.constant 0 : i32
    %dma_start3A_5 = tpu.memref_slice %arg6[%dma_start3A, %dma_start3A_4] : memref<4x112xi32, #tpu.memory_space<vmem>> -> memref<1x112xi32, #tpu.memory_space<vmem>>
    %dma_start3A_6 = tpu.memref_squeeze %dma_start3A_5 : memref<1x112xi32, #tpu.memory_space<vmem>> -> memref<112xi32, #tpu.memory_space<vmem>>
    %dma_start3A_7 = arith.constant 0 : i32
    %dma_start3A_8 = arith.constant 0 : i32
    %dma_start3A_9 = tpu.memref_slice %arg2[%dma_start3A_7, %dma_start3A_8] : memref<100000x128xi32, #tpu.memory_space<hbm>> -> memref<100000x128xi32, #tpu.memory_space<hbm>>
    tpu.enqueue_indirect_dma source(%dma_start3A_9 : memref<100000x128xi32, #tpu.memory_space<hbm>>) target(%arg8 : memref<112x128xi32, #tpu.memory_space<vmem>>) offsets(%dma_start3A_6 : memref<112xi32, #tpu.memory_space<vmem>>) semaphore(%arg12 : memref<!tpu.dma_semaphore, #tpu.memory_space<semaphore_mem>>)
    %dma_start3A_10 = arith.constant 0 : i32
    %dma_start3A_11 = arith.constant 0 : i32
    %dma_start3A_12 = tpu.memref_slice %arg7[%dma_start3A_10, %dma_start3A_11] : memref<4x112xi32, #tpu.memory_space<vmem>> -> memref<1x112xi32, #tpu.memory_space<vmem>>
    %dma_start3A_13 = tpu.memref_squeeze %dma_start3A_12 : memref<1x112xi32, #tpu.memory_space<vmem>> -> memref<112xi32, #tpu.memory_space<vmem>>
    %dma_start3A_14 = arith.constant 0 : i32
    %dma_start3A_15 = arith.constant 0 : i32
    %dma_start3A_16 = tpu.memref_slice %arg2[%dma_start3A_14, %dma_start3A_15] : memref<100000x128xi32, #tpu.memory_space<hbm>> -> memref<100000x128xi32, #tpu.memory_space<hbm>>
    tpu.enqueue_indirect_dma source(%dma_start3A_16 : memref<100000x128xi32, #tpu.memory_space<hbm>>) target(%arg9 : memref<112x128xi32, #tpu.memory_space<vmem>>) offsets(%dma_start3A_13 : memref<112xi32, #tpu.memory_space<vmem>>) semaphore(%arg12 : memref<!tpu.dma_semaphore, #tpu.memory_space<semaphore_mem>>)
    %scan3A = arith.constant 0 : i32
    %scan3A_17 = arith.constant 0 : i32
    %scan3A_18 = arith.constant 2 : i32
    %scan3A_19 = arith.addi %scan3A_17, %scan3A_18 : i32
    %scan3A_20 = arith.constant 1 : i32
    scf.for %scan3A_47 = %scan3A_17 to %scan3A_19 step %scan3A_20  : i32 {
      %mul3A_48 = arith.constant 2 : i32
      %mul3A_49 = arith.muli %mul3A_48, %scan3A_47 : i32
      %add3A_50 = arith.constant 1 : i32
      %add3A_51 = arith.addi %mul3A_49, %add3A_50 : i32
      %add3A_52 = arith.constant 2 : i32
      %add3A_53 = arith.addi %mul3A_49, %add3A_52 : i32
      %min3A = arith.constant 3 : i32
      %min3A_54 = arith.minsi %add3A_53, %min3A : i32
      %dma_wait3A_55 = arith.constant 0 : i32
      %dma_wait3A_56 = arith.constant 0 : i32
      %dma_wait3A_57 = tpu.memref_slice %arg6[%dma_wait3A_55, %dma_wait3A_56] : memref<4x112xi32, #tpu.memory_space<vmem>> -> memref<1x112xi32, #tpu.memory_space<vmem>>
      %dma_wait3A_58 = tpu.memref_squeeze %dma_wait3A_57 : memref<1x112xi32, #tpu.memory_space<vmem>> -> memref<112xi32, #tpu.memory_space<vmem>>
      %dma_wait3A_59 = arith.constant 0 : i32
      %dma_wait3A_60 = arith.constant 0 : i32
      %dma_wait3A_61 = tpu.memref_slice %arg2[%dma_wait3A_59, %dma_wait3A_60] : memref<100000x128xi32, #tpu.memory_space<hbm>> -> memref<100000x128xi32, #tpu.memory_space<hbm>>
      tpu.wait_indirect_dma semaphore(%arg12 : memref<!tpu.dma_semaphore, #tpu.memory_space<semaphore_mem>>) src(%dma_wait3A_61 : memref<100000x128xi32, #tpu.memory_space<hbm>>) dst(%arg8 : memref<112x128xi32, #tpu.memory_space<vmem>>)
      %dma_wait3A_62 = arith.constant 0 : i32
      %dma_wait3A_63 = arith.constant 0 : i32
      %dma_wait3A_64 = tpu.memref_slice %arg7[%dma_wait3A_62, %dma_wait3A_63] : memref<4x112xi32, #tpu.memory_space<vmem>> -> memref<1x112xi32, #tpu.memory_space<vmem>>
      %dma_wait3A_65 = tpu.memref_squeeze %dma_wait3A_64 : memref<1x112xi32, #tpu.memory_space<vmem>> -> memref<112xi32, #tpu.memory_space<vmem>>
      %dma_wait3A_66 = arith.constant 0 : i32
      %dma_wait3A_67 = arith.constant 0 : i32
      %dma_wait3A_68 = tpu.memref_slice %arg2[%dma_wait3A_66, %dma_wait3A_67] : memref<100000x128xi32, #tpu.memory_space<hbm>> -> memref<100000x128xi32, #tpu.memory_space<hbm>>
      tpu.wait_indirect_dma semaphore(%arg12 : memref<!tpu.dma_semaphore, #tpu.memory_space<semaphore_mem>>) src(%dma_wait3A_68 : memref<100000x128xi32, #tpu.memory_space<hbm>>) dst(%arg9 : memref<112x128xi32, #tpu.memory_space<vmem>>)
      %gt3A = arith.constant 0 : i32
      %gt3A_69 = arith.cmpi sgt, %scan3A_47, %gt3A : i32
      %convert_element_type3A = arith.extui %gt3A_69 : i1 to i32
      %cond3A = arith.constant 0 : i32
      %cond3A_70 = arith.cmpi ne, %convert_element_type3A, %cond3A : i32
      scf.if %cond3A_70 {
        %dma_wait3A_149 = arith.constant 0 : i32
        %dma_wait3A_150 = arith.constant 0 : i32
        %dma_wait3A_151 = tpu.memref_slice %arg4[%dma_wait3A_149, %dma_wait3A_150] : memref<14336x128xi32, #tpu.memory_space<hbm>> -> memref<112x128xi32, #tpu.memory_space<hbm>>
        %dma_wait3A_152 = arith.constant 0 : i32
        %dma_wait3A_153 = arith.constant 0 : i32
        %dma_wait3A_154 = tpu.memref_slice %arg4[%dma_wait3A_152, %dma_wait3A_153] : memref<14336x128xi32, #tpu.memory_space<hbm>> -> memref<112x128xi32, #tpu.memory_space<hbm>>
        tpu.wait_dma2 semaphore(%arg15 : memref<!tpu.dma_semaphore, #tpu.memory_space<semaphore_mem>>) src(%arg10 : memref<112x128xi32, #tpu.memory_space<vmem>>) dst(%dma_wait3A_154 : memref<112x128xi32, #tpu.memory_space<hbm>>)
        %dma_wait3A_155 = arith.constant 0 : i32
        %dma_wait3A_156 = arith.constant 0 : i32
        %dma_wait3A_157 = tpu.memref_slice %arg5[%dma_wait3A_155, %dma_wait3A_156] : memref<14336x128xi32, #tpu.memory_space<hbm>> -> memref<112x128xi32, #tpu.memory_space<hbm>>
        %dma_wait3A_158 = arith.constant 0 : i32
        %dma_wait3A_159 = arith.constant 0 : i32
        %dma_wait3A_160 = tpu.memref_slice %arg5[%dma_wait3A_158, %dma_wait3A_159] : memref<14336x128xi32, #tpu.memory_space<hbm>> -> memref<112x128xi32, #tpu.memory_space<hbm>>
        tpu.wait_dma2 semaphore(%arg15 : memref<!tpu.dma_semaphore, #tpu.memory_space<semaphore_mem>>) src(%arg11 : memref<112x128xi32, #tpu.memory_space<vmem>>) dst(%dma_wait3A_160 : memref<112x128xi32, #tpu.memory_space<hbm>>)
      } else {
      }
      %dma_start3A_71 = arith.constant 0 : i32
      %dma_start3A_72 = tpu.memref_slice %arg6[%add3A_51, %dma_start3A_71] : memref<4x112xi32, #tpu.memory_space<vmem>> -> memref<1x112xi32, #tpu.memory_space<vmem>>
      %dma_start3A_73 = tpu.memref_squeeze %dma_start3A_72 : memref<1x112xi32, #tpu.memory_space<vmem>> -> memref<112xi32, #tpu.memory_space<vmem>>
      %dma_start3A_74 = arith.constant 0 : i32
      %dma_start3A_75 = arith.constant 0 : i32
      %dma_start3A_76 = tpu.memref_slice %arg2[%dma_start3A_74, %dma_start3A_75] : memref<100000x128xi32, #tpu.memory_space<hbm>> -> memref<100000x128xi32, #tpu.memory_space<hbm>>
      tpu.enqueue_indirect_dma source(%dma_start3A_76 : memref<100000x128xi32, #tpu.memory_space<hbm>>) target(%arg10 : memref<112x128xi32, #tpu.memory_space<vmem>>) offsets(%dma_start3A_73 : memref<112xi32, #tpu.memory_space<vmem>>) semaphore(%arg13 : memref<!tpu.dma_semaphore, #tpu.memory_space<semaphore_mem>>)
      %dma_start3A_77 = arith.constant 0 : i32
      %dma_start3A_78 = tpu.memref_slice %arg7[%add3A_51, %dma_start3A_77] : memref<4x112xi32, #tpu.memory_space<vmem>> -> memref<1x112xi32, #tpu.memory_space<vmem>>
      %dma_start3A_79 = tpu.memref_squeeze %dma_start3A_78 : memref<1x112xi32, #tpu.memory_space<vmem>> -> memref<112xi32, #tpu.memory_space<vmem>>
      %dma_start3A_80 = arith.constant 0 : i32
      %dma_start3A_81 = arith.constant 0 : i32
      %dma_start3A_82 = tpu.memref_slice %arg2[%dma_start3A_80, %dma_start3A_81] : memref<100000x128xi32, #tpu.memory_space<hbm>> -> memref<100000x128xi32, #tpu.memory_space<hbm>>
      tpu.enqueue_indirect_dma source(%dma_start3A_82 : memref<100000x128xi32, #tpu.memory_space<hbm>>) target(%arg11 : memref<112x128xi32, #tpu.memory_space<vmem>>) offsets(%dma_start3A_79 : memref<112xi32, #tpu.memory_space<vmem>>) semaphore(%arg13 : memref<!tpu.dma_semaphore, #tpu.memory_space<semaphore_mem>>)
      %mul3A_83 = arith.constant 112 : i32
      %mul3A_84 = arith.muli %mul3A_49, %mul3A_83 : i32
      %add3A_85 = arith.addi %mul3A_3, %mul3A_84 : i32
      %dma_start3A_86 = arith.constant 0 : i32
      %dma_start3A_87 = tpu.memref_slice %arg4[%add3A_85, %dma_start3A_86] : memref<14336x128xi32, #tpu.memory_space<hbm>> -> memref<112x128xi32, #tpu.memory_space<hbm>>
      %dma_start3A_88 = arith.constant 0 : i32
      %dma_start3A_89 = tpu.memref_slice %arg4[%add3A_85, %dma_start3A_88] : memref<14336x128xi32, #tpu.memory_space<hbm>> -> memref<112x128xi32, #tpu.memory_space<hbm>>
      tpu.enqueue_dma source(%arg8 : memref<112x128xi32, #tpu.memory_space<vmem>>) target(%dma_start3A_89 : memref<112x128xi32, #tpu.memory_space<hbm>>) target_semaphore(%arg14 : memref<!tpu.dma_semaphore, #tpu.memory_space<semaphore_mem>>)
      %mul3A_90 = arith.constant 112 : i32
      %mul3A_91 = arith.muli %mul3A_49, %mul3A_90 : i32
      %add3A_92 = arith.addi %mul3A_3, %mul3A_91 : i32
      %dma_start3A_93 = arith.constant 0 : i32
      %dma_start3A_94 = tpu.memref_slice %arg5[%add3A_92, %dma_start3A_93] : memref<14336x128xi32, #tpu.memory_space<hbm>> -> memref<112x128xi32, #tpu.memory_space<hbm>>
      %dma_start3A_95 = arith.constant 0 : i32
      %dma_start3A_96 = tpu.memref_slice %arg5[%add3A_92, %dma_start3A_95] : memref<14336x128xi32, #tpu.memory_space<hbm>> -> memref<112x128xi32, #tpu.memory_space<hbm>>
      tpu.enqueue_dma source(%arg9 : memref<112x128xi32, #tpu.memory_space<vmem>>) target(%dma_start3A_96 : memref<112x128xi32, #tpu.memory_space<hbm>>) target_semaphore(%arg14 : memref<!tpu.dma_semaphore, #tpu.memory_space<semaphore_mem>>)
      %dma_wait3A_97 = arith.constant 0 : i32
      %dma_wait3A_98 = arith.constant 0 : i32
      %dma_wait3A_99 = tpu.memref_slice %arg6[%dma_wait3A_97, %dma_wait3A_98] : memref<4x112xi32, #tpu.memory_space<vmem>> -> memref<1x112xi32, #tpu.memory_space<vmem>>
      %dma_wait3A_100 = tpu.memref_squeeze %dma_wait3A_99 : memref<1x112xi32, #tpu.memory_space<vmem>> -> memref<112xi32, #tpu.memory_space<vmem>>
      %dma_wait3A_101 = arith.constant 0 : i32
      %dma_wait3A_102 = arith.constant 0 : i32
      %dma_wait3A_103 = tpu.memref_slice %arg2[%dma_wait3A_101, %dma_wait3A_102] : memref<100000x128xi32, #tpu.memory_space<hbm>> -> memref<100000x128xi32, #tpu.memory_space<hbm>>
      tpu.wait_indirect_dma semaphore(%arg13 : memref<!tpu.dma_semaphore, #tpu.memory_space<semaphore_mem>>) src(%dma_wait3A_103 : memref<100000x128xi32, #tpu.memory_space<hbm>>) dst(%arg10 : memref<112x128xi32, #tpu.memory_space<vmem>>)
      %dma_wait3A_104 = arith.constant 0 : i32
      %dma_wait3A_105 = arith.constant 0 : i32
      %dma_wait3A_106 = tpu.memref_slice %arg7[%dma_wait3A_104, %dma_wait3A_105] : memref<4x112xi32, #tpu.memory_space<vmem>> -> memref<1x112xi32, #tpu.memory_space<vmem>>
      %dma_wait3A_107 = tpu.memref_squeeze %dma_wait3A_106 : memref<1x112xi32, #tpu.memory_space<vmem>> -> memref<112xi32, #tpu.memory_space<vmem>>
      %dma_wait3A_108 = arith.constant 0 : i32
      %dma_wait3A_109 = arith.constant 0 : i32
      %dma_wait3A_110 = tpu.memref_slice %arg2[%dma_wait3A_108, %dma_wait3A_109] : memref<100000x128xi32, #tpu.memory_space<hbm>> -> memref<100000x128xi32, #tpu.memory_space<hbm>>
      tpu.wait_indirect_dma semaphore(%arg13 : memref<!tpu.dma_semaphore, #tpu.memory_space<semaphore_mem>>) src(%dma_wait3A_110 : memref<100000x128xi32, #tpu.memory_space<hbm>>) dst(%arg11 : memref<112x128xi32, #tpu.memory_space<vmem>>)
      %dma_wait3A_111 = arith.constant 0 : i32
      %dma_wait3A_112 = arith.constant 0 : i32
      %dma_wait3A_113 = tpu.memref_slice %arg4[%dma_wait3A_111, %dma_wait3A_112] : memref<14336x128xi32, #tpu.memory_space<hbm>> -> memref<112x128xi32, #tpu.memory_space<hbm>>
      %dma_wait3A_114 = arith.constant 0 : i32
      %dma_wait3A_115 = arith.constant 0 : i32
      %dma_wait3A_116 = tpu.memref_slice %arg4[%dma_wait3A_114, %dma_wait3A_115] : memref<14336x128xi32, #tpu.memory_space<hbm>> -> memref<112x128xi32, #tpu.memory_space<hbm>>
      tpu.wait_dma2 semaphore(%arg14 : memref<!tpu.dma_semaphore, #tpu.memory_space<semaphore_mem>>) src(%arg8 : memref<112x128xi32, #tpu.memory_space<vmem>>) dst(%dma_wait3A_116 : memref<112x128xi32, #tpu.memory_space<hbm>>)
      %dma_wait3A_117 = arith.constant 0 : i32
      %dma_wait3A_118 = arith.constant 0 : i32
      %dma_wait3A_119 = tpu.memref_slice %arg5[%dma_wait3A_117, %dma_wait3A_118] : memref<14336x128xi32, #tpu.memory_space<hbm>> -> memref<112x128xi32, #tpu.memory_space<hbm>>
      %dma_wait3A_120 = arith.constant 0 : i32
      %dma_wait3A_121 = arith.constant 0 : i32
      %dma_wait3A_122 = tpu.memref_slice %arg5[%dma_wait3A_120, %dma_wait3A_121] : memref<14336x128xi32, #tpu.memory_space<hbm>> -> memref<112x128xi32, #tpu.memory_space<hbm>>
      tpu.wait_dma2 semaphore(%arg14 : memref<!tpu.dma_semaphore, #tpu.memory_space<semaphore_mem>>) src(%arg9 : memref<112x128xi32, #tpu.memory_space<vmem>>) dst(%dma_wait3A_122 : memref<112x128xi32, #tpu.memory_space<hbm>>)
      %dma_start3A_123 = arith.constant 0 : i32
      %dma_start3A_124 = tpu.memref_slice %arg6[%min3A_54, %dma_start3A_123] : memref<4x112xi32, #tpu.memory_space<vmem>> -> memref<1x112xi32, #tpu.memory_space<vmem>>
      %dma_start3A_125 = tpu.memref_squeeze %dma_start3A_124 : memref<1x112xi32, #tpu.memory_space<vmem>> -> memref<112xi32, #tpu.memory_space<vmem>>
      %dma_start3A_126 = arith.constant 0 : i32
      %dma_start3A_127 = arith.constant 0 : i32
      %dma_start3A_128 = tpu.memref_slice %arg2[%dma_start3A_126, %dma_start3A_127] : memref<100000x128xi32, #tpu.memory_space<hbm>> -> memref<100000x128xi32, #tpu.memory_space<hbm>>
      tpu.enqueue_indirect_dma source(%dma_start3A_128 : memref<100000x128xi32, #tpu.memory_space<hbm>>) target(%arg8 : memref<112x128xi32, #tpu.memory_space<vmem>>) offsets(%dma_start3A_125 : memref<112xi32, #tpu.memory_space<vmem>>) semaphore(%arg12 : memref<!tpu.dma_semaphore, #tpu.memory_space<semaphore_mem>>)
      %dma_start3A_129 = arith.constant 0 : i32
      %dma_start3A_130 = tpu.memref_slice %arg7[%min3A_54, %dma_start3A_129] : memref<4x112xi32, #tpu.memory_space<vmem>> -> memref<1x112xi32, #tpu.memory_space<vmem>>
      %dma_start3A_131 = tpu.memref_squeeze %dma_start3A_130 : memref<1x112xi32, #tpu.memory_space<vmem>> -> memref<112xi32, #tpu.memory_space<vmem>>
      %dma_start3A_132 = arith.constant 0 : i32
      %dma_start3A_133 = arith.constant 0 : i32
      %dma_start3A_134 = tpu.memref_slice %arg2[%dma_start3A_132, %dma_start3A_133] : memref<100000x128xi32, #tpu.memory_space<hbm>> -> memref<100000x128xi32, #tpu.memory_space<hbm>>
      tpu.enqueue_indirect_dma source(%dma_start3A_134 : memref<100000x128xi32, #tpu.memory_space<hbm>>) target(%arg9 : memref<112x128xi32, #tpu.memory_space<vmem>>) offsets(%dma_start3A_131 : memref<112xi32, #tpu.memory_space<vmem>>) semaphore(%arg12 : memref<!tpu.dma_semaphore, #tpu.memory_space<semaphore_mem>>)
      %mul3A_135 = arith.constant 112 : i32
      %mul3A_136 = arith.muli %add3A_51, %mul3A_135 : i32
      %add3A_137 = arith.addi %mul3A_3, %mul3A_136 : i32
      %dma_start3A_138 = arith.constant 0 : i32
      %dma_start3A_139 = tpu.memref_slice %arg4[%add3A_137, %dma_start3A_138] : memref<14336x128xi32, #tpu.memory_space<hbm>> -> memref<112x128xi32, #tpu.memory_space<hbm>>
      %dma_start3A_140 = arith.constant 0 : i32
      %dma_start3A_141 = tpu.memref_slice %arg4[%add3A_137, %dma_start3A_140] : memref<14336x128xi32, #tpu.memory_space<hbm>> -> memref<112x128xi32, #tpu.memory_space<hbm>>
      tpu.enqueue_dma source(%arg10 : memref<112x128xi32, #tpu.memory_space<vmem>>) target(%dma_start3A_141 : memref<112x128xi32, #tpu.memory_space<hbm>>) target_semaphore(%arg15 : memref<!tpu.dma_semaphore, #tpu.memory_space<semaphore_mem>>)
      %mul3A_142 = arith.constant 112 : i32
      %mul3A_143 = arith.muli %add3A_51, %mul3A_142 : i32
      %add3A_144 = arith.addi %mul3A_3, %mul3A_143 : i32
      %dma_start3A_145 = arith.constant 0 : i32
      %dma_start3A_146 = tpu.memref_slice %arg5[%add3A_144, %dma_start3A_145] : memref<14336x128xi32, #tpu.memory_space<hbm>> -> memref<112x128xi32, #tpu.memory_space<hbm>>
      %dma_start3A_147 = arith.constant 0 : i32
      %dma_start3A_148 = tpu.memref_slice %arg5[%add3A_144, %dma_start3A_147] : memref<14336x128xi32, #tpu.memory_space<hbm>> -> memref<112x128xi32, #tpu.memory_space<hbm>>
      tpu.enqueue_dma source(%arg11 : memref<112x128xi32, #tpu.memory_space<vmem>>) target(%dma_start3A_148 : memref<112x128xi32, #tpu.memory_space<hbm>>) target_semaphore(%arg15 : memref<!tpu.dma_semaphore, #tpu.memory_space<semaphore_mem>>)
    }
    %scan3A_21 = arith.constant 2 : i32
    %dma_wait3A = arith.constant 0 : i32
    %dma_wait3A_22 = arith.constant 0 : i32
    %dma_wait3A_23 = tpu.memref_slice %arg6[%dma_wait3A, %dma_wait3A_22] : memref<4x112xi32, #tpu.memory_space<vmem>> -> memref<1x112xi32, #tpu.memory_space<vmem>>
    %dma_wait3A_24 = tpu.memref_squeeze %dma_wait3A_23 : memref<1x112xi32, #tpu.memory_space<vmem>> -> memref<112xi32, #tpu.memory_space<vmem>>
    %dma_wait3A_25 = arith.constant 0 : i32
    %dma_wait3A_26 = arith.constant 0 : i32
    %dma_wait3A_27 = tpu.memref_slice %arg2[%dma_wait3A_25, %dma_wait3A_26] : memref<100000x128xi32, #tpu.memory_space<hbm>> -> memref<100000x128xi32, #tpu.memory_space<hbm>>
    tpu.wait_indirect_dma semaphore(%arg12 : memref<!tpu.dma_semaphore, #tpu.memory_space<semaphore_mem>>) src(%dma_wait3A_27 : memref<100000x128xi32, #tpu.memory_space<hbm>>) dst(%arg8 : memref<112x128xi32, #tpu.memory_space<vmem>>)
    %dma_wait3A_28 = arith.constant 0 : i32
    %dma_wait3A_29 = arith.constant 0 : i32
    %dma_wait3A_30 = tpu.memref_slice %arg7[%dma_wait3A_28, %dma_wait3A_29] : memref<4x112xi32, #tpu.memory_space<vmem>> -> memref<1x112xi32, #tpu.memory_space<vmem>>
    %dma_wait3A_31 = tpu.memref_squeeze %dma_wait3A_30 : memref<1x112xi32, #tpu.memory_space<vmem>> -> memref<112xi32, #tpu.memory_space<vmem>>
    %dma_wait3A_32 = arith.constant 0 : i32
    %dma_wait3A_33 = arith.constant 0 : i32
    %dma_wait3A_34 = tpu.memref_slice %arg2[%dma_wait3A_32, %dma_wait3A_33] : memref<100000x128xi32, #tpu.memory_space<hbm>> -> memref<100000x128xi32, #tpu.memory_space<hbm>>
    tpu.wait_indirect_dma semaphore(%arg12 : memref<!tpu.dma_semaphore, #tpu.memory_space<semaphore_mem>>) src(%dma_wait3A_34 : memref<100000x128xi32, #tpu.memory_space<hbm>>) dst(%arg9 : memref<112x128xi32, #tpu.memory_space<vmem>>)
    %dma_wait3A_35 = arith.constant 0 : i32
    %dma_wait3A_36 = arith.constant 0 : i32
    %dma_wait3A_37 = tpu.memref_slice %arg4[%dma_wait3A_35, %dma_wait3A_36] : memref<14336x128xi32, #tpu.memory_space<hbm>> -> memref<112x128xi32, #tpu.memory_space<hbm>>
    %dma_wait3A_38 = arith.constant 0 : i32
    %dma_wait3A_39 = arith.constant 0 : i32
    %dma_wait3A_40 = tpu.memref_slice %arg4[%dma_wait3A_38, %dma_wait3A_39] : memref<14336x128xi32, #tpu.memory_space<hbm>> -> memref<112x128xi32, #tpu.memory_space<hbm>>
    tpu.wait_dma2 semaphore(%arg15 : memref<!tpu.dma_semaphore, #tpu.memory_space<semaphore_mem>>) src(%arg10 : memref<112x128xi32, #tpu.memory_space<vmem>>) dst(%dma_wait3A_40 : memref<112x128xi32, #tpu.memory_space<hbm>>)
    %dma_wait3A_41 = arith.constant 0 : i32
    %dma_wait3A_42 = arith.constant 0 : i32
    %dma_wait3A_43 = tpu.memref_slice %arg5[%dma_wait3A_41, %dma_wait3A_42] : memref<14336x128xi32, #tpu.memory_space<hbm>> -> memref<112x128xi32, #tpu.memory_space<hbm>>
    %dma_wait3A_44 = arith.constant 0 : i32
    %dma_wait3A_45 = arith.constant 0 : i32
    %dma_wait3A_46 = tpu.memref_slice %arg5[%dma_wait3A_44, %dma_wait3A_45] : memref<14336x128xi32, #tpu.memory_space<hbm>> -> memref<112x128xi32, #tpu.memory_space<hbm>>
    tpu.wait_dma2 semaphore(%arg15 : memref<!tpu.dma_semaphore, #tpu.memory_space<semaphore_mem>>) src(%arg11 : memref<112x128xi32, #tpu.memory_space<vmem>>) dst(%dma_wait3A_46 : memref<112x128xi32, #tpu.memory_space<hbm>>)
    return
  }
}

#map = affine_map<(d0, d1) -> (0, 0)>
#map1 = affine_map<(d0, d1) -> (0, 0, 0, 0)>
module attributes {stable_mosaic.version = 14 : i64} {
  func.func @gather_kernel(%arg0: i32, %arg1: i32, %arg2: memref<100000x128xi32, #tpu.memory_space<hbm>>, %arg3: memref<2x32x8x112xi32, #tpu.memory_space<hbm>>, %arg4: memref<28672x128xi32, #tpu.memory_space<hbm>>, %arg5: memref<28672x128xi32, #tpu.memory_space<hbm>>, %arg6: memref<8x112xi32, #tpu.memory_space<vmem>>, %arg7: memref<8x112xi32, #tpu.memory_space<vmem>>, %arg8: memref<112x128xi32, #tpu.memory_space<vmem>>, %arg9: memref<112x128xi32, #tpu.memory_space<vmem>>, %arg10: memref<112x128xi32, #tpu.memory_space<vmem>>, %arg11: memref<112x128xi32, #tpu.memory_space<vmem>>, %arg12: memref<!tpu.dma_semaphore, #tpu.memory_space<semaphore_mem>>, %arg13: memref<!tpu.dma_semaphore, #tpu.memory_space<semaphore_mem>>, %arg14: memref<!tpu.dma_semaphore, #tpu.memory_space<semaphore_mem>>, %arg15: memref<!tpu.dma_semaphore, #tpu.memory_space<semaphore_mem>>) attributes {dimension_semantics = [#tpu.dimension_semantics<core_parallel>, #tpu.dimension_semantics<subcore_parallel>], iteration_bounds = array<i64: 2, 16>, scalar_prefetch = 0 : i64, scratch_operands = 10 : i64, tpu.core_type = #tpu.core_type<sc_vector_subcore>, window_params = [{transform_indices = #map}, {transform_indices = #map1}, {transform_indices = #map}, {transform_indices = #map}]} {
    %mul3A = arith.constant 2 : i32
    %mul3A_0 = arith.muli %arg1, %mul3A : i32
    %add3A = arith.addi %mul3A_0, %arg0 : i32
    %run_scoped3A = arith.constant 0 : i32
    "tpu.region"() ({
      %run_scoped3A_47 = tpu.sem_alloc : memref<!tpu.dma_semaphore, #tpu.memory_space<semaphore_mem>>
      %dma_start3A_48 = arith.constant 0 : i32
      %dma_start3A_49 = arith.constant 0 : i32
      %dma_start3A_50 = tpu.memref_slice %arg3[%run_scoped3A, %add3A, %dma_start3A_48, %dma_start3A_49] : memref<2x32x8x112xi32, #tpu.memory_space<hbm>> -> memref<1x1x8x112xi32, #tpu.memory_space<hbm>>
      %dma_start3A_51 = tpu.memref_squeeze %dma_start3A_50 : memref<1x1x8x112xi32, #tpu.memory_space<hbm>> -> memref<8x112xi32, #tpu.memory_space<hbm>>
      %dma_start3A_52 = arith.constant 0 : i32
      %dma_start3A_53 = arith.constant 0 : i32
      %dma_start3A_54 = tpu.memref_slice %arg3[%run_scoped3A, %add3A, %dma_start3A_52, %dma_start3A_53] : memref<2x32x8x112xi32, #tpu.memory_space<hbm>> -> memref<1x1x8x112xi32, #tpu.memory_space<hbm>>
      %dma_start3A_55 = tpu.memref_squeeze %dma_start3A_54 : memref<1x1x8x112xi32, #tpu.memory_space<hbm>> -> memref<8x112xi32, #tpu.memory_space<hbm>>
      tpu.enqueue_dma source(%dma_start3A_55 : memref<8x112xi32, #tpu.memory_space<hbm>>) target(%arg6 : memref<8x112xi32, #tpu.memory_space<vmem>>) target_semaphore(%run_scoped3A_47 : memref<!tpu.dma_semaphore, #tpu.memory_space<semaphore_mem>>)
      %dma_wait3A_56 = arith.constant 0 : i32
      %dma_wait3A_57 = arith.constant 0 : i32
      %dma_wait3A_58 = tpu.memref_slice %arg3[%run_scoped3A, %add3A, %dma_wait3A_56, %dma_wait3A_57] : memref<2x32x8x112xi32, #tpu.memory_space<hbm>> -> memref<1x1x8x112xi32, #tpu.memory_space<hbm>>
      %dma_wait3A_59 = tpu.memref_squeeze %dma_wait3A_58 : memref<1x1x8x112xi32, #tpu.memory_space<hbm>> -> memref<8x112xi32, #tpu.memory_space<hbm>>
      %dma_wait3A_60 = arith.constant 0 : i32
      %dma_wait3A_61 = arith.constant 0 : i32
      %dma_wait3A_62 = tpu.memref_slice %arg3[%run_scoped3A, %add3A, %dma_wait3A_60, %dma_wait3A_61] : memref<2x32x8x112xi32, #tpu.memory_space<hbm>> -> memref<1x1x8x112xi32, #tpu.memory_space<hbm>>
      %dma_wait3A_63 = tpu.memref_squeeze %dma_wait3A_62 : memref<1x1x8x112xi32, #tpu.memory_space<hbm>> -> memref<8x112xi32, #tpu.memory_space<hbm>>
      tpu.wait_dma2 semaphore(%run_scoped3A_47 : memref<!tpu.dma_semaphore, #tpu.memory_space<semaphore_mem>>) src(%dma_wait3A_63 : memref<8x112xi32, #tpu.memory_space<hbm>>) dst(%arg6 : memref<8x112xi32, #tpu.memory_space<vmem>>)
      tpu.yield
    }) : () -> ()
    %run_scoped3A_1 = arith.constant 1 : i32
    "tpu.region"() ({
      %run_scoped3A_47 = tpu.sem_alloc : memref<!tpu.dma_semaphore, #tpu.memory_space<semaphore_mem>>
      %dma_start3A_48 = arith.constant 0 : i32
      %dma_start3A_49 = arith.constant 0 : i32
      %dma_start3A_50 = tpu.memref_slice %arg3[%run_scoped3A_1, %add3A, %dma_start3A_48, %dma_start3A_49] : memref<2x32x8x112xi32, #tpu.memory_space<hbm>> -> memref<1x1x8x112xi32, #tpu.memory_space<hbm>>
      %dma_start3A_51 = tpu.memref_squeeze %dma_start3A_50 : memref<1x1x8x112xi32, #tpu.memory_space<hbm>> -> memref<8x112xi32, #tpu.memory_space<hbm>>
      %dma_start3A_52 = arith.constant 0 : i32
      %dma_start3A_53 = arith.constant 0 : i32
      %dma_start3A_54 = tpu.memref_slice %arg3[%run_scoped3A_1, %add3A, %dma_start3A_52, %dma_start3A_53] : memref<2x32x8x112xi32, #tpu.memory_space<hbm>> -> memref<1x1x8x112xi32, #tpu.memory_space<hbm>>
      %dma_start3A_55 = tpu.memref_squeeze %dma_start3A_54 : memref<1x1x8x112xi32, #tpu.memory_space<hbm>> -> memref<8x112xi32, #tpu.memory_space<hbm>>
      tpu.enqueue_dma source(%dma_start3A_55 : memref<8x112xi32, #tpu.memory_space<hbm>>) target(%arg7 : memref<8x112xi32, #tpu.memory_space<vmem>>) target_semaphore(%run_scoped3A_47 : memref<!tpu.dma_semaphore, #tpu.memory_space<semaphore_mem>>)
      %dma_wait3A_56 = arith.constant 0 : i32
      %dma_wait3A_57 = arith.constant 0 : i32
      %dma_wait3A_58 = tpu.memref_slice %arg3[%run_scoped3A_1, %add3A, %dma_wait3A_56, %dma_wait3A_57] : memref<2x32x8x112xi32, #tpu.memory_space<hbm>> -> memref<1x1x8x112xi32, #tpu.memory_space<hbm>>
      %dma_wait3A_59 = tpu.memref_squeeze %dma_wait3A_58 : memref<1x1x8x112xi32, #tpu.memory_space<hbm>> -> memref<8x112xi32, #tpu.memory_space<hbm>>
      %dma_wait3A_60 = arith.constant 0 : i32
      %dma_wait3A_61 = arith.constant 0 : i32
      %dma_wait3A_62 = tpu.memref_slice %arg3[%run_scoped3A_1, %add3A, %dma_wait3A_60, %dma_wait3A_61] : memref<2x32x8x112xi32, #tpu.memory_space<hbm>> -> memref<1x1x8x112xi32, #tpu.memory_space<hbm>>
      %dma_wait3A_63 = tpu.memref_squeeze %dma_wait3A_62 : memref<1x1x8x112xi32, #tpu.memory_space<hbm>> -> memref<8x112xi32, #tpu.memory_space<hbm>>
      tpu.wait_dma2 semaphore(%run_scoped3A_47 : memref<!tpu.dma_semaphore, #tpu.memory_space<semaphore_mem>>) src(%dma_wait3A_63 : memref<8x112xi32, #tpu.memory_space<hbm>>) dst(%arg7 : memref<8x112xi32, #tpu.memory_space<vmem>>)
      tpu.yield
    }) : () -> ()
    %mul3A_2 = arith.constant 896 : i32
    %mul3A_3 = arith.muli %add3A, %mul3A_2 : i32
    %dma_start3A = arith.constant 0 : i32
    %dma_start3A_4 = arith.constant 0 : i32
    %dma_start3A_5 = tpu.memref_slice %arg6[%dma_start3A, %dma_start3A_4] : memref<8x112xi32, #tpu.memory_space<vmem>> -> memref<1x112xi32, #tpu.memory_space<vmem>>
    %dma_start3A_6 = tpu.memref_squeeze %dma_start3A_5 : memref<1x112xi32, #tpu.memory_space<vmem>> -> memref<112xi32, #tpu.memory_space<vmem>>
    %dma_start3A_7 = arith.constant 0 : i32
    %dma_start3A_8 = arith.constant 0 : i32
    %dma_start3A_9 = tpu.memref_slice %arg2[%dma_start3A_7, %dma_start3A_8] : memref<100000x128xi32, #tpu.memory_space<hbm>> -> memref<100000x128xi32, #tpu.memory_space<hbm>>
    tpu.enqueue_indirect_dma source(%dma_start3A_9 : memref<100000x128xi32, #tpu.memory_space<hbm>>) target(%arg8 : memref<112x128xi32, #tpu.memory_space<vmem>>) offsets(%dma_start3A_6 : memref<112xi32, #tpu.memory_space<vmem>>) semaphore(%arg12 : memref<!tpu.dma_semaphore, #tpu.memory_space<semaphore_mem>>)
    %dma_start3A_10 = arith.constant 0 : i32
    %dma_start3A_11 = arith.constant 0 : i32
    %dma_start3A_12 = tpu.memref_slice %arg7[%dma_start3A_10, %dma_start3A_11] : memref<8x112xi32, #tpu.memory_space<vmem>> -> memref<1x112xi32, #tpu.memory_space<vmem>>
    %dma_start3A_13 = tpu.memref_squeeze %dma_start3A_12 : memref<1x112xi32, #tpu.memory_space<vmem>> -> memref<112xi32, #tpu.memory_space<vmem>>
    %dma_start3A_14 = arith.constant 0 : i32
    %dma_start3A_15 = arith.constant 0 : i32
    %dma_start3A_16 = tpu.memref_slice %arg2[%dma_start3A_14, %dma_start3A_15] : memref<100000x128xi32, #tpu.memory_space<hbm>> -> memref<100000x128xi32, #tpu.memory_space<hbm>>
    tpu.enqueue_indirect_dma source(%dma_start3A_16 : memref<100000x128xi32, #tpu.memory_space<hbm>>) target(%arg9 : memref<112x128xi32, #tpu.memory_space<vmem>>) offsets(%dma_start3A_13 : memref<112xi32, #tpu.memory_space<vmem>>) semaphore(%arg12 : memref<!tpu.dma_semaphore, #tpu.memory_space<semaphore_mem>>)
    %scan3A = arith.constant 0 : i32
    %scan3A_17 = arith.constant 0 : i32
    %scan3A_18 = arith.constant 4 : i32
    %scan3A_19 = arith.addi %scan3A_17, %scan3A_18 : i32
    %scan3A_20 = arith.constant 1 : i32
    scf.for %scan3A_47 = %scan3A_17 to %scan3A_19 step %scan3A_20  : i32 {
      %mul3A_48 = arith.constant 2 : i32
      %mul3A_49 = arith.muli %mul3A_48, %scan3A_47 : i32
      %add3A_50 = arith.constant 1 : i32
      %add3A_51 = arith.addi %mul3A_49, %add3A_50 : i32
      %add3A_52 = arith.constant 2 : i32
      %add3A_53 = arith.addi %mul3A_49, %add3A_52 : i32
      %min3A = arith.constant 7 : i32
      %min3A_54 = arith.minsi %add3A_53, %min3A : i32
      %dma_wait3A_55 = arith.constant 0 : i32
      %dma_wait3A_56 = arith.constant 0 : i32
      %dma_wait3A_57 = tpu.memref_slice %arg6[%dma_wait3A_55, %dma_wait3A_56] : memref<8x112xi32, #tpu.memory_space<vmem>> -> memref<1x112xi32, #tpu.memory_space<vmem>>
      %dma_wait3A_58 = tpu.memref_squeeze %dma_wait3A_57 : memref<1x112xi32, #tpu.memory_space<vmem>> -> memref<112xi32, #tpu.memory_space<vmem>>
      %dma_wait3A_59 = arith.constant 0 : i32
      %dma_wait3A_60 = arith.constant 0 : i32
      %dma_wait3A_61 = tpu.memref_slice %arg2[%dma_wait3A_59, %dma_wait3A_60] : memref<100000x128xi32, #tpu.memory_space<hbm>> -> memref<100000x128xi32, #tpu.memory_space<hbm>>
      tpu.wait_indirect_dma semaphore(%arg12 : memref<!tpu.dma_semaphore, #tpu.memory_space<semaphore_mem>>) src(%dma_wait3A_61 : memref<100000x128xi32, #tpu.memory_space<hbm>>) dst(%arg8 : memref<112x128xi32, #tpu.memory_space<vmem>>)
      %dma_wait3A_62 = arith.constant 0 : i32
      %dma_wait3A_63 = arith.constant 0 : i32
      %dma_wait3A_64 = tpu.memref_slice %arg7[%dma_wait3A_62, %dma_wait3A_63] : memref<8x112xi32, #tpu.memory_space<vmem>> -> memref<1x112xi32, #tpu.memory_space<vmem>>
      %dma_wait3A_65 = tpu.memref_squeeze %dma_wait3A_64 : memref<1x112xi32, #tpu.memory_space<vmem>> -> memref<112xi32, #tpu.memory_space<vmem>>
      %dma_wait3A_66 = arith.constant 0 : i32
      %dma_wait3A_67 = arith.constant 0 : i32
      %dma_wait3A_68 = tpu.memref_slice %arg2[%dma_wait3A_66, %dma_wait3A_67] : memref<100000x128xi32, #tpu.memory_space<hbm>> -> memref<100000x128xi32, #tpu.memory_space<hbm>>
      tpu.wait_indirect_dma semaphore(%arg12 : memref<!tpu.dma_semaphore, #tpu.memory_space<semaphore_mem>>) src(%dma_wait3A_68 : memref<100000x128xi32, #tpu.memory_space<hbm>>) dst(%arg9 : memref<112x128xi32, #tpu.memory_space<vmem>>)
      %gt3A = arith.constant 0 : i32
      %gt3A_69 = arith.cmpi sgt, %scan3A_47, %gt3A : i32
      %convert_element_type3A = arith.extui %gt3A_69 : i1 to i32
      %cond3A = arith.constant 0 : i32
      %cond3A_70 = arith.cmpi ne, %convert_element_type3A, %cond3A : i32
      scf.if %cond3A_70 {
        %dma_wait3A_149 = arith.constant 0 : i32
        %dma_wait3A_150 = arith.constant 0 : i32
        %dma_wait3A_151 = tpu.memref_slice %arg4[%dma_wait3A_149, %dma_wait3A_150] : memref<28672x128xi32, #tpu.memory_space<hbm>> -> memref<112x128xi32, #tpu.memory_space<hbm>>
        %dma_wait3A_152 = arith.constant 0 : i32
        %dma_wait3A_153 = arith.constant 0 : i32
        %dma_wait3A_154 = tpu.memref_slice %arg4[%dma_wait3A_152, %dma_wait3A_153] : memref<28672x128xi32, #tpu.memory_space<hbm>> -> memref<112x128xi32, #tpu.memory_space<hbm>>
        tpu.wait_dma2 semaphore(%arg15 : memref<!tpu.dma_semaphore, #tpu.memory_space<semaphore_mem>>) src(%arg10 : memref<112x128xi32, #tpu.memory_space<vmem>>) dst(%dma_wait3A_154 : memref<112x128xi32, #tpu.memory_space<hbm>>)
        %dma_wait3A_155 = arith.constant 0 : i32
        %dma_wait3A_156 = arith.constant 0 : i32
        %dma_wait3A_157 = tpu.memref_slice %arg5[%dma_wait3A_155, %dma_wait3A_156] : memref<28672x128xi32, #tpu.memory_space<hbm>> -> memref<112x128xi32, #tpu.memory_space<hbm>>
        %dma_wait3A_158 = arith.constant 0 : i32
        %dma_wait3A_159 = arith.constant 0 : i32
        %dma_wait3A_160 = tpu.memref_slice %arg5[%dma_wait3A_158, %dma_wait3A_159] : memref<28672x128xi32, #tpu.memory_space<hbm>> -> memref<112x128xi32, #tpu.memory_space<hbm>>
        tpu.wait_dma2 semaphore(%arg15 : memref<!tpu.dma_semaphore, #tpu.memory_space<semaphore_mem>>) src(%arg11 : memref<112x128xi32, #tpu.memory_space<vmem>>) dst(%dma_wait3A_160 : memref<112x128xi32, #tpu.memory_space<hbm>>)
      } else {
      }
      %dma_start3A_71 = arith.constant 0 : i32
      %dma_start3A_72 = tpu.memref_slice %arg6[%add3A_51, %dma_start3A_71] : memref<8x112xi32, #tpu.memory_space<vmem>> -> memref<1x112xi32, #tpu.memory_space<vmem>>
      %dma_start3A_73 = tpu.memref_squeeze %dma_start3A_72 : memref<1x112xi32, #tpu.memory_space<vmem>> -> memref<112xi32, #tpu.memory_space<vmem>>
      %dma_start3A_74 = arith.constant 0 : i32
      %dma_start3A_75 = arith.constant 0 : i32
      %dma_start3A_76 = tpu.memref_slice %arg2[%dma_start3A_74, %dma_start3A_75] : memref<100000x128xi32, #tpu.memory_space<hbm>> -> memref<100000x128xi32, #tpu.memory_space<hbm>>
      tpu.enqueue_indirect_dma source(%dma_start3A_76 : memref<100000x128xi32, #tpu.memory_space<hbm>>) target(%arg10 : memref<112x128xi32, #tpu.memory_space<vmem>>) offsets(%dma_start3A_73 : memref<112xi32, #tpu.memory_space<vmem>>) semaphore(%arg13 : memref<!tpu.dma_semaphore, #tpu.memory_space<semaphore_mem>>)
      %dma_start3A_77 = arith.constant 0 : i32
      %dma_start3A_78 = tpu.memref_slice %arg7[%add3A_51, %dma_start3A_77] : memref<8x112xi32, #tpu.memory_space<vmem>> -> memref<1x112xi32, #tpu.memory_space<vmem>>
      %dma_start3A_79 = tpu.memref_squeeze %dma_start3A_78 : memref<1x112xi32, #tpu.memory_space<vmem>> -> memref<112xi32, #tpu.memory_space<vmem>>
      %dma_start3A_80 = arith.constant 0 : i32
      %dma_start3A_81 = arith.constant 0 : i32
      %dma_start3A_82 = tpu.memref_slice %arg2[%dma_start3A_80, %dma_start3A_81] : memref<100000x128xi32, #tpu.memory_space<hbm>> -> memref<100000x128xi32, #tpu.memory_space<hbm>>
      tpu.enqueue_indirect_dma source(%dma_start3A_82 : memref<100000x128xi32, #tpu.memory_space<hbm>>) target(%arg11 : memref<112x128xi32, #tpu.memory_space<vmem>>) offsets(%dma_start3A_79 : memref<112xi32, #tpu.memory_space<vmem>>) semaphore(%arg13 : memref<!tpu.dma_semaphore, #tpu.memory_space<semaphore_mem>>)
      %mul3A_83 = arith.constant 112 : i32
      %mul3A_84 = arith.muli %mul3A_49, %mul3A_83 : i32
      %add3A_85 = arith.addi %mul3A_3, %mul3A_84 : i32
      %dma_start3A_86 = arith.constant 0 : i32
      %dma_start3A_87 = tpu.memref_slice %arg4[%add3A_85, %dma_start3A_86] : memref<28672x128xi32, #tpu.memory_space<hbm>> -> memref<112x128xi32, #tpu.memory_space<hbm>>
      %dma_start3A_88 = arith.constant 0 : i32
      %dma_start3A_89 = tpu.memref_slice %arg4[%add3A_85, %dma_start3A_88] : memref<28672x128xi32, #tpu.memory_space<hbm>> -> memref<112x128xi32, #tpu.memory_space<hbm>>
      tpu.enqueue_dma source(%arg8 : memref<112x128xi32, #tpu.memory_space<vmem>>) target(%dma_start3A_89 : memref<112x128xi32, #tpu.memory_space<hbm>>) target_semaphore(%arg14 : memref<!tpu.dma_semaphore, #tpu.memory_space<semaphore_mem>>)
      %mul3A_90 = arith.constant 112 : i32
      %mul3A_91 = arith.muli %mul3A_49, %mul3A_90 : i32
      %add3A_92 = arith.addi %mul3A_3, %mul3A_91 : i32
      %dma_start3A_93 = arith.constant 0 : i32
      %dma_start3A_94 = tpu.memref_slice %arg5[%add3A_92, %dma_start3A_93] : memref<28672x128xi32, #tpu.memory_space<hbm>> -> memref<112x128xi32, #tpu.memory_space<hbm>>
      %dma_start3A_95 = arith.constant 0 : i32
      %dma_start3A_96 = tpu.memref_slice %arg5[%add3A_92, %dma_start3A_95] : memref<28672x128xi32, #tpu.memory_space<hbm>> -> memref<112x128xi32, #tpu.memory_space<hbm>>
      tpu.enqueue_dma source(%arg9 : memref<112x128xi32, #tpu.memory_space<vmem>>) target(%dma_start3A_96 : memref<112x128xi32, #tpu.memory_space<hbm>>) target_semaphore(%arg14 : memref<!tpu.dma_semaphore, #tpu.memory_space<semaphore_mem>>)
      %dma_wait3A_97 = arith.constant 0 : i32
      %dma_wait3A_98 = arith.constant 0 : i32
      %dma_wait3A_99 = tpu.memref_slice %arg6[%dma_wait3A_97, %dma_wait3A_98] : memref<8x112xi32, #tpu.memory_space<vmem>> -> memref<1x112xi32, #tpu.memory_space<vmem>>
      %dma_wait3A_100 = tpu.memref_squeeze %dma_wait3A_99 : memref<1x112xi32, #tpu.memory_space<vmem>> -> memref<112xi32, #tpu.memory_space<vmem>>
      %dma_wait3A_101 = arith.constant 0 : i32
      %dma_wait3A_102 = arith.constant 0 : i32
      %dma_wait3A_103 = tpu.memref_slice %arg2[%dma_wait3A_101, %dma_wait3A_102] : memref<100000x128xi32, #tpu.memory_space<hbm>> -> memref<100000x128xi32, #tpu.memory_space<hbm>>
      tpu.wait_indirect_dma semaphore(%arg13 : memref<!tpu.dma_semaphore, #tpu.memory_space<semaphore_mem>>) src(%dma_wait3A_103 : memref<100000x128xi32, #tpu.memory_space<hbm>>) dst(%arg10 : memref<112x128xi32, #tpu.memory_space<vmem>>)
      %dma_wait3A_104 = arith.constant 0 : i32
      %dma_wait3A_105 = arith.constant 0 : i32
      %dma_wait3A_106 = tpu.memref_slice %arg7[%dma_wait3A_104, %dma_wait3A_105] : memref<8x112xi32, #tpu.memory_space<vmem>> -> memref<1x112xi32, #tpu.memory_space<vmem>>
      %dma_wait3A_107 = tpu.memref_squeeze %dma_wait3A_106 : memref<1x112xi32, #tpu.memory_space<vmem>> -> memref<112xi32, #tpu.memory_space<vmem>>
      %dma_wait3A_108 = arith.constant 0 : i32
      %dma_wait3A_109 = arith.constant 0 : i32
      %dma_wait3A_110 = tpu.memref_slice %arg2[%dma_wait3A_108, %dma_wait3A_109] : memref<100000x128xi32, #tpu.memory_space<hbm>> -> memref<100000x128xi32, #tpu.memory_space<hbm>>
      tpu.wait_indirect_dma semaphore(%arg13 : memref<!tpu.dma_semaphore, #tpu.memory_space<semaphore_mem>>) src(%dma_wait3A_110 : memref<100000x128xi32, #tpu.memory_space<hbm>>) dst(%arg11 : memref<112x128xi32, #tpu.memory_space<vmem>>)
      %dma_wait3A_111 = arith.constant 0 : i32
      %dma_wait3A_112 = arith.constant 0 : i32
      %dma_wait3A_113 = tpu.memref_slice %arg4[%dma_wait3A_111, %dma_wait3A_112] : memref<28672x128xi32, #tpu.memory_space<hbm>> -> memref<112x128xi32, #tpu.memory_space<hbm>>
      %dma_wait3A_114 = arith.constant 0 : i32
      %dma_wait3A_115 = arith.constant 0 : i32
      %dma_wait3A_116 = tpu.memref_slice %arg4[%dma_wait3A_114, %dma_wait3A_115] : memref<28672x128xi32, #tpu.memory_space<hbm>> -> memref<112x128xi32, #tpu.memory_space<hbm>>
      tpu.wait_dma2 semaphore(%arg14 : memref<!tpu.dma_semaphore, #tpu.memory_space<semaphore_mem>>) src(%arg8 : memref<112x128xi32, #tpu.memory_space<vmem>>) dst(%dma_wait3A_116 : memref<112x128xi32, #tpu.memory_space<hbm>>)
      %dma_wait3A_117 = arith.constant 0 : i32
      %dma_wait3A_118 = arith.constant 0 : i32
      %dma_wait3A_119 = tpu.memref_slice %arg5[%dma_wait3A_117, %dma_wait3A_118] : memref<28672x128xi32, #tpu.memory_space<hbm>> -> memref<112x128xi32, #tpu.memory_space<hbm>>
      %dma_wait3A_120 = arith.constant 0 : i32
      %dma_wait3A_121 = arith.constant 0 : i32
      %dma_wait3A_122 = tpu.memref_slice %arg5[%dma_wait3A_120, %dma_wait3A_121] : memref<28672x128xi32, #tpu.memory_space<hbm>> -> memref<112x128xi32, #tpu.memory_space<hbm>>
      tpu.wait_dma2 semaphore(%arg14 : memref<!tpu.dma_semaphore, #tpu.memory_space<semaphore_mem>>) src(%arg9 : memref<112x128xi32, #tpu.memory_space<vmem>>) dst(%dma_wait3A_122 : memref<112x128xi32, #tpu.memory_space<hbm>>)
      %dma_start3A_123 = arith.constant 0 : i32
      %dma_start3A_124 = tpu.memref_slice %arg6[%min3A_54, %dma_start3A_123] : memref<8x112xi32, #tpu.memory_space<vmem>> -> memref<1x112xi32, #tpu.memory_space<vmem>>
      %dma_start3A_125 = tpu.memref_squeeze %dma_start3A_124 : memref<1x112xi32, #tpu.memory_space<vmem>> -> memref<112xi32, #tpu.memory_space<vmem>>
      %dma_start3A_126 = arith.constant 0 : i32
      %dma_start3A_127 = arith.constant 0 : i32
      %dma_start3A_128 = tpu.memref_slice %arg2[%dma_start3A_126, %dma_start3A_127] : memref<100000x128xi32, #tpu.memory_space<hbm>> -> memref<100000x128xi32, #tpu.memory_space<hbm>>
      tpu.enqueue_indirect_dma source(%dma_start3A_128 : memref<100000x128xi32, #tpu.memory_space<hbm>>) target(%arg8 : memref<112x128xi32, #tpu.memory_space<vmem>>) offsets(%dma_start3A_125 : memref<112xi32, #tpu.memory_space<vmem>>) semaphore(%arg12 : memref<!tpu.dma_semaphore, #tpu.memory_space<semaphore_mem>>)
      %dma_start3A_129 = arith.constant 0 : i32
      %dma_start3A_130 = tpu.memref_slice %arg7[%min3A_54, %dma_start3A_129] : memref<8x112xi32, #tpu.memory_space<vmem>> -> memref<1x112xi32, #tpu.memory_space<vmem>>
      %dma_start3A_131 = tpu.memref_squeeze %dma_start3A_130 : memref<1x112xi32, #tpu.memory_space<vmem>> -> memref<112xi32, #tpu.memory_space<vmem>>
      %dma_start3A_132 = arith.constant 0 : i32
      %dma_start3A_133 = arith.constant 0 : i32
      %dma_start3A_134 = tpu.memref_slice %arg2[%dma_start3A_132, %dma_start3A_133] : memref<100000x128xi32, #tpu.memory_space<hbm>> -> memref<100000x128xi32, #tpu.memory_space<hbm>>
      tpu.enqueue_indirect_dma source(%dma_start3A_134 : memref<100000x128xi32, #tpu.memory_space<hbm>>) target(%arg9 : memref<112x128xi32, #tpu.memory_space<vmem>>) offsets(%dma_start3A_131 : memref<112xi32, #tpu.memory_space<vmem>>) semaphore(%arg12 : memref<!tpu.dma_semaphore, #tpu.memory_space<semaphore_mem>>)
      %mul3A_135 = arith.constant 112 : i32
      %mul3A_136 = arith.muli %add3A_51, %mul3A_135 : i32
      %add3A_137 = arith.addi %mul3A_3, %mul3A_136 : i32
      %dma_start3A_138 = arith.constant 0 : i32
      %dma_start3A_139 = tpu.memref_slice %arg4[%add3A_137, %dma_start3A_138] : memref<28672x128xi32, #tpu.memory_space<hbm>> -> memref<112x128xi32, #tpu.memory_space<hbm>>
      %dma_start3A_140 = arith.constant 0 : i32
      %dma_start3A_141 = tpu.memref_slice %arg4[%add3A_137, %dma_start3A_140] : memref<28672x128xi32, #tpu.memory_space<hbm>> -> memref<112x128xi32, #tpu.memory_space<hbm>>
      tpu.enqueue_dma source(%arg10 : memref<112x128xi32, #tpu.memory_space<vmem>>) target(%dma_start3A_141 : memref<112x128xi32, #tpu.memory_space<hbm>>) target_semaphore(%arg15 : memref<!tpu.dma_semaphore, #tpu.memory_space<semaphore_mem>>)
      %mul3A_142 = arith.constant 112 : i32
      %mul3A_143 = arith.muli %add3A_51, %mul3A_142 : i32
      %add3A_144 = arith.addi %mul3A_3, %mul3A_143 : i32
      %dma_start3A_145 = arith.constant 0 : i32
      %dma_start3A_146 = tpu.memref_slice %arg5[%add3A_144, %dma_start3A_145] : memref<28672x128xi32, #tpu.memory_space<hbm>> -> memref<112x128xi32, #tpu.memory_space<hbm>>
      %dma_start3A_147 = arith.constant 0 : i32
      %dma_start3A_148 = tpu.memref_slice %arg5[%add3A_144, %dma_start3A_147] : memref<28672x128xi32, #tpu.memory_space<hbm>> -> memref<112x128xi32, #tpu.memory_space<hbm>>
      tpu.enqueue_dma source(%arg11 : memref<112x128xi32, #tpu.memory_space<vmem>>) target(%dma_start3A_148 : memref<112x128xi32, #tpu.memory_space<hbm>>) target_semaphore(%arg15 : memref<!tpu.dma_semaphore, #tpu.memory_space<semaphore_mem>>)
    }
    %scan3A_21 = arith.constant 4 : i32
    %dma_wait3A = arith.constant 0 : i32
    %dma_wait3A_22 = arith.constant 0 : i32
    %dma_wait3A_23 = tpu.memref_slice %arg6[%dma_wait3A, %dma_wait3A_22] : memref<8x112xi32, #tpu.memory_space<vmem>> -> memref<1x112xi32, #tpu.memory_space<vmem>>
    %dma_wait3A_24 = tpu.memref_squeeze %dma_wait3A_23 : memref<1x112xi32, #tpu.memory_space<vmem>> -> memref<112xi32, #tpu.memory_space<vmem>>
    %dma_wait3A_25 = arith.constant 0 : i32
    %dma_wait3A_26 = arith.constant 0 : i32
    %dma_wait3A_27 = tpu.memref_slice %arg2[%dma_wait3A_25, %dma_wait3A_26] : memref<100000x128xi32, #tpu.memory_space<hbm>> -> memref<100000x128xi32, #tpu.memory_space<hbm>>
    tpu.wait_indirect_dma semaphore(%arg12 : memref<!tpu.dma_semaphore, #tpu.memory_space<semaphore_mem>>) src(%dma_wait3A_27 : memref<100000x128xi32, #tpu.memory_space<hbm>>) dst(%arg8 : memref<112x128xi32, #tpu.memory_space<vmem>>)
    %dma_wait3A_28 = arith.constant 0 : i32
    %dma_wait3A_29 = arith.constant 0 : i32
    %dma_wait3A_30 = tpu.memref_slice %arg7[%dma_wait3A_28, %dma_wait3A_29] : memref<8x112xi32, #tpu.memory_space<vmem>> -> memref<1x112xi32, #tpu.memory_space<vmem>>
    %dma_wait3A_31 = tpu.memref_squeeze %dma_wait3A_30 : memref<1x112xi32, #tpu.memory_space<vmem>> -> memref<112xi32, #tpu.memory_space<vmem>>
    %dma_wait3A_32 = arith.constant 0 : i32
    %dma_wait3A_33 = arith.constant 0 : i32
    %dma_wait3A_34 = tpu.memref_slice %arg2[%dma_wait3A_32, %dma_wait3A_33] : memref<100000x128xi32, #tpu.memory_space<hbm>> -> memref<100000x128xi32, #tpu.memory_space<hbm>>
    tpu.wait_indirect_dma semaphore(%arg12 : memref<!tpu.dma_semaphore, #tpu.memory_space<semaphore_mem>>) src(%dma_wait3A_34 : memref<100000x128xi32, #tpu.memory_space<hbm>>) dst(%arg9 : memref<112x128xi32, #tpu.memory_space<vmem>>)
    %dma_wait3A_35 = arith.constant 0 : i32
    %dma_wait3A_36 = arith.constant 0 : i32
    %dma_wait3A_37 = tpu.memref_slice %arg4[%dma_wait3A_35, %dma_wait3A_36] : memref<28672x128xi32, #tpu.memory_space<hbm>> -> memref<112x128xi32, #tpu.memory_space<hbm>>
    %dma_wait3A_38 = arith.constant 0 : i32
    %dma_wait3A_39 = arith.constant 0 : i32
    %dma_wait3A_40 = tpu.memref_slice %arg4[%dma_wait3A_38, %dma_wait3A_39] : memref<28672x128xi32, #tpu.memory_space<hbm>> -> memref<112x128xi32, #tpu.memory_space<hbm>>
    tpu.wait_dma2 semaphore(%arg15 : memref<!tpu.dma_semaphore, #tpu.memory_space<semaphore_mem>>) src(%arg10 : memref<112x128xi32, #tpu.memory_space<vmem>>) dst(%dma_wait3A_40 : memref<112x128xi32, #tpu.memory_space<hbm>>)
    %dma_wait3A_41 = arith.constant 0 : i32
    %dma_wait3A_42 = arith.constant 0 : i32
    %dma_wait3A_43 = tpu.memref_slice %arg5[%dma_wait3A_41, %dma_wait3A_42] : memref<28672x128xi32, #tpu.memory_space<hbm>> -> memref<112x128xi32, #tpu.memory_space<hbm>>
    %dma_wait3A_44 = arith.constant 0 : i32
    %dma_wait3A_45 = arith.constant 0 : i32
    %dma_wait3A_46 = tpu.memref_slice %arg5[%dma_wait3A_44, %dma_wait3A_45] : memref<28672x128xi32, #tpu.memory_space<hbm>> -> memref<112x128xi32, #tpu.memory_space<hbm>>
    tpu.wait_dma2 semaphore(%arg15 : memref<!tpu.dma_semaphore, #tpu.memory_space<semaphore_mem>>) src(%arg11 : memref<112x128xi32, #tpu.memory_space<vmem>>) dst(%dma_wait3A_46 : memref<112x128xi32, #tpu.memory_space<hbm>>)
    return
  }
}

#map = affine_map<(d0, d1) -> (0, 0)>
#map1 = affine_map<(d0, d1) -> (0, 0, 0, 0)>
module attributes {stable_mosaic.version = 14 : i64} {
  func.func @gather_kernel(%arg0: i32, %arg1: i32, %arg2: memref<100000x128xf32, #tpu.memory_space<hbm>>, %arg3: memref<100000x128xf32, #tpu.memory_space<hbm>>, %arg4: memref<2x32x8x112xi32, #tpu.memory_space<hbm>>, %arg5: memref<28672x128xf32, #tpu.memory_space<hbm>>, %arg6: memref<28672x128xf32, #tpu.memory_space<hbm>>, %arg7: memref<28672x128xf32, #tpu.memory_space<hbm>>, %arg8: memref<28672x128xf32, #tpu.memory_space<hbm>>, %arg9: memref<8x112xi32, #tpu.memory_space<vmem>>, %arg10: memref<8x112xi32, #tpu.memory_space<vmem>>, %arg11: memref<112x128xf32, #tpu.memory_space<vmem>>, %arg12: memref<112x128xf32, #tpu.memory_space<vmem>>, %arg13: memref<112x128xf32, #tpu.memory_space<vmem>>, %arg14: memref<112x128xf32, #tpu.memory_space<vmem>>, %arg15: memref<112x128xf32, #tpu.memory_space<vmem>>, %arg16: memref<112x128xf32, #tpu.memory_space<vmem>>, %arg17: memref<112x128xf32, #tpu.memory_space<vmem>>, %arg18: memref<112x128xf32, #tpu.memory_space<vmem>>, %arg19: memref<!tpu.dma_semaphore, #tpu.memory_space<semaphore_mem>>, %arg20: memref<!tpu.dma_semaphore, #tpu.memory_space<semaphore_mem>>, %arg21: memref<!tpu.dma_semaphore, #tpu.memory_space<semaphore_mem>>, %arg22: memref<!tpu.dma_semaphore, #tpu.memory_space<semaphore_mem>>) attributes {dimension_semantics = [#tpu.dimension_semantics<core_parallel>, #tpu.dimension_semantics<subcore_parallel>], iteration_bounds = array<i64: 2, 16>, scalar_prefetch = 0 : i64, scratch_operands = 14 : i64, tpu.core_type = #tpu.core_type<sc_vector_subcore>, window_params = [{transform_indices = #map}, {transform_indices = #map}, {transform_indices = #map1}, {transform_indices = #map}, {transform_indices = #map}, {transform_indices = #map}, {transform_indices = #map}]} {
    %mul3A = arith.constant 2 : i32
    %mul3A_0 = arith.muli %arg1, %mul3A : i32
    %add3A = arith.addi %mul3A_0, %arg0 : i32
    %run_scoped3A = arith.constant 0 : i32
    "tpu.region"() ({
      %run_scoped3A_87 = tpu.sem_alloc : memref<!tpu.dma_semaphore, #tpu.memory_space<semaphore_mem>>
      %dma_start3A_88 = arith.constant 0 : i32
      %dma_start3A_89 = arith.constant 0 : i32
      %dma_start3A_90 = tpu.memref_slice %arg4[%run_scoped3A, %add3A, %dma_start3A_88, %dma_start3A_89] : memref<2x32x8x112xi32, #tpu.memory_space<hbm>> -> memref<1x1x8x112xi32, #tpu.memory_space<hbm>>
      %dma_start3A_91 = tpu.memref_squeeze %dma_start3A_90 : memref<1x1x8x112xi32, #tpu.memory_space<hbm>> -> memref<8x112xi32, #tpu.memory_space<hbm>>
      %dma_start3A_92 = arith.constant 0 : i32
      %dma_start3A_93 = arith.constant 0 : i32
      %dma_start3A_94 = tpu.memref_slice %arg4[%run_scoped3A, %add3A, %dma_start3A_92, %dma_start3A_93] : memref<2x32x8x112xi32, #tpu.memory_space<hbm>> -> memref<1x1x8x112xi32, #tpu.memory_space<hbm>>
      %dma_start3A_95 = tpu.memref_squeeze %dma_start3A_94 : memref<1x1x8x112xi32, #tpu.memory_space<hbm>> -> memref<8x112xi32, #tpu.memory_space<hbm>>
      tpu.enqueue_dma source(%dma_start3A_95 : memref<8x112xi32, #tpu.memory_space<hbm>>) target(%arg9 : memref<8x112xi32, #tpu.memory_space<vmem>>) target_semaphore(%run_scoped3A_87 : memref<!tpu.dma_semaphore, #tpu.memory_space<semaphore_mem>>)
      %dma_wait3A_96 = arith.constant 0 : i32
      %dma_wait3A_97 = arith.constant 0 : i32
      %dma_wait3A_98 = tpu.memref_slice %arg4[%run_scoped3A, %add3A, %dma_wait3A_96, %dma_wait3A_97] : memref<2x32x8x112xi32, #tpu.memory_space<hbm>> -> memref<1x1x8x112xi32, #tpu.memory_space<hbm>>
      %dma_wait3A_99 = tpu.memref_squeeze %dma_wait3A_98 : memref<1x1x8x112xi32, #tpu.memory_space<hbm>> -> memref<8x112xi32, #tpu.memory_space<hbm>>
      %dma_wait3A_100 = arith.constant 0 : i32
      %dma_wait3A_101 = arith.constant 0 : i32
      %dma_wait3A_102 = tpu.memref_slice %arg4[%run_scoped3A, %add3A, %dma_wait3A_100, %dma_wait3A_101] : memref<2x32x8x112xi32, #tpu.memory_space<hbm>> -> memref<1x1x8x112xi32, #tpu.memory_space<hbm>>
      %dma_wait3A_103 = tpu.memref_squeeze %dma_wait3A_102 : memref<1x1x8x112xi32, #tpu.memory_space<hbm>> -> memref<8x112xi32, #tpu.memory_space<hbm>>
      tpu.wait_dma2 semaphore(%run_scoped3A_87 : memref<!tpu.dma_semaphore, #tpu.memory_space<semaphore_mem>>) src(%dma_wait3A_103 : memref<8x112xi32, #tpu.memory_space<hbm>>) dst(%arg9 : memref<8x112xi32, #tpu.memory_space<vmem>>)
      tpu.yield
    }) : () -> ()
    %run_scoped3A_1 = arith.constant 1 : i32
    "tpu.region"() ({
      %run_scoped3A_87 = tpu.sem_alloc : memref<!tpu.dma_semaphore, #tpu.memory_space<semaphore_mem>>
      %dma_start3A_88 = arith.constant 0 : i32
      %dma_start3A_89 = arith.constant 0 : i32
      %dma_start3A_90 = tpu.memref_slice %arg4[%run_scoped3A_1, %add3A, %dma_start3A_88, %dma_start3A_89] : memref<2x32x8x112xi32, #tpu.memory_space<hbm>> -> memref<1x1x8x112xi32, #tpu.memory_space<hbm>>
      %dma_start3A_91 = tpu.memref_squeeze %dma_start3A_90 : memref<1x1x8x112xi32, #tpu.memory_space<hbm>> -> memref<8x112xi32, #tpu.memory_space<hbm>>
      %dma_start3A_92 = arith.constant 0 : i32
      %dma_start3A_93 = arith.constant 0 : i32
      %dma_start3A_94 = tpu.memref_slice %arg4[%run_scoped3A_1, %add3A, %dma_start3A_92, %dma_start3A_93] : memref<2x32x8x112xi32, #tpu.memory_space<hbm>> -> memref<1x1x8x112xi32, #tpu.memory_space<hbm>>
      %dma_start3A_95 = tpu.memref_squeeze %dma_start3A_94 : memref<1x1x8x112xi32, #tpu.memory_space<hbm>> -> memref<8x112xi32, #tpu.memory_space<hbm>>
      tpu.enqueue_dma source(%dma_start3A_95 : memref<8x112xi32, #tpu.memory_space<hbm>>) target(%arg10 : memref<8x112xi32, #tpu.memory_space<vmem>>) target_semaphore(%run_scoped3A_87 : memref<!tpu.dma_semaphore, #tpu.memory_space<semaphore_mem>>)
      %dma_wait3A_96 = arith.constant 0 : i32
      %dma_wait3A_97 = arith.constant 0 : i32
      %dma_wait3A_98 = tpu.memref_slice %arg4[%run_scoped3A_1, %add3A, %dma_wait3A_96, %dma_wait3A_97] : memref<2x32x8x112xi32, #tpu.memory_space<hbm>> -> memref<1x1x8x112xi32, #tpu.memory_space<hbm>>
      %dma_wait3A_99 = tpu.memref_squeeze %dma_wait3A_98 : memref<1x1x8x112xi32, #tpu.memory_space<hbm>> -> memref<8x112xi32, #tpu.memory_space<hbm>>
      %dma_wait3A_100 = arith.constant 0 : i32
      %dma_wait3A_101 = arith.constant 0 : i32
      %dma_wait3A_102 = tpu.memref_slice %arg4[%run_scoped3A_1, %add3A, %dma_wait3A_100, %dma_wait3A_101] : memref<2x32x8x112xi32, #tpu.memory_space<hbm>> -> memref<1x1x8x112xi32, #tpu.memory_space<hbm>>
      %dma_wait3A_103 = tpu.memref_squeeze %dma_wait3A_102 : memref<1x1x8x112xi32, #tpu.memory_space<hbm>> -> memref<8x112xi32, #tpu.memory_space<hbm>>
      tpu.wait_dma2 semaphore(%run_scoped3A_87 : memref<!tpu.dma_semaphore, #tpu.memory_space<semaphore_mem>>) src(%dma_wait3A_103 : memref<8x112xi32, #tpu.memory_space<hbm>>) dst(%arg10 : memref<8x112xi32, #tpu.memory_space<vmem>>)
      tpu.yield
    }) : () -> ()
    %mul3A_2 = arith.constant 896 : i32
    %mul3A_3 = arith.muli %add3A, %mul3A_2 : i32
    %dma_start3A = arith.constant 0 : i32
    %dma_start3A_4 = arith.constant 0 : i32
    %dma_start3A_5 = tpu.memref_slice %arg9[%dma_start3A, %dma_start3A_4] : memref<8x112xi32, #tpu.memory_space<vmem>> -> memref<1x112xi32, #tpu.memory_space<vmem>>
    %dma_start3A_6 = tpu.memref_squeeze %dma_start3A_5 : memref<1x112xi32, #tpu.memory_space<vmem>> -> memref<112xi32, #tpu.memory_space<vmem>>
    %dma_start3A_7 = arith.constant 0 : i32
    %dma_start3A_8 = arith.constant 0 : i32
    %dma_start3A_9 = tpu.memref_slice %arg2[%dma_start3A_7, %dma_start3A_8] : memref<100000x128xf32, #tpu.memory_space<hbm>> -> memref<100000x128xf32, #tpu.memory_space<hbm>>
    tpu.enqueue_indirect_dma source(%dma_start3A_9 : memref<100000x128xf32, #tpu.memory_space<hbm>>) target(%arg11 : memref<112x128xf32, #tpu.memory_space<vmem>>) offsets(%dma_start3A_6 : memref<112xi32, #tpu.memory_space<vmem>>) semaphore(%arg19 : memref<!tpu.dma_semaphore, #tpu.memory_space<semaphore_mem>>)
    %dma_start3A_10 = arith.constant 0 : i32
    %dma_start3A_11 = arith.constant 0 : i32
    %dma_start3A_12 = tpu.memref_slice %arg10[%dma_start3A_10, %dma_start3A_11] : memref<8x112xi32, #tpu.memory_space<vmem>> -> memref<1x112xi32, #tpu.memory_space<vmem>>
    %dma_start3A_13 = tpu.memref_squeeze %dma_start3A_12 : memref<1x112xi32, #tpu.memory_space<vmem>> -> memref<112xi32, #tpu.memory_space<vmem>>
    %dma_start3A_14 = arith.constant 0 : i32
    %dma_start3A_15 = arith.constant 0 : i32
    %dma_start3A_16 = tpu.memref_slice %arg2[%dma_start3A_14, %dma_start3A_15] : memref<100000x128xf32, #tpu.memory_space<hbm>> -> memref<100000x128xf32, #tpu.memory_space<hbm>>
    tpu.enqueue_indirect_dma source(%dma_start3A_16 : memref<100000x128xf32, #tpu.memory_space<hbm>>) target(%arg12 : memref<112x128xf32, #tpu.memory_space<vmem>>) offsets(%dma_start3A_13 : memref<112xi32, #tpu.memory_space<vmem>>) semaphore(%arg19 : memref<!tpu.dma_semaphore, #tpu.memory_space<semaphore_mem>>)
    %dma_start3A_17 = arith.constant 0 : i32
    %dma_start3A_18 = arith.constant 0 : i32
    %dma_start3A_19 = tpu.memref_slice %arg9[%dma_start3A_17, %dma_start3A_18] : memref<8x112xi32, #tpu.memory_space<vmem>> -> memref<1x112xi32, #tpu.memory_space<vmem>>
    %dma_start3A_20 = tpu.memref_squeeze %dma_start3A_19 : memref<1x112xi32, #tpu.memory_space<vmem>> -> memref<112xi32, #tpu.memory_space<vmem>>
    %dma_start3A_21 = arith.constant 0 : i32
    %dma_start3A_22 = arith.constant 0 : i32
    %dma_start3A_23 = tpu.memref_slice %arg3[%dma_start3A_21, %dma_start3A_22] : memref<100000x128xf32, #tpu.memory_space<hbm>> -> memref<100000x128xf32, #tpu.memory_space<hbm>>
    tpu.enqueue_indirect_dma source(%dma_start3A_23 : memref<100000x128xf32, #tpu.memory_space<hbm>>) target(%arg13 : memref<112x128xf32, #tpu.memory_space<vmem>>) offsets(%dma_start3A_20 : memref<112xi32, #tpu.memory_space<vmem>>) semaphore(%arg19 : memref<!tpu.dma_semaphore, #tpu.memory_space<semaphore_mem>>)
    %dma_start3A_24 = arith.constant 0 : i32
    %dma_start3A_25 = arith.constant 0 : i32
    %dma_start3A_26 = tpu.memref_slice %arg10[%dma_start3A_24, %dma_start3A_25] : memref<8x112xi32, #tpu.memory_space<vmem>> -> memref<1x112xi32, #tpu.memory_space<vmem>>
    %dma_start3A_27 = tpu.memref_squeeze %dma_start3A_26 : memref<1x112xi32, #tpu.memory_space<vmem>> -> memref<112xi32, #tpu.memory_space<vmem>>
    %dma_start3A_28 = arith.constant 0 : i32
    %dma_start3A_29 = arith.constant 0 : i32
    %dma_start3A_30 = tpu.memref_slice %arg3[%dma_start3A_28, %dma_start3A_29] : memref<100000x128xf32, #tpu.memory_space<hbm>> -> memref<100000x128xf32, #tpu.memory_space<hbm>>
    tpu.enqueue_indirect_dma source(%dma_start3A_30 : memref<100000x128xf32, #tpu.memory_space<hbm>>) target(%arg14 : memref<112x128xf32, #tpu.memory_space<vmem>>) offsets(%dma_start3A_27 : memref<112xi32, #tpu.memory_space<vmem>>) semaphore(%arg19 : memref<!tpu.dma_semaphore, #tpu.memory_space<semaphore_mem>>)
    %scan3A = arith.constant 0 : i32
    %scan3A_31 = arith.constant 0 : i32
    %scan3A_32 = arith.constant 4 : i32
    %scan3A_33 = arith.addi %scan3A_31, %scan3A_32 : i32
    %scan3A_34 = arith.constant 1 : i32
    scf.for %scan3A_87 = %scan3A_31 to %scan3A_33 step %scan3A_34  : i32 {
      %mul3A_88 = arith.constant 2 : i32
      %mul3A_89 = arith.muli %mul3A_88, %scan3A_87 : i32
      %add3A_90 = arith.constant 1 : i32
      %add3A_91 = arith.addi %mul3A_89, %add3A_90 : i32
      %add3A_92 = arith.constant 2 : i32
      %add3A_93 = arith.addi %mul3A_89, %add3A_92 : i32
      %min3A = arith.constant 7 : i32
      %min3A_94 = arith.minsi %add3A_93, %min3A : i32
      %dma_wait3A_95 = arith.constant 0 : i32
      %dma_wait3A_96 = arith.constant 0 : i32
      %dma_wait3A_97 = tpu.memref_slice %arg9[%dma_wait3A_95, %dma_wait3A_96] : memref<8x112xi32, #tpu.memory_space<vmem>> -> memref<1x112xi32, #tpu.memory_space<vmem>>
      %dma_wait3A_98 = tpu.memref_squeeze %dma_wait3A_97 : memref<1x112xi32, #tpu.memory_space<vmem>> -> memref<112xi32, #tpu.memory_space<vmem>>
      %dma_wait3A_99 = arith.constant 0 : i32
      %dma_wait3A_100 = arith.constant 0 : i32
      %dma_wait3A_101 = tpu.memref_slice %arg2[%dma_wait3A_99, %dma_wait3A_100] : memref<100000x128xf32, #tpu.memory_space<hbm>> -> memref<100000x128xf32, #tpu.memory_space<hbm>>
      tpu.wait_indirect_dma semaphore(%arg19 : memref<!tpu.dma_semaphore, #tpu.memory_space<semaphore_mem>>) src(%dma_wait3A_101 : memref<100000x128xf32, #tpu.memory_space<hbm>>) dst(%arg11 : memref<112x128xf32, #tpu.memory_space<vmem>>)
      %dma_wait3A_102 = arith.constant 0 : i32
      %dma_wait3A_103 = arith.constant 0 : i32
      %dma_wait3A_104 = tpu.memref_slice %arg10[%dma_wait3A_102, %dma_wait3A_103] : memref<8x112xi32, #tpu.memory_space<vmem>> -> memref<1x112xi32, #tpu.memory_space<vmem>>
      %dma_wait3A_105 = tpu.memref_squeeze %dma_wait3A_104 : memref<1x112xi32, #tpu.memory_space<vmem>> -> memref<112xi32, #tpu.memory_space<vmem>>
      %dma_wait3A_106 = arith.constant 0 : i32
      %dma_wait3A_107 = arith.constant 0 : i32
      %dma_wait3A_108 = tpu.memref_slice %arg2[%dma_wait3A_106, %dma_wait3A_107] : memref<100000x128xf32, #tpu.memory_space<hbm>> -> memref<100000x128xf32, #tpu.memory_space<hbm>>
      tpu.wait_indirect_dma semaphore(%arg19 : memref<!tpu.dma_semaphore, #tpu.memory_space<semaphore_mem>>) src(%dma_wait3A_108 : memref<100000x128xf32, #tpu.memory_space<hbm>>) dst(%arg12 : memref<112x128xf32, #tpu.memory_space<vmem>>)
      %dma_wait3A_109 = arith.constant 0 : i32
      %dma_wait3A_110 = arith.constant 0 : i32
      %dma_wait3A_111 = tpu.memref_slice %arg9[%dma_wait3A_109, %dma_wait3A_110] : memref<8x112xi32, #tpu.memory_space<vmem>> -> memref<1x112xi32, #tpu.memory_space<vmem>>
      %dma_wait3A_112 = tpu.memref_squeeze %dma_wait3A_111 : memref<1x112xi32, #tpu.memory_space<vmem>> -> memref<112xi32, #tpu.memory_space<vmem>>
      %dma_wait3A_113 = arith.constant 0 : i32
      %dma_wait3A_114 = arith.constant 0 : i32
      %dma_wait3A_115 = tpu.memref_slice %arg3[%dma_wait3A_113, %dma_wait3A_114] : memref<100000x128xf32, #tpu.memory_space<hbm>> -> memref<100000x128xf32, #tpu.memory_space<hbm>>
      tpu.wait_indirect_dma semaphore(%arg19 : memref<!tpu.dma_semaphore, #tpu.memory_space<semaphore_mem>>) src(%dma_wait3A_115 : memref<100000x128xf32, #tpu.memory_space<hbm>>) dst(%arg13 : memref<112x128xf32, #tpu.memory_space<vmem>>)
      %dma_wait3A_116 = arith.constant 0 : i32
      %dma_wait3A_117 = arith.constant 0 : i32
      %dma_wait3A_118 = tpu.memref_slice %arg10[%dma_wait3A_116, %dma_wait3A_117] : memref<8x112xi32, #tpu.memory_space<vmem>> -> memref<1x112xi32, #tpu.memory_space<vmem>>
      %dma_wait3A_119 = tpu.memref_squeeze %dma_wait3A_118 : memref<1x112xi32, #tpu.memory_space<vmem>> -> memref<112xi32, #tpu.memory_space<vmem>>
      %dma_wait3A_120 = arith.constant 0 : i32
      %dma_wait3A_121 = arith.constant 0 : i32
      %dma_wait3A_122 = tpu.memref_slice %arg3[%dma_wait3A_120, %dma_wait3A_121] : memref<100000x128xf32, #tpu.memory_space<hbm>> -> memref<100000x128xf32, #tpu.memory_space<hbm>>
      tpu.wait_indirect_dma semaphore(%arg19 : memref<!tpu.dma_semaphore, #tpu.memory_space<semaphore_mem>>) src(%dma_wait3A_122 : memref<100000x128xf32, #tpu.memory_space<hbm>>) dst(%arg14 : memref<112x128xf32, #tpu.memory_space<vmem>>)
      %gt3A = arith.constant 0 : i32
      %gt3A_123 = arith.cmpi sgt, %scan3A_87, %gt3A : i32
      %convert_element_type3A = arith.extui %gt3A_123 : i1 to i32
      %cond3A = arith.constant 0 : i32
      %cond3A_124 = arith.cmpi ne, %convert_element_type3A, %cond3A : i32
      scf.if %cond3A_124 {
        %dma_wait3A_281 = arith.constant 0 : i32
        %dma_wait3A_282 = arith.constant 0 : i32
        %dma_wait3A_283 = tpu.memref_slice %arg5[%dma_wait3A_281, %dma_wait3A_282] : memref<28672x128xf32, #tpu.memory_space<hbm>> -> memref<112x128xf32, #tpu.memory_space<hbm>>
        %dma_wait3A_284 = arith.constant 0 : i32
        %dma_wait3A_285 = arith.constant 0 : i32
        %dma_wait3A_286 = tpu.memref_slice %arg5[%dma_wait3A_284, %dma_wait3A_285] : memref<28672x128xf32, #tpu.memory_space<hbm>> -> memref<112x128xf32, #tpu.memory_space<hbm>>
        tpu.wait_dma2 semaphore(%arg22 : memref<!tpu.dma_semaphore, #tpu.memory_space<semaphore_mem>>) src(%arg15 : memref<112x128xf32, #tpu.memory_space<vmem>>) dst(%dma_wait3A_286 : memref<112x128xf32, #tpu.memory_space<hbm>>)
        %dma_wait3A_287 = arith.constant 0 : i32
        %dma_wait3A_288 = arith.constant 0 : i32
        %dma_wait3A_289 = tpu.memref_slice %arg6[%dma_wait3A_287, %dma_wait3A_288] : memref<28672x128xf32, #tpu.memory_space<hbm>> -> memref<112x128xf32, #tpu.memory_space<hbm>>
        %dma_wait3A_290 = arith.constant 0 : i32
        %dma_wait3A_291 = arith.constant 0 : i32
        %dma_wait3A_292 = tpu.memref_slice %arg6[%dma_wait3A_290, %dma_wait3A_291] : memref<28672x128xf32, #tpu.memory_space<hbm>> -> memref<112x128xf32, #tpu.memory_space<hbm>>
        tpu.wait_dma2 semaphore(%arg22 : memref<!tpu.dma_semaphore, #tpu.memory_space<semaphore_mem>>) src(%arg16 : memref<112x128xf32, #tpu.memory_space<vmem>>) dst(%dma_wait3A_292 : memref<112x128xf32, #tpu.memory_space<hbm>>)
        %dma_wait3A_293 = arith.constant 0 : i32
        %dma_wait3A_294 = arith.constant 0 : i32
        %dma_wait3A_295 = tpu.memref_slice %arg7[%dma_wait3A_293, %dma_wait3A_294] : memref<28672x128xf32, #tpu.memory_space<hbm>> -> memref<112x128xf32, #tpu.memory_space<hbm>>
        %dma_wait3A_296 = arith.constant 0 : i32
        %dma_wait3A_297 = arith.constant 0 : i32
        %dma_wait3A_298 = tpu.memref_slice %arg7[%dma_wait3A_296, %dma_wait3A_297] : memref<28672x128xf32, #tpu.memory_space<hbm>> -> memref<112x128xf32, #tpu.memory_space<hbm>>
        tpu.wait_dma2 semaphore(%arg22 : memref<!tpu.dma_semaphore, #tpu.memory_space<semaphore_mem>>) src(%arg17 : memref<112x128xf32, #tpu.memory_space<vmem>>) dst(%dma_wait3A_298 : memref<112x128xf32, #tpu.memory_space<hbm>>)
        %dma_wait3A_299 = arith.constant 0 : i32
        %dma_wait3A_300 = arith.constant 0 : i32
        %dma_wait3A_301 = tpu.memref_slice %arg8[%dma_wait3A_299, %dma_wait3A_300] : memref<28672x128xf32, #tpu.memory_space<hbm>> -> memref<112x128xf32, #tpu.memory_space<hbm>>
        %dma_wait3A_302 = arith.constant 0 : i32
        %dma_wait3A_303 = arith.constant 0 : i32
        %dma_wait3A_304 = tpu.memref_slice %arg8[%dma_wait3A_302, %dma_wait3A_303] : memref<28672x128xf32, #tpu.memory_space<hbm>> -> memref<112x128xf32, #tpu.memory_space<hbm>>
        tpu.wait_dma2 semaphore(%arg22 : memref<!tpu.dma_semaphore, #tpu.memory_space<semaphore_mem>>) src(%arg18 : memref<112x128xf32, #tpu.memory_space<vmem>>) dst(%dma_wait3A_304 : memref<112x128xf32, #tpu.memory_space<hbm>>)
      } else {
      }
      %dma_start3A_125 = arith.constant 0 : i32
      %dma_start3A_126 = tpu.memref_slice %arg9[%add3A_91, %dma_start3A_125] : memref<8x112xi32, #tpu.memory_space<vmem>> -> memref<1x112xi32, #tpu.memory_space<vmem>>
      %dma_start3A_127 = tpu.memref_squeeze %dma_start3A_126 : memref<1x112xi32, #tpu.memory_space<vmem>> -> memref<112xi32, #tpu.memory_space<vmem>>
      %dma_start3A_128 = arith.constant 0 : i32
      %dma_start3A_129 = arith.constant 0 : i32
      %dma_start3A_130 = tpu.memref_slice %arg2[%dma_start3A_128, %dma_start3A_129] : memref<100000x128xf32, #tpu.memory_space<hbm>> -> memref<100000x128xf32, #tpu.memory_space<hbm>>
      tpu.enqueue_indirect_dma source(%dma_start3A_130 : memref<100000x128xf32, #tpu.memory_space<hbm>>) target(%arg15 : memref<112x128xf32, #tpu.memory_space<vmem>>) offsets(%dma_start3A_127 : memref<112xi32, #tpu.memory_space<vmem>>) semaphore(%arg20 : memref<!tpu.dma_semaphore, #tpu.memory_space<semaphore_mem>>)
      %dma_start3A_131 = arith.constant 0 : i32
      %dma_start3A_132 = tpu.memref_slice %arg10[%add3A_91, %dma_start3A_131] : memref<8x112xi32, #tpu.memory_space<vmem>> -> memref<1x112xi32, #tpu.memory_space<vmem>>
      %dma_start3A_133 = tpu.memref_squeeze %dma_start3A_132 : memref<1x112xi32, #tpu.memory_space<vmem>> -> memref<112xi32, #tpu.memory_space<vmem>>
      %dma_start3A_134 = arith.constant 0 : i32
      %dma_start3A_135 = arith.constant 0 : i32
      %dma_start3A_136 = tpu.memref_slice %arg2[%dma_start3A_134, %dma_start3A_135] : memref<100000x128xf32, #tpu.memory_space<hbm>> -> memref<100000x128xf32, #tpu.memory_space<hbm>>
      tpu.enqueue_indirect_dma source(%dma_start3A_136 : memref<100000x128xf32, #tpu.memory_space<hbm>>) target(%arg16 : memref<112x128xf32, #tpu.memory_space<vmem>>) offsets(%dma_start3A_133 : memref<112xi32, #tpu.memory_space<vmem>>) semaphore(%arg20 : memref<!tpu.dma_semaphore, #tpu.memory_space<semaphore_mem>>)
      %dma_start3A_137 = arith.constant 0 : i32
      %dma_start3A_138 = tpu.memref_slice %arg9[%add3A_91, %dma_start3A_137] : memref<8x112xi32, #tpu.memory_space<vmem>> -> memref<1x112xi32, #tpu.memory_space<vmem>>
      %dma_start3A_139 = tpu.memref_squeeze %dma_start3A_138 : memref<1x112xi32, #tpu.memory_space<vmem>> -> memref<112xi32, #tpu.memory_space<vmem>>
      %dma_start3A_140 = arith.constant 0 : i32
      %dma_start3A_141 = arith.constant 0 : i32
      %dma_start3A_142 = tpu.memref_slice %arg3[%dma_start3A_140, %dma_start3A_141] : memref<100000x128xf32, #tpu.memory_space<hbm>> -> memref<100000x128xf32, #tpu.memory_space<hbm>>
      tpu.enqueue_indirect_dma source(%dma_start3A_142 : memref<100000x128xf32, #tpu.memory_space<hbm>>) target(%arg17 : memref<112x128xf32, #tpu.memory_space<vmem>>) offsets(%dma_start3A_139 : memref<112xi32, #tpu.memory_space<vmem>>) semaphore(%arg20 : memref<!tpu.dma_semaphore, #tpu.memory_space<semaphore_mem>>)
      %dma_start3A_143 = arith.constant 0 : i32
      %dma_start3A_144 = tpu.memref_slice %arg10[%add3A_91, %dma_start3A_143] : memref<8x112xi32, #tpu.memory_space<vmem>> -> memref<1x112xi32, #tpu.memory_space<vmem>>
      %dma_start3A_145 = tpu.memref_squeeze %dma_start3A_144 : memref<1x112xi32, #tpu.memory_space<vmem>> -> memref<112xi32, #tpu.memory_space<vmem>>
      %dma_start3A_146 = arith.constant 0 : i32
      %dma_start3A_147 = arith.constant 0 : i32
      %dma_start3A_148 = tpu.memref_slice %arg3[%dma_start3A_146, %dma_start3A_147] : memref<100000x128xf32, #tpu.memory_space<hbm>> -> memref<100000x128xf32, #tpu.memory_space<hbm>>
      tpu.enqueue_indirect_dma source(%dma_start3A_148 : memref<100000x128xf32, #tpu.memory_space<hbm>>) target(%arg18 : memref<112x128xf32, #tpu.memory_space<vmem>>) offsets(%dma_start3A_145 : memref<112xi32, #tpu.memory_space<vmem>>) semaphore(%arg20 : memref<!tpu.dma_semaphore, #tpu.memory_space<semaphore_mem>>)
      %mul3A_149 = arith.constant 112 : i32
      %mul3A_150 = arith.muli %mul3A_89, %mul3A_149 : i32
      %add3A_151 = arith.addi %mul3A_3, %mul3A_150 : i32
      %dma_start3A_152 = arith.constant 0 : i32
      %dma_start3A_153 = tpu.memref_slice %arg5[%add3A_151, %dma_start3A_152] : memref<28672x128xf32, #tpu.memory_space<hbm>> -> memref<112x128xf32, #tpu.memory_space<hbm>>
      %dma_start3A_154 = arith.constant 0 : i32
      %dma_start3A_155 = tpu.memref_slice %arg5[%add3A_151, %dma_start3A_154] : memref<28672x128xf32, #tpu.memory_space<hbm>> -> memref<112x128xf32, #tpu.memory_space<hbm>>
      tpu.enqueue_dma source(%arg11 : memref<112x128xf32, #tpu.memory_space<vmem>>) target(%dma_start3A_155 : memref<112x128xf32, #tpu.memory_space<hbm>>) target_semaphore(%arg21 : memref<!tpu.dma_semaphore, #tpu.memory_space<semaphore_mem>>)
      %mul3A_156 = arith.constant 112 : i32
      %mul3A_157 = arith.muli %mul3A_89, %mul3A_156 : i32
      %add3A_158 = arith.addi %mul3A_3, %mul3A_157 : i32
      %dma_start3A_159 = arith.constant 0 : i32
      %dma_start3A_160 = tpu.memref_slice %arg6[%add3A_158, %dma_start3A_159] : memref<28672x128xf32, #tpu.memory_space<hbm>> -> memref<112x128xf32, #tpu.memory_space<hbm>>
      %dma_start3A_161 = arith.constant 0 : i32
      %dma_start3A_162 = tpu.memref_slice %arg6[%add3A_158, %dma_start3A_161] : memref<28672x128xf32, #tpu.memory_space<hbm>> -> memref<112x128xf32, #tpu.memory_space<hbm>>
      tpu.enqueue_dma source(%arg12 : memref<112x128xf32, #tpu.memory_space<vmem>>) target(%dma_start3A_162 : memref<112x128xf32, #tpu.memory_space<hbm>>) target_semaphore(%arg21 : memref<!tpu.dma_semaphore, #tpu.memory_space<semaphore_mem>>)
      %mul3A_163 = arith.constant 112 : i32
      %mul3A_164 = arith.muli %mul3A_89, %mul3A_163 : i32
      %add3A_165 = arith.addi %mul3A_3, %mul3A_164 : i32
      %dma_start3A_166 = arith.constant 0 : i32
      %dma_start3A_167 = tpu.memref_slice %arg7[%add3A_165, %dma_start3A_166] : memref<28672x128xf32, #tpu.memory_space<hbm>> -> memref<112x128xf32, #tpu.memory_space<hbm>>
      %dma_start3A_168 = arith.constant 0 : i32
      %dma_start3A_169 = tpu.memref_slice %arg7[%add3A_165, %dma_start3A_168] : memref<28672x128xf32, #tpu.memory_space<hbm>> -> memref<112x128xf32, #tpu.memory_space<hbm>>
      tpu.enqueue_dma source(%arg13 : memref<112x128xf32, #tpu.memory_space<vmem>>) target(%dma_start3A_169 : memref<112x128xf32, #tpu.memory_space<hbm>>) target_semaphore(%arg21 : memref<!tpu.dma_semaphore, #tpu.memory_space<semaphore_mem>>)
      %mul3A_170 = arith.constant 112 : i32
      %mul3A_171 = arith.muli %mul3A_89, %mul3A_170 : i32
      %add3A_172 = arith.addi %mul3A_3, %mul3A_171 : i32
      %dma_start3A_173 = arith.constant 0 : i32
      %dma_start3A_174 = tpu.memref_slice %arg8[%add3A_172, %dma_start3A_173] : memref<28672x128xf32, #tpu.memory_space<hbm>> -> memref<112x128xf32, #tpu.memory_space<hbm>>
      %dma_start3A_175 = arith.constant 0 : i32
      %dma_start3A_176 = tpu.memref_slice %arg8[%add3A_172, %dma_start3A_175] : memref<28672x128xf32, #tpu.memory_space<hbm>> -> memref<112x128xf32, #tpu.memory_space<hbm>>
      tpu.enqueue_dma source(%arg14 : memref<112x128xf32, #tpu.memory_space<vmem>>) target(%dma_start3A_176 : memref<112x128xf32, #tpu.memory_space<hbm>>) target_semaphore(%arg21 : memref<!tpu.dma_semaphore, #tpu.memory_space<semaphore_mem>>)
      %dma_wait3A_177 = arith.constant 0 : i32
      %dma_wait3A_178 = arith.constant 0 : i32
      %dma_wait3A_179 = tpu.memref_slice %arg9[%dma_wait3A_177, %dma_wait3A_178] : memref<8x112xi32, #tpu.memory_space<vmem>> -> memref<1x112xi32, #tpu.memory_space<vmem>>
      %dma_wait3A_180 = tpu.memref_squeeze %dma_wait3A_179 : memref<1x112xi32, #tpu.memory_space<vmem>> -> memref<112xi32, #tpu.memory_space<vmem>>
      %dma_wait3A_181 = arith.constant 0 : i32
      %dma_wait3A_182 = arith.constant 0 : i32
      %dma_wait3A_183 = tpu.memref_slice %arg2[%dma_wait3A_181, %dma_wait3A_182] : memref<100000x128xf32, #tpu.memory_space<hbm>> -> memref<100000x128xf32, #tpu.memory_space<hbm>>
      tpu.wait_indirect_dma semaphore(%arg20 : memref<!tpu.dma_semaphore, #tpu.memory_space<semaphore_mem>>) src(%dma_wait3A_183 : memref<100000x128xf32, #tpu.memory_space<hbm>>) dst(%arg15 : memref<112x128xf32, #tpu.memory_space<vmem>>)
      %dma_wait3A_184 = arith.constant 0 : i32
      %dma_wait3A_185 = arith.constant 0 : i32
      %dma_wait3A_186 = tpu.memref_slice %arg10[%dma_wait3A_184, %dma_wait3A_185] : memref<8x112xi32, #tpu.memory_space<vmem>> -> memref<1x112xi32, #tpu.memory_space<vmem>>
      %dma_wait3A_187 = tpu.memref_squeeze %dma_wait3A_186 : memref<1x112xi32, #tpu.memory_space<vmem>> -> memref<112xi32, #tpu.memory_space<vmem>>
      %dma_wait3A_188 = arith.constant 0 : i32
      %dma_wait3A_189 = arith.constant 0 : i32
      %dma_wait3A_190 = tpu.memref_slice %arg2[%dma_wait3A_188, %dma_wait3A_189] : memref<100000x128xf32, #tpu.memory_space<hbm>> -> memref<100000x128xf32, #tpu.memory_space<hbm>>
      tpu.wait_indirect_dma semaphore(%arg20 : memref<!tpu.dma_semaphore, #tpu.memory_space<semaphore_mem>>) src(%dma_wait3A_190 : memref<100000x128xf32, #tpu.memory_space<hbm>>) dst(%arg16 : memref<112x128xf32, #tpu.memory_space<vmem>>)
      %dma_wait3A_191 = arith.constant 0 : i32
      %dma_wait3A_192 = arith.constant 0 : i32
      %dma_wait3A_193 = tpu.memref_slice %arg9[%dma_wait3A_191, %dma_wait3A_192] : memref<8x112xi32, #tpu.memory_space<vmem>> -> memref<1x112xi32, #tpu.memory_space<vmem>>
      %dma_wait3A_194 = tpu.memref_squeeze %dma_wait3A_193 : memref<1x112xi32, #tpu.memory_space<vmem>> -> memref<112xi32, #tpu.memory_space<vmem>>
      %dma_wait3A_195 = arith.constant 0 : i32
      %dma_wait3A_196 = arith.constant 0 : i32
      %dma_wait3A_197 = tpu.memref_slice %arg3[%dma_wait3A_195, %dma_wait3A_196] : memref<100000x128xf32, #tpu.memory_space<hbm>> -> memref<100000x128xf32, #tpu.memory_space<hbm>>
      tpu.wait_indirect_dma semaphore(%arg20 : memref<!tpu.dma_semaphore, #tpu.memory_space<semaphore_mem>>) src(%dma_wait3A_197 : memref<100000x128xf32, #tpu.memory_space<hbm>>) dst(%arg17 : memref<112x128xf32, #tpu.memory_space<vmem>>)
      %dma_wait3A_198 = arith.constant 0 : i32
      %dma_wait3A_199 = arith.constant 0 : i32
      %dma_wait3A_200 = tpu.memref_slice %arg10[%dma_wait3A_198, %dma_wait3A_199] : memref<8x112xi32, #tpu.memory_space<vmem>> -> memref<1x112xi32, #tpu.memory_space<vmem>>
      %dma_wait3A_201 = tpu.memref_squeeze %dma_wait3A_200 : memref<1x112xi32, #tpu.memory_space<vmem>> -> memref<112xi32, #tpu.memory_space<vmem>>
      %dma_wait3A_202 = arith.constant 0 : i32
      %dma_wait3A_203 = arith.constant 0 : i32
      %dma_wait3A_204 = tpu.memref_slice %arg3[%dma_wait3A_202, %dma_wait3A_203] : memref<100000x128xf32, #tpu.memory_space<hbm>> -> memref<100000x128xf32, #tpu.memory_space<hbm>>
      tpu.wait_indirect_dma semaphore(%arg20 : memref<!tpu.dma_semaphore, #tpu.memory_space<semaphore_mem>>) src(%dma_wait3A_204 : memref<100000x128xf32, #tpu.memory_space<hbm>>) dst(%arg18 : memref<112x128xf32, #tpu.memory_space<vmem>>)
      %dma_wait3A_205 = arith.constant 0 : i32
      %dma_wait3A_206 = arith.constant 0 : i32
      %dma_wait3A_207 = tpu.memref_slice %arg5[%dma_wait3A_205, %dma_wait3A_206] : memref<28672x128xf32, #tpu.memory_space<hbm>> -> memref<112x128xf32, #tpu.memory_space<hbm>>
      %dma_wait3A_208 = arith.constant 0 : i32
      %dma_wait3A_209 = arith.constant 0 : i32
      %dma_wait3A_210 = tpu.memref_slice %arg5[%dma_wait3A_208, %dma_wait3A_209] : memref<28672x128xf32, #tpu.memory_space<hbm>> -> memref<112x128xf32, #tpu.memory_space<hbm>>
      tpu.wait_dma2 semaphore(%arg21 : memref<!tpu.dma_semaphore, #tpu.memory_space<semaphore_mem>>) src(%arg11 : memref<112x128xf32, #tpu.memory_space<vmem>>) dst(%dma_wait3A_210 : memref<112x128xf32, #tpu.memory_space<hbm>>)
      %dma_wait3A_211 = arith.constant 0 : i32
      %dma_wait3A_212 = arith.constant 0 : i32
      %dma_wait3A_213 = tpu.memref_slice %arg6[%dma_wait3A_211, %dma_wait3A_212] : memref<28672x128xf32, #tpu.memory_space<hbm>> -> memref<112x128xf32, #tpu.memory_space<hbm>>
      %dma_wait3A_214 = arith.constant 0 : i32
      %dma_wait3A_215 = arith.constant 0 : i32
      %dma_wait3A_216 = tpu.memref_slice %arg6[%dma_wait3A_214, %dma_wait3A_215] : memref<28672x128xf32, #tpu.memory_space<hbm>> -> memref<112x128xf32, #tpu.memory_space<hbm>>
      tpu.wait_dma2 semaphore(%arg21 : memref<!tpu.dma_semaphore, #tpu.memory_space<semaphore_mem>>) src(%arg12 : memref<112x128xf32, #tpu.memory_space<vmem>>) dst(%dma_wait3A_216 : memref<112x128xf32, #tpu.memory_space<hbm>>)
      %dma_wait3A_217 = arith.constant 0 : i32
      %dma_wait3A_218 = arith.constant 0 : i32
      %dma_wait3A_219 = tpu.memref_slice %arg7[%dma_wait3A_217, %dma_wait3A_218] : memref<28672x128xf32, #tpu.memory_space<hbm>> -> memref<112x128xf32, #tpu.memory_space<hbm>>
      %dma_wait3A_220 = arith.constant 0 : i32
      %dma_wait3A_221 = arith.constant 0 : i32
      %dma_wait3A_222 = tpu.memref_slice %arg7[%dma_wait3A_220, %dma_wait3A_221] : memref<28672x128xf32, #tpu.memory_space<hbm>> -> memref<112x128xf32, #tpu.memory_space<hbm>>
      tpu.wait_dma2 semaphore(%arg21 : memref<!tpu.dma_semaphore, #tpu.memory_space<semaphore_mem>>) src(%arg13 : memref<112x128xf32, #tpu.memory_space<vmem>>) dst(%dma_wait3A_222 : memref<112x128xf32, #tpu.memory_space<hbm>>)
      %dma_wait3A_223 = arith.constant 0 : i32
      %dma_wait3A_224 = arith.constant 0 : i32
      %dma_wait3A_225 = tpu.memref_slice %arg8[%dma_wait3A_223, %dma_wait3A_224] : memref<28672x128xf32, #tpu.memory_space<hbm>> -> memref<112x128xf32, #tpu.memory_space<hbm>>
      %dma_wait3A_226 = arith.constant 0 : i32
      %dma_wait3A_227 = arith.constant 0 : i32
      %dma_wait3A_228 = tpu.memref_slice %arg8[%dma_wait3A_226, %dma_wait3A_227] : memref<28672x128xf32, #tpu.memory_space<hbm>> -> memref<112x128xf32, #tpu.memory_space<hbm>>
      tpu.wait_dma2 semaphore(%arg21 : memref<!tpu.dma_semaphore, #tpu.memory_space<semaphore_mem>>) src(%arg14 : memref<112x128xf32, #tpu.memory_space<vmem>>) dst(%dma_wait3A_228 : memref<112x128xf32, #tpu.memory_space<hbm>>)
      %dma_start3A_229 = arith.constant 0 : i32
      %dma_start3A_230 = tpu.memref_slice %arg9[%min3A_94, %dma_start3A_229] : memref<8x112xi32, #tpu.memory_space<vmem>> -> memref<1x112xi32, #tpu.memory_space<vmem>>
      %dma_start3A_231 = tpu.memref_squeeze %dma_start3A_230 : memref<1x112xi32, #tpu.memory_space<vmem>> -> memref<112xi32, #tpu.memory_space<vmem>>
      %dma_start3A_232 = arith.constant 0 : i32
      %dma_start3A_233 = arith.constant 0 : i32
      %dma_start3A_234 = tpu.memref_slice %arg2[%dma_start3A_232, %dma_start3A_233] : memref<100000x128xf32, #tpu.memory_space<hbm>> -> memref<100000x128xf32, #tpu.memory_space<hbm>>
      tpu.enqueue_indirect_dma source(%dma_start3A_234 : memref<100000x128xf32, #tpu.memory_space<hbm>>) target(%arg11 : memref<112x128xf32, #tpu.memory_space<vmem>>) offsets(%dma_start3A_231 : memref<112xi32, #tpu.memory_space<vmem>>) semaphore(%arg19 : memref<!tpu.dma_semaphore, #tpu.memory_space<semaphore_mem>>)
      %dma_start3A_235 = arith.constant 0 : i32
      %dma_start3A_236 = tpu.memref_slice %arg10[%min3A_94, %dma_start3A_235] : memref<8x112xi32, #tpu.memory_space<vmem>> -> memref<1x112xi32, #tpu.memory_space<vmem>>
      %dma_start3A_237 = tpu.memref_squeeze %dma_start3A_236 : memref<1x112xi32, #tpu.memory_space<vmem>> -> memref<112xi32, #tpu.memory_space<vmem>>
      %dma_start3A_238 = arith.constant 0 : i32
      %dma_start3A_239 = arith.constant 0 : i32
      %dma_start3A_240 = tpu.memref_slice %arg2[%dma_start3A_238, %dma_start3A_239] : memref<100000x128xf32, #tpu.memory_space<hbm>> -> memref<100000x128xf32, #tpu.memory_space<hbm>>
      tpu.enqueue_indirect_dma source(%dma_start3A_240 : memref<100000x128xf32, #tpu.memory_space<hbm>>) target(%arg12 : memref<112x128xf32, #tpu.memory_space<vmem>>) offsets(%dma_start3A_237 : memref<112xi32, #tpu.memory_space<vmem>>) semaphore(%arg19 : memref<!tpu.dma_semaphore, #tpu.memory_space<semaphore_mem>>)
      %dma_start3A_241 = arith.constant 0 : i32
      %dma_start3A_242 = tpu.memref_slice %arg9[%min3A_94, %dma_start3A_241] : memref<8x112xi32, #tpu.memory_space<vmem>> -> memref<1x112xi32, #tpu.memory_space<vmem>>
      %dma_start3A_243 = tpu.memref_squeeze %dma_start3A_242 : memref<1x112xi32, #tpu.memory_space<vmem>> -> memref<112xi32, #tpu.memory_space<vmem>>
      %dma_start3A_244 = arith.constant 0 : i32
      %dma_start3A_245 = arith.constant 0 : i32
      %dma_start3A_246 = tpu.memref_slice %arg3[%dma_start3A_244, %dma_start3A_245] : memref<100000x128xf32, #tpu.memory_space<hbm>> -> memref<100000x128xf32, #tpu.memory_space<hbm>>
      tpu.enqueue_indirect_dma source(%dma_start3A_246 : memref<100000x128xf32, #tpu.memory_space<hbm>>) target(%arg13 : memref<112x128xf32, #tpu.memory_space<vmem>>) offsets(%dma_start3A_243 : memref<112xi32, #tpu.memory_space<vmem>>) semaphore(%arg19 : memref<!tpu.dma_semaphore, #tpu.memory_space<semaphore_mem>>)
      %dma_start3A_247 = arith.constant 0 : i32
      %dma_start3A_248 = tpu.memref_slice %arg10[%min3A_94, %dma_start3A_247] : memref<8x112xi32, #tpu.memory_space<vmem>> -> memref<1x112xi32, #tpu.memory_space<vmem>>
      %dma_start3A_249 = tpu.memref_squeeze %dma_start3A_248 : memref<1x112xi32, #tpu.memory_space<vmem>> -> memref<112xi32, #tpu.memory_space<vmem>>
      %dma_start3A_250 = arith.constant 0 : i32
      %dma_start3A_251 = arith.constant 0 : i32
      %dma_start3A_252 = tpu.memref_slice %arg3[%dma_start3A_250, %dma_start3A_251] : memref<100000x128xf32, #tpu.memory_space<hbm>> -> memref<100000x128xf32, #tpu.memory_space<hbm>>
      tpu.enqueue_indirect_dma source(%dma_start3A_252 : memref<100000x128xf32, #tpu.memory_space<hbm>>) target(%arg14 : memref<112x128xf32, #tpu.memory_space<vmem>>) offsets(%dma_start3A_249 : memref<112xi32, #tpu.memory_space<vmem>>) semaphore(%arg19 : memref<!tpu.dma_semaphore, #tpu.memory_space<semaphore_mem>>)
      %mul3A_253 = arith.constant 112 : i32
      %mul3A_254 = arith.muli %add3A_91, %mul3A_253 : i32
      %add3A_255 = arith.addi %mul3A_3, %mul3A_254 : i32
      %dma_start3A_256 = arith.constant 0 : i32
      %dma_start3A_257 = tpu.memref_slice %arg5[%add3A_255, %dma_start3A_256] : memref<28672x128xf32, #tpu.memory_space<hbm>> -> memref<112x128xf32, #tpu.memory_space<hbm>>
      %dma_start3A_258 = arith.constant 0 : i32
      %dma_start3A_259 = tpu.memref_slice %arg5[%add3A_255, %dma_start3A_258] : memref<28672x128xf32, #tpu.memory_space<hbm>> -> memref<112x128xf32, #tpu.memory_space<hbm>>
      tpu.enqueue_dma source(%arg15 : memref<112x128xf32, #tpu.memory_space<vmem>>) target(%dma_start3A_259 : memref<112x128xf32, #tpu.memory_space<hbm>>) target_semaphore(%arg22 : memref<!tpu.dma_semaphore, #tpu.memory_space<semaphore_mem>>)
      %mul3A_260 = arith.constant 112 : i32
      %mul3A_261 = arith.muli %add3A_91, %mul3A_260 : i32
      %add3A_262 = arith.addi %mul3A_3, %mul3A_261 : i32
      %dma_start3A_263 = arith.constant 0 : i32
      %dma_start3A_264 = tpu.memref_slice %arg6[%add3A_262, %dma_start3A_263] : memref<28672x128xf32, #tpu.memory_space<hbm>> -> memref<112x128xf32, #tpu.memory_space<hbm>>
      %dma_start3A_265 = arith.constant 0 : i32
      %dma_start3A_266 = tpu.memref_slice %arg6[%add3A_262, %dma_start3A_265] : memref<28672x128xf32, #tpu.memory_space<hbm>> -> memref<112x128xf32, #tpu.memory_space<hbm>>
      tpu.enqueue_dma source(%arg16 : memref<112x128xf32, #tpu.memory_space<vmem>>) target(%dma_start3A_266 : memref<112x128xf32, #tpu.memory_space<hbm>>) target_semaphore(%arg22 : memref<!tpu.dma_semaphore, #tpu.memory_space<semaphore_mem>>)
      %mul3A_267 = arith.constant 112 : i32
      %mul3A_268 = arith.muli %add3A_91, %mul3A_267 : i32
      %add3A_269 = arith.addi %mul3A_3, %mul3A_268 : i32
      %dma_start3A_270 = arith.constant 0 : i32
      %dma_start3A_271 = tpu.memref_slice %arg7[%add3A_269, %dma_start3A_270] : memref<28672x128xf32, #tpu.memory_space<hbm>> -> memref<112x128xf32, #tpu.memory_space<hbm>>
      %dma_start3A_272 = arith.constant 0 : i32
      %dma_start3A_273 = tpu.memref_slice %arg7[%add3A_269, %dma_start3A_272] : memref<28672x128xf32, #tpu.memory_space<hbm>> -> memref<112x128xf32, #tpu.memory_space<hbm>>
      tpu.enqueue_dma source(%arg17 : memref<112x128xf32, #tpu.memory_space<vmem>>) target(%dma_start3A_273 : memref<112x128xf32, #tpu.memory_space<hbm>>) target_semaphore(%arg22 : memref<!tpu.dma_semaphore, #tpu.memory_space<semaphore_mem>>)
      %mul3A_274 = arith.constant 112 : i32
      %mul3A_275 = arith.muli %add3A_91, %mul3A_274 : i32
      %add3A_276 = arith.addi %mul3A_3, %mul3A_275 : i32
      %dma_start3A_277 = arith.constant 0 : i32
      %dma_start3A_278 = tpu.memref_slice %arg8[%add3A_276, %dma_start3A_277] : memref<28672x128xf32, #tpu.memory_space<hbm>> -> memref<112x128xf32, #tpu.memory_space<hbm>>
      %dma_start3A_279 = arith.constant 0 : i32
      %dma_start3A_280 = tpu.memref_slice %arg8[%add3A_276, %dma_start3A_279] : memref<28672x128xf32, #tpu.memory_space<hbm>> -> memref<112x128xf32, #tpu.memory_space<hbm>>
      tpu.enqueue_dma source(%arg18 : memref<112x128xf32, #tpu.memory_space<vmem>>) target(%dma_start3A_280 : memref<112x128xf32, #tpu.memory_space<hbm>>) target_semaphore(%arg22 : memref<!tpu.dma_semaphore, #tpu.memory_space<semaphore_mem>>)
    }
    %scan3A_35 = arith.constant 4 : i32
    %dma_wait3A = arith.constant 0 : i32
    %dma_wait3A_36 = arith.constant 0 : i32
    %dma_wait3A_37 = tpu.memref_slice %arg9[%dma_wait3A, %dma_wait3A_36] : memref<8x112xi32, #tpu.memory_space<vmem>> -> memref<1x112xi32, #tpu.memory_space<vmem>>
    %dma_wait3A_38 = tpu.memref_squeeze %dma_wait3A_37 : memref<1x112xi32, #tpu.memory_space<vmem>> -> memref<112xi32, #tpu.memory_space<vmem>>
    %dma_wait3A_39 = arith.constant 0 : i32
    %dma_wait3A_40 = arith.constant 0 : i32
    %dma_wait3A_41 = tpu.memref_slice %arg2[%dma_wait3A_39, %dma_wait3A_40] : memref<100000x128xf32, #tpu.memory_space<hbm>> -> memref<100000x128xf32, #tpu.memory_space<hbm>>
    tpu.wait_indirect_dma semaphore(%arg19 : memref<!tpu.dma_semaphore, #tpu.memory_space<semaphore_mem>>) src(%dma_wait3A_41 : memref<100000x128xf32, #tpu.memory_space<hbm>>) dst(%arg11 : memref<112x128xf32, #tpu.memory_space<vmem>>)
    %dma_wait3A_42 = arith.constant 0 : i32
    %dma_wait3A_43 = arith.constant 0 : i32
    %dma_wait3A_44 = tpu.memref_slice %arg10[%dma_wait3A_42, %dma_wait3A_43] : memref<8x112xi32, #tpu.memory_space<vmem>> -> memref<1x112xi32, #tpu.memory_space<vmem>>
    %dma_wait3A_45 = tpu.memref_squeeze %dma_wait3A_44 : memref<1x112xi32, #tpu.memory_space<vmem>> -> memref<112xi32, #tpu.memory_space<vmem>>
    %dma_wait3A_46 = arith.constant 0 : i32
    %dma_wait3A_47 = arith.constant 0 : i32
    %dma_wait3A_48 = tpu.memref_slice %arg2[%dma_wait3A_46, %dma_wait3A_47] : memref<100000x128xf32, #tpu.memory_space<hbm>> -> memref<100000x128xf32, #tpu.memory_space<hbm>>
    tpu.wait_indirect_dma semaphore(%arg19 : memref<!tpu.dma_semaphore, #tpu.memory_space<semaphore_mem>>) src(%dma_wait3A_48 : memref<100000x128xf32, #tpu.memory_space<hbm>>) dst(%arg12 : memref<112x128xf32, #tpu.memory_space<vmem>>)
    %dma_wait3A_49 = arith.constant 0 : i32
    %dma_wait3A_50 = arith.constant 0 : i32
    %dma_wait3A_51 = tpu.memref_slice %arg9[%dma_wait3A_49, %dma_wait3A_50] : memref<8x112xi32, #tpu.memory_space<vmem>> -> memref<1x112xi32, #tpu.memory_space<vmem>>
    %dma_wait3A_52 = tpu.memref_squeeze %dma_wait3A_51 : memref<1x112xi32, #tpu.memory_space<vmem>> -> memref<112xi32, #tpu.memory_space<vmem>>
    %dma_wait3A_53 = arith.constant 0 : i32
    %dma_wait3A_54 = arith.constant 0 : i32
    %dma_wait3A_55 = tpu.memref_slice %arg3[%dma_wait3A_53, %dma_wait3A_54] : memref<100000x128xf32, #tpu.memory_space<hbm>> -> memref<100000x128xf32, #tpu.memory_space<hbm>>
    tpu.wait_indirect_dma semaphore(%arg19 : memref<!tpu.dma_semaphore, #tpu.memory_space<semaphore_mem>>) src(%dma_wait3A_55 : memref<100000x128xf32, #tpu.memory_space<hbm>>) dst(%arg13 : memref<112x128xf32, #tpu.memory_space<vmem>>)
    %dma_wait3A_56 = arith.constant 0 : i32
    %dma_wait3A_57 = arith.constant 0 : i32
    %dma_wait3A_58 = tpu.memref_slice %arg10[%dma_wait3A_56, %dma_wait3A_57] : memref<8x112xi32, #tpu.memory_space<vmem>> -> memref<1x112xi32, #tpu.memory_space<vmem>>
    %dma_wait3A_59 = tpu.memref_squeeze %dma_wait3A_58 : memref<1x112xi32, #tpu.memory_space<vmem>> -> memref<112xi32, #tpu.memory_space<vmem>>
    %dma_wait3A_60 = arith.constant 0 : i32
    %dma_wait3A_61 = arith.constant 0 : i32
    %dma_wait3A_62 = tpu.memref_slice %arg3[%dma_wait3A_60, %dma_wait3A_61] : memref<100000x128xf32, #tpu.memory_space<hbm>> -> memref<100000x128xf32, #tpu.memory_space<hbm>>
    tpu.wait_indirect_dma semaphore(%arg19 : memref<!tpu.dma_semaphore, #tpu.memory_space<semaphore_mem>>) src(%dma_wait3A_62 : memref<100000x128xf32, #tpu.memory_space<hbm>>) dst(%arg14 : memref<112x128xf32, #tpu.memory_space<vmem>>)
    %dma_wait3A_63 = arith.constant 0 : i32
    %dma_wait3A_64 = arith.constant 0 : i32
    %dma_wait3A_65 = tpu.memref_slice %arg5[%dma_wait3A_63, %dma_wait3A_64] : memref<28672x128xf32, #tpu.memory_space<hbm>> -> memref<112x128xf32, #tpu.memory_space<hbm>>
    %dma_wait3A_66 = arith.constant 0 : i32
    %dma_wait3A_67 = arith.constant 0 : i32
    %dma_wait3A_68 = tpu.memref_slice %arg5[%dma_wait3A_66, %dma_wait3A_67] : memref<28672x128xf32, #tpu.memory_space<hbm>> -> memref<112x128xf32, #tpu.memory_space<hbm>>
    tpu.wait_dma2 semaphore(%arg22 : memref<!tpu.dma_semaphore, #tpu.memory_space<semaphore_mem>>) src(%arg15 : memref<112x128xf32, #tpu.memory_space<vmem>>) dst(%dma_wait3A_68 : memref<112x128xf32, #tpu.memory_space<hbm>>)
    %dma_wait3A_69 = arith.constant 0 : i32
    %dma_wait3A_70 = arith.constant 0 : i32
    %dma_wait3A_71 = tpu.memref_slice %arg6[%dma_wait3A_69, %dma_wait3A_70] : memref<28672x128xf32, #tpu.memory_space<hbm>> -> memref<112x128xf32, #tpu.memory_space<hbm>>
    %dma_wait3A_72 = arith.constant 0 : i32
    %dma_wait3A_73 = arith.constant 0 : i32
    %dma_wait3A_74 = tpu.memref_slice %arg6[%dma_wait3A_72, %dma_wait3A_73] : memref<28672x128xf32, #tpu.memory_space<hbm>> -> memref<112x128xf32, #tpu.memory_space<hbm>>
    tpu.wait_dma2 semaphore(%arg22 : memref<!tpu.dma_semaphore, #tpu.memory_space<semaphore_mem>>) src(%arg16 : memref<112x128xf32, #tpu.memory_space<vmem>>) dst(%dma_wait3A_74 : memref<112x128xf32, #tpu.memory_space<hbm>>)
    %dma_wait3A_75 = arith.constant 0 : i32
    %dma_wait3A_76 = arith.constant 0 : i32
    %dma_wait3A_77 = tpu.memref_slice %arg7[%dma_wait3A_75, %dma_wait3A_76] : memref<28672x128xf32, #tpu.memory_space<hbm>> -> memref<112x128xf32, #tpu.memory_space<hbm>>
    %dma_wait3A_78 = arith.constant 0 : i32
    %dma_wait3A_79 = arith.constant 0 : i32
    %dma_wait3A_80 = tpu.memref_slice %arg7[%dma_wait3A_78, %dma_wait3A_79] : memref<28672x128xf32, #tpu.memory_space<hbm>> -> memref<112x128xf32, #tpu.memory_space<hbm>>
    tpu.wait_dma2 semaphore(%arg22 : memref<!tpu.dma_semaphore, #tpu.memory_space<semaphore_mem>>) src(%arg17 : memref<112x128xf32, #tpu.memory_space<vmem>>) dst(%dma_wait3A_80 : memref<112x128xf32, #tpu.memory_space<hbm>>)
    %dma_wait3A_81 = arith.constant 0 : i32
    %dma_wait3A_82 = arith.constant 0 : i32
    %dma_wait3A_83 = tpu.memref_slice %arg8[%dma_wait3A_81, %dma_wait3A_82] : memref<28672x128xf32, #tpu.memory_space<hbm>> -> memref<112x128xf32, #tpu.memory_space<hbm>>
    %dma_wait3A_84 = arith.constant 0 : i32
    %dma_wait3A_85 = arith.constant 0 : i32
    %dma_wait3A_86 = tpu.memref_slice %arg8[%dma_wait3A_84, %dma_wait3A_85] : memref<28672x128xf32, #tpu.memory_space<hbm>> -> memref<112x128xf32, #tpu.memory_space<hbm>>
    tpu.wait_dma2 semaphore(%arg22 : memref<!tpu.dma_semaphore, #tpu.memory_space<semaphore_mem>>) src(%arg18 : memref<112x128xf32, #tpu.memory_space<vmem>>) dst(%dma_wait3A_86 : memref<112x128xf32, #tpu.memory_space<hbm>>)
    return
  }
}

module attributes {stable_mosaic.version = 14 : i64} {
  func.func @body(%arg0: i32, %arg1: memref<2048x128xf32, #tpu.memory_space<vmem>>, %arg2: memref<2048x128xf32, #tpu.memory_space<vmem>>, %arg3: memref<2048x128xi32, #tpu.memory_space<vmem>>) attributes {dimension_semantics = [#tpu.dimension_semantics<parallel>], iteration_bounds = array<i64: 49>, scalar_prefetch = 0 : i64, scratch_operands = 0 : i64, tpu.core_type = #tpu.core_type<tc>, window_params = [{transform_indices = @transform_0, window_bounds = array<i64: 2048, 128>}, {transform_indices = @transform_1, window_bounds = array<i64: 2048, 128>}, {transform_indices = @transform_2, window_bounds = array<i64: 2048, 128>}]} {
    %get3A = arith.constant 0 : index
    %get3A_0 = arith.constant 0 : index
    %get3A_1 = vector.load %arg1[%get3A, %get3A_0] : memref<2048x128xf32, #tpu.memory_space<vmem>>, vector<2048x128xf32>
    %convert_element_type3A = arith.truncf %get3A_1 : vector<2048x128xf32> to vector<2048x128xbf16>
    %convert_element_type3A_2 = arith.extf %convert_element_type3A : vector<2048x128xbf16> to vector<2048x128xf32>
    %bitcast_convert_type3A = tpu.bitcast %convert_element_type3A_2 : vector<2048x128xf32> -> vector<2048x128xi32>
    %shift_right_logical3A = arith.constant 16 : i32
    %shift_right_logical3A_3 = vector.broadcast %shift_right_logical3A : i32 to vector<2048x128xi32>
    %shift_right_logical3A_4 = arith.shrui %bitcast_convert_type3A, %shift_right_logical3A_3 : vector<2048x128xi32>
    %slice3A = vector.extract_strided_slice %shift_right_logical3A_4 {offsets = [0, 64], sizes = [2048, 64], strides = [1, 1]} : vector<2048x128xi32> to vector<2048x64xi32>
    %shift_left3A = arith.constant 16 : i32
    %shift_left3A_5 = vector.broadcast %shift_left3A : i32 to vector<2048x64xi32>
    %shift_left3A_6 = arith.shli %slice3A, %shift_left3A_5 : vector<2048x64xi32>
    %slice3A_7 = vector.extract_strided_slice %shift_right_logical3A_4 {offsets = [0, 0], sizes = [2048, 64], strides = [1, 1]} : vector<2048x128xi32> to vector<2048x64xi32>
    %or3A = arith.ori %shift_left3A_6, %slice3A_7 : vector<2048x64xi32>
    %swap3A = arith.constant 0 : index
    %swap3A_8 = arith.constant 0 : index
    %swap3A_9 = vector.load %arg3[%swap3A, %swap3A_8] : memref<2048x128xi32, #tpu.memory_space<vmem>>, vector<2048x64xi32>
    tpu.vector_store %arg3[%swap3A, %swap3A_8], %or3A {strides = array<i32>} : memref<2048x128xi32, #tpu.memory_space<vmem>>, vector<2048x64xi32>,
    %get3A_10 = arith.constant 0 : index
    %get3A_11 = arith.constant 0 : index
    %get3A_12 = vector.load %arg2[%get3A_10, %get3A_11] : memref<2048x128xf32, #tpu.memory_space<vmem>>, vector<2048x128xf32>
    %convert_element_type3A_13 = arith.truncf %get3A_12 : vector<2048x128xf32> to vector<2048x128xbf16>
    %convert_element_type3A_14 = arith.extf %convert_element_type3A_13 : vector<2048x128xbf16> to vector<2048x128xf32>
    %bitcast_convert_type3A_15 = tpu.bitcast %convert_element_type3A_14 : vector<2048x128xf32> -> vector<2048x128xi32>
    %shift_right_logical3A_16 = arith.constant 16 : i32
    %shift_right_logical3A_17 = vector.broadcast %shift_right_logical3A_16 : i32 to vector<2048x128xi32>
    %shift_right_logical3A_18 = arith.shrui %bitcast_convert_type3A_15, %shift_right_logical3A_17 : vector<2048x128xi32>
    %slice3A_19 = vector.extract_strided_slice %shift_right_logical3A_18 {offsets = [0, 64], sizes = [2048, 64], strides = [1, 1]} : vector<2048x128xi32> to vector<2048x64xi32>
    %shift_left3A_20 = arith.constant 16 : i32
    %shift_left3A_21 = vector.broadcast %shift_left3A_20 : i32 to vector<2048x64xi32>
    %shift_left3A_22 = arith.shli %slice3A_19, %shift_left3A_21 : vector<2048x64xi32>
    %slice3A_23 = vector.extract_strided_slice %shift_right_logical3A_18 {offsets = [0, 0], sizes = [2048, 64], strides = [1, 1]} : vector<2048x128xi32> to vector<2048x64xi32>
    %or3A_24 = arith.ori %shift_left3A_22, %slice3A_23 : vector<2048x64xi32>
    %swap3A_25 = arith.constant 0 : index
    %swap3A_26 = arith.constant 64 : index
    %swap3A_27 = vector.load %arg3[%swap3A_25, %swap3A_26] : memref<2048x128xi32, #tpu.memory_space<vmem>>, vector<2048x64xi32>
    tpu.vector_store %arg3[%swap3A_25, %swap3A_26], %or3A_24 {strides = array<i32>} : memref<2048x128xi32, #tpu.memory_space<vmem>>, vector<2048x64xi32>,
    return
  }
  func.func @transform_0(%arg0: i32) -> (i32, i32) {
    %c0_i32 = arith.constant 0 : i32
    %c0_i32_0 = arith.constant 0 : i32
    return %arg0, %c0_i32 : i32, i32
  }
  func.func @transform_1(%arg0: i32) -> (i32, i32) {
    %c0_i32 = arith.constant 0 : i32
    %c0_i32_0 = arith.constant 0 : i32
    return %arg0, %c0_i32 : i32, i32
  }
  func.func @transform_2(%arg0: i32) -> (i32, i32) {
    %c0_i32 = arith.constant 0 : i32
    %c0_i32_0 = arith.constant 0 : i32
    return %arg0, %c0_i32 : i32, i32
  }
}

module attributes {stable_mosaic.version = 14 : i64} {
  func.func @body(%arg0: i32, %arg1: memref<2048x128xf32, #tpu.memory_space<vmem>>, %arg2: memref<2048x128xf32, #tpu.memory_space<vmem>>, %arg3: memref<2048x128xf32, #tpu.memory_space<vmem>>, %arg4: memref<2048x128xf32, #tpu.memory_space<vmem>>, %arg5: memref<2048x128xf32, #tpu.memory_space<vmem>>, %arg6: memref<128x384xf32, #tpu.memory_space<vmem>>, %arg7: memref<128x384xf32, #tpu.memory_space<vmem>>, %arg8: memref<128x384xf32, #tpu.memory_space<vmem>>, %arg9: memref<128x256xf32, #tpu.memory_space<vmem>>, %arg10: memref<128x256xf32, #tpu.memory_space<vmem>>, %arg11: memref<1x256xf32, #tpu.memory_space<vmem>>, %arg12: memref<1x384xf32, #tpu.memory_space<vmem>>, %arg13: memref<2048x256xf32, #tpu.memory_space<vmem>>) attributes {dimension_semantics = [#tpu.dimension_semantics<parallel>], iteration_bounds = array<i64: 14>, scalar_prefetch = 0 : i64, scratch_operands = 0 : i64, tpu.core_type = #tpu.core_type<tc>, window_params = [{transform_indices = @transform_0, window_bounds = array<i64: 2048, 128>}, {transform_indices = @transform_1, window_bounds = array<i64: 2048, 128>}, {transform_indices = @transform_2, window_bounds = array<i64: 2048, 128>}, {transform_indices = @transform_3, window_bounds = array<i64: 2048, 128>}, {transform_indices = @transform_4, window_bounds = array<i64: 2048, 128>}, {pipeline_mode = #tpu.pipeline_mode<synchronous>, transform_indices = @transform_5, window_bounds = array<i64: 128, 384>}, {pipeline_mode = #tpu.pipeline_mode<synchronous>, transform_indices = @transform_6, window_bounds = array<i64: 128, 384>}, {pipeline_mode = #tpu.pipeline_mode<synchronous>, transform_indices = @transform_7, window_bounds = array<i64: 128, 384>}, {pipeline_mode = #tpu.pipeline_mode<synchronous>, transform_indices = @transform_8, window_bounds = array<i64: 128, 256>}, {pipeline_mode = #tpu.pipeline_mode<synchronous>, transform_indices = @transform_9, window_bounds = array<i64: 128, 256>}, {pipeline_mode = #tpu.pipeline_mode<synchronous>, transform_indices = @transform_10, window_bounds = array<i64: 1, 256>}, {pipeline_mode = #tpu.pipeline_mode<synchronous>, transform_indices = @transform_11, window_bounds = array<i64: 1, 384>}, {transform_indices = @transform_12, window_bounds = array<i64: 2048, 256>}]} {
    %get3A = arith.constant 0 : index
    %get3A_0 = arith.constant 0 : index
    %get3A_1 = vector.load %arg2[%get3A, %get3A_0] : memref<2048x128xf32, #tpu.memory_space<vmem>>, vector<2048x128xf32>
    %get3A_2 = arith.constant 0 : index
    %get3A_3 = arith.constant 0 : index
    %get3A_4 = vector.load %arg3[%get3A_2, %get3A_3] : memref<2048x128xf32, #tpu.memory_space<vmem>>, vector<2048x128xf32>
    %get3A_5 = arith.constant 0 : index
    %get3A_6 = arith.constant 0 : index
    %get3A_7 = vector.load %arg4[%get3A_5, %get3A_6] : memref<2048x128xf32, #tpu.memory_space<vmem>>, vector<2048x128xf32>
    %get3A_8 = arith.constant 0 : index
    %get3A_9 = arith.constant 0 : index
    %get3A_10 = vector.load %arg5[%get3A_8, %get3A_9] : memref<2048x128xf32, #tpu.memory_space<vmem>>, vector<2048x128xf32>
    %get3A_11 = arith.constant 0 : index
    %get3A_12 = arith.constant 0 : index
    %get3A_13 = vector.load %arg9[%get3A_11, %get3A_12] : memref<128x256xf32, #tpu.memory_space<vmem>>, vector<128x256xf32>
    %dot_general3A = arith.constant dense<0.000000e+00> : vector<2048x256xf32>
    %dot_general3A_14 = tpu.matmul %get3A_1, %get3A_13, %dot_general3A {dimension_numbers = #tpu.dot_dimension_numbers<[1], [0], [0], [1], [0, 0, 1, 1], [], []>, transpose_lhs_hint = false} : vector<2048x128xf32>, vector<128x256xf32>, vector<2048x256xf32> -> vector<2048x256xf32>
    %get3A_15 = arith.constant 0 : index
    %get3A_16 = arith.constant 0 : index
    %get3A_17 = vector.load %arg10[%get3A_15, %get3A_16] : memref<128x256xf32, #tpu.memory_space<vmem>>, vector<128x256xf32>
    %dot_general3A_18 = arith.constant dense<0.000000e+00> : vector<2048x256xf32>
    %dot_general3A_19 = tpu.matmul %get3A_4, %get3A_17, %dot_general3A_18 {dimension_numbers = #tpu.dot_dimension_numbers<[1], [0], [0], [1], [0, 0, 1, 1], [], []>, transpose_lhs_hint = false} : vector<2048x128xf32>, vector<128x256xf32>, vector<2048x256xf32> -> vector<2048x256xf32>
    %add3A = arith.addf %dot_general3A_14, %dot_general3A_19 : vector<2048x256xf32>
    %get3A_20 = arith.constant 0 : index
    %get3A_21 = arith.constant 0 : index
    %get3A_22 = vector.load %arg11[%get3A_20, %get3A_21] : memref<1x256xf32, #tpu.memory_space<vmem>>, vector<1x256xf32>
    %add3A_23 = vector.broadcast %get3A_22 : vector<1x256xf32> to vector<2048x256xf32>
    %add3A_24 = arith.addf %add3A, %add3A_23 : vector<2048x256xf32>
    %slice3A = vector.extract_strided_slice %add3A_24 {offsets = [0, 0], sizes = [2048, 128], strides = [1, 1]} : vector<2048x256xf32> to vector<2048x128xf32>
    %logistic3A = arith.negf %slice3A : vector<2048x128xf32>
    %logistic3A_25 = math.exp %logistic3A : vector<2048x128xf32>
    %logistic3A_26 = arith.constant 1.000000e+00 : f32
    %logistic3A_27 = vector.broadcast %logistic3A_26 : f32 to vector<2048x128xf32>
    %logistic3A_28 = arith.addf %logistic3A_27, %logistic3A_25 : vector<2048x128xf32>
    %logistic3A_29 = arith.divf %logistic3A_27, %logistic3A_28 : vector<2048x128xf32>
    %slice3A_30 = vector.extract_strided_slice %add3A_24 {offsets = [0, 128], sizes = [2048, 128], strides = [1, 1]} : vector<2048x256xf32> to vector<2048x128xf32>
    %logistic3A_31 = arith.negf %slice3A_30 : vector<2048x128xf32>
    %logistic3A_32 = math.exp %logistic3A_31 : vector<2048x128xf32>
    %logistic3A_33 = arith.constant 1.000000e+00 : f32
    %logistic3A_34 = vector.broadcast %logistic3A_33 : f32 to vector<2048x128xf32>
    %logistic3A_35 = arith.addf %logistic3A_34, %logistic3A_32 : vector<2048x128xf32>
    %logistic3A_36 = arith.divf %logistic3A_34, %logistic3A_35 : vector<2048x128xf32>
    %mul3A = arith.mulf %logistic3A_29, %get3A_7 : vector<2048x128xf32>
    %mul3A_37 = arith.mulf %logistic3A_36, %get3A_10 : vector<2048x128xf32>
    %add3A_38 = arith.addf %mul3A, %mul3A_37 : vector<2048x128xf32>
    %get3A_39 = arith.constant 0 : index
    %get3A_40 = arith.constant 0 : index
    %get3A_41 = vector.load %arg1[%get3A_39, %get3A_40] : memref<2048x128xf32, #tpu.memory_space<vmem>>, vector<2048x128xf32>
    %get3A_42 = arith.constant 0 : index
    %get3A_43 = arith.constant 0 : index
    %get3A_44 = vector.load %arg6[%get3A_42, %get3A_43] : memref<128x384xf32, #tpu.memory_space<vmem>>, vector<128x384xf32>
    %dot_general3A_45 = arith.constant dense<0.000000e+00> : vector<2048x384xf32>
    %dot_general3A_46 = tpu.matmul %get3A_41, %get3A_44, %dot_general3A_45 {dimension_numbers = #tpu.dot_dimension_numbers<[1], [0], [0], [1], [0, 0, 1, 1], [], []>, transpose_lhs_hint = false} : vector<2048x128xf32>, vector<128x384xf32>, vector<2048x384xf32> -> vector<2048x384xf32>
    %get3A_47 = arith.constant 0 : index
    %get3A_48 = arith.constant 0 : index
    %get3A_49 = vector.load %arg7[%get3A_47, %get3A_48] : memref<128x384xf32, #tpu.memory_space<vmem>>, vector<128x384xf32>
    %dot_general3A_50 = arith.constant dense<0.000000e+00> : vector<2048x384xf32>
    %dot_general3A_51 = tpu.matmul %get3A_1, %get3A_49, %dot_general3A_50 {dimension_numbers = #tpu.dot_dimension_numbers<[1], [0], [0], [1], [0, 0, 1, 1], [], []>, transpose_lhs_hint = false} : vector<2048x128xf32>, vector<128x384xf32>, vector<2048x384xf32> -> vector<2048x384xf32>
    %add3A_52 = arith.addf %dot_general3A_46, %dot_general3A_51 : vector<2048x384xf32>
    %get3A_53 = arith.constant 0 : index
    %get3A_54 = arith.constant 0 : index
    %get3A_55 = vector.load %arg8[%get3A_53, %get3A_54] : memref<128x384xf32, #tpu.memory_space<vmem>>, vector<128x384xf32>
    %dot_general3A_56 = arith.constant dense<0.000000e+00> : vector<2048x384xf32>
    %dot_general3A_57 = tpu.matmul %get3A_4, %get3A_55, %dot_general3A_56 {dimension_numbers = #tpu.dot_dimension_numbers<[1], [0], [0], [1], [0, 0, 1, 1], [], []>, transpose_lhs_hint = false} : vector<2048x128xf32>, vector<128x384xf32>, vector<2048x384xf32> -> vector<2048x384xf32>
    %add3A_58 = arith.addf %add3A_52, %dot_general3A_57 : vector<2048x384xf32>
    %get3A_59 = arith.constant 0 : index
    %get3A_60 = arith.constant 0 : index
    %get3A_61 = vector.load %arg12[%get3A_59, %get3A_60] : memref<1x384xf32, #tpu.memory_space<vmem>>, vector<1x384xf32>
    %add3A_62 = vector.broadcast %get3A_61 : vector<1x384xf32> to vector<2048x384xf32>
    %add3A_63 = arith.addf %add3A_58, %add3A_62 : vector<2048x384xf32>
    %slice3A_64 = vector.extract_strided_slice %add3A_63 {offsets = [0, 0], sizes = [2048, 128], strides = [1, 1]} : vector<2048x384xf32> to vector<2048x128xf32>
    %logistic3A_65 = arith.negf %slice3A_64 : vector<2048x128xf32>
    %logistic3A_66 = math.exp %logistic3A_65 : vector<2048x128xf32>
    %logistic3A_67 = arith.constant 1.000000e+00 : f32
    %logistic3A_68 = vector.broadcast %logistic3A_67 : f32 to vector<2048x128xf32>
    %logistic3A_69 = arith.addf %logistic3A_68, %logistic3A_66 : vector<2048x128xf32>
    %logistic3A_70 = arith.divf %logistic3A_68, %logistic3A_69 : vector<2048x128xf32>
    %slice3A_71 = vector.extract_strided_slice %add3A_63 {offsets = [0, 128], sizes = [2048, 128], strides = [1, 1]} : vector<2048x384xf32> to vector<2048x128xf32>
    %logistic3A_72 = arith.negf %slice3A_71 : vector<2048x128xf32>
    %logistic3A_73 = math.exp %logistic3A_72 : vector<2048x128xf32>
    %logistic3A_74 = arith.constant 1.000000e+00 : f32
    %logistic3A_75 = vector.broadcast %logistic3A_74 : f32 to vector<2048x128xf32>
    %logistic3A_76 = arith.addf %logistic3A_75, %logistic3A_73 : vector<2048x128xf32>
    %logistic3A_77 = arith.divf %logistic3A_75, %logistic3A_76 : vector<2048x128xf32>
    %slice3A_78 = vector.extract_strided_slice %add3A_63 {offsets = [0, 256], sizes = [2048, 128], strides = [1, 1]} : vector<2048x384xf32> to vector<2048x128xf32>
    %tanh3A = math.tanh %slice3A_78 : vector<2048x128xf32>
    %mul3A_79 = arith.mulf %logistic3A_70, %tanh3A : vector<2048x128xf32>
    %add3A_80 = arith.addf %mul3A_79, %add3A_38 : vector<2048x128xf32>
    %tanh3A_81 = math.tanh %add3A_80 : vector<2048x128xf32>
    %mul3A_82 = arith.mulf %logistic3A_77, %tanh3A_81 : vector<2048x128xf32>
    %swap3A = arith.constant 0 : index
    %swap3A_83 = arith.constant 0 : index
    %swap3A_84 = vector.load %arg13[%swap3A, %swap3A_83] : memref<2048x256xf32, #tpu.memory_space<vmem>>, vector<2048x128xf32>
    tpu.vector_store %arg13[%swap3A, %swap3A_83], %mul3A_82 {strides = array<i32>} : memref<2048x256xf32, #tpu.memory_space<vmem>>, vector<2048x128xf32>,
    %swap3A_85 = arith.constant 0 : index
    %swap3A_86 = arith.constant 128 : index
    %swap3A_87 = vector.load %arg13[%swap3A_85, %swap3A_86] : memref<2048x256xf32, #tpu.memory_space<vmem>>, vector<2048x128xf32>
    tpu.vector_store %arg13[%swap3A_85, %swap3A_86], %add3A_80 {strides = array<i32>} : memref<2048x256xf32, #tpu.memory_space<vmem>>, vector<2048x128xf32>,
    return
  }
  func.func @transform_0(%arg0: i32) -> (i32, i32) {
    %add3A = arith.constant 0 : i32
    %add3A_0 = arith.addi %arg0, %add3A : i32
    %c0_i32 = arith.constant 0 : i32
    %c0_i32_1 = arith.constant 0 : i32
    return %add3A_0, %c0_i32 : i32, i32
  }
  func.func @transform_1(%arg0: i32) -> (i32, i32) {
    %c0_i32 = arith.constant 0 : i32
    %c0_i32_0 = arith.constant 0 : i32
    return %arg0, %c0_i32 : i32, i32
  }
  func.func @transform_2(%arg0: i32) -> (i32, i32) {
    %c0_i32 = arith.constant 0 : i32
    %c0_i32_0 = arith.constant 0 : i32
    return %arg0, %c0_i32 : i32, i32
  }
  func.func @transform_3(%arg0: i32) -> (i32, i32) {
    %c0_i32 = arith.constant 0 : i32
    %c0_i32_0 = arith.constant 0 : i32
    return %arg0, %c0_i32 : i32, i32
  }
  func.func @transform_4(%arg0: i32) -> (i32, i32) {
    %c0_i32 = arith.constant 0 : i32
    %c0_i32_0 = arith.constant 0 : i32
    return %arg0, %c0_i32 : i32, i32
  }
  func.func @transform_5(%arg0: i32) -> (i32, i32) {
    %c0_i32 = arith.constant 0 : i32
    %c0_i32_0 = arith.constant 0 : i32
    %c0_i32_1 = arith.constant 0 : i32
    return %c0_i32, %c0_i32_0 : i32, i32
  }
  func.func @transform_6(%arg0: i32) -> (i32, i32) {
    %c0_i32 = arith.constant 0 : i32
    %c0_i32_0 = arith.constant 0 : i32
    %c0_i32_1 = arith.constant 0 : i32
    return %c0_i32, %c0_i32_0 : i32, i32
  }
  func.func @transform_7(%arg0: i32) -> (i32, i32) {
    %c0_i32 = arith.constant 0 : i32
    %c0_i32_0 = arith.constant 0 : i32
    %c0_i32_1 = arith.constant 0 : i32
    return %c0_i32, %c0_i32_0 : i32, i32
  }
  func.func @transform_8(%arg0: i32) -> (i32, i32) {
    %c0_i32 = arith.constant 0 : i32
    %c0_i32_0 = arith.constant 0 : i32
    %c0_i32_1 = arith.constant 0 : i32
    return %c0_i32, %c0_i32_0 : i32, i32
  }
  func.func @transform_9(%arg0: i32) -> (i32, i32) {
    %c0_i32 = arith.constant 0 : i32
    %c0_i32_0 = arith.constant 0 : i32
    %c0_i32_1 = arith.constant 0 : i32
    return %c0_i32, %c0_i32_0 : i32, i32
  }
  func.func @transform_10(%arg0: i32) -> (i32, i32) {
    %c0_i32 = arith.constant 0 : i32
    %c0_i32_0 = arith.constant 0 : i32
    %c0_i32_1 = arith.constant 0 : i32
    return %c0_i32, %c0_i32_0 : i32, i32
  }
  func.func @transform_11(%arg0: i32) -> (i32, i32) {
    %c0_i32 = arith.constant 0 : i32
    %c0_i32_0 = arith.constant 0 : i32
    %c0_i32_1 = arith.constant 0 : i32
    return %c0_i32, %c0_i32_0 : i32, i32
  }
  func.func @transform_12(%arg0: i32) -> (i32, i32) {
    %add3A = arith.constant 0 : i32
    %add3A_0 = arith.addi %arg0, %add3A : i32
    %c0_i32 = arith.constant 0 : i32
    %c0_i32_1 = arith.constant 0 : i32
    return %add3A_0, %c0_i32 : i32, i32
  }
}

module attributes {stable_mosaic.version = 14 : i64} {
  func.func @body(%arg0: i32, %arg1: memref<2048x128xf32, #tpu.memory_space<vmem>>, %arg2: memref<2048x128xi32, #tpu.memory_space<vmem>>, %arg3: memref<2048x128xi32, #tpu.memory_space<vmem>>, %arg4: memref<128x384xf32, #tpu.memory_space<vmem>>, %arg5: memref<128x384xbf16, #tpu.memory_space<vmem>>, %arg6: memref<128x384xbf16, #tpu.memory_space<vmem>>, %arg7: memref<128x256xbf16, #tpu.memory_space<vmem>>, %arg8: memref<128x256xbf16, #tpu.memory_space<vmem>>, %arg9: memref<1x256xf32, #tpu.memory_space<vmem>>, %arg10: memref<1x384xf32, #tpu.memory_space<vmem>>, %arg11: memref<100000x256xf32, #tpu.memory_space<any>>, %arg12: memref<2048x256xf32, #tpu.memory_space<vmem>>) attributes {dimension_semantics = [#tpu.dimension_semantics<parallel>], iteration_bounds = array<i64: 14>, scalar_prefetch = 0 : i64, scratch_operands = 0 : i64, tpu.core_type = #tpu.core_type<tc>, window_params = [{transform_indices = @transform_0, window_bounds = array<i64: 2048, 128>}, {transform_indices = @transform_1, window_bounds = array<i64: 2048, 128>}, {transform_indices = @transform_2, window_bounds = array<i64: 2048, 128>}, {pipeline_mode = #tpu.pipeline_mode<synchronous>, transform_indices = @transform_3, window_bounds = array<i64: 128, 384>}, {pipeline_mode = #tpu.pipeline_mode<synchronous>, transform_indices = @transform_4, window_bounds = array<i64: 128, 384>}, {pipeline_mode = #tpu.pipeline_mode<synchronous>, transform_indices = @transform_5, window_bounds = array<i64: 128, 384>}, {pipeline_mode = #tpu.pipeline_mode<synchronous>, transform_indices = @transform_6, window_bounds = array<i64: 128, 256>}, {pipeline_mode = #tpu.pipeline_mode<synchronous>, transform_indices = @transform_7, window_bounds = array<i64: 128, 256>}, {pipeline_mode = #tpu.pipeline_mode<synchronous>, transform_indices = @transform_8, window_bounds = array<i64: 1, 256>}, {pipeline_mode = #tpu.pipeline_mode<synchronous>, transform_indices = @transform_9, window_bounds = array<i64: 1, 384>}, {}, {transform_indices = @transform_11, window_bounds = array<i64: 2048, 256>}]} {
    %get3A = arith.constant 0 : index
    %get3A_0 = arith.constant 0 : index
    %get3A_1 = vector.load %arg2[%get3A, %get3A_0] : memref<2048x128xi32, #tpu.memory_space<vmem>>, vector<2048x128xi32>
    %get3A_2 = arith.constant 0 : index
    %get3A_3 = arith.constant 0 : index
    %get3A_4 = vector.load %arg3[%get3A_2, %get3A_3] : memref<2048x128xi32, #tpu.memory_space<vmem>>, vector<2048x128xi32>
    %slice3A = vector.extract_strided_slice %get3A_1 {offsets = [0, 0], sizes = [2048, 64], strides = [1, 1]} : vector<2048x128xi32> to vector<2048x64xi32>
    %shift_left3A = arith.constant 16 : i32
    %shift_left3A_5 = vector.broadcast %shift_left3A : i32 to vector<2048x64xi32>
    %shift_left3A_6 = arith.shli %slice3A, %shift_left3A_5 : vector<2048x64xi32>
    %bitcast_convert_type3A = tpu.bitcast %shift_left3A_6 : vector<2048x64xi32> -> vector<2048x64xf32>
    %and3A = arith.constant -65536 : i32
    %and3A_7 = vector.broadcast %and3A : i32 to vector<2048x64xi32>
    %and3A_8 = arith.andi %slice3A, %and3A_7 : vector<2048x64xi32>
    %bitcast_convert_type3A_9 = tpu.bitcast %and3A_8 : vector<2048x64xi32> -> vector<2048x64xf32>
    %concatenate3A = tpu.concatenate %bitcast_convert_type3A, %bitcast_convert_type3A_9 in 1 : vector<2048x64xf32>, vector<2048x64xf32> -> vector<2048x128xf32>
    %convert_element_type3A = arith.truncf %concatenate3A : vector<2048x128xf32> to vector<2048x128xbf16>
    %slice3A_10 = vector.extract_strided_slice %get3A_4 {offsets = [0, 0], sizes = [2048, 64], strides = [1, 1]} : vector<2048x128xi32> to vector<2048x64xi32>
    %shift_left3A_11 = arith.constant 16 : i32
    %shift_left3A_12 = vector.broadcast %shift_left3A_11 : i32 to vector<2048x64xi32>
    %shift_left3A_13 = arith.shli %slice3A_10, %shift_left3A_12 : vector<2048x64xi32>
    %bitcast_convert_type3A_14 = tpu.bitcast %shift_left3A_13 : vector<2048x64xi32> -> vector<2048x64xf32>
    %and3A_15 = arith.constant -65536 : i32
    %and3A_16 = vector.broadcast %and3A_15 : i32 to vector<2048x64xi32>
    %and3A_17 = arith.andi %slice3A_10, %and3A_16 : vector<2048x64xi32>
    %bitcast_convert_type3A_18 = tpu.bitcast %and3A_17 : vector<2048x64xi32> -> vector<2048x64xf32>
    %concatenate3A_19 = tpu.concatenate %bitcast_convert_type3A_14, %bitcast_convert_type3A_18 in 1 : vector<2048x64xf32>, vector<2048x64xf32> -> vector<2048x128xf32>
    %convert_element_type3A_20 = arith.truncf %concatenate3A_19 : vector<2048x128xf32> to vector<2048x128xbf16>
    %slice3A_21 = vector.extract_strided_slice %get3A_1 {offsets = [0, 64], sizes = [2048, 64], strides = [1, 1]} : vector<2048x128xi32> to vector<2048x64xi32>
    %shift_left3A_22 = arith.constant 16 : i32
    %shift_left3A_23 = vector.broadcast %shift_left3A_22 : i32 to vector<2048x64xi32>
    %shift_left3A_24 = arith.shli %slice3A_21, %shift_left3A_23 : vector<2048x64xi32>
    %bitcast_convert_type3A_25 = tpu.bitcast %shift_left3A_24 : vector<2048x64xi32> -> vector<2048x64xf32>
    %and3A_26 = arith.constant -65536 : i32
    %and3A_27 = vector.broadcast %and3A_26 : i32 to vector<2048x64xi32>
    %and3A_28 = arith.andi %slice3A_21, %and3A_27 : vector<2048x64xi32>
    %bitcast_convert_type3A_29 = tpu.bitcast %and3A_28 : vector<2048x64xi32> -> vector<2048x64xf32>
    %concatenate3A_30 = tpu.concatenate %bitcast_convert_type3A_25, %bitcast_convert_type3A_29 in 1 : vector<2048x64xf32>, vector<2048x64xf32> -> vector<2048x128xf32>
    %slice3A_31 = vector.extract_strided_slice %get3A_4 {offsets = [0, 64], sizes = [2048, 64], strides = [1, 1]} : vector<2048x128xi32> to vector<2048x64xi32>
    %shift_left3A_32 = arith.constant 16 : i32
    %shift_left3A_33 = vector.broadcast %shift_left3A_32 : i32 to vector<2048x64xi32>
    %shift_left3A_34 = arith.shli %slice3A_31, %shift_left3A_33 : vector<2048x64xi32>
    %bitcast_convert_type3A_35 = tpu.bitcast %shift_left3A_34 : vector<2048x64xi32> -> vector<2048x64xf32>
    %and3A_36 = arith.constant -65536 : i32
    %and3A_37 = vector.broadcast %and3A_36 : i32 to vector<2048x64xi32>
    %and3A_38 = arith.andi %slice3A_31, %and3A_37 : vector<2048x64xi32>
    %bitcast_convert_type3A_39 = tpu.bitcast %and3A_38 : vector<2048x64xi32> -> vector<2048x64xf32>
    %concatenate3A_40 = tpu.concatenate %bitcast_convert_type3A_35, %bitcast_convert_type3A_39 in 1 : vector<2048x64xf32>, vector<2048x64xf32> -> vector<2048x128xf32>
    %get3A_41 = arith.constant 0 : index
    %get3A_42 = arith.constant 0 : index
    %get3A_43 = vector.load %arg7[%get3A_41, %get3A_42] : memref<128x256xbf16, #tpu.memory_space<vmem>>, vector<128x256xbf16>
    %dot_general3A = arith.constant dense<0.000000e+00> : vector<2048x256xf32>
    %dot_general3A_44 = tpu.matmul %convert_element_type3A, %get3A_43, %dot_general3A {dimension_numbers = #tpu.dot_dimension_numbers<[1], [0], [0], [1], [0, 0, 1, 1], [], []>, transpose_lhs_hint = false} : vector<2048x128xbf16>, vector<128x256xbf16>, vector<2048x256xf32> -> vector<2048x256xf32>
    %get3A_45 = arith.constant 0 : index
    %get3A_46 = arith.constant 0 : index
    %get3A_47 = vector.load %arg8[%get3A_45, %get3A_46] : memref<128x256xbf16, #tpu.memory_space<vmem>>, vector<128x256xbf16>
    %dot_general3A_48 = arith.constant dense<0.000000e+00> : vector<2048x256xf32>
    %dot_general3A_49 = tpu.matmul %convert_element_type3A_20, %get3A_47, %dot_general3A_48 {dimension_numbers = #tpu.dot_dimension_numbers<[1], [0], [0], [1], [0, 0, 1, 1], [], []>, transpose_lhs_hint = false} : vector<2048x128xbf16>, vector<128x256xbf16>, vector<2048x256xf32> -> vector<2048x256xf32>
    %add3A = arith.addf %dot_general3A_44, %dot_general3A_49 : vector<2048x256xf32>
    %get3A_50 = arith.constant 0 : index
    %get3A_51 = arith.constant 0 : index
    %get3A_52 = vector.load %arg9[%get3A_50, %get3A_51] : memref<1x256xf32, #tpu.memory_space<vmem>>, vector<1x256xf32>
    %add3A_53 = vector.broadcast %get3A_52 : vector<1x256xf32> to vector<2048x256xf32>
    %add3A_54 = arith.addf %add3A, %add3A_53 : vector<2048x256xf32>
    %slice3A_55 = vector.extract_strided_slice %add3A_54 {offsets = [0, 0], sizes = [2048, 128], strides = [1, 1]} : vector<2048x256xf32> to vector<2048x128xf32>
    %logistic3A = arith.negf %slice3A_55 : vector<2048x128xf32>
    %logistic3A_56 = math.exp %logistic3A : vector<2048x128xf32>
    %logistic3A_57 = arith.constant 1.000000e+00 : f32
    %logistic3A_58 = vector.broadcast %logistic3A_57 : f32 to vector<2048x128xf32>
    %logistic3A_59 = arith.addf %logistic3A_58, %logistic3A_56 : vector<2048x128xf32>
    %logistic3A_60 = arith.divf %logistic3A_58, %logistic3A_59 : vector<2048x128xf32>
    %slice3A_61 = vector.extract_strided_slice %add3A_54 {offsets = [0, 128], sizes = [2048, 128], strides = [1, 1]} : vector<2048x256xf32> to vector<2048x128xf32>
    %logistic3A_62 = arith.negf %slice3A_61 : vector<2048x128xf32>
    %logistic3A_63 = math.exp %logistic3A_62 : vector<2048x128xf32>
    %logistic3A_64 = arith.constant 1.000000e+00 : f32
    %logistic3A_65 = vector.broadcast %logistic3A_64 : f32 to vector<2048x128xf32>
    %logistic3A_66 = arith.addf %logistic3A_65, %logistic3A_63 : vector<2048x128xf32>
    %logistic3A_67 = arith.divf %logistic3A_65, %logistic3A_66 : vector<2048x128xf32>
    %mul3A = arith.mulf %logistic3A_60, %concatenate3A_30 : vector<2048x128xf32>
    %mul3A_68 = arith.mulf %logistic3A_67, %concatenate3A_40 : vector<2048x128xf32>
    %add3A_69 = arith.addf %mul3A, %mul3A_68 : vector<2048x128xf32>
    %get3A_70 = arith.constant 0 : index
    %get3A_71 = arith.constant 0 : index
    %get3A_72 = vector.load %arg1[%get3A_70, %get3A_71] : memref<2048x128xf32, #tpu.memory_space<vmem>>, vector<2048x128xf32>
    %get3A_73 = arith.constant 0 : index
    %get3A_74 = arith.constant 0 : index
    %get3A_75 = vector.load %arg4[%get3A_73, %get3A_74] : memref<128x384xf32, #tpu.memory_space<vmem>>, vector<128x384xf32>
    %dot_general3A_76 = arith.constant dense<0.000000e+00> : vector<2048x384xf32>
    %dot_general3A_77 = tpu.matmul %get3A_72, %get3A_75, %dot_general3A_76 {dimension_numbers = #tpu.dot_dimension_numbers<[1], [0], [0], [1], [0, 0, 1, 1], [], []>, transpose_lhs_hint = false} : vector<2048x128xf32>, vector<128x384xf32>, vector<2048x384xf32> -> vector<2048x384xf32>
    %get3A_78 = arith.constant 0 : index
    %get3A_79 = arith.constant 0 : index
    %get3A_80 = vector.load %arg5[%get3A_78, %get3A_79] : memref<128x384xbf16, #tpu.memory_space<vmem>>, vector<128x384xbf16>
    %dot_general3A_81 = arith.constant dense<0.000000e+00> : vector<2048x384xf32>
    %dot_general3A_82 = tpu.matmul %convert_element_type3A, %get3A_80, %dot_general3A_81 {dimension_numbers = #tpu.dot_dimension_numbers<[1], [0], [0], [1], [0, 0, 1, 1], [], []>, transpose_lhs_hint = false} : vector<2048x128xbf16>, vector<128x384xbf16>, vector<2048x384xf32> -> vector<2048x384xf32>
    %add3A_83 = arith.addf %dot_general3A_77, %dot_general3A_82 : vector<2048x384xf32>
    %get3A_84 = arith.constant 0 : index
    %get3A_85 = arith.constant 0 : index
    %get3A_86 = vector.load %arg6[%get3A_84, %get3A_85] : memref<128x384xbf16, #tpu.memory_space<vmem>>, vector<128x384xbf16>
    %dot_general3A_87 = arith.constant dense<0.000000e+00> : vector<2048x384xf32>
    %dot_general3A_88 = tpu.matmul %convert_element_type3A_20, %get3A_86, %dot_general3A_87 {dimension_numbers = #tpu.dot_dimension_numbers<[1], [0], [0], [1], [0, 0, 1, 1], [], []>, transpose_lhs_hint = false} : vector<2048x128xbf16>, vector<128x384xbf16>, vector<2048x384xf32> -> vector<2048x384xf32>
    %add3A_89 = arith.addf %add3A_83, %dot_general3A_88 : vector<2048x384xf32>
    %get3A_90 = arith.constant 0 : index
    %get3A_91 = arith.constant 0 : index
    %get3A_92 = vector.load %arg10[%get3A_90, %get3A_91] : memref<1x384xf32, #tpu.memory_space<vmem>>, vector<1x384xf32>
    %add3A_93 = vector.broadcast %get3A_92 : vector<1x384xf32> to vector<2048x384xf32>
    %add3A_94 = arith.addf %add3A_89, %add3A_93 : vector<2048x384xf32>
    %slice3A_95 = vector.extract_strided_slice %add3A_94 {offsets = [0, 0], sizes = [2048, 128], strides = [1, 1]} : vector<2048x384xf32> to vector<2048x128xf32>
    %logistic3A_96 = arith.negf %slice3A_95 : vector<2048x128xf32>
    %logistic3A_97 = math.exp %logistic3A_96 : vector<2048x128xf32>
    %logistic3A_98 = arith.constant 1.000000e+00 : f32
    %logistic3A_99 = vector.broadcast %logistic3A_98 : f32 to vector<2048x128xf32>
    %logistic3A_100 = arith.addf %logistic3A_99, %logistic3A_97 : vector<2048x128xf32>
    %logistic3A_101 = arith.divf %logistic3A_99, %logistic3A_100 : vector<2048x128xf32>
    %slice3A_102 = vector.extract_strided_slice %add3A_94 {offsets = [0, 128], sizes = [2048, 128], strides = [1, 1]} : vector<2048x384xf32> to vector<2048x128xf32>
    %logistic3A_103 = arith.negf %slice3A_102 : vector<2048x128xf32>
    %logistic3A_104 = math.exp %logistic3A_103 : vector<2048x128xf32>
    %logistic3A_105 = arith.constant 1.000000e+00 : f32
    %logistic3A_106 = vector.broadcast %logistic3A_105 : f32 to vector<2048x128xf32>
    %logistic3A_107 = arith.addf %logistic3A_106, %logistic3A_104 : vector<2048x128xf32>
    %logistic3A_108 = arith.divf %logistic3A_106, %logistic3A_107 : vector<2048x128xf32>
    %slice3A_109 = vector.extract_strided_slice %add3A_94 {offsets = [0, 256], sizes = [2048, 128], strides = [1, 1]} : vector<2048x384xf32> to vector<2048x128xf32>
    %tanh3A = math.tanh %slice3A_109 : vector<2048x128xf32>
    %mul3A_110 = arith.mulf %logistic3A_101, %tanh3A : vector<2048x128xf32>
    %add3A_111 = arith.addf %mul3A_110, %add3A_69 : vector<2048x128xf32>
    %tanh3A_112 = math.tanh %add3A_111 : vector<2048x128xf32>
    %mul3A_113 = arith.mulf %logistic3A_108, %tanh3A_112 : vector<2048x128xf32>
    %swap3A = arith.constant 0 : index
    %swap3A_114 = arith.constant 0 : index
    %swap3A_115 = vector.load %arg12[%swap3A, %swap3A_114] : memref<2048x256xf32, #tpu.memory_space<vmem>>, vector<2048x128xf32>
    tpu.vector_store %arg12[%swap3A, %swap3A_114], %mul3A_113 {strides = array<i32>} : memref<2048x256xf32, #tpu.memory_space<vmem>>, vector<2048x128xf32>,
    %swap3A_116 = arith.constant 0 : index
    %swap3A_117 = arith.constant 128 : index
    %swap3A_118 = vector.load %arg12[%swap3A_116, %swap3A_117] : memref<2048x256xf32, #tpu.memory_space<vmem>>, vector<2048x128xf32>
    tpu.vector_store %arg12[%swap3A_116, %swap3A_117], %add3A_111 {strides = array<i32>} : memref<2048x256xf32, #tpu.memory_space<vmem>>, vector<2048x128xf32>,
    return
  }
  func.func @transform_0(%arg0: i32) -> (i32, i32) {
    %add3A = arith.constant 28 : i32
    %add3A_0 = arith.addi %arg0, %add3A : i32
    %c0_i32 = arith.constant 0 : i32
    %c0_i32_1 = arith.constant 0 : i32
    return %add3A_0, %c0_i32 : i32, i32
  }
  func.func @transform_1(%arg0: i32) -> (i32, i32) {
    %c0_i32 = arith.constant 0 : i32
    %c0_i32_0 = arith.constant 0 : i32
    return %arg0, %c0_i32 : i32, i32
  }
  func.func @transform_2(%arg0: i32) -> (i32, i32) {
    %c0_i32 = arith.constant 0 : i32
    %c0_i32_0 = arith.constant 0 : i32
    return %arg0, %c0_i32 : i32, i32
  }
  func.func @transform_3(%arg0: i32) -> (i32, i32) {
    %c0_i32 = arith.constant 0 : i32
    %c0_i32_0 = arith.constant 0 : i32
    %c0_i32_1 = arith.constant 0 : i32
    return %c0_i32, %c0_i32_0 : i32, i32
  }
  func.func @transform_4(%arg0: i32) -> (i32, i32) {
    %c0_i32 = arith.constant 0 : i32
    %c0_i32_0 = arith.constant 0 : i32
    %c0_i32_1 = arith.constant 0 : i32
    return %c0_i32, %c0_i32_0 : i32, i32
  }
  func.func @transform_5(%arg0: i32) -> (i32, i32) {
    %c0_i32 = arith.constant 0 : i32
    %c0_i32_0 = arith.constant 0 : i32
    %c0_i32_1 = arith.constant 0 : i32
    return %c0_i32, %c0_i32_0 : i32, i32
  }
  func.func @transform_6(%arg0: i32) -> (i32, i32) {
    %c0_i32 = arith.constant 0 : i32
    %c0_i32_0 = arith.constant 0 : i32
    %c0_i32_1 = arith.constant 0 : i32
    return %c0_i32, %c0_i32_0 : i32, i32
  }
  func.func @transform_7(%arg0: i32) -> (i32, i32) {
    %c0_i32 = arith.constant 0 : i32
    %c0_i32_0 = arith.constant 0 : i32
    %c0_i32_1 = arith.constant 0 : i32
    return %c0_i32, %c0_i32_0 : i32, i32
  }
  func.func @transform_8(%arg0: i32) -> (i32, i32) {
    %c0_i32 = arith.constant 0 : i32
    %c0_i32_0 = arith.constant 0 : i32
    %c0_i32_1 = arith.constant 0 : i32
    return %c0_i32, %c0_i32_0 : i32, i32
  }
  func.func @transform_9(%arg0: i32) -> (i32, i32) {
    %c0_i32 = arith.constant 0 : i32
    %c0_i32_0 = arith.constant 0 : i32
    %c0_i32_1 = arith.constant 0 : i32
    return %c0_i32, %c0_i32_0 : i32, i32
  }
  func.func @transform_11(%arg0: i32) -> (i32, i32) {
    %add3A = arith.constant 28 : i32
    %add3A_0 = arith.addi %arg0, %add3A : i32
    %c0_i32 = arith.constant 0 : i32
    %c0_i32_1 = arith.constant 0 : i32
    return %add3A_0, %c0_i32 : i32, i32
  }
}

module attributes {stable_mosaic.version = 14 : i64} {
  func.func @body(%arg0: i32, %arg1: memref<2048x128xf32, #tpu.memory_space<vmem>>, %arg2: memref<2048x128xi32, #tpu.memory_space<vmem>>, %arg3: memref<2048x128xi32, #tpu.memory_space<vmem>>, %arg4: memref<128x384xf32, #tpu.memory_space<vmem>>, %arg5: memref<128x384xbf16, #tpu.memory_space<vmem>>, %arg6: memref<128x384xbf16, #tpu.memory_space<vmem>>, %arg7: memref<128x256xbf16, #tpu.memory_space<vmem>>, %arg8: memref<128x256xbf16, #tpu.memory_space<vmem>>, %arg9: memref<1x256xf32, #tpu.memory_space<vmem>>, %arg10: memref<1x384xf32, #tpu.memory_space<vmem>>, %arg11: memref<100000x256xf32, #tpu.memory_space<any>>, %arg12: memref<2048x256xf32, #tpu.memory_space<vmem>>) attributes {dimension_semantics = [#tpu.dimension_semantics<parallel>], iteration_bounds = array<i64: 14>, scalar_prefetch = 0 : i64, scratch_operands = 0 : i64, tpu.core_type = #tpu.core_type<tc>, window_params = [{transform_indices = @transform_0, window_bounds = array<i64: 2048, 128>}, {transform_indices = @transform_1, window_bounds = array<i64: 2048, 128>}, {transform_indices = @transform_2, window_bounds = array<i64: 2048, 128>}, {pipeline_mode = #tpu.pipeline_mode<synchronous>, transform_indices = @transform_3, window_bounds = array<i64: 128, 384>}, {pipeline_mode = #tpu.pipeline_mode<synchronous>, transform_indices = @transform_4, window_bounds = array<i64: 128, 384>}, {pipeline_mode = #tpu.pipeline_mode<synchronous>, transform_indices = @transform_5, window_bounds = array<i64: 128, 384>}, {pipeline_mode = #tpu.pipeline_mode<synchronous>, transform_indices = @transform_6, window_bounds = array<i64: 128, 256>}, {pipeline_mode = #tpu.pipeline_mode<synchronous>, transform_indices = @transform_7, window_bounds = array<i64: 128, 256>}, {pipeline_mode = #tpu.pipeline_mode<synchronous>, transform_indices = @transform_8, window_bounds = array<i64: 1, 256>}, {pipeline_mode = #tpu.pipeline_mode<synchronous>, transform_indices = @transform_9, window_bounds = array<i64: 1, 384>}, {}, {transform_indices = @transform_11, window_bounds = array<i64: 2048, 256>}]} {
    %get3A = arith.constant 0 : index
    %get3A_0 = arith.constant 0 : index
    %get3A_1 = vector.load %arg2[%get3A, %get3A_0] : memref<2048x128xi32, #tpu.memory_space<vmem>>, vector<2048x128xi32>
    %get3A_2 = arith.constant 0 : index
    %get3A_3 = arith.constant 0 : index
    %get3A_4 = vector.load %arg3[%get3A_2, %get3A_3] : memref<2048x128xi32, #tpu.memory_space<vmem>>, vector<2048x128xi32>
    %slice3A = vector.extract_strided_slice %get3A_1 {offsets = [0, 0], sizes = [2048, 64], strides = [1, 1]} : vector<2048x128xi32> to vector<2048x64xi32>
    %shift_left3A = arith.constant 16 : i32
    %shift_left3A_5 = vector.broadcast %shift_left3A : i32 to vector<2048x64xi32>
    %shift_left3A_6 = arith.shli %slice3A, %shift_left3A_5 : vector<2048x64xi32>
    %bitcast_convert_type3A = tpu.bitcast %shift_left3A_6 : vector<2048x64xi32> -> vector<2048x64xf32>
    %and3A = arith.constant -65536 : i32
    %and3A_7 = vector.broadcast %and3A : i32 to vector<2048x64xi32>
    %and3A_8 = arith.andi %slice3A, %and3A_7 : vector<2048x64xi32>
    %bitcast_convert_type3A_9 = tpu.bitcast %and3A_8 : vector<2048x64xi32> -> vector<2048x64xf32>
    %concatenate3A = tpu.concatenate %bitcast_convert_type3A, %bitcast_convert_type3A_9 in 1 : vector<2048x64xf32>, vector<2048x64xf32> -> vector<2048x128xf32>
    %convert_element_type3A = arith.truncf %concatenate3A : vector<2048x128xf32> to vector<2048x128xbf16>
    %slice3A_10 = vector.extract_strided_slice %get3A_4 {offsets = [0, 0], sizes = [2048, 64], strides = [1, 1]} : vector<2048x128xi32> to vector<2048x64xi32>
    %shift_left3A_11 = arith.constant 16 : i32
    %shift_left3A_12 = vector.broadcast %shift_left3A_11 : i32 to vector<2048x64xi32>
    %shift_left3A_13 = arith.shli %slice3A_10, %shift_left3A_12 : vector<2048x64xi32>
    %bitcast_convert_type3A_14 = tpu.bitcast %shift_left3A_13 : vector<2048x64xi32> -> vector<2048x64xf32>
    %and3A_15 = arith.constant -65536 : i32
    %and3A_16 = vector.broadcast %and3A_15 : i32 to vector<2048x64xi32>
    %and3A_17 = arith.andi %slice3A_10, %and3A_16 : vector<2048x64xi32>
    %bitcast_convert_type3A_18 = tpu.bitcast %and3A_17 : vector<2048x64xi32> -> vector<2048x64xf32>
    %concatenate3A_19 = tpu.concatenate %bitcast_convert_type3A_14, %bitcast_convert_type3A_18 in 1 : vector<2048x64xf32>, vector<2048x64xf32> -> vector<2048x128xf32>
    %convert_element_type3A_20 = arith.truncf %concatenate3A_19 : vector<2048x128xf32> to vector<2048x128xbf16>
    %slice3A_21 = vector.extract_strided_slice %get3A_1 {offsets = [0, 64], sizes = [2048, 64], strides = [1, 1]} : vector<2048x128xi32> to vector<2048x64xi32>
    %shift_left3A_22 = arith.constant 16 : i32
    %shift_left3A_23 = vector.broadcast %shift_left3A_22 : i32 to vector<2048x64xi32>
    %shift_left3A_24 = arith.shli %slice3A_21, %shift_left3A_23 : vector<2048x64xi32>
    %bitcast_convert_type3A_25 = tpu.bitcast %shift_left3A_24 : vector<2048x64xi32> -> vector<2048x64xf32>
    %and3A_26 = arith.constant -65536 : i32
    %and3A_27 = vector.broadcast %and3A_26 : i32 to vector<2048x64xi32>
    %and3A_28 = arith.andi %slice3A_21, %and3A_27 : vector<2048x64xi32>
    %bitcast_convert_type3A_29 = tpu.bitcast %and3A_28 : vector<2048x64xi32> -> vector<2048x64xf32>
    %concatenate3A_30 = tpu.concatenate %bitcast_convert_type3A_25, %bitcast_convert_type3A_29 in 1 : vector<2048x64xf32>, vector<2048x64xf32> -> vector<2048x128xf32>
    %slice3A_31 = vector.extract_strided_slice %get3A_4 {offsets = [0, 64], sizes = [2048, 64], strides = [1, 1]} : vector<2048x128xi32> to vector<2048x64xi32>
    %shift_left3A_32 = arith.constant 16 : i32
    %shift_left3A_33 = vector.broadcast %shift_left3A_32 : i32 to vector<2048x64xi32>
    %shift_left3A_34 = arith.shli %slice3A_31, %shift_left3A_33 : vector<2048x64xi32>
    %bitcast_convert_type3A_35 = tpu.bitcast %shift_left3A_34 : vector<2048x64xi32> -> vector<2048x64xf32>
    %and3A_36 = arith.constant -65536 : i32
    %and3A_37 = vector.broadcast %and3A_36 : i32 to vector<2048x64xi32>
    %and3A_38 = arith.andi %slice3A_31, %and3A_37 : vector<2048x64xi32>
    %bitcast_convert_type3A_39 = tpu.bitcast %and3A_38 : vector<2048x64xi32> -> vector<2048x64xf32>
    %concatenate3A_40 = tpu.concatenate %bitcast_convert_type3A_35, %bitcast_convert_type3A_39 in 1 : vector<2048x64xf32>, vector<2048x64xf32> -> vector<2048x128xf32>
    %get3A_41 = arith.constant 0 : index
    %get3A_42 = arith.constant 0 : index
    %get3A_43 = vector.load %arg7[%get3A_41, %get3A_42] : memref<128x256xbf16, #tpu.memory_space<vmem>>, vector<128x256xbf16>
    %dot_general3A = arith.constant dense<0.000000e+00> : vector<2048x256xf32>
    %dot_general3A_44 = tpu.matmul %convert_element_type3A, %get3A_43, %dot_general3A {dimension_numbers = #tpu.dot_dimension_numbers<[1], [0], [0], [1], [0, 0, 1, 1], [], []>, transpose_lhs_hint = false} : vector<2048x128xbf16>, vector<128x256xbf16>, vector<2048x256xf32> -> vector<2048x256xf32>
    %get3A_45 = arith.constant 0 : index
    %get3A_46 = arith.constant 0 : index
    %get3A_47 = vector.load %arg8[%get3A_45, %get3A_46] : memref<128x256xbf16, #tpu.memory_space<vmem>>, vector<128x256xbf16>
    %dot_general3A_48 = arith.constant dense<0.000000e+00> : vector<2048x256xf32>
    %dot_general3A_49 = tpu.matmul %convert_element_type3A_20, %get3A_47, %dot_general3A_48 {dimension_numbers = #tpu.dot_dimension_numbers<[1], [0], [0], [1], [0, 0, 1, 1], [], []>, transpose_lhs_hint = false} : vector<2048x128xbf16>, vector<128x256xbf16>, vector<2048x256xf32> -> vector<2048x256xf32>
    %add3A = arith.addf %dot_general3A_44, %dot_general3A_49 : vector<2048x256xf32>
    %get3A_50 = arith.constant 0 : index
    %get3A_51 = arith.constant 0 : index
    %get3A_52 = vector.load %arg9[%get3A_50, %get3A_51] : memref<1x256xf32, #tpu.memory_space<vmem>>, vector<1x256xf32>
    %add3A_53 = vector.broadcast %get3A_52 : vector<1x256xf32> to vector<2048x256xf32>
    %add3A_54 = arith.addf %add3A, %add3A_53 : vector<2048x256xf32>
    %slice3A_55 = vector.extract_strided_slice %add3A_54 {offsets = [0, 0], sizes = [2048, 128], strides = [1, 1]} : vector<2048x256xf32> to vector<2048x128xf32>
    %logistic3A = arith.negf %slice3A_55 : vector<2048x128xf32>
    %logistic3A_56 = math.exp %logistic3A : vector<2048x128xf32>
    %logistic3A_57 = arith.constant 1.000000e+00 : f32
    %logistic3A_58 = vector.broadcast %logistic3A_57 : f32 to vector<2048x128xf32>
    %logistic3A_59 = arith.addf %logistic3A_58, %logistic3A_56 : vector<2048x128xf32>
    %logistic3A_60 = arith.divf %logistic3A_58, %logistic3A_59 : vector<2048x128xf32>
    %slice3A_61 = vector.extract_strided_slice %add3A_54 {offsets = [0, 128], sizes = [2048, 128], strides = [1, 1]} : vector<2048x256xf32> to vector<2048x128xf32>
    %logistic3A_62 = arith.negf %slice3A_61 : vector<2048x128xf32>
    %logistic3A_63 = math.exp %logistic3A_62 : vector<2048x128xf32>
    %logistic3A_64 = arith.constant 1.000000e+00 : f32
    %logistic3A_65 = vector.broadcast %logistic3A_64 : f32 to vector<2048x128xf32>
    %logistic3A_66 = arith.addf %logistic3A_65, %logistic3A_63 : vector<2048x128xf32>
    %logistic3A_67 = arith.divf %logistic3A_65, %logistic3A_66 : vector<2048x128xf32>
    %mul3A = arith.mulf %logistic3A_60, %concatenate3A_30 : vector<2048x128xf32>
    %mul3A_68 = arith.mulf %logistic3A_67, %concatenate3A_40 : vector<2048x128xf32>
    %add3A_69 = arith.addf %mul3A, %mul3A_68 : vector<2048x128xf32>
    %get3A_70 = arith.constant 0 : index
    %get3A_71 = arith.constant 0 : index
    %get3A_72 = vector.load %arg1[%get3A_70, %get3A_71] : memref<2048x128xf32, #tpu.memory_space<vmem>>, vector<2048x128xf32>
    %get3A_73 = arith.constant 0 : index
    %get3A_74 = arith.constant 0 : index
    %get3A_75 = vector.load %arg4[%get3A_73, %get3A_74] : memref<128x384xf32, #tpu.memory_space<vmem>>, vector<128x384xf32>
    %dot_general3A_76 = arith.constant dense<0.000000e+00> : vector<2048x384xf32>
    %dot_general3A_77 = tpu.matmul %get3A_72, %get3A_75, %dot_general3A_76 {dimension_numbers = #tpu.dot_dimension_numbers<[1], [0], [0], [1], [0, 0, 1, 1], [], []>, transpose_lhs_hint = false} : vector<2048x128xf32>, vector<128x384xf32>, vector<2048x384xf32> -> vector<2048x384xf32>
    %get3A_78 = arith.constant 0 : index
    %get3A_79 = arith.constant 0 : index
    %get3A_80 = vector.load %arg5[%get3A_78, %get3A_79] : memref<128x384xbf16, #tpu.memory_space<vmem>>, vector<128x384xbf16>
    %dot_general3A_81 = arith.constant dense<0.000000e+00> : vector<2048x384xf32>
    %dot_general3A_82 = tpu.matmul %convert_element_type3A, %get3A_80, %dot_general3A_81 {dimension_numbers = #tpu.dot_dimension_numbers<[1], [0], [0], [1], [0, 0, 1, 1], [], []>, transpose_lhs_hint = false} : vector<2048x128xbf16>, vector<128x384xbf16>, vector<2048x384xf32> -> vector<2048x384xf32>
    %add3A_83 = arith.addf %dot_general3A_77, %dot_general3A_82 : vector<2048x384xf32>
    %get3A_84 = arith.constant 0 : index
    %get3A_85 = arith.constant 0 : index
    %get3A_86 = vector.load %arg6[%get3A_84, %get3A_85] : memref<128x384xbf16, #tpu.memory_space<vmem>>, vector<128x384xbf16>
    %dot_general3A_87 = arith.constant dense<0.000000e+00> : vector<2048x384xf32>
    %dot_general3A_88 = tpu.matmul %convert_element_type3A_20, %get3A_86, %dot_general3A_87 {dimension_numbers = #tpu.dot_dimension_numbers<[1], [0], [0], [1], [0, 0, 1, 1], [], []>, transpose_lhs_hint = false} : vector<2048x128xbf16>, vector<128x384xbf16>, vector<2048x384xf32> -> vector<2048x384xf32>
    %add3A_89 = arith.addf %add3A_83, %dot_general3A_88 : vector<2048x384xf32>
    %get3A_90 = arith.constant 0 : index
    %get3A_91 = arith.constant 0 : index
    %get3A_92 = vector.load %arg10[%get3A_90, %get3A_91] : memref<1x384xf32, #tpu.memory_space<vmem>>, vector<1x384xf32>
    %add3A_93 = vector.broadcast %get3A_92 : vector<1x384xf32> to vector<2048x384xf32>
    %add3A_94 = arith.addf %add3A_89, %add3A_93 : vector<2048x384xf32>
    %slice3A_95 = vector.extract_strided_slice %add3A_94 {offsets = [0, 0], sizes = [2048, 128], strides = [1, 1]} : vector<2048x384xf32> to vector<2048x128xf32>
    %logistic3A_96 = arith.negf %slice3A_95 : vector<2048x128xf32>
    %logistic3A_97 = math.exp %logistic3A_96 : vector<2048x128xf32>
    %logistic3A_98 = arith.constant 1.000000e+00 : f32
    %logistic3A_99 = vector.broadcast %logistic3A_98 : f32 to vector<2048x128xf32>
    %logistic3A_100 = arith.addf %logistic3A_99, %logistic3A_97 : vector<2048x128xf32>
    %logistic3A_101 = arith.divf %logistic3A_99, %logistic3A_100 : vector<2048x128xf32>
    %slice3A_102 = vector.extract_strided_slice %add3A_94 {offsets = [0, 128], sizes = [2048, 128], strides = [1, 1]} : vector<2048x384xf32> to vector<2048x128xf32>
    %logistic3A_103 = arith.negf %slice3A_102 : vector<2048x128xf32>
    %logistic3A_104 = math.exp %logistic3A_103 : vector<2048x128xf32>
    %logistic3A_105 = arith.constant 1.000000e+00 : f32
    %logistic3A_106 = vector.broadcast %logistic3A_105 : f32 to vector<2048x128xf32>
    %logistic3A_107 = arith.addf %logistic3A_106, %logistic3A_104 : vector<2048x128xf32>
    %logistic3A_108 = arith.divf %logistic3A_106, %logistic3A_107 : vector<2048x128xf32>
    %slice3A_109 = vector.extract_strided_slice %add3A_94 {offsets = [0, 256], sizes = [2048, 128], strides = [1, 1]} : vector<2048x384xf32> to vector<2048x128xf32>
    %tanh3A = math.tanh %slice3A_109 : vector<2048x128xf32>
    %mul3A_110 = arith.mulf %logistic3A_101, %tanh3A : vector<2048x128xf32>
    %add3A_111 = arith.addf %mul3A_110, %add3A_69 : vector<2048x128xf32>
    %tanh3A_112 = math.tanh %add3A_111 : vector<2048x128xf32>
    %mul3A_113 = arith.mulf %logistic3A_108, %tanh3A_112 : vector<2048x128xf32>
    %swap3A = arith.constant 0 : index
    %swap3A_114 = arith.constant 0 : index
    %swap3A_115 = vector.load %arg12[%swap3A, %swap3A_114] : memref<2048x256xf32, #tpu.memory_space<vmem>>, vector<2048x128xf32>
    tpu.vector_store %arg12[%swap3A, %swap3A_114], %mul3A_113 {strides = array<i32>} : memref<2048x256xf32, #tpu.memory_space<vmem>>, vector<2048x128xf32>,
    %swap3A_116 = arith.constant 0 : index
    %swap3A_117 = arith.constant 128 : index
    %swap3A_118 = vector.load %arg12[%swap3A_116, %swap3A_117] : memref<2048x256xf32, #tpu.memory_space<vmem>>, vector<2048x128xf32>
    tpu.vector_store %arg12[%swap3A_116, %swap3A_117], %add3A_111 {strides = array<i32>} : memref<2048x256xf32, #tpu.memory_space<vmem>>, vector<2048x128xf32>,
    return
  }
  func.func @transform_0(%arg0: i32) -> (i32, i32) {
    %add3A = arith.constant 14 : i32
    %add3A_0 = arith.addi %arg0, %add3A : i32
    %c0_i32 = arith.constant 0 : i32
    %c0_i32_1 = arith.constant 0 : i32
    return %add3A_0, %c0_i32 : i32, i32
  }
  func.func @transform_1(%arg0: i32) -> (i32, i32) {
    %c0_i32 = arith.constant 0 : i32
    %c0_i32_0 = arith.constant 0 : i32
    return %arg0, %c0_i32 : i32, i32
  }
  func.func @transform_2(%arg0: i32) -> (i32, i32) {
    %c0_i32 = arith.constant 0 : i32
    %c0_i32_0 = arith.constant 0 : i32
    return %arg0, %c0_i32 : i32, i32
  }
  func.func @transform_3(%arg0: i32) -> (i32, i32) {
    %c0_i32 = arith.constant 0 : i32
    %c0_i32_0 = arith.constant 0 : i32
    %c0_i32_1 = arith.constant 0 : i32
    return %c0_i32, %c0_i32_0 : i32, i32
  }
  func.func @transform_4(%arg0: i32) -> (i32, i32) {
    %c0_i32 = arith.constant 0 : i32
    %c0_i32_0 = arith.constant 0 : i32
    %c0_i32_1 = arith.constant 0 : i32
    return %c0_i32, %c0_i32_0 : i32, i32
  }
  func.func @transform_5(%arg0: i32) -> (i32, i32) {
    %c0_i32 = arith.constant 0 : i32
    %c0_i32_0 = arith.constant 0 : i32
    %c0_i32_1 = arith.constant 0 : i32
    return %c0_i32, %c0_i32_0 : i32, i32
  }
  func.func @transform_6(%arg0: i32) -> (i32, i32) {
    %c0_i32 = arith.constant 0 : i32
    %c0_i32_0 = arith.constant 0 : i32
    %c0_i32_1 = arith.constant 0 : i32
    return %c0_i32, %c0_i32_0 : i32, i32
  }
  func.func @transform_7(%arg0: i32) -> (i32, i32) {
    %c0_i32 = arith.constant 0 : i32
    %c0_i32_0 = arith.constant 0 : i32
    %c0_i32_1 = arith.constant 0 : i32
    return %c0_i32, %c0_i32_0 : i32, i32
  }
  func.func @transform_8(%arg0: i32) -> (i32, i32) {
    %c0_i32 = arith.constant 0 : i32
    %c0_i32_0 = arith.constant 0 : i32
    %c0_i32_1 = arith.constant 0 : i32
    return %c0_i32, %c0_i32_0 : i32, i32
  }
  func.func @transform_9(%arg0: i32) -> (i32, i32) {
    %c0_i32 = arith.constant 0 : i32
    %c0_i32_0 = arith.constant 0 : i32
    %c0_i32_1 = arith.constant 0 : i32
    return %c0_i32, %c0_i32_0 : i32, i32
  }
  func.func @transform_11(%arg0: i32) -> (i32, i32) {
    %add3A = arith.constant 14 : i32
    %add3A_0 = arith.addi %arg0, %add3A : i32
    %c0_i32 = arith.constant 0 : i32
    %c0_i32_1 = arith.constant 0 : i32
    return %add3A_0, %c0_i32 : i32, i32
  }
}

module attributes {stable_mosaic.version = 14 : i64} {
  func.func @body(%arg0: i32, %arg1: memref<2048x128xf32, #tpu.memory_space<vmem>>, %arg2: memref<2048x128xi32, #tpu.memory_space<vmem>>, %arg3: memref<2048x128xi32, #tpu.memory_space<vmem>>, %arg4: memref<128x384xf32, #tpu.memory_space<vmem>>, %arg5: memref<128x384xbf16, #tpu.memory_space<vmem>>, %arg6: memref<128x384xbf16, #tpu.memory_space<vmem>>, %arg7: memref<128x256xbf16, #tpu.memory_space<vmem>>, %arg8: memref<128x256xbf16, #tpu.memory_space<vmem>>, %arg9: memref<1x256xf32, #tpu.memory_space<vmem>>, %arg10: memref<1x384xf32, #tpu.memory_space<vmem>>, %arg11: memref<100000x256xf32, #tpu.memory_space<any>>, %arg12: memref<2048x256xf32, #tpu.memory_space<vmem>>) attributes {dimension_semantics = [#tpu.dimension_semantics<parallel>], iteration_bounds = array<i64: 7>, scalar_prefetch = 0 : i64, scratch_operands = 0 : i64, tpu.core_type = #tpu.core_type<tc>, window_params = [{transform_indices = @transform_0, window_bounds = array<i64: 2048, 128>}, {transform_indices = @transform_1, window_bounds = array<i64: 2048, 128>}, {transform_indices = @transform_2, window_bounds = array<i64: 2048, 128>}, {pipeline_mode = #tpu.pipeline_mode<synchronous>, transform_indices = @transform_3, window_bounds = array<i64: 128, 384>}, {pipeline_mode = #tpu.pipeline_mode<synchronous>, transform_indices = @transform_4, window_bounds = array<i64: 128, 384>}, {pipeline_mode = #tpu.pipeline_mode<synchronous>, transform_indices = @transform_5, window_bounds = array<i64: 128, 384>}, {pipeline_mode = #tpu.pipeline_mode<synchronous>, transform_indices = @transform_6, window_bounds = array<i64: 128, 256>}, {pipeline_mode = #tpu.pipeline_mode<synchronous>, transform_indices = @transform_7, window_bounds = array<i64: 128, 256>}, {pipeline_mode = #tpu.pipeline_mode<synchronous>, transform_indices = @transform_8, window_bounds = array<i64: 1, 256>}, {pipeline_mode = #tpu.pipeline_mode<synchronous>, transform_indices = @transform_9, window_bounds = array<i64: 1, 384>}, {}, {transform_indices = @transform_11, window_bounds = array<i64: 2048, 256>}]} {
    %get3A = arith.constant 0 : index
    %get3A_0 = arith.constant 0 : index
    %get3A_1 = vector.load %arg2[%get3A, %get3A_0] : memref<2048x128xi32, #tpu.memory_space<vmem>>, vector<2048x128xi32>
    %get3A_2 = arith.constant 0 : index
    %get3A_3 = arith.constant 0 : index
    %get3A_4 = vector.load %arg3[%get3A_2, %get3A_3] : memref<2048x128xi32, #tpu.memory_space<vmem>>, vector<2048x128xi32>
    %slice3A = vector.extract_strided_slice %get3A_1 {offsets = [0, 0], sizes = [2048, 64], strides = [1, 1]} : vector<2048x128xi32> to vector<2048x64xi32>
    %shift_left3A = arith.constant 16 : i32
    %shift_left3A_5 = vector.broadcast %shift_left3A : i32 to vector<2048x64xi32>
    %shift_left3A_6 = arith.shli %slice3A, %shift_left3A_5 : vector<2048x64xi32>
    %bitcast_convert_type3A = tpu.bitcast %shift_left3A_6 : vector<2048x64xi32> -> vector<2048x64xf32>
    %and3A = arith.constant -65536 : i32
    %and3A_7 = vector.broadcast %and3A : i32 to vector<2048x64xi32>
    %and3A_8 = arith.andi %slice3A, %and3A_7 : vector<2048x64xi32>
    %bitcast_convert_type3A_9 = tpu.bitcast %and3A_8 : vector<2048x64xi32> -> vector<2048x64xf32>
    %concatenate3A = tpu.concatenate %bitcast_convert_type3A, %bitcast_convert_type3A_9 in 1 : vector<2048x64xf32>, vector<2048x64xf32> -> vector<2048x128xf32>
    %convert_element_type3A = arith.truncf %concatenate3A : vector<2048x128xf32> to vector<2048x128xbf16>
    %slice3A_10 = vector.extract_strided_slice %get3A_4 {offsets = [0, 0], sizes = [2048, 64], strides = [1, 1]} : vector<2048x128xi32> to vector<2048x64xi32>
    %shift_left3A_11 = arith.constant 16 : i32
    %shift_left3A_12 = vector.broadcast %shift_left3A_11 : i32 to vector<2048x64xi32>
    %shift_left3A_13 = arith.shli %slice3A_10, %shift_left3A_12 : vector<2048x64xi32>
    %bitcast_convert_type3A_14 = tpu.bitcast %shift_left3A_13 : vector<2048x64xi32> -> vector<2048x64xf32>
    %and3A_15 = arith.constant -65536 : i32
    %and3A_16 = vector.broadcast %and3A_15 : i32 to vector<2048x64xi32>
    %and3A_17 = arith.andi %slice3A_10, %and3A_16 : vector<2048x64xi32>
    %bitcast_convert_type3A_18 = tpu.bitcast %and3A_17 : vector<2048x64xi32> -> vector<2048x64xf32>
    %concatenate3A_19 = tpu.concatenate %bitcast_convert_type3A_14, %bitcast_convert_type3A_18 in 1 : vector<2048x64xf32>, vector<2048x64xf32> -> vector<2048x128xf32>
    %convert_element_type3A_20 = arith.truncf %concatenate3A_19 : vector<2048x128xf32> to vector<2048x128xbf16>
    %slice3A_21 = vector.extract_strided_slice %get3A_1 {offsets = [0, 64], sizes = [2048, 64], strides = [1, 1]} : vector<2048x128xi32> to vector<2048x64xi32>
    %shift_left3A_22 = arith.constant 16 : i32
    %shift_left3A_23 = vector.broadcast %shift_left3A_22 : i32 to vector<2048x64xi32>
    %shift_left3A_24 = arith.shli %slice3A_21, %shift_left3A_23 : vector<2048x64xi32>
    %bitcast_convert_type3A_25 = tpu.bitcast %shift_left3A_24 : vector<2048x64xi32> -> vector<2048x64xf32>
    %and3A_26 = arith.constant -65536 : i32
    %and3A_27 = vector.broadcast %and3A_26 : i32 to vector<2048x64xi32>
    %and3A_28 = arith.andi %slice3A_21, %and3A_27 : vector<2048x64xi32>
    %bitcast_convert_type3A_29 = tpu.bitcast %and3A_28 : vector<2048x64xi32> -> vector<2048x64xf32>
    %concatenate3A_30 = tpu.concatenate %bitcast_convert_type3A_25, %bitcast_convert_type3A_29 in 1 : vector<2048x64xf32>, vector<2048x64xf32> -> vector<2048x128xf32>
    %slice3A_31 = vector.extract_strided_slice %get3A_4 {offsets = [0, 64], sizes = [2048, 64], strides = [1, 1]} : vector<2048x128xi32> to vector<2048x64xi32>
    %shift_left3A_32 = arith.constant 16 : i32
    %shift_left3A_33 = vector.broadcast %shift_left3A_32 : i32 to vector<2048x64xi32>
    %shift_left3A_34 = arith.shli %slice3A_31, %shift_left3A_33 : vector<2048x64xi32>
    %bitcast_convert_type3A_35 = tpu.bitcast %shift_left3A_34 : vector<2048x64xi32> -> vector<2048x64xf32>
    %and3A_36 = arith.constant -65536 : i32
    %and3A_37 = vector.broadcast %and3A_36 : i32 to vector<2048x64xi32>
    %and3A_38 = arith.andi %slice3A_31, %and3A_37 : vector<2048x64xi32>
    %bitcast_convert_type3A_39 = tpu.bitcast %and3A_38 : vector<2048x64xi32> -> vector<2048x64xf32>
    %concatenate3A_40 = tpu.concatenate %bitcast_convert_type3A_35, %bitcast_convert_type3A_39 in 1 : vector<2048x64xf32>, vector<2048x64xf32> -> vector<2048x128xf32>
    %get3A_41 = arith.constant 0 : index
    %get3A_42 = arith.constant 0 : index
    %get3A_43 = vector.load %arg7[%get3A_41, %get3A_42] : memref<128x256xbf16, #tpu.memory_space<vmem>>, vector<128x256xbf16>
    %dot_general3A = arith.constant dense<0.000000e+00> : vector<2048x256xf32>
    %dot_general3A_44 = tpu.matmul %convert_element_type3A, %get3A_43, %dot_general3A {dimension_numbers = #tpu.dot_dimension_numbers<[1], [0], [0], [1], [0, 0, 1, 1], [], []>, transpose_lhs_hint = false} : vector<2048x128xbf16>, vector<128x256xbf16>, vector<2048x256xf32> -> vector<2048x256xf32>
    %get3A_45 = arith.constant 0 : index
    %get3A_46 = arith.constant 0 : index
    %get3A_47 = vector.load %arg8[%get3A_45, %get3A_46] : memref<128x256xbf16, #tpu.memory_space<vmem>>, vector<128x256xbf16>
    %dot_general3A_48 = arith.constant dense<0.000000e+00> : vector<2048x256xf32>
    %dot_general3A_49 = tpu.matmul %convert_element_type3A_20, %get3A_47, %dot_general3A_48 {dimension_numbers = #tpu.dot_dimension_numbers<[1], [0], [0], [1], [0, 0, 1, 1], [], []>, transpose_lhs_hint = false} : vector<2048x128xbf16>, vector<128x256xbf16>, vector<2048x256xf32> -> vector<2048x256xf32>
    %add3A = arith.addf %dot_general3A_44, %dot_general3A_49 : vector<2048x256xf32>
    %get3A_50 = arith.constant 0 : index
    %get3A_51 = arith.constant 0 : index
    %get3A_52 = vector.load %arg9[%get3A_50, %get3A_51] : memref<1x256xf32, #tpu.memory_space<vmem>>, vector<1x256xf32>
    %add3A_53 = vector.broadcast %get3A_52 : vector<1x256xf32> to vector<2048x256xf32>
    %add3A_54 = arith.addf %add3A, %add3A_53 : vector<2048x256xf32>
    %slice3A_55 = vector.extract_strided_slice %add3A_54 {offsets = [0, 0], sizes = [2048, 128], strides = [1, 1]} : vector<2048x256xf32> to vector<2048x128xf32>
    %logistic3A = arith.negf %slice3A_55 : vector<2048x128xf32>
    %logistic3A_56 = math.exp %logistic3A : vector<2048x128xf32>
    %logistic3A_57 = arith.constant 1.000000e+00 : f32
    %logistic3A_58 = vector.broadcast %logistic3A_57 : f32 to vector<2048x128xf32>
    %logistic3A_59 = arith.addf %logistic3A_58, %logistic3A_56 : vector<2048x128xf32>
    %logistic3A_60 = arith.divf %logistic3A_58, %logistic3A_59 : vector<2048x128xf32>
    %slice3A_61 = vector.extract_strided_slice %add3A_54 {offsets = [0, 128], sizes = [2048, 128], strides = [1, 1]} : vector<2048x256xf32> to vector<2048x128xf32>
    %logistic3A_62 = arith.negf %slice3A_61 : vector<2048x128xf32>
    %logistic3A_63 = math.exp %logistic3A_62 : vector<2048x128xf32>
    %logistic3A_64 = arith.constant 1.000000e+00 : f32
    %logistic3A_65 = vector.broadcast %logistic3A_64 : f32 to vector<2048x128xf32>
    %logistic3A_66 = arith.addf %logistic3A_65, %logistic3A_63 : vector<2048x128xf32>
    %logistic3A_67 = arith.divf %logistic3A_65, %logistic3A_66 : vector<2048x128xf32>
    %mul3A = arith.mulf %logistic3A_60, %concatenate3A_30 : vector<2048x128xf32>
    %mul3A_68 = arith.mulf %logistic3A_67, %concatenate3A_40 : vector<2048x128xf32>
    %add3A_69 = arith.addf %mul3A, %mul3A_68 : vector<2048x128xf32>
    %get3A_70 = arith.constant 0 : index
    %get3A_71 = arith.constant 0 : index
    %get3A_72 = vector.load %arg1[%get3A_70, %get3A_71] : memref<2048x128xf32, #tpu.memory_space<vmem>>, vector<2048x128xf32>
    %get3A_73 = arith.constant 0 : index
    %get3A_74 = arith.constant 0 : index
    %get3A_75 = vector.load %arg4[%get3A_73, %get3A_74] : memref<128x384xf32, #tpu.memory_space<vmem>>, vector<128x384xf32>
    %dot_general3A_76 = arith.constant dense<0.000000e+00> : vector<2048x384xf32>
    %dot_general3A_77 = tpu.matmul %get3A_72, %get3A_75, %dot_general3A_76 {dimension_numbers = #tpu.dot_dimension_numbers<[1], [0], [0], [1], [0, 0, 1, 1], [], []>, transpose_lhs_hint = false} : vector<2048x128xf32>, vector<128x384xf32>, vector<2048x384xf32> -> vector<2048x384xf32>
    %get3A_78 = arith.constant 0 : index
    %get3A_79 = arith.constant 0 : index
    %get3A_80 = vector.load %arg5[%get3A_78, %get3A_79] : memref<128x384xbf16, #tpu.memory_space<vmem>>, vector<128x384xbf16>
    %dot_general3A_81 = arith.constant dense<0.000000e+00> : vector<2048x384xf32>
    %dot_general3A_82 = tpu.matmul %convert_element_type3A, %get3A_80, %dot_general3A_81 {dimension_numbers = #tpu.dot_dimension_numbers<[1], [0], [0], [1], [0, 0, 1, 1], [], []>, transpose_lhs_hint = false} : vector<2048x128xbf16>, vector<128x384xbf16>, vector<2048x384xf32> -> vector<2048x384xf32>
    %add3A_83 = arith.addf %dot_general3A_77, %dot_general3A_82 : vector<2048x384xf32>
    %get3A_84 = arith.constant 0 : index
    %get3A_85 = arith.constant 0 : index
    %get3A_86 = vector.load %arg6[%get3A_84, %get3A_85] : memref<128x384xbf16, #tpu.memory_space<vmem>>, vector<128x384xbf16>
    %dot_general3A_87 = arith.constant dense<0.000000e+00> : vector<2048x384xf32>
    %dot_general3A_88 = tpu.matmul %convert_element_type3A_20, %get3A_86, %dot_general3A_87 {dimension_numbers = #tpu.dot_dimension_numbers<[1], [0], [0], [1], [0, 0, 1, 1], [], []>, transpose_lhs_hint = false} : vector<2048x128xbf16>, vector<128x384xbf16>, vector<2048x384xf32> -> vector<2048x384xf32>
    %add3A_89 = arith.addf %add3A_83, %dot_general3A_88 : vector<2048x384xf32>
    %get3A_90 = arith.constant 0 : index
    %get3A_91 = arith.constant 0 : index
    %get3A_92 = vector.load %arg10[%get3A_90, %get3A_91] : memref<1x384xf32, #tpu.memory_space<vmem>>, vector<1x384xf32>
    %add3A_93 = vector.broadcast %get3A_92 : vector<1x384xf32> to vector<2048x384xf32>
    %add3A_94 = arith.addf %add3A_89, %add3A_93 : vector<2048x384xf32>
    %slice3A_95 = vector.extract_strided_slice %add3A_94 {offsets = [0, 0], sizes = [2048, 128], strides = [1, 1]} : vector<2048x384xf32> to vector<2048x128xf32>
    %logistic3A_96 = arith.negf %slice3A_95 : vector<2048x128xf32>
    %logistic3A_97 = math.exp %logistic3A_96 : vector<2048x128xf32>
    %logistic3A_98 = arith.constant 1.000000e+00 : f32
    %logistic3A_99 = vector.broadcast %logistic3A_98 : f32 to vector<2048x128xf32>
    %logistic3A_100 = arith.addf %logistic3A_99, %logistic3A_97 : vector<2048x128xf32>
    %logistic3A_101 = arith.divf %logistic3A_99, %logistic3A_100 : vector<2048x128xf32>
    %slice3A_102 = vector.extract_strided_slice %add3A_94 {offsets = [0, 128], sizes = [2048, 128], strides = [1, 1]} : vector<2048x384xf32> to vector<2048x128xf32>
    %logistic3A_103 = arith.negf %slice3A_102 : vector<2048x128xf32>
    %logistic3A_104 = math.exp %logistic3A_103 : vector<2048x128xf32>
    %logistic3A_105 = arith.constant 1.000000e+00 : f32
    %logistic3A_106 = vector.broadcast %logistic3A_105 : f32 to vector<2048x128xf32>
    %logistic3A_107 = arith.addf %logistic3A_106, %logistic3A_104 : vector<2048x128xf32>
    %logistic3A_108 = arith.divf %logistic3A_106, %logistic3A_107 : vector<2048x128xf32>
    %slice3A_109 = vector.extract_strided_slice %add3A_94 {offsets = [0, 256], sizes = [2048, 128], strides = [1, 1]} : vector<2048x384xf32> to vector<2048x128xf32>
    %tanh3A = math.tanh %slice3A_109 : vector<2048x128xf32>
    %mul3A_110 = arith.mulf %logistic3A_101, %tanh3A : vector<2048x128xf32>
    %add3A_111 = arith.addf %mul3A_110, %add3A_69 : vector<2048x128xf32>
    %tanh3A_112 = math.tanh %add3A_111 : vector<2048x128xf32>
    %mul3A_113 = arith.mulf %logistic3A_108, %tanh3A_112 : vector<2048x128xf32>
    %swap3A = arith.constant 0 : index
    %swap3A_114 = arith.constant 0 : index
    %swap3A_115 = vector.load %arg12[%swap3A, %swap3A_114] : memref<2048x256xf32, #tpu.memory_space<vmem>>, vector<2048x128xf32>
    tpu.vector_store %arg12[%swap3A, %swap3A_114], %mul3A_113 {strides = array<i32>} : memref<2048x256xf32, #tpu.memory_space<vmem>>, vector<2048x128xf32>,
    %swap3A_116 = arith.constant 0 : index
    %swap3A_117 = arith.constant 128 : index
    %swap3A_118 = vector.load %arg12[%swap3A_116, %swap3A_117] : memref<2048x256xf32, #tpu.memory_space<vmem>>, vector<2048x128xf32>
    tpu.vector_store %arg12[%swap3A_116, %swap3A_117], %add3A_111 {strides = array<i32>} : memref<2048x256xf32, #tpu.memory_space<vmem>>, vector<2048x128xf32>,
    return
  }
  func.func @transform_0(%arg0: i32) -> (i32, i32) {
    %add3A = arith.constant 42 : i32
    %add3A_0 = arith.addi %arg0, %add3A : i32
    %c0_i32 = arith.constant 0 : i32
    %c0_i32_1 = arith.constant 0 : i32
    return %add3A_0, %c0_i32 : i32, i32
  }
  func.func @transform_1(%arg0: i32) -> (i32, i32) {
    %c0_i32 = arith.constant 0 : i32
    %c0_i32_0 = arith.constant 0 : i32
    return %arg0, %c0_i32 : i32, i32
  }
  func.func @transform_2(%arg0: i32) -> (i32, i32) {
    %c0_i32 = arith.constant 0 : i32
    %c0_i32_0 = arith.constant 0 : i32
    return %arg0, %c0_i32 : i32, i32
  }
  func.func @transform_3(%arg0: i32) -> (i32, i32) {
    %c0_i32 = arith.constant 0 : i32
    %c0_i32_0 = arith.constant 0 : i32
    %c0_i32_1 = arith.constant 0 : i32
    return %c0_i32, %c0_i32_0 : i32, i32
  }
  func.func @transform_4(%arg0: i32) -> (i32, i32) {
    %c0_i32 = arith.constant 0 : i32
    %c0_i32_0 = arith.constant 0 : i32
    %c0_i32_1 = arith.constant 0 : i32
    return %c0_i32, %c0_i32_0 : i32, i32
  }
  func.func @transform_5(%arg0: i32) -> (i32, i32) {
    %c0_i32 = arith.constant 0 : i32
    %c0_i32_0 = arith.constant 0 : i32
    %c0_i32_1 = arith.constant 0 : i32
    return %c0_i32, %c0_i32_0 : i32, i32
  }
  func.func @transform_6(%arg0: i32) -> (i32, i32) {
    %c0_i32 = arith.constant 0 : i32
    %c0_i32_0 = arith.constant 0 : i32
    %c0_i32_1 = arith.constant 0 : i32
    return %c0_i32, %c0_i32_0 : i32, i32
  }
  func.func @transform_7(%arg0: i32) -> (i32, i32) {
    %c0_i32 = arith.constant 0 : i32
    %c0_i32_0 = arith.constant 0 : i32
    %c0_i32_1 = arith.constant 0 : i32
    return %c0_i32, %c0_i32_0 : i32, i32
  }
  func.func @transform_8(%arg0: i32) -> (i32, i32) {
    %c0_i32 = arith.constant 0 : i32
    %c0_i32_0 = arith.constant 0 : i32
    %c0_i32_1 = arith.constant 0 : i32
    return %c0_i32, %c0_i32_0 : i32, i32
  }
  func.func @transform_9(%arg0: i32) -> (i32, i32) {
    %c0_i32 = arith.constant 0 : i32
    %c0_i32_0 = arith.constant 0 : i32
    %c0_i32_1 = arith.constant 0 : i32
    return %c0_i32, %c0_i32_0 : i32, i32
  }
  func.func @transform_11(%arg0: i32) -> (i32, i32) {
    %add3A = arith.constant 42 : i32
    %add3A_0 = arith.addi %arg0, %add3A : i32
    %c0_i32 = arith.constant 0 : i32
    %c0_i32_1 = arith.constant 0 : i32
    return %add3A_0, %c0_i32 : i32, i32
  }
}

</mosaic_0001>

<sc_bundles>
// kernel: kernel.11.cloned.1.call-start
scs
__scs_entry_jumppad:
0x0: {  	(pc) =	sbr.rel $0x88, $3  }
0x1: {  	(tag) =	ssettag $0x0;
	lr =	simm.s32 $0x1  }
0x2: {  	[smem:$0x3F98] =	sst lr;
	_ =	strace $0xD0000000  }
0x3: {  	_ = 	snop  }
0x4: {  	_ = 	snop  }
0x5: {  	_ = 	snop  }
0x6: {  	_ = 	snop  }
0x7: {  	_ = 	snop  }
__scs_overlays_trampoline_lowered:
0x8: {  	[smem:$0x3FA7] =	sst s0  }
0x9: {  	[smem:$0x3FA8] =	sst s1  }
0xa: {  	[smem:$0x3FA9] =	sst s2  }
0xb: {  	[smem:$0x3FAA] =	sst s3  }
0xc: {  	[smem:$0x3FAB] =	sst s4  }
0xd: {  	[smem:$0x3FAC] =	sst s5  }
0xe: {  	[smem:$0x3FAD] =	sst s6  }
0xf: {  	[smem:$0x3FAE] =	sst s7  }
0x10: {  	[smem:$0x3FAF] =	sst s8  }
0x11: {  	[smem:$0x3FB0] =	sst s9;
	s0 =	simm.s32 @!p0 $0x0  }
0x12: {  	s1 =	sld [smem:$0x3F96];
	s0 =	simm.s32 @p0 $0x1  }
0x13: {  	[smem:$0x3FB1] =	sst s0;
	s0 =	simm.s32 @!p1 $0x0  }
0x14: {  	s2 =	sld [smem:$0x3F95];
	s0 =	simm.s32 @p1 $0x1  }
0x15: {  	[smem:$0x3FB2] =	sst s0;
	s0 =	simm.s32 @!p2 $0x0  }
0x16: {  	s3 =	sld [smem:$0x3FDB];
	s0 =	simm.s32 @p2 $0x1  }
0x17: {  	s4 =	simm.s32 $0x1BF5;
	[smem:$0x3FB4] =	sst s0  }
0x18: {  	s0 =	sld [smem:$0x3F97];
	_ =	swait.ge [sflag:s4], $0x0  }
0x19: {  	s7 =	sld [smem:$0x3F98]  }
0x1a: {  	s8 =	sadd.s32 $0xFFFFE003, lr  }
0x1b: {  	s9 =	sadd.s32 $0xFFFFFEF7, lr;
	s5 =	simm.s32 $0xFFFFFFFF;
	p2 =	slt.u32 s8, $0xFFFFF086  }
0x1c: {  	p1 =	slt.u32 s9, $0xF7A;
	s5 =	simm.s32 @!p2 $0x0  }
0x1d: {  	s5 =	simm.s32 @p1 $0x1;
	p0 =	seq.s32 s7, s2  }
0x1e: {  	s7 =	smul.u32 @!p0 $0xF7A, s2;
	p2 =	seq.s32 @!p0 s5, $0x0  }
0x1f: {  	s9 =	smul.u32 $0xF7A, s1;
	s8 =	simm.s32 @!p0 $0x1BF5;
	p2 =	por !p2, p0  }
0x20: {  	[sflag:s8] =	ssyncset.s32 @!p0 $0xFFFFF086;
	s6 =	sadd.s32 @!p0 s3, s7;
	s7 =	simm.s32 @!p0 $0x108  }
0x21: {  	s3 =	sadd.s32 s3, s9;
	s6 =	sadd.s32 @!p0 $0x88, s6;
	s7 =	simm.s32 @p2 $0x1082  }
0x22: {  	[simem:s7], [sflag:s8] =	dma.local @!p0 [hbm:s6], $0xF7A  }
0x23: {  	s9 =	sor.u32 $0xD0000000, s2;
	s6 =	simm.s32 $0x108;
	_ =	swait.ge @!p0 [sflag:s8], $0x0  }
0x24: {  	s3 =	sadd.s32 $0x88, s3;
	s6 =	simm.s32 @!p1 $0x1082;
	[sflag:s4] =	ssyncset.s32 $0xFFFFF086  }
0x25: {  	[simem:s6], [sflag:s4] =	dma.local [hbm:s3], $0xF7A  }
0x26: {  	[smem:$0x3F98] =	sst s1;
	(tag) =	ssettag s2;
	_ =	strace s9  }
0x27: {  	s1 =	sld [smem:$0x3FA8]  }
0x28: {  	s2 =	sld [smem:$0x3FA9]  }
0x29: {  	s4 =	sld [smem:$0x3FAB]  }
0x2a: {  	p0 =	seq.s32 s5, $0x0;
	s5 =	sld [smem:$0x3FAC]  }
0x2b: {  	s6 =	sld [smem:$0x3FAD]  }
0x2c: {  	s7 =	sld [smem:$0x3FAE]  }
0x2d: {  	s3 =	simm.s32 $0x108;
	s8 =	sld [smem:$0x3FAF]  }
0x2e: {  	s3 =	simm.s32 @!p0 $0x1082;
	s9 =	sld [smem:$0x3FB0]  }
0x2f: {  	lr =	sadd.s32 s0, s3;
	s0 =	sld [smem:$0x3FA7]  }
0x30: {  	s3 =	sld [smem:$0x3FAA]  }
0x31: {  	[smem:$0x3FB3] =	sst s10  }
0x32: {  	s10 =	sld [smem:$0x3FB1];
	_ =	sdelay $0x3  }
0x33: {  	p0 =	seq.s32 s10, $0x1;
	s10 =	sld [smem:$0x3FB3];
	_ =	sdelay $0x3  }
0x34: {  	[smem:$0x3FB3] =	sst s10  }
0x35: {  	s10 =	sld [smem:$0x3FB2];
	_ =	sdelay $0x3  }
0x36: {  	p1 =	seq.s32 s10, $0x1;
	s10 =	sld [smem:$0x3FB3];
	_ =	sdelay $0x3  }
0x37: {  	[smem:$0x3FB3] =	sst s10  }
0x38: {  	s10 =	sld [smem:$0x3FB4]  }
0x39: {  	_ = 	snop;
	(pc) =	sbr.ind lr, $3  }
0x3a: {  	_ = 	snop  }
0x3b: {  	_ = 	snop  }
0x3c: {  	p2 =	seq.s32 s10, $0x1;
	s10 =	sld [smem:$0x3FB3]  }
0x3d: {  	_ =	shalt  }
0x3e: {  	_ =	shalt  }
0x3f: {  	_ =	shalt  }
0x40: {  	_ =	shalt  }
0x41: {  	_ =	shalt  }
0x42: {  	_ =	shalt  }
0x43: {  	_ =	shalt  }
0x44: {  	_ =	shalt  }
0x45: {  	_ =	shalt  }
0x46: {  	_ =	shalt  }
0x47: {  	_ =	shalt  }
0x48: {  	_ =	shalt  }
0x49: {  	_ =	shalt  }
0x4a: {  	_ =	shalt  }
0x4b: {  	_ =	shalt  }
0x4c: {  	_ =	shalt  }
0x4d: {  	_ =	shalt  }
0x4e: {  	_ =	shalt  }
0x4f: {  	_ =	shalt  }
0x50: {  	_ =	shalt  }
0x51: {  	_ =	shalt  }
0x52: {  	_ =	shalt  }
0x53: {  	_ =	shalt  }
0x54: {  	_ =	shalt  }
0x55: {  	_ =	shalt  }
0x56: {  	_ =	shalt  }
0x57: {  	_ =	shalt  }
0x58: {  	_ =	shalt  }
0x59: {  	_ =	shalt  }
0x5a: {  	_ =	shalt  }
0x5b: {  	_ =	shalt  }
0x5c: {  	_ =	shalt  }
0x5d: {  	_ =	shalt  }
0x5e: {  	_ =	shalt  }
0x5f: {  	_ =	shalt  }
0x60: {  	_ =	shalt  }
0x61: {  	_ =	shalt  }
0x62: {  	_ =	shalt  }
0x63: {  	_ =	shalt  }
0x64: {  	_ =	shalt  }
0x65: {  	_ =	shalt  }
0x66: {  	_ =	shalt  }
0x67: {  	_ =	shalt  }
0x68: {  	_ =	shalt  }
0x69: {  	_ =	shalt  }
0x6a: {  	_ =	shalt  }
0x6b: {  	_ =	shalt  }
0x6c: {  	_ =	shalt  }
0x6d: {  	_ =	shalt  }
0x6e: {  	_ =	shalt  }
0x6f: {  	_ =	shalt  }
0x70: {  	_ =	shalt  }
0x71: {  	_ =	shalt  }
0x72: {  	_ =	shalt  }
0x73: {  	_ =	shalt  }
0x74: {  	_ =	shalt  }
0x75: {  	_ =	shalt  }
0x76: {  	_ =	shalt  }
0x77: {  	_ =	shalt  }
0x78: {  	_ =	shalt  }
0x79: {  	_ =	shalt  }
0x7a: {  	_ =	shalt  }
0x7b: {  	_ =	shalt  }
0x7c: {  	_ =	shalt  }
0x7d: {  	_ =	shalt  }
0x7e: {  	_ =	shalt  }
0x7f: {  	_ =	shalt  }
0x80: {  	_ =	shalt  }
0x81: {  	_ =	shalt  }
0x82: {  	_ =	shalt  }
0x83: {  	_ =	shalt  }
0x84: {  	_ =	shalt  }
0x85: {  	_ =	shalt  }
0x86: {  	_ =	shalt  }
0x87: {  	_ =	shalt  }
.Lfunc_end0:
.L_simem_size_0:
called_computation_lowered:
.L_overlay_start_0:
0x88: {  	s2 =	sld [smem:$0x3FD9]  }
0x89: {  	s3 =	sld [smem:$0x3FFE];
	_ =	sdelay $0x1  }
0x8a: {  	s1 =	srdreg.scid  }
0x8b: {  	s0 =	sand.u32 $0x1, s1  }
0x8c: {  	s17 =	sshll.u32 s0, $0xA;
	s2 =	sadd.s32 s3, s2  }
0x8d: {  	s2 =	sadd.s32 s2, s17  }
0x8e: {  	[smem:$0x3FBF] =	sst s2  }
0x8f: {  	_ = 	snop  }
0x90: {  	s2 =	sld [smem:$0x3FC8]  }
0x91: {  	s18 =	sld [smem:$0x3FC7]  }
0x92: {  	s4 =	sld [smem:$0x3FD0];
	(tm) =	ssettm $0x1  }
0x93: {  	s5 =	sld [smem:$0x3FFB];
	_ =	sdelay $0x3  }
0x94: {  	_ =	strace s5  }
0x95: {  	s5 =	sld [smem:$0x3FFC];
	_ =	sdelay $0x3  }
0x96: {  	_ =	strace s5  }
0x97: {  	s5 =	sld [smem:$0x3FFD];
	_ =	sdelay $0x3  }
0x98: {  	_ =	strace s5  }
0x99: {  	_ =	strace $0x8FFFFFFF  }
0x9a: {  	s19 =	sld [smem:$0x3FDB];
	_ =	sdelay $0x1  }
0x9b: {  	s6 =	simm.s32 $_scs_section_size  }
0x9c: {  	s7 =	simm.s32 $_size__tile_overlayer_lowered;
	s8 =	simm.s32 $_tile_overlayer_lowered  }
0x9d: {  	s22 =	simm.s32 $0x1BFF;
	s21 =	sshll.u32 s8, $0x1;
	s5 =	sadd.s32 s6, s19  }
0x9e: {  	s9 =	simm.s32 $0x0;
	s20 =	sshll.u32 s7, $0x1;
	s7 =	sadd.s32 s21, s5  }
0x9f: {  	[timem:s9], [sflag:s22] =	dma.local [hbm:s7], s20  }
0xa0: {  	_ =	swait.ge [sflag:s22], s20  }
0xa1: {  	s6 =	ssub.s32 $0x0, s20;
	[sflag:s22] =	ssyncset.done $0x0  }
0xa2: {  	[sflag:s22] =	ssyncadd.s32 s6;
	_ =	sdelay $0x1  }
0xa3: {  	s23 =	simm.s32 $0x1B8B  }
0xa4: {  	_ =	swait.ge [sflag:s23], $0x1  }
0xa5: {  	[sflag:s23] =	ssyncset.done $0x0  }
0xa6: {  	s25 =	simm.s32 $0x1B8E;
	s24 =	sld [smem:$0x3FFE];
	[sflag:s23] =	ssyncadd.s32 $0xFFFFFFFF  }
0xa7: {  	s26 =	simm.s32 $execute0_lowered;
	[smem:$0x3FD2] =	sst s25  }
0xa8: {  	s7 =	sshll.u32 s26, $0x1;
	_ =	strace $0x80000046;
	[dreg:$0x1] =	wrdreg $0xFFFFFFFF  }
0xa9: {  	s28 =	simm.s32 $_size_execute0_lowered;
	s5 =	sadd.s32 s5, s7;
	[dreg:$0x0] =	wrdreg $0x0  }
0xaa: {  	s7 =	sshll.u32 s28, $0x1;
	[dreg:$0x2] =	wrdreg s5  }
0xab: {  	[dreg:$0x3] =	wrdreg s7  }
0xac: {  	[dreg:$0x4] =	wrdreg $0xC0  }
0xad: {  	_ =	task [dreg:s9], $0x5FFFF  }
0xae: {  	[dreg:$0x1] =	wrdreg $0xFFFFFFFF  }
0xaf: {  	[dreg:$0x0] =	wrdreg $0x60  }
0xb0: {  	[dreg:$0x2] =	wrdreg s2  }
0xb1: {  	[dreg:$0x3] =	wrdreg s18  }
0xb2: {  	[dreg:$0x4] =	wrdreg s24  }
0xb3: {  	[dreg:$0x5] =	wrdreg s4  }
0xb4: {  	[dreg:$0x6] =	wrdreg $0x9  }
0xb5: {  	_ =	task.clear_ibuf [dreg:s9], $0x7FFFF;
	_ =	strace $0x90000046  }
0xb6: {  	s29 =	simm.s32 $0x9;
	_ =	strace $0x80000048  }
0xb7: {  	_ =	swait.ge [sflag:s29], $0x1  }
0xb8: {  	[sflag:s29] =	ssyncadd.s32 $0xFFFFFFFF  }
0xb9: {  	_ =	strace $0x90000048  }
0xba: {  	_ =	sfence  }
0xbb: {  	s30 =	sld [smem:$0x0];
	_ =	sdelay $0x2  }
0xbc: {  	s31 =	sshll.u32 s1, $0xD;
	s1 =	sshrl.u32 s1, $0x2  }
0xbd: {  	s3 =	sand.u32 $0x4000, s31;
	s1 =	sadd.s32 s1, s30  }
0xbe: {  	s0 =	sor.u32 s3, s0;
	s1 =	sshll.u32 s1, $0x11  }
0xbf: {  	s0 =	sor.u32 s1, s0  }
0xc0: {  	s0 =	sadd.s32 $0x8F2B, s0  }
0xc1: {  	[sflag:s0] =	ssyncadd.remote.s32 $0x1  }
0xc2: {  	_ =	sfence.sel $0xFFFF  }
0xc3: {  	[dreg:$0x0] =	wrdreg $0xFFFFFFFF;
	(pc) =	sbr.abs _section_cstart, $3  }
0xc4: {  	[dreg:$0x1] =	wrdreg $0xFFFFFFFF  }
0xc5: {  	_ =	task.clear_ibuf [dreg:s9], $0x2FFFF;
	_ =	strace $0x9FFFFFFF  }
0xc6: {  	(tm) =	ssettm $0x7FFFFFFF  }
0xc7: {  	_ =	shalt  }
tec
execute0_lowered:
.L_overlay_start_1:
0x0: {  	(tag) =	ssettag $0x1  }
0x1: {  	s1 =	rddreg [dreg:$0x0]  }
0x2: {  	s2 =	rddreg [dreg:$0x1]  }
0x3: {  	s0 =	rddreg [dreg:$0x2]  }
0x4: {  	s5 =	rddreg [dreg:$0x3];
	s4 =	srdreg.scid  }
0x5: {  	s3 =	stileid.u32;
	s10 =	simm.s32 $0x70;
	s11 =	simm.s32 $0x800  }
0x6: {  	s12 =	simm.s32 $0x4000;
	s13 =	simm.s32 $0x7800;
	s14 =	simm.s32 $0xB000  }
0x7: {  	s15 =	simm.s32 $0x1;
	s16 =	simm.s32 $0xE800;
	s17 =	simm.s32 $0x12000  }
0x8: {  	s18 =	simm.s32 $0x15800;
	s19 =	simm.s32 $0x19000;
	s20 =	simm.s32 $0x2  }
0x9: {  	s21 =	simm.s32 $0x3;
	s22 =	simm.s32 $0x4;
	s23 =	simm.s32 $0x0  }
0xa: {  	s6 =	sand.u32 $0x1, s4;
	s4 =	simm.s32 $0x0;
	s7 =	sshll.u32 s3, $0x8  }
0xb: {  	s28 =	smul.u32 $0x7000, s3;
	s8 =	sshll.u32 s6, $0x7;
	[smem:$0x7FF] =	sst s4  }
0xc: {  	s9 =	smul.u32 $0x3800, s6;
	s6 =	ssub.s32 $0x2, s6;
	s7 =	sor.u32 s8, s7  }
0xd: {  	_ =	strace $0x80000047;
	s5 =	sadd.s32 s28, s5;
	s29 =	sshrl.u32 s6, $0x1  }
0xe: {  	s7 =	sadd.s32 s7, s0;
	s0 =	sadd.s32 s28, s0;
	s5 =	sadd.s32 s9, s5  }
0xf: {  	s0 =	sadd.s32 s9, s0;
	[dreg:$0x5] =	wrdreg s5;
	s31 =	sadd.s32 $0x5E00, s7  }
0x10: {  	s8 =	ssub.s32 s6, s29;
	s30 =	sadd.s32 $0x7E00, s0;
	[dreg:$0x9] =	wrdreg s31  }
0x11: {  	s6 =	sadd.s32 $0x6E00, s7;
	s9 =	sadd.s32 $0x77E00, s0;
	[dreg:$0x6] =	wrdreg s30  }
0x12: {  	s7 =	smax.u32 s8, $0x1;
	s0 =	sadd.s32 $0xE7E00, s0;
	[dreg:$0x7] =	wrdreg s9  }
0x13: {  	s8 =	simm.s32 $0x5;
	[dreg:$0x8] =	wrdreg s0;
	s9 =	simm.s32 $0x400  }
.LBB2_1:
0x14: {  	s0 =	rddreg [dreg:$0x9]  }
0x15: {  	[tilespmem:s4], [sflag:$0x5] =	stream.linear.gather [hbm4b:s0+s4], $0x400, $0x38;
	[tilespmem:$0x1C800] =	vst v63  }
0x16: {  	_ =	swait.ge [sflag:s8], $0x400  }
0x17: {  	[sflag:s8] =	ssyncset.done $0x0  }
0x18: {  	[sflag:s8] =	ssyncadd.s32 $0xFFFFFC00  }
0x19: {  	[tilespmem:s9], [sflag:$0x5] =	stream.linear.gather [hbm4b:s6+s4], $0x400, $0x38;
	[tilespmem:$0x1C800] =	vst v63  }
0x1a: {  	_ =	swait.ge [sflag:s8], $0x400  }
0x1b: {  	[sflag:s8] =	ssyncset.done $0x0  }
0x1c: {  	[sflag:s8] =	ssyncadd.s32 $0xFFFFFC00  }
0x1d: {  	[tilespmem:s11], [sflag:$0x1] =	stream.indirect.gather [hbm4b:s1+s10], $0x80, s4, s10, $0xb8;
	[tilespmem:$0x1C800] =	vst v63  }
0x1e: {  	_ = 	snop  }
0x1f: {  	[tilespmem:s12], [sflag:$0x1] =	stream.indirect.gather [hbm4b:s1+s10], $0x80, s9, s10, $0xb8;
	[tilespmem:$0x1C800] =	vst v63  }
0x20: {  	_ = 	snop  }
0x21: {  	[tilespmem:s13], [sflag:$0x1] =	stream.indirect.gather [hbm4b:s2+s10], $0x80, s4, s10, $0xb8;
	[tilespmem:$0x1C800] =	vst v63  }
0x22: {  	_ = 	snop  }
0x23: {  	[tilespmem:s14], [sflag:$0x1] =	stream.indirect.gather [hbm4b:s2+s10], $0x80, s9, s10, $0xb8;
	[tilespmem:$0x1C800] =	vst v63  }
0x24: {  	_ =	swait.ge [sflag:s15], $0x3800  }
0x25: {  	[sflag:s15] =	ssyncset.done $0x0  }
0x26: {  	[sflag:s15] =	ssyncadd.s32 $0xFFFFC800  }
0x27: {  	_ =	swait.ge [sflag:s15], $0x3800  }
0x28: {  	[sflag:s15] =	ssyncset.done $0x0  }
0x29: {  	[sflag:s15] =	ssyncadd.s32 $0xFFFFC800  }
0x2a: {  	_ =	swait.ge [sflag:s15], $0x3800  }
0x2b: {  	[sflag:s15] =	ssyncset.done $0x0  }
0x2c: {  	[sflag:s15] =	ssyncadd.s32 $0xFFFFC800  }
0x2d: {  	_ =	swait.ge [sflag:s15], $0x3800  }
0x2e: {  	p0 =	por $0x1, $0x1;
	[sflag:s15] =	ssyncset.done $0x0  }
0x2f: {  	s0 =	simm.s32 @!p0 $0x4;
	[sflag:s15] =	ssyncadd.s32 $0xFFFFC800  }
0x30: {  	_ =	swait.ge @!p0 [sflag:s0], $0x3800  }
0x31: {  	[sflag:s0] =	ssyncset.done @!p0 $0x0  }
0x32: {  	[sflag:s0] =	ssyncadd.s32 @!p0 $0xFFFFC800  }
0x33: {  	_ =	swait.ge @!p0 [sflag:s0], $0x3800  }
0x34: {  	[sflag:s0] =	ssyncset.done @!p0 $0x0  }
0x35: {  	[sflag:s0] =	ssyncadd.s32 @!p0 $0xFFFFC800  }
0x36: {  	_ =	swait.ge @!p0 [sflag:s0], $0x3800  }
0x37: {  	[sflag:s0] =	ssyncset.done @!p0 $0x0  }
0x38: {  	[sflag:s0] =	ssyncadd.s32 @!p0 $0xFFFFC800  }
0x39: {  	_ =	swait.ge @!p0 [sflag:s0], $0x3800  }
0x3a: {  	[sflag:s0] =	ssyncset.done @!p0 $0x0  }
0x3b: {  	s24 =	simm.s32 $0x80;
	[sflag:s0] =	ssyncadd.s32 @!p0 $0xFFFFC800  }
0x3c: {  	[tilespmem:s16], [sflag:$0x2] =	stream.indirect.gather [hbm4b:s1+s10], $0x80, s24, s10, $0xb8;
	[tilespmem:$0x1C800] =	vst v63  }
0x3d: {  	s31 =	simm.s32 $0x480  }
0x3e: {  	[tilespmem:s17], [sflag:$0x2] =	stream.indirect.gather [hbm4b:s1+s10], $0x80, s31, s10, $0xb8;
	[tilespmem:$0x1C800] =	vst v63  }
0x3f: {  	_ = 	snop  }
0x40: {  	[tilespmem:s18], [sflag:$0x2] =	stream.indirect.gather [hbm4b:s2+s10], $0x80, s24, s10, $0xb8;
	[tilespmem:$0x1C800] =	vst v63  }
0x41: {  	s25 =	rddreg [dreg:$0x5]  }
0x42: {  	[tilespmem:s19], [sflag:$0x2] =	stream.indirect.gather [hbm4b:s2+s10], $0x80, s31, s10, $0xb8;
	[tilespmem:$0x1C800] =	vst v63  }
0x43: {  	s3 =	rddreg [dreg:$0x6];
	s5 =	sadd.s32 $0x0, s25  }
0x44: {  	[hbm4b:s5+s4] =	stream.linear.scatter [tilespmem:s11], [sflag:$0x3], $0x3800, $0x38;
	[tilespmem:$0x1C800] =	vst v63  }
0x45: {  	s29 =	rddreg [dreg:$0x7];
	s24 =	sadd.s32 $0x0, s3  }
0x46: {  	[hbm4b:s24+s4] =	stream.linear.scatter [tilespmem:s12], [sflag:$0x3], $0x3800, $0x38;
	[tilespmem:$0x1C800] =	vst v63  }
0x47: {  	s26 =	rddreg [dreg:$0x8];
	s25 =	sadd.s32 $0x0, s29  }
0x48: {  	[hbm4b:s25+s4] =	stream.linear.scatter [tilespmem:s13], [sflag:$0x3], $0x3800, $0x38;
	[tilespmem:$0x1C800] =	vst v63  }
0x49: {  	s26 =	sadd.s32 $0x0, s26  }
0x4a: {  	[hbm4b:s26+s4] =	stream.linear.scatter [tilespmem:s14], [sflag:$0x3], $0x3800, $0x38;
	[tilespmem:$0x1C800] =	vst v63  }
0x4b: {  	_ =	swait.ge [sflag:s20], $0x3800  }
0x4c: {  	[sflag:s20] =	ssyncset.done $0x0  }
0x4d: {  	[sflag:s20] =	ssyncadd.s32 $0xFFFFC800  }
0x4e: {  	_ =	swait.ge [sflag:s20], $0x3800  }
0x4f: {  	[sflag:s20] =	ssyncset.done $0x0  }
0x50: {  	[sflag:s20] =	ssyncadd.s32 $0xFFFFC800  }
0x51: {  	_ =	swait.ge [sflag:s20], $0x3800  }
0x52: {  	[sflag:s20] =	ssyncset.done $0x0  }
0x53: {  	[sflag:s20] =	ssyncadd.s32 $0xFFFFC800  }
0x54: {  	_ =	swait.ge [sflag:s20], $0x3800  }
0x55: {  	[sflag:s20] =	ssyncset.done $0x0  }
0x56: {  	[sflag:s20] =	ssyncadd.s32 $0xFFFFC800  }
0x57: {  	_ =	swait.ge [sflag:s21], $0x3800  }
0x58: {  	[sflag:s21] =	ssyncset.done $0x0  }
0x59: {  	[sflag:s21] =	ssyncadd.s32 $0xFFFFC800  }
0x5a: {  	_ =	swait.ge [sflag:s21], $0x3800  }
0x5b: {  	[sflag:s21] =	ssyncset.done $0x0  }
0x5c: {  	[sflag:s21] =	ssyncadd.s32 $0xFFFFC800  }
0x5d: {  	_ =	swait.ge [sflag:s21], $0x3800  }
0x5e: {  	[sflag:s21] =	ssyncset.done $0x0  }
0x5f: {  	[sflag:s21] =	ssyncadd.s32 $0xFFFFC800  }
0x60: {  	s28 =	smin.u32 s4, $0x5;
	_ =	swait.ge [sflag:s21], $0x3800  }
0x61: {  	s28 =	sshll.u32 s28, $0x7;
	[sflag:s21] =	ssyncset.done $0x0  }
0x62: {  	s29 =	sadd.s32 $0x100, s28;
	[sflag:s21] =	ssyncadd.s32 $0xFFFFC800  }
0x63: {  	[tilespmem:s11], [sflag:$0x1] =	stream.indirect.gather [hbm4b:s1+s10], $0x80, s29, s10, $0xb8;
	[tilespmem:$0x1C800] =	vst v63  }
0x64: {  	s28 =	sadd.s32 $0x500, s28  }
0x65: {  	[tilespmem:s12], [sflag:$0x1] =	stream.indirect.gather [hbm4b:s1+s10], $0x80, s28, s10, $0xb8;
	[tilespmem:$0x1C800] =	vst v63  }
0x66: {  	_ = 	snop  }
0x67: {  	[tilespmem:s13], [sflag:$0x1] =	stream.indirect.gather [hbm4b:s2+s10], $0x80, s29, s10, $0xb8;
	[tilespmem:$0x1C800] =	vst v63  }
0x68: {  	_ = 	snop  }
0x69: {  	[tilespmem:s14], [sflag:$0x1] =	stream.indirect.gather [hbm4b:s2+s10], $0x80, s28, s10, $0xb8;
	[tilespmem:$0x1C800] =	vst v63  }
0x6a: {  	s0 =	sadd.s32 $0x700, s5;
	s30 =	sadd.s32 $0x700, s24  }
0x6b: {  	[hbm4b:s0+s4] =	stream.linear.scatter [tilespmem:s16], [sflag:$0x4], $0x3800, $0x38;
	[tilespmem:$0x1C800] =	vst v63  }
0x6c: {  	s31 =	sadd.s32 $0x700, s25;
	s24 =	simm.s32 $0xE00;
	s25 =	simm.s32 $0x580  }
0x6d: {  	[hbm4b:s30+s4] =	stream.linear.scatter [tilespmem:s17], [sflag:$0x4], $0x3800, $0x38;
	[tilespmem:$0x1C800] =	vst v63  }
0x6e: {  	s28 =	simm.s32 $0x180;
	s0 =	sadd.s32 $0x700, s26;
	s26 =	simm.s32 $0x2  }
0x6f: {  	[hbm4b:s31+s4] =	stream.linear.scatter [tilespmem:s18], [sflag:$0x4], $0x3800, $0x38;
	[tilespmem:$0x1C800] =	vst v63  }
.LBB2_2:
0x70: {  	[hbm4b:s0+s4] =	stream.linear.scatter [tilespmem:s19], [sflag:$0x4], $0x3800, $0x38;
	[tilespmem:$0x1C800] =	vst v63  }
0x71: {  	_ =	swait.ge [sflag:s15], $0x3800  }
0x72: {  	[sflag:s15] =	ssyncset.done $0x0  }
0x73: {  	[sflag:s15] =	ssyncadd.s32 $0xFFFFC800  }
0x74: {  	_ =	swait.ge [sflag:s15], $0x3800  }
0x75: {  	[sflag:s15] =	ssyncset.done $0x0  }
0x76: {  	[sflag:s15] =	ssyncadd.s32 $0xFFFFC800  }
0x77: {  	_ =	swait.ge [sflag:s15], $0x3800  }
0x78: {  	[sflag:s15] =	ssyncset.done $0x0  }
0x79: {  	[sflag:s15] =	ssyncadd.s32 $0xFFFFC800  }
0x7a: {  	s31 =	smov.u32 s24;
	_ =	swait.ge [sflag:s15], $0x3800  }
0x7b: {  	p1 =	seq.s32 s31, $0x0;
	[sflag:s15] =	ssyncset.done $0x0  }
0x7c: {  	s0 =	simm.s32 @!p1 $0x4;
	[sflag:s15] =	ssyncadd.s32 $0xFFFFC800  }
0x7d: {  	_ =	swait.ge @!p1 [sflag:s0], $0x3800  }
0x7e: {  	[sflag:s0] =	ssyncset.done @!p1 $0x0  }
0x7f: {  	[sflag:s0] =	ssyncadd.s32 @!p1 $0xFFFFC800  }
0x80: {  	_ =	swait.ge @!p1 [sflag:s0], $0x3800  }
0x81: {  	[sflag:s0] =	ssyncset.done @!p1 $0x0  }
0x82: {  	[sflag:s0] =	ssyncadd.s32 @!p1 $0xFFFFC800  }
0x83: {  	_ =	swait.ge @!p1 [sflag:s0], $0x3800  }
0x84: {  	[sflag:s0] =	ssyncset.done @!p1 $0x0  }
0x85: {  	[sflag:s0] =	ssyncadd.s32 @!p1 $0xFFFFC800  }
0x86: {  	_ =	swait.ge @!p1 [sflag:s0], $0x3800  }
0x87: {  	[sflag:s0] =	ssyncset.done @!p1 $0x0  }
0x88: {  	[sflag:s0] =	ssyncadd.s32 @!p1 $0xFFFFC800  }
0x89: {  	[tilespmem:s16], [sflag:$0x2] =	stream.indirect.gather [hbm4b:s1+s10], $0x80, s28, s10, $0xb8;
	[tilespmem:$0x1C800] =	vst v63  }
0x8a: {  	_ = 	snop  }
0x8b: {  	[tilespmem:s17], [sflag:$0x2] =	stream.indirect.gather [hbm4b:s1+s10], $0x80, s25, s10, $0xb8;
	[tilespmem:$0x1C800] =	vst v63  }
0x8c: {  	_ = 	snop  }
0x8d: {  	[tilespmem:s18], [sflag:$0x2] =	stream.indirect.gather [hbm4b:s2+s10], $0x80, s28, s10, $0xb8;
	[tilespmem:$0x1C800] =	vst v63  }
0x8e: {  	s3 =	rddreg [dreg:$0x5]  }
0x8f: {  	[tilespmem:s19], [sflag:$0x2] =	stream.indirect.gather [hbm4b:s2+s10], $0x80, s25, s10, $0xb8;
	[tilespmem:$0x1C800] =	vst v63  }
0x90: {  	s30 =	rddreg [dreg:$0x6];
	s29 =	sadd.s32 s31, s3  }
0x91: {  	[hbm4b:s29+s4] =	stream.linear.scatter [tilespmem:s11], [sflag:$0x3], $0x3800, $0x38;
	[tilespmem:$0x1C800] =	vst v63  }
0x92: {  	s5 =	rddreg [dreg:$0x7];
	s30 =	sadd.s32 s31, s30  }
0x93: {  	[hbm4b:s30+s4] =	stream.linear.scatter [tilespmem:s12], [sflag:$0x3], $0x3800, $0x38;
	[tilespmem:$0x1C800] =	vst v63  }
0x94: {  	s3 =	rddreg [dreg:$0x8];
	s0 =	sadd.s32 s31, s5  }
0x95: {  	[hbm4b:s0+s4] =	stream.linear.scatter [tilespmem:s13], [sflag:$0x3], $0x3800, $0x38;
	[tilespmem:$0x1C800] =	vst v63  }
0x96: {  	s31 =	sadd.s32 s31, s3  }
0x97: {  	[hbm4b:s31+s4] =	stream.linear.scatter [tilespmem:s14], [sflag:$0x3], $0x3800, $0x38;
	[tilespmem:$0x1C800] =	vst v63  }
0x98: {  	_ =	swait.ge [sflag:s20], $0x3800  }
0x99: {  	[sflag:s20] =	ssyncset.done $0x0  }
0x9a: {  	[sflag:s20] =	ssyncadd.s32 $0xFFFFC800  }
0x9b: {  	_ =	swait.ge [sflag:s20], $0x3800  }
0x9c: {  	[sflag:s20] =	ssyncset.done $0x0  }
0x9d: {  	[sflag:s20] =	ssyncadd.s32 $0xFFFFC800  }
0x9e: {  	_ =	swait.ge [sflag:s20], $0x3800  }
0x9f: {  	[sflag:s20] =	ssyncset.done $0x0  }
0xa0: {  	[sflag:s20] =	ssyncadd.s32 $0xFFFFC800  }
0xa1: {  	_ =	swait.ge [sflag:s20], $0x3800  }
0xa2: {  	[sflag:s20] =	ssyncset.done $0x0  }
0xa3: {  	[sflag:s20] =	ssyncadd.s32 $0xFFFFC800  }
0xa4: {  	_ =	swait.ge [sflag:s21], $0x3800  }
0xa5: {  	[sflag:s21] =	ssyncset.done $0x0  }
0xa6: {  	[sflag:s21] =	ssyncadd.s32 $0xFFFFC800  }
0xa7: {  	_ =	swait.ge [sflag:s21], $0x3800  }
0xa8: {  	[sflag:s21] =	ssyncset.done $0x0  }
0xa9: {  	[sflag:s21] =	ssyncadd.s32 $0xFFFFC800  }
0xaa: {  	_ =	swait.ge [sflag:s21], $0x3800  }
0xab: {  	[sflag:s21] =	ssyncset.done $0x0  }
0xac: {  	[sflag:s21] =	ssyncadd.s32 $0xFFFFC800  }
0xad: {  	s5 =	smin.u32 s26, $0x5;
	_ =	swait.ge [sflag:s21], $0x3800  }
0xae: {  	s3 =	sshll.u32 s5, $0x7;
	[sflag:s21] =	ssyncset.done $0x0  }
0xaf: {  	s5 =	sadd.s32 $0x100, s3;
	[sflag:s21] =	ssyncadd.s32 $0xFFFFC800  }
0xb0: {  	[tilespmem:s11], [sflag:$0x1] =	stream.indirect.gather [hbm4b:s1+s10], $0x80, s5, s10, $0xb8;
	[tilespmem:$0x1C800] =	vst v63  }
0xb1: {  	s3 =	sadd.s32 $0x500, s3  }
0xb2: {  	[tilespmem:s12], [sflag:$0x1] =	stream.indirect.gather [hbm4b:s1+s10], $0x80, s3, s10, $0xb8;
	[tilespmem:$0x1C800] =	vst v63  }
0xb3: {  	_ = 	snop  }
0xb4: {  	[tilespmem:s13], [sflag:$0x1] =	stream.indirect.gather [hbm4b:s2+s10], $0x80, s5, s10, $0xb8;
	[tilespmem:$0x1C800] =	vst v63  }
0xb5: {  	s24 =	sadd.s32 $0xE00, s24  }
0xb6: {  	[tilespmem:s14], [sflag:$0x1] =	stream.indirect.gather [hbm4b:s2+s10], $0x80, s3, s10, $0xb8;
	[tilespmem:$0x1C800] =	vst v63  }
0xb7: {  	p0 =	sne.s32 s24, $0x3800;
	s29 =	sadd.s32 $0x700, s29  }
0xb8: {  	[hbm4b:s29+s4] =	stream.linear.scatter [tilespmem:s16], [sflag:$0x4], $0x3800, $0x38;
	[tilespmem:$0x1C800] =	vst v63  }
.Ltmp0:
0xb9: {  	s30 =	sadd.s32 $0x700, s30;
	(pc) =	sbr.rel @p0 .LBB2_2-.Ltmp0, $4  }
0xba: {  	[hbm4b:s30+s4] =	stream.linear.scatter [tilespmem:s17], [sflag:$0x4], $0x3800, $0x38;
	[tilespmem:$0x1C800] =	vst v63  }
0xbb: {  	s26 =	sadd.s32 $0x2, s26;
	s0 =	sadd.s32 $0x700, s0  }
0xbc: {  	[hbm4b:s0+s4] =	stream.linear.scatter [tilespmem:s18], [sflag:$0x4], $0x3800, $0x38;
	[tilespmem:$0x1C800] =	vst v63  }
0xbd: {  	s28 =	sadd.s32 $0x100, s28;
	s25 =	sadd.s32 $0x100, s25;
	s0 =	sadd.s32 $0x700, s31  }
0xbe: {  	[hbm4b:s0+s4] =	stream.linear.scatter [tilespmem:s19], [sflag:$0x4], $0x3800, $0x38;
	[tilespmem:$0x1C800] =	vst v63  }
0xbf: {  	_ =	swait.ge [sflag:s15], $0x3800  }
0xc0: {  	[sflag:s15] =	ssyncset.done $0x0  }
0xc1: {  	[sflag:s15] =	ssyncadd.s32 $0xFFFFC800  }
0xc2: {  	_ =	swait.ge [sflag:s15], $0x3800  }
0xc3: {  	[sflag:s15] =	ssyncset.done $0x0  }
0xc4: {  	[sflag:s15] =	ssyncadd.s32 $0xFFFFC800  }
0xc5: {  	_ =	swait.ge [sflag:s15], $0x3800  }
0xc6: {  	[sflag:s15] =	ssyncset.done $0x0  }
0xc7: {  	[sflag:s15] =	ssyncadd.s32 $0xFFFFC800  }
0xc8: {  	_ =	swait.ge [sflag:s15], $0x3800  }
0xc9: {  	[sflag:s15] =	ssyncset.done $0x0  }
0xca: {  	[sflag:s15] =	ssyncadd.s32 $0xFFFFC800  }
0xcb: {  	_ =	swait.ge [sflag:s22], $0x3800  }
0xcc: {  	[sflag:s22] =	ssyncset.done $0x0  }
0xcd: {  	[sflag:s22] =	ssyncadd.s32 $0xFFFFC800  }
0xce: {  	_ =	swait.ge [sflag:s22], $0x3800  }
0xcf: {  	[sflag:s22] =	ssyncset.done $0x0  }
0xd0: {  	s23 =	sadd.s32 $0x1, s23;
	[sflag:s22] =	ssyncadd.s32 $0xFFFFC800  }
0xd1: {  	p0 =	sne.s32 s23, s7;
	_ =	swait.ge [sflag:s22], $0x3800  }
.Ltmp1:
0xd2: {  	[sflag:s22] =	ssyncset.done $0x0;
	(pc) =	sbr.rel @p0 .LBB2_1-.Ltmp1, $4  }
0xd3: {  	[sflag:s22] =	ssyncadd.s32 $0xFFFFC800  }
0xd4: {  	_ =	swait.ge [sflag:s22], $0x3800  }
0xd5: {  	[sflag:s22] =	ssyncset.done $0x0  }
0xd6: {  	[sflag:s22] =	ssyncadd.s32 $0xFFFFC800  }
0xd7: {  	_ =	sfence.sel $0x180000  }
0xd8: {  	[bflag:$0x0] =	sbarrier.arrive $0xFFFF  }
0xd9: {  	_ =	strace $0x90000047  }
0xda: {  	s0 =	stileid.u32;
	[bflag:$0x2] =	sbarrier.arrive $0xFFFF  }
0xdb: {  	p0 =	sne.s32 s0, $0x0;
	s0 =	rddreg [dreg:$0x4]  }
0xdc: {  	s0 =	sadd.s32 @!p0 $0x100000, s0  }
0xdd: {  	[sflag:s0] =	ssyncadd.tile.s32 @!p0 $0x1;
	_ =	shalt  }
.Lfunc_end2:
_tile_overlayer_lowered:
.L_overlay_start_2:
0xde: {  	(tag) =	ssettag $0x2  }
0xdf: {  	s0 =	rddreg [dreg:$0x0];
	s2 =	stileid.u32  }
0xe0: {  	s1 =	rddreg [dreg:$0x1];
	p0 =	sne.s32 s2, $0x0  }
0xe1: {  	s3 =	rddreg [dreg:$0x2];
	[bflag:$0x3] =	sbarrier.arrive $0xFFFF;
	s2 =	simm.s32 @!p0 $0x1C05  }
0xe2: {  	[timem:s3], [sflag:s2] =	dma.local @!p0 [hbm:s0], s1  }
0xe3: {  	s0 =	simm.s32 @!p0 $0x5  }
0xe4: {  	_ =	swait.ge @!p0 [sflag:s0], s1  }
0xe5: {  	s1 =	ssub.s32 @!p0 $0x0, s1;
	[sflag:s0] =	ssyncset.done @!p0 $0x0  }
0xe6: {  	[sflag:s0] =	ssyncadd.s32 @!p0 s1  }
0xe7: {  	[bflag:$0x3] =	sbarrier.arrive $0xFFFF  }
0xe8: {  	_ =	shalt  }

// kernel: kernel.14.cloned.1.call-start
scs
__scs_entry_jumppad:
0x0: {  	(pc) =	sbr.rel $0x88, $3  }
0x1: {  	(tag) =	ssettag $0x0;
	lr =	simm.s32 $0x1  }
0x2: {  	[smem:$0x3F98] =	sst lr;
	_ =	strace $0xD0000000  }
0x3: {  	_ = 	snop  }
0x4: {  	_ = 	snop  }
0x5: {  	_ = 	snop  }
0x6: {  	_ = 	snop  }
0x7: {  	_ = 	snop  }
__scs_overlays_trampoline_lowered:
0x8: {  	[smem:$0x3FA7] =	sst s0  }
0x9: {  	[smem:$0x3FA8] =	sst s1  }
0xa: {  	[smem:$0x3FA9] =	sst s2  }
0xb: {  	[smem:$0x3FAA] =	sst s3  }
0xc: {  	[smem:$0x3FAB] =	sst s4  }
0xd: {  	[smem:$0x3FAC] =	sst s5  }
0xe: {  	[smem:$0x3FAD] =	sst s6  }
0xf: {  	[smem:$0x3FAE] =	sst s7  }
0x10: {  	[smem:$0x3FAF] =	sst s8  }
0x11: {  	[smem:$0x3FB0] =	sst s9;
	s0 =	simm.s32 @!p0 $0x0  }
0x12: {  	s1 =	sld [smem:$0x3F96];
	s0 =	simm.s32 @p0 $0x1  }
0x13: {  	[smem:$0x3FB1] =	sst s0;
	s0 =	simm.s32 @!p1 $0x0  }
0x14: {  	s2 =	sld [smem:$0x3F95];
	s0 =	simm.s32 @p1 $0x1  }
0x15: {  	[smem:$0x3FB2] =	sst s0;
	s0 =	simm.s32 @!p2 $0x0  }
0x16: {  	s3 =	sld [smem:$0x3FDB];
	s0 =	simm.s32 @p2 $0x1  }
0x17: {  	s4 =	simm.s32 $0x1BF5;
	[smem:$0x3FB4] =	sst s0  }
0x18: {  	s0 =	sld [smem:$0x3F97];
	_ =	swait.ge [sflag:s4], $0x0  }
0x19: {  	s7 =	sld [smem:$0x3F98]  }
0x1a: {  	s8 =	sadd.s32 $0xFFFFE003, lr  }
0x1b: {  	s9 =	sadd.s32 $0xFFFFFEF7, lr;
	s5 =	simm.s32 $0xFFFFFFFF;
	p2 =	slt.u32 s8, $0xFFFFF086  }
0x1c: {  	p1 =	slt.u32 s9, $0xF7A;
	s5 =	simm.s32 @!p2 $0x0  }
0x1d: {  	s5 =	simm.s32 @p1 $0x1;
	p0 =	seq.s32 s7, s2  }
0x1e: {  	s7 =	smul.u32 @!p0 $0xF7A, s2;
	p2 =	seq.s32 @!p0 s5, $0x0  }
0x1f: {  	s9 =	smul.u32 $0xF7A, s1;
	s8 =	simm.s32 @!p0 $0x1BF5;
	p2 =	por !p2, p0  }
0x20: {  	[sflag:s8] =	ssyncset.s32 @!p0 $0xFFFFF086;
	s6 =	sadd.s32 @!p0 s3, s7;
	s7 =	simm.s32 @!p0 $0x108  }
0x21: {  	s3 =	sadd.s32 s3, s9;
	s6 =	sadd.s32 @!p0 $0x88, s6;
	s7 =	simm.s32 @p2 $0x1082  }
0x22: {  	[simem:s7], [sflag:s8] =	dma.local @!p0 [hbm:s6], $0xF7A  }
0x23: {  	s9 =	sor.u32 $0xD0000000, s2;
	s6 =	simm.s32 $0x108;
	_ =	swait.ge @!p0 [sflag:s8], $0x0  }
0x24: {  	s3 =	sadd.s32 $0x88, s3;
	s6 =	simm.s32 @!p1 $0x1082;
	[sflag:s4] =	ssyncset.s32 $0xFFFFF086  }
0x25: {  	[simem:s6], [sflag:s4] =	dma.local [hbm:s3], $0xF7A  }
0x26: {  	[smem:$0x3F98] =	sst s1;
	(tag) =	ssettag s2;
	_ =	strace s9  }
0x27: {  	s1 =	sld [smem:$0x3FA8]  }
0x28: {  	s2 =	sld [smem:$0x3FA9]  }
0x29: {  	s4 =	sld [smem:$0x3FAB]  }
0x2a: {  	p0 =	seq.s32 s5, $0x0;
	s5 =	sld [smem:$0x3FAC]  }
0x2b: {  	s6 =	sld [smem:$0x3FAD]  }
0x2c: {  	s7 =	sld [smem:$0x3FAE]  }
0x2d: {  	s3 =	simm.s32 $0x108;
	s8 =	sld [smem:$0x3FAF]  }
0x2e: {  	s3 =	simm.s32 @!p0 $0x1082;
	s9 =	sld [smem:$0x3FB0]  }
0x2f: {  	lr =	sadd.s32 s0, s3;
	s0 =	sld [smem:$0x3FA7]  }
0x30: {  	s3 =	sld [smem:$0x3FAA]  }
0x31: {  	[smem:$0x3FB3] =	sst s10  }
0x32: {  	s10 =	sld [smem:$0x3FB1];
	_ =	sdelay $0x3  }
0x33: {  	p0 =	seq.s32 s10, $0x1;
	s10 =	sld [smem:$0x3FB3];
	_ =	sdelay $0x3  }
0x34: {  	[smem:$0x3FB3] =	sst s10  }
0x35: {  	s10 =	sld [smem:$0x3FB2];
	_ =	sdelay $0x3  }
0x36: {  	p1 =	seq.s32 s10, $0x1;
	s10 =	sld [smem:$0x3FB3];
	_ =	sdelay $0x3  }
0x37: {  	[smem:$0x3FB3] =	sst s10  }
0x38: {  	s10 =	sld [smem:$0x3FB4]  }
0x39: {  	_ = 	snop;
	(pc) =	sbr.ind lr, $3  }
0x3a: {  	_ = 	snop  }
0x3b: {  	_ = 	snop  }
0x3c: {  	p2 =	seq.s32 s10, $0x1;
	s10 =	sld [smem:$0x3FB3]  }
0x3d: {  	_ =	shalt  }
0x3e: {  	_ =	shalt  }
0x3f: {  	_ =	shalt  }
0x40: {  	_ =	shalt  }
0x41: {  	_ =	shalt  }
0x42: {  	_ =	shalt  }
0x43: {  	_ =	shalt  }
0x44: {  	_ =	shalt  }
0x45: {  	_ =	shalt  }
0x46: {  	_ =	shalt  }
0x47: {  	_ =	shalt  }
0x48: {  	_ =	shalt  }
0x49: {  	_ =	shalt  }
0x4a: {  	_ =	shalt  }
0x4b: {  	_ =	shalt  }
0x4c: {  	_ =	shalt  }
0x4d: {  	_ =	shalt  }
0x4e: {  	_ =	shalt  }
0x4f: {  	_ =	shalt  }
0x50: {  	_ =	shalt  }
0x51: {  	_ =	shalt  }
0x52: {  	_ =	shalt  }
0x53: {  	_ =	shalt  }
0x54: {  	_ =	shalt  }
0x55: {  	_ =	shalt  }
0x56: {  	_ =	shalt  }
0x57: {  	_ =	shalt  }
0x58: {  	_ =	shalt  }
0x59: {  	_ =	shalt  }
0x5a: {  	_ =	shalt  }
0x5b: {  	_ =	shalt  }
0x5c: {  	_ =	shalt  }
0x5d: {  	_ =	shalt  }
0x5e: {  	_ =	shalt  }
0x5f: {  	_ =	shalt  }
0x60: {  	_ =	shalt  }
0x61: {  	_ =	shalt  }
0x62: {  	_ =	shalt  }
0x63: {  	_ =	shalt  }
0x64: {  	_ =	shalt  }
0x65: {  	_ =	shalt  }
0x66: {  	_ =	shalt  }
0x67: {  	_ =	shalt  }
0x68: {  	_ =	shalt  }
0x69: {  	_ =	shalt  }
0x6a: {  	_ =	shalt  }
0x6b: {  	_ =	shalt  }
0x6c: {  	_ =	shalt  }
0x6d: {  	_ =	shalt  }
0x6e: {  	_ =	shalt  }
0x6f: {  	_ =	shalt  }
0x70: {  	_ =	shalt  }
0x71: {  	_ =	shalt  }
0x72: {  	_ =	shalt  }
0x73: {  	_ =	shalt  }
0x74: {  	_ =	shalt  }
0x75: {  	_ =	shalt  }
0x76: {  	_ =	shalt  }
0x77: {  	_ =	shalt  }
0x78: {  	_ =	shalt  }
0x79: {  	_ =	shalt  }
0x7a: {  	_ =	shalt  }
0x7b: {  	_ =	shalt  }
0x7c: {  	_ =	shalt  }
0x7d: {  	_ =	shalt  }
0x7e: {  	_ =	shalt  }
0x7f: {  	_ =	shalt  }
0x80: {  	_ =	shalt  }
0x81: {  	_ =	shalt  }
0x82: {  	_ =	shalt  }
0x83: {  	_ =	shalt  }
0x84: {  	_ =	shalt  }
0x85: {  	_ =	shalt  }
0x86: {  	_ =	shalt  }
0x87: {  	_ =	shalt  }
.Lfunc_end0:
.L_simem_size_0:
called_computation.1_lowered:
.L_overlay_start_0:
0x88: {  	s2 =	sld [smem:$0x3FD9]  }
0x89: {  	s3 =	sld [smem:$0x3FFE];
	_ =	sdelay $0x1  }
0x8a: {  	s1 =	srdreg.scid  }
0x8b: {  	s0 =	sand.u32 $0x1, s1  }
0x8c: {  	s17 =	sshll.u32 s0, $0xA;
	s2 =	sadd.s32 s3, s2  }
0x8d: {  	s2 =	sadd.s32 s2, s17  }
0x8e: {  	[smem:$0x3FBF] =	sst s2  }
0x8f: {  	_ = 	snop  }
0x90: {  	(tm) =	ssettm $0x1  }
0x91: {  	s18 =	sld [smem:$0x3FFB];
	_ =	sdelay $0x3  }
0x92: {  	_ =	strace s18  }
0x93: {  	s2 =	sld [smem:$0x3FFC];
	_ =	sdelay $0x3  }
0x94: {  	_ =	strace s2  }
0x95: {  	s2 =	sld [smem:$0x3FFD];
	_ =	sdelay $0x3  }
0x96: {  	_ =	strace s2  }
0x97: {  	_ =	strace $0x8FFFFFFF  }
0x98: {  	s19 =	sld [smem:$0x3FDB];
	_ =	sdelay $0x1  }
0x99: {  	s20 =	simm.s32 $_scs_section_size  }
0x9a: {  	s4 =	simm.s32 $_size__tile_overlayer_lowered;
	s5 =	simm.s32 $_tile_overlayer_lowered  }
0x9b: {  	s6 =	simm.s32 $0x1BFF;
	s21 =	sshll.u32 s5, $0x1;
	s3 =	sadd.s32 s20, s19  }
0x9c: {  	s22 =	simm.s32 $0x0;
	s4 =	sshll.u32 s4, $0x1;
	s5 =	sadd.s32 s21, s3  }
0x9d: {  	[timem:s22], [sflag:s6] =	dma.local [hbm:s5], s4  }
0x9e: {  	_ =	swait.ge [sflag:s6], s4  }
0x9f: {  	s4 =	ssub.s32 $0x0, s4;
	[sflag:s6] =	ssyncset.done $0x0  }
0xa0: {  	[sflag:s6] =	ssyncadd.s32 s4;
	_ =	sdelay $0x1  }
0xa1: {  	s23 =	simm.s32 $0x1B8B  }
0xa2: {  	_ =	swait.ge [sflag:s23], $0x1  }
0xa3: {  	[sflag:s23] =	ssyncset.done $0x0  }
0xa4: {  	[sflag:s23] =	ssyncadd.s32 $0xFFFFFFFF  }
0xa5: {  	s4 =	sld [smem:$0x0]  }
0xa6: {  	s5 =	sand.u32 $0xFFFFFFFE, s1  }
0xa7: {  	p0 =	sne.s32 s1, s5  }
0xa8: {  	s5 =	sshll.u32 @p0 s5, $0xE  }
0xa9: {  	s5 =	sadd.s32 @p0 $0x11B8D, s5;
	s6 =	sshll.u32 @p0 s4, $0x11  }
0xaa: {  	s5 =	sor.u32 @p0 s6, s5  }
0xab: {  	[sflag:s5] =	ssyncadd.remote.s32 @p0 $0x1;
	_ =	sdelay $0x1  }
0xac: {  	s5 =	simm.s32 @p0 $0x1B8D  }
0xad: {  	_ =	swait.eq @p0 [sflag:s5], $0x1  }
0xae: {  	[sflag:s5] =	ssyncadd.s32 @p0 $0xFFFFFFFF  }
0xaf: {  	s6 =	sshll.u32 @!p0 s1, $0xE  }
0xb0: {  	s6 =	sor.u32 @!p0 $0x4000, s6;
	s5 =	simm.s32 @!p0 $0x1B8D  }
0xb1: {  	s4 =	sshll.u32 @!p0 s4, $0x11;
	s6 =	sadd.s32 @!p0 $0x11B8D, s6;
	_ =	swait.eq @!p0 [sflag:s5], $0x1  }
0xb2: {  	s4 =	sor.u32 @!p0 s4, s6;
	[sflag:s5] =	ssyncadd.s32 @!p0 $0xFFFFFFFF  }
0xb3: {  	s25 =	simm.s32 $0x1B8E;
	s24 =	sld [smem:$0x3FFE];
	[sflag:s4] =	ssyncadd.remote.s32 @!p0 $0x1  }
0xb4: {  	s26 =	simm.s32 $execute0_lowered;
	[smem:$0x3FD2] =	sst s25  }
0xb5: {  	s5 =	sshll.u32 s26, $0x1;
	_ =	strace $0x80000049;
	[dreg:$0x1] =	wrdreg $0xFFFFFFFF  }
0xb6: {  	s28 =	simm.s32 $_size_execute0_lowered;
	s3 =	sadd.s32 s3, s5;
	[dreg:$0x0] =	wrdreg $0x0  }
0xb7: {  	s5 =	sshll.u32 s28, $0x1;
	[dreg:$0x2] =	wrdreg s3  }
0xb8: {  	[dreg:$0x3] =	wrdreg s5  }
0xb9: {  	[dreg:$0x4] =	wrdreg $0xC0  }
0xba: {  	_ =	task [dreg:s22], $0x5FFFF  }
0xbb: {  	[dreg:$0x1] =	wrdreg $0xFFFFFFFF  }
0xbc: {  	[dreg:$0x0] =	wrdreg $0x60  }
0xbd: {  	[dreg:$0x2] =	wrdreg s24  }
0xbe: {  	[dreg:$0x3] =	wrdreg $0xA  }
0xbf: {  	_ =	task.clear_ibuf [dreg:s22], $0x4FFFF;
	_ =	strace $0x90000049  }
0xc0: {  	s29 =	simm.s32 $0xA;
	_ =	strace $0x8000004B  }
0xc1: {  	_ =	swait.ge [sflag:s29], $0x1  }
0xc2: {  	[sflag:s29] =	ssyncadd.s32 $0xFFFFFFFF  }
0xc3: {  	_ =	strace $0x9000004B  }
0xc4: {  	_ =	sfence  }
0xc5: {  	s30 =	sld [smem:$0x0];
	_ =	sdelay $0x2  }
0xc6: {  	s31 =	sshll.u32 s1, $0xD;
	s1 =	sshrl.u32 s1, $0x2  }
0xc7: {  	s4 =	sand.u32 $0x4000, s31;
	s1 =	sadd.s32 s1, s30  }
0xc8: {  	s0 =	sor.u32 s4, s0;
	s1 =	sshll.u32 s1, $0x11  }
0xc9: {  	s0 =	sor.u32 s1, s0  }
0xca: {  	s0 =	sadd.s32 $0x8F2B, s0  }
0xcb: {  	[sflag:s0] =	ssyncadd.remote.s32 $0x1  }
0xcc: {  	_ =	sfence.sel $0xFFFF  }
0xcd: {  	[dreg:$0x0] =	wrdreg $0xFFFFFFFF;
	(pc) =	sbr.abs _section_cstart, $3  }
0xce: {  	[dreg:$0x1] =	wrdreg $0xFFFFFFFF  }
0xcf: {  	_ =	task.clear_ibuf [dreg:s22], $0x2FFFF;
	_ =	strace $0x9FFFFFFF  }
0xd0: {  	(tm) =	ssettm $0x7FFFFFFF  }
0xd1: {  	_ =	shalt  }
tec
execute0_lowered:
.L_overlay_start_1:
0x0: {  	(tag) =	ssettag $0x1  }
0x1: {  	s0 =	srdreg.scid;
	s17 =	stileid.u32  }
0x2: {  	s1 =	rddreg [dreg:$0x0];
	s2 =	simm.s32 $0x0;
	s31 =	simm.s32 $0x5  }
0x3: {  	s30 =	simm.s32 $0x400;
	s29 =	simm.s32 $0x480;
	s28 =	simm.s32 $0x100  }
0x4: {  	p0 =	por $0x0, $0x0;
	s0 =	sand.u32 $0x1, s0;
	s3 =	sshll.u32 s17, $0x1  }
0x5: {  	[smem:$0x7FF] =	sst s2;
	s7 =	sadd.s32 $0x2E0800, s1;
	s3 =	sor.u32 s0, s3  }
0x6: {  	_ =	strace $0x8000004A;
	s0 =	ssub.s32 $0x2, s0;
	s4 =	sshll.u32 s3, $0x7  }
0x7: {  	s6 =	smul.u32 $0x3800, s3;
	s3 =	sadd.s32 $0x157E00, s1;
	s21 =	sshrl.u32 s0, $0x1  }
0x8: {  	s4 =	sadd.s32 s4, s1;
	s0 =	ssub.s32 s0, s21;
	s21 =	simm.s32 $0x280  }
0x9: {  	s5 =	sadd.s32 $0x2DE800, s4;
	s26 =	sadd.s32 $0x2DF800, s4;
	s4 =	sadd.s32 s7, s6  }
0xa: {  	s9 =	sor.u32 $0x700, s6;
	s12 =	sadd.s32 $0xE00, s6;
	s16 =	sadd.s32 $0x1C00, s6  }
0xb: {  	s20 =	sadd.s32 $0x2300, s6;
	s24 =	sadd.s32 $0x2A00, s6;
	[dreg:$0x2] =	wrdreg s5  }
0xc: {  	s0 =	smax.u32 s0, $0x1;
	s5 =	sadd.s32 $0x350800, s1;
	[dreg:$0x3] =	wrdreg s26  }
0xd: {  	[dreg:$0x4] =	wrdreg s4;
	s10 =	sadd.s32 s7, s9;
	s13 =	sadd.s32 s7, s12  }
0xe: {  	s18 =	sadd.s32 s7, s16;
	s22 =	sadd.s32 s7, s20;
	[dreg:$0x6] =	wrdreg s10  }
0xf: {  	s25 =	sadd.s32 s7, s24;
	s1 =	simm.s32 $0x80;
	[dreg:$0x8] =	wrdreg s13  }
0x10: {  	p1 =	sne.s32 s0, $0x1;
	s8 =	sadd.s32 s5, s6;
	[dreg:$0xc] =	wrdreg s18  }
0x11: {  	s11 =	sadd.s32 s5, s9;
	s4 =	sadd.s32 s5, s12;
	[dreg:$0xe] =	wrdreg s22  }
0x12: {  	s19 =	sadd.s32 s5, s16;
	s23 =	sadd.s32 s5, s20;
	[dreg:$0x10] =	wrdreg s25  }
0x13: {  	s26 =	sadd.s32 s5, s24;
	s9 =	simm.s32 $0x800;
	s10 =	simm.s32 $0x4000  }
0x14: {  	s12 =	simm.s32 $0xB000;
	s13 =	simm.s32 $0x3;
	[dreg:$0x5] =	wrdreg s8  }
0x15: {  	s25 =	simm.s32 $0x180;
	s24 =	simm.s32 $0x580;
	[dreg:$0x7] =	wrdreg s11  }
0x16: {  	s22 =	simm.s32 $0x600;
	s20 =	simm.s32 $0x680;
	[dreg:$0x9] =	wrdreg s4  }
0x17: {  	s18 =	simm.s32 $0x700;
	s16 =	simm.s32 $0x780;
	[dreg:$0xd] =	wrdreg s19  }
0x18: {  	s8 =	sadd.s32 $0x1500, s6;
	[dreg:$0xf] =	wrdreg s23;
	s6 =	sadd.s32 $0x3100, s6  }
0x19: {  	[dreg:$0x11] =	wrdreg s26;
	s11 =	simm.s32 $0x7800;
	s23 =	simm.s32 $0x200  }
.Ltmp0:
0x1a: {  	s26 =	sadd.s32 $0xFFFFFFFF, s0;
	s19 =	simm.s32 $0x300;
	(pc) =	sbr.rel @!p1 .LBB2_1-.Ltmp0, $4  }
0x1b: {  	s0 =	rddreg [dreg:$0x2];
	s14 =	sadd.s32 s7, s8;
	s15 =	sadd.s32 s5, s8  }
0x1c: {  	s4 =	sadd.s32 s7, s6;
	s5 =	sadd.s32 s5, s6;
	s8 =	simm.s32 $0x70  }
0x1d: {  	s6 =	simm.s32 $0x1;
	s7 =	simm.s32 $0x4;
	[dreg:$0xa] =	wrdreg s14  }
0x1e: {  	[dreg:$0xb] =	wrdreg s15;
	s14 =	simm.s32 $0x2;
	s15 =	simm.s32 $0x380  }
0x1f: {  	[tilespmem:s2], [sflag:$0x5] =	stream.linear.gather [hbm4b:s0+s2], $0x400, $0x38;
	[tilespmem:$0xE800] =	vst v63  }
0x20: {  	_ =	swait.ge [sflag:s31], $0x400  }
0x21: {  	[sflag:s31] =	ssyncset.done $0x0  }
0x22: {  	s17 =	rddreg [dreg:$0x3];
	[sflag:s31] =	ssyncadd.s32 $0xFFFFFC00  }
0x23: {  	[tilespmem:s30], [sflag:$0x5] =	stream.linear.gather [hbm4b:s17+s2], $0x400, $0x38;
	[tilespmem:$0xE800] =	vst v63  }
0x24: {  	_ =	swait.ge [sflag:s31], $0x400  }
0x25: {  	[sflag:s31] =	ssyncset.done $0x0  }
0x26: {  	[sflag:s31] =	ssyncadd.s32 $0xFFFFFC00  }
0x27: {  	[tilespmem:s9], [sflag:$0x1] =	stream.indirect.gather [hbm4b:s3+s8], $0x80, s2, s8, $0xb8;
	[tilespmem:$0xE800] =	vst v63  }
0x28: {  	_ = 	snop  }
0x29: {  	[tilespmem:s10], [sflag:$0x1] =	stream.indirect.gather [hbm4b:s3+s8], $0x80, s30, s8, $0xb8;
	[tilespmem:$0xE800] =	vst v63  }
0x2a: {  	_ =	swait.ge [sflag:s6], $0x3800  }
0x2b: {  	[sflag:s6] =	ssyncset.done $0x0  }
0x2c: {  	[sflag:s6] =	ssyncadd.s32 $0xFFFFC800  }
0x2d: {  	_ =	swait.ge [sflag:s6], $0x3800  }
0x2e: {  	[sflag:s6] =	ssyncset.done $0x0  }
0x2f: {  	[sflag:s6] =	ssyncadd.s32 $0xFFFFC800  }
0x30: {  	[tilespmem:s11], [sflag:$0x2] =	stream.indirect.gather [hbm4b:s3+s8], $0x80, s1, s8, $0xb8;
	[tilespmem:$0xE800] =	vst v63  }
0x31: {  	_ = 	snop  }
0x32: {  	[tilespmem:s12], [sflag:$0x2] =	stream.indirect.gather [hbm4b:s3+s8], $0x80, s29, s8, $0xb8;
	[tilespmem:$0xE800] =	vst v63  }
0x33: {  	s0 =	rddreg [dreg:$0x4]  }
0x34: {  	[hbm4b:s0+s2] =	stream.linear.scatter [tilespmem:s9], [sflag:$0x3], $0x3800, $0x38;
	[tilespmem:$0xE800] =	vst v63  }
0x35: {  	s1 =	rddreg [dreg:$0x5]  }
0x36: {  	[hbm4b:s1+s2] =	stream.linear.scatter [tilespmem:s10], [sflag:$0x3], $0x3800, $0x38;
	[tilespmem:$0xE800] =	vst v63  }
0x37: {  	_ =	swait.ge [sflag:s14], $0x3800  }
0x38: {  	[sflag:s14] =	ssyncset.done $0x0  }
0x39: {  	[sflag:s14] =	ssyncadd.s32 $0xFFFFC800  }
0x3a: {  	_ =	swait.ge [sflag:s14], $0x3800  }
0x3b: {  	[sflag:s14] =	ssyncset.done $0x0  }
0x3c: {  	[sflag:s14] =	ssyncadd.s32 $0xFFFFC800  }
0x3d: {  	_ =	swait.ge [sflag:s13], $0x3800  }
0x3e: {  	[sflag:s13] =	ssyncset.done $0x0  }
0x3f: {  	[sflag:s13] =	ssyncadd.s32 $0xFFFFC800  }
0x40: {  	_ =	swait.ge [sflag:s13], $0x3800  }
0x41: {  	[sflag:s13] =	ssyncset.done $0x0  }
0x42: {  	[sflag:s13] =	ssyncadd.s32 $0xFFFFC800  }
0x43: {  	[tilespmem:s9], [sflag:$0x1] =	stream.indirect.gather [hbm4b:s3+s8], $0x80, s28, s8, $0xb8;
	[tilespmem:$0xE800] =	vst v63  }
0x44: {  	s1 =	simm.s32 $0x500  }
0x45: {  	[tilespmem:s10], [sflag:$0x1] =	stream.indirect.gather [hbm4b:s3+s8], $0x80, s1, s8, $0xb8;
	[tilespmem:$0xE800] =	vst v63  }
0x46: {  	s0 =	rddreg [dreg:$0x6]  }
0x47: {  	[hbm4b:s0+s2] =	stream.linear.scatter [tilespmem:s11], [sflag:$0x4], $0x3800, $0x38;
	[tilespmem:$0xE800] =	vst v63  }
0x48: {  	s1 =	rddreg [dreg:$0x7]  }
0x49: {  	[hbm4b:s1+s2] =	stream.linear.scatter [tilespmem:s12], [sflag:$0x4], $0x3800, $0x38;
	[tilespmem:$0xE800] =	vst v63  }
0x4a: {  	_ =	swait.ge [sflag:s6], $0x3800  }
0x4b: {  	[sflag:s6] =	ssyncset.done $0x0  }
0x4c: {  	[sflag:s6] =	ssyncadd.s32 $0xFFFFC800  }
0x4d: {  	_ =	swait.ge [sflag:s6], $0x3800  }
0x4e: {  	[sflag:s6] =	ssyncset.done $0x0  }
0x4f: {  	[sflag:s6] =	ssyncadd.s32 $0xFFFFC800  }
0x50: {  	_ =	swait.ge [sflag:s7], $0x3800  }
0x51: {  	[sflag:s7] =	ssyncset.done $0x0  }
0x52: {  	[sflag:s7] =	ssyncadd.s32 $0xFFFFC800  }
0x53: {  	_ =	swait.ge [sflag:s7], $0x3800  }
0x54: {  	[sflag:s7] =	ssyncset.done $0x0  }
0x55: {  	[sflag:s7] =	ssyncadd.s32 $0xFFFFC800  }
0x56: {  	[tilespmem:s11], [sflag:$0x2] =	stream.indirect.gather [hbm4b:s3+s8], $0x80, s25, s8, $0xb8;
	[tilespmem:$0xE800] =	vst v63  }
0x57: {  	_ = 	snop  }
0x58: {  	[tilespmem:s12], [sflag:$0x2] =	stream.indirect.gather [hbm4b:s3+s8], $0x80, s24, s8, $0xb8;
	[tilespmem:$0xE800] =	vst v63  }
0x59: {  	s0 =	rddreg [dreg:$0x8]  }
0x5a: {  	[hbm4b:s0+s2] =	stream.linear.scatter [tilespmem:s9], [sflag:$0x3], $0x3800, $0x38;
	[tilespmem:$0xE800] =	vst v63  }
0x5b: {  	s1 =	rddreg [dreg:$0x9]  }
0x5c: {  	[hbm4b:s1+s2] =	stream.linear.scatter [tilespmem:s10], [sflag:$0x3], $0x3800, $0x38;
	[tilespmem:$0xE800] =	vst v63  }
0x5d: {  	_ =	swait.ge [sflag:s14], $0x3800  }
0x5e: {  	[sflag:s14] =	ssyncset.done $0x0  }
0x5f: {  	[sflag:s14] =	ssyncadd.s32 $0xFFFFC800  }
0x60: {  	_ =	swait.ge [sflag:s14], $0x3800  }
0x61: {  	[sflag:s14] =	ssyncset.done $0x0  }
0x62: {  	[sflag:s14] =	ssyncadd.s32 $0xFFFFC800  }
0x63: {  	_ =	swait.ge [sflag:s13], $0x3800  }
0x64: {  	[sflag:s13] =	ssyncset.done $0x0  }
0x65: {  	[sflag:s13] =	ssyncadd.s32 $0xFFFFC800  }
0x66: {  	_ =	swait.ge [sflag:s13], $0x3800  }
0x67: {  	[sflag:s13] =	ssyncset.done $0x0  }
0x68: {  	[sflag:s13] =	ssyncadd.s32 $0xFFFFC800  }
0x69: {  	[tilespmem:s9], [sflag:$0x1] =	stream.indirect.gather [hbm4b:s3+s8], $0x80, s23, s8, $0xb8;
	[tilespmem:$0xE800] =	vst v63  }
0x6a: {  	_ = 	snop  }
0x6b: {  	[tilespmem:s10], [sflag:$0x1] =	stream.indirect.gather [hbm4b:s3+s8], $0x80, s22, s8, $0xb8;
	[tilespmem:$0xE800] =	vst v63  }
0x6c: {  	s0 =	rddreg [dreg:$0xa]  }
0x6d: {  	[hbm4b:s0+s2] =	stream.linear.scatter [tilespmem:s11], [sflag:$0x4], $0x3800, $0x38;
	[tilespmem:$0xE800] =	vst v63  }
0x6e: {  	s1 =	rddreg [dreg:$0xb]  }
0x6f: {  	[hbm4b:s1+s2] =	stream.linear.scatter [tilespmem:s12], [sflag:$0x4], $0x3800, $0x38;
	[tilespmem:$0xE800] =	vst v63  }
0x70: {  	_ =	swait.ge [sflag:s6], $0x3800  }
0x71: {  	[sflag:s6] =	ssyncset.done $0x0  }
0x72: {  	[sflag:s6] =	ssyncadd.s32 $0xFFFFC800  }
0x73: {  	_ =	swait.ge [sflag:s6], $0x3800  }
0x74: {  	[sflag:s6] =	ssyncset.done $0x0  }
0x75: {  	[sflag:s6] =	ssyncadd.s32 $0xFFFFC800  }
0x76: {  	_ =	swait.ge [sflag:s7], $0x3800  }
0x77: {  	[sflag:s7] =	ssyncset.done $0x0  }
0x78: {  	[sflag:s7] =	ssyncadd.s32 $0xFFFFC800  }
0x79: {  	_ =	swait.ge [sflag:s7], $0x3800  }
0x7a: {  	[sflag:s7] =	ssyncset.done $0x0  }
0x7b: {  	[sflag:s7] =	ssyncadd.s32 $0xFFFFC800  }
0x7c: {  	[tilespmem:s11], [sflag:$0x2] =	stream.indirect.gather [hbm4b:s3+s8], $0x80, s21, s8, $0xb8;
	[tilespmem:$0xE800] =	vst v63  }
0x7d: {  	_ = 	snop  }
0x7e: {  	[tilespmem:s12], [sflag:$0x2] =	stream.indirect.gather [hbm4b:s3+s8], $0x80, s20, s8, $0xb8;
	[tilespmem:$0xE800] =	vst v63  }
0x7f: {  	s0 =	rddreg [dreg:$0xc]  }
0x80: {  	[hbm4b:s0+s2] =	stream.linear.scatter [tilespmem:s9], [sflag:$0x3], $0x3800, $0x38;
	[tilespmem:$0xE800] =	vst v63  }
0x81: {  	s1 =	rddreg [dreg:$0xd]  }
0x82: {  	[hbm4b:s1+s2] =	stream.linear.scatter [tilespmem:s10], [sflag:$0x3], $0x3800, $0x38;
	[tilespmem:$0xE800] =	vst v63  }
0x83: {  	_ =	swait.ge [sflag:s14], $0x3800  }
0x84: {  	[sflag:s14] =	ssyncset.done $0x0  }
0x85: {  	[sflag:s14] =	ssyncadd.s32 $0xFFFFC800  }
0x86: {  	_ =	swait.ge [sflag:s14], $0x3800  }
0x87: {  	[sflag:s14] =	ssyncset.done $0x0  }
0x88: {  	[sflag:s14] =	ssyncadd.s32 $0xFFFFC800  }
0x89: {  	_ =	swait.ge [sflag:s13], $0x3800  }
0x8a: {  	[sflag:s13] =	ssyncset.done $0x0  }
0x8b: {  	[sflag:s13] =	ssyncadd.s32 $0xFFFFC800  }
0x8c: {  	_ =	swait.ge [sflag:s13], $0x3800  }
0x8d: {  	[sflag:s13] =	ssyncset.done $0x0  }
0x8e: {  	[sflag:s13] =	ssyncadd.s32 $0xFFFFC800  }
0x8f: {  	[tilespmem:s9], [sflag:$0x1] =	stream.indirect.gather [hbm4b:s3+s8], $0x80, s19, s8, $0xb8;
	[tilespmem:$0xE800] =	vst v63  }
0x90: {  	_ = 	snop  }
0x91: {  	[tilespmem:s10], [sflag:$0x1] =	stream.indirect.gather [hbm4b:s3+s8], $0x80, s18, s8, $0xb8;
	[tilespmem:$0xE800] =	vst v63  }
0x92: {  	s0 =	rddreg [dreg:$0xe]  }
0x93: {  	[hbm4b:s0+s2] =	stream.linear.scatter [tilespmem:s11], [sflag:$0x4], $0x3800, $0x38;
	[tilespmem:$0xE800] =	vst v63  }
0x94: {  	s1 =	rddreg [dreg:$0xf]  }
0x95: {  	[hbm4b:s1+s2] =	stream.linear.scatter [tilespmem:s12], [sflag:$0x4], $0x3800, $0x38;
	[tilespmem:$0xE800] =	vst v63  }
0x96: {  	_ =	swait.ge [sflag:s6], $0x3800  }
0x97: {  	[sflag:s6] =	ssyncset.done $0x0  }
0x98: {  	[sflag:s6] =	ssyncadd.s32 $0xFFFFC800  }
0x99: {  	_ =	swait.ge [sflag:s6], $0x3800  }
0x9a: {  	[sflag:s6] =	ssyncset.done $0x0  }
0x9b: {  	[sflag:s6] =	ssyncadd.s32 $0xFFFFC800  }
0x9c: {  	_ =	swait.ge [sflag:s7], $0x3800  }
0x9d: {  	[sflag:s7] =	ssyncset.done $0x0  }
0x9e: {  	[sflag:s7] =	ssyncadd.s32 $0xFFFFC800  }
0x9f: {  	_ =	swait.ge [sflag:s7], $0x3800  }
0xa0: {  	[sflag:s7] =	ssyncset.done $0x0  }
0xa1: {  	[sflag:s7] =	ssyncadd.s32 $0xFFFFC800  }
0xa2: {  	[tilespmem:s11], [sflag:$0x2] =	stream.indirect.gather [hbm4b:s3+s8], $0x80, s15, s8, $0xb8;
	[tilespmem:$0xE800] =	vst v63  }
0xa3: {  	_ = 	snop  }
0xa4: {  	[tilespmem:s12], [sflag:$0x2] =	stream.indirect.gather [hbm4b:s3+s8], $0x80, s16, s8, $0xb8;
	[tilespmem:$0xE800] =	vst v63  }
0xa5: {  	s0 =	rddreg [dreg:$0x10]  }
0xa6: {  	[hbm4b:s0+s2] =	stream.linear.scatter [tilespmem:s9], [sflag:$0x3], $0x3800, $0x38;
	[tilespmem:$0xE800] =	vst v63  }
0xa7: {  	s1 =	rddreg [dreg:$0x11]  }
0xa8: {  	[hbm4b:s1+s2] =	stream.linear.scatter [tilespmem:s10], [sflag:$0x3], $0x3800, $0x38;
	[tilespmem:$0xE800] =	vst v63  }
0xa9: {  	_ =	swait.ge [sflag:s14], $0x3800  }
0xaa: {  	[sflag:s14] =	ssyncset.done $0x0  }
0xab: {  	[sflag:s14] =	ssyncadd.s32 $0xFFFFC800  }
0xac: {  	_ =	swait.ge [sflag:s14], $0x3800  }
0xad: {  	[sflag:s14] =	ssyncset.done $0x0  }
0xae: {  	[sflag:s14] =	ssyncadd.s32 $0xFFFFC800  }
0xaf: {  	_ =	swait.ge [sflag:s13], $0x3800  }
0xb0: {  	[sflag:s13] =	ssyncset.done $0x0  }
0xb1: {  	[sflag:s13] =	ssyncadd.s32 $0xFFFFC800  }
0xb2: {  	_ =	swait.ge [sflag:s13], $0x3800  }
0xb3: {  	[sflag:s13] =	ssyncset.done $0x0  }
0xb4: {  	[sflag:s13] =	ssyncadd.s32 $0xFFFFC800  }
0xb5: {  	[tilespmem:s9], [sflag:$0x1] =	stream.indirect.gather [hbm4b:s3+s8], $0x80, s15, s8, $0xb8;
	[tilespmem:$0xE800] =	vst v63  }
0xb6: {  	_ = 	snop  }
0xb7: {  	[tilespmem:s10], [sflag:$0x1] =	stream.indirect.gather [hbm4b:s3+s8], $0x80, s16, s8, $0xb8;
	[tilespmem:$0xE800] =	vst v63  }
0xb8: {  	_ = 	snop  }
0xb9: {  	[hbm4b:s4+s2] =	stream.linear.scatter [tilespmem:s11], [sflag:$0x4], $0x3800, $0x38;
	[tilespmem:$0xE800] =	vst v63  }
0xba: {  	_ = 	snop  }
0xbb: {  	[hbm4b:s5+s2] =	stream.linear.scatter [tilespmem:s12], [sflag:$0x4], $0x3800, $0x38;
	[tilespmem:$0xE800] =	vst v63  }
0xbc: {  	_ =	swait.ge [sflag:s6], $0x3800  }
0xbd: {  	[sflag:s6] =	ssyncset.done $0x0  }
0xbe: {  	[sflag:s6] =	ssyncadd.s32 $0xFFFFC800  }
0xbf: {  	_ =	swait.ge [sflag:s6], $0x3800  }
0xc0: {  	s17 =	smov.u32 s26;
	[sflag:s6] =	ssyncset.done $0x0  }
0xc1: {  	p1 =	sne.s32 s17, $0x1;
	[sflag:s6] =	ssyncadd.s32 $0xFFFFC800  }
.Ltmp1:
0xc2: {  	_ =	swait.ge [sflag:s7], $0x3800;
	(pc) =	sbr.rel @!p1 .LBB2_3-.Ltmp1, $4  }
0xc3: {  	[sflag:s7] =	ssyncset.done $0x0  }
0xc4: {  	p0 =	por $0x1, $0x1;
	[sflag:s7] =	ssyncadd.s32 $0xFFFFC800  }
0xc5: {  	s26 =	simm.s32 $0x480;
	s29 =	simm.s32 $0x80;
	_ =	swait.ge [sflag:s7], $0x3800  }
0xc6: {  	s1 =	sadd.s32 $0xFFFFFFFF, s17;
	s0 =	rddreg [dreg:$0x2];
	[sflag:s7] =	ssyncset.done $0x0  }
.LBB2_4:
0xc7: {  	[sflag:s7] =	ssyncadd.s32 $0xFFFFC800  }
0xc8: {  	[tilespmem:s2], [sflag:$0x5] =	stream.linear.gather [hbm4b:s0+s2], $0x400, $0x38;
	[tilespmem:$0xE800] =	vst v63  }
0xc9: {  	_ =	swait.ge [sflag:s31], $0x400  }
0xca: {  	[sflag:s31] =	ssyncset.done $0x0  }
0xcb: {  	s17 =	rddreg [dreg:$0x3];
	[sflag:s31] =	ssyncadd.s32 $0xFFFFFC00  }
0xcc: {  	[tilespmem:s30], [sflag:$0x5] =	stream.linear.gather [hbm4b:s17+s2], $0x400, $0x38;
	[tilespmem:$0xE800] =	vst v63  }
0xcd: {  	_ =	swait.ge [sflag:s31], $0x400  }
0xce: {  	[sflag:s31] =	ssyncset.done $0x0  }
0xcf: {  	[sflag:s31] =	ssyncadd.s32 $0xFFFFFC00  }
0xd0: {  	[tilespmem:s9], [sflag:$0x1] =	stream.indirect.gather [hbm4b:s3+s8], $0x80, s2, s8, $0xb8;
	[tilespmem:$0xE800] =	vst v63  }
0xd1: {  	_ = 	snop  }
0xd2: {  	[tilespmem:s10], [sflag:$0x1] =	stream.indirect.gather [hbm4b:s3+s8], $0x80, s30, s8, $0xb8;
	[tilespmem:$0xE800] =	vst v63  }
0xd3: {  	_ =	swait.ge [sflag:s6], $0x3800  }
0xd4: {  	[sflag:s6] =	ssyncset.done $0x0  }
0xd5: {  	[sflag:s6] =	ssyncadd.s32 $0xFFFFC800  }
0xd6: {  	_ =	swait.ge [sflag:s6], $0x3800  }
0xd7: {  	[sflag:s6] =	ssyncset.done $0x0  }
0xd8: {  	[sflag:s6] =	ssyncadd.s32 $0xFFFFC800  }
0xd9: {  	[tilespmem:s11], [sflag:$0x2] =	stream.indirect.gather [hbm4b:s3+s8], $0x80, s29, s8, $0xb8;
	[tilespmem:$0xE800] =	vst v63  }
0xda: {  	_ = 	snop  }
0xdb: {  	[tilespmem:s12], [sflag:$0x2] =	stream.indirect.gather [hbm4b:s3+s8], $0x80, s26, s8, $0xb8;
	[tilespmem:$0xE800] =	vst v63  }
0xdc: {  	s0 =	rddreg [dreg:$0x4]  }
0xdd: {  	[hbm4b:s0+s2] =	stream.linear.scatter [tilespmem:s9], [sflag:$0x3], $0x3800, $0x38;
	[tilespmem:$0xE800] =	vst v63  }
0xde: {  	s17 =	rddreg [dreg:$0x5]  }
0xdf: {  	[hbm4b:s17+s2] =	stream.linear.scatter [tilespmem:s10], [sflag:$0x3], $0x3800, $0x38;
	[tilespmem:$0xE800] =	vst v63  }
0xe0: {  	_ =	swait.ge [sflag:s14], $0x3800  }
0xe1: {  	[sflag:s14] =	ssyncset.done $0x0  }
0xe2: {  	[sflag:s14] =	ssyncadd.s32 $0xFFFFC800  }
0xe3: {  	_ =	swait.ge [sflag:s14], $0x3800  }
0xe4: {  	[sflag:s14] =	ssyncset.done $0x0  }
0xe5: {  	[sflag:s14] =	ssyncadd.s32 $0xFFFFC800  }
0xe6: {  	_ =	swait.ge [sflag:s13], $0x3800  }
0xe7: {  	[sflag:s13] =	ssyncset.done $0x0  }
0xe8: {  	[sflag:s13] =	ssyncadd.s32 $0xFFFFC800  }
0xe9: {  	_ =	swait.ge [sflag:s13], $0x3800  }
0xea: {  	[sflag:s13] =	ssyncset.done $0x0  }
0xeb: {  	[sflag:s13] =	ssyncadd.s32 $0xFFFFC800  }
0xec: {  	[tilespmem:s9], [sflag:$0x1] =	stream.indirect.gather [hbm4b:s3+s8], $0x80, s28, s8, $0xb8;
	[tilespmem:$0xE800] =	vst v63  }
0xed: {  	s17 =	simm.s32 $0x500  }
0xee: {  	[tilespmem:s10], [sflag:$0x1] =	stream.indirect.gather [hbm4b:s3+s8], $0x80, s17, s8, $0xb8;
	[tilespmem:$0xE800] =	vst v63  }
0xef: {  	s0 =	rddreg [dreg:$0x6]  }
0xf0: {  	[hbm4b:s0+s2] =	stream.linear.scatter [tilespmem:s11], [sflag:$0x4], $0x3800, $0x38;
	[tilespmem:$0xE800] =	vst v63  }
0xf1: {  	s17 =	rddreg [dreg:$0x7]  }
0xf2: {  	[hbm4b:s17+s2] =	stream.linear.scatter [tilespmem:s12], [sflag:$0x4], $0x3800, $0x38;
	[tilespmem:$0xE800] =	vst v63  }
0xf3: {  	_ =	swait.ge [sflag:s6], $0x3800  }
0xf4: {  	[sflag:s6] =	ssyncset.done $0x0  }
0xf5: {  	[sflag:s6] =	ssyncadd.s32 $0xFFFFC800  }
0xf6: {  	_ =	swait.ge [sflag:s6], $0x3800  }
0xf7: {  	[sflag:s6] =	ssyncset.done $0x0  }
0xf8: {  	[sflag:s6] =	ssyncadd.s32 $0xFFFFC800  }
0xf9: {  	_ =	swait.ge [sflag:s7], $0x3800  }
0xfa: {  	[sflag:s7] =	ssyncset.done $0x0  }
0xfb: {  	[sflag:s7] =	ssyncadd.s32 $0xFFFFC800  }
0xfc: {  	_ =	swait.ge [sflag:s7], $0x3800  }
0xfd: {  	[sflag:s7] =	ssyncset.done $0x0  }
0xfe: {  	[sflag:s7] =	ssyncadd.s32 $0xFFFFC800  }
0xff: {  	[tilespmem:s11], [sflag:$0x2] =	stream.indirect.gather [hbm4b:s3+s8], $0x80, s25, s8, $0xb8;
	[tilespmem:$0xE800] =	vst v63  }
0x100: {  	_ = 	snop  }
0x101: {  	[tilespmem:s12], [sflag:$0x2] =	stream.indirect.gather [hbm4b:s3+s8], $0x80, s24, s8, $0xb8;
	[tilespmem:$0xE800] =	vst v63  }
0x102: {  	s0 =	rddreg [dreg:$0x8]  }
0x103: {  	[hbm4b:s0+s2] =	stream.linear.scatter [tilespmem:s9], [sflag:$0x3], $0x3800, $0x38;
	[tilespmem:$0xE800] =	vst v63  }
0x104: {  	s17 =	rddreg [dreg:$0x9]  }
0x105: {  	[hbm4b:s17+s2] =	stream.linear.scatter [tilespmem:s10], [sflag:$0x3], $0x3800, $0x38;
	[tilespmem:$0xE800] =	vst v63  }
0x106: {  	_ =	swait.ge [sflag:s14], $0x3800  }
0x107: {  	[sflag:s14] =	ssyncset.done $0x0  }
0x108: {  	[sflag:s14] =	ssyncadd.s32 $0xFFFFC800  }
0x109: {  	_ =	swait.ge [sflag:s14], $0x3800  }
0x10a: {  	[sflag:s14] =	ssyncset.done $0x0  }
0x10b: {  	[sflag:s14] =	ssyncadd.s32 $0xFFFFC800  }
0x10c: {  	_ =	swait.ge [sflag:s13], $0x3800  }
0x10d: {  	[sflag:s13] =	ssyncset.done $0x0  }
0x10e: {  	[sflag:s13] =	ssyncadd.s32 $0xFFFFC800  }
0x10f: {  	_ =	swait.ge [sflag:s13], $0x3800  }
0x110: {  	[sflag:s13] =	ssyncset.done $0x0  }
0x111: {  	[sflag:s13] =	ssyncadd.s32 $0xFFFFC800  }
0x112: {  	[tilespmem:s9], [sflag:$0x1] =	stream.indirect.gather [hbm4b:s3+s8], $0x80, s23, s8, $0xb8;
	[tilespmem:$0xE800] =	vst v63  }
0x113: {  	_ = 	snop  }
0x114: {  	[tilespmem:s10], [sflag:$0x1] =	stream.indirect.gather [hbm4b:s3+s8], $0x80, s22, s8, $0xb8;
	[tilespmem:$0xE800] =	vst v63  }
0x115: {  	s0 =	rddreg [dreg:$0xa]  }
0x116: {  	[hbm4b:s0+s2] =	stream.linear.scatter [tilespmem:s11], [sflag:$0x4], $0x3800, $0x38;
	[tilespmem:$0xE800] =	vst v63  }
0x117: {  	s17 =	rddreg [dreg:$0xb]  }
0x118: {  	[hbm4b:s17+s2] =	stream.linear.scatter [tilespmem:s12], [sflag:$0x4], $0x3800, $0x38;
	[tilespmem:$0xE800] =	vst v63  }
0x119: {  	_ =	swait.ge [sflag:s6], $0x3800  }
0x11a: {  	[sflag:s6] =	ssyncset.done $0x0  }
0x11b: {  	[sflag:s6] =	ssyncadd.s32 $0xFFFFC800  }
0x11c: {  	_ =	swait.ge [sflag:s6], $0x3800  }
0x11d: {  	[sflag:s6] =	ssyncset.done $0x0  }
0x11e: {  	[sflag:s6] =	ssyncadd.s32 $0xFFFFC800  }
0x11f: {  	_ =	swait.ge [sflag:s7], $0x3800  }
0x120: {  	[sflag:s7] =	ssyncset.done $0x0  }
0x121: {  	[sflag:s7] =	ssyncadd.s32 $0xFFFFC800  }
0x122: {  	_ =	swait.ge [sflag:s7], $0x3800  }
0x123: {  	[sflag:s7] =	ssyncset.done $0x0  }
0x124: {  	[sflag:s7] =	ssyncadd.s32 $0xFFFFC800  }
0x125: {  	[tilespmem:s11], [sflag:$0x2] =	stream.indirect.gather [hbm4b:s3+s8], $0x80, s21, s8, $0xb8;
	[tilespmem:$0xE800] =	vst v63  }
0x126: {  	_ = 	snop  }
0x127: {  	[tilespmem:s12], [sflag:$0x2] =	stream.indirect.gather [hbm4b:s3+s8], $0x80, s20, s8, $0xb8;
	[tilespmem:$0xE800] =	vst v63  }
0x128: {  	s0 =	rddreg [dreg:$0xc]  }
0x129: {  	[hbm4b:s0+s2] =	stream.linear.scatter [tilespmem:s9], [sflag:$0x3], $0x3800, $0x38;
	[tilespmem:$0xE800] =	vst v63  }
0x12a: {  	s17 =	rddreg [dreg:$0xd]  }
0x12b: {  	[hbm4b:s17+s2] =	stream.linear.scatter [tilespmem:s10], [sflag:$0x3], $0x3800, $0x38;
	[tilespmem:$0xE800] =	vst v63  }
0x12c: {  	_ =	swait.ge [sflag:s14], $0x3800  }
0x12d: {  	[sflag:s14] =	ssyncset.done $0x0  }
0x12e: {  	[sflag:s14] =	ssyncadd.s32 $0xFFFFC800  }
0x12f: {  	_ =	swait.ge [sflag:s14], $0x3800  }
0x130: {  	[sflag:s14] =	ssyncset.done $0x0  }
0x131: {  	[sflag:s14] =	ssyncadd.s32 $0xFFFFC800  }
0x132: {  	_ =	swait.ge [sflag:s13], $0x3800  }
0x133: {  	[sflag:s13] =	ssyncset.done $0x0  }
0x134: {  	[sflag:s13] =	ssyncadd.s32 $0xFFFFC800  }
0x135: {  	_ =	swait.ge [sflag:s13], $0x3800  }
0x136: {  	[sflag:s13] =	ssyncset.done $0x0  }
0x137: {  	[sflag:s13] =	ssyncadd.s32 $0xFFFFC800  }
0x138: {  	[tilespmem:s9], [sflag:$0x1] =	stream.indirect.gather [hbm4b:s3+s8], $0x80, s19, s8, $0xb8;
	[tilespmem:$0xE800] =	vst v63  }
0x139: {  	_ = 	snop  }
0x13a: {  	[tilespmem:s10], [sflag:$0x1] =	stream.indirect.gather [hbm4b:s3+s8], $0x80, s18, s8, $0xb8;
	[tilespmem:$0xE800] =	vst v63  }
0x13b: {  	s0 =	rddreg [dreg:$0xe]  }
0x13c: {  	[hbm4b:s0+s2] =	stream.linear.scatter [tilespmem:s11], [sflag:$0x4], $0x3800, $0x38;
	[tilespmem:$0xE800] =	vst v63  }
0x13d: {  	s17 =	rddreg [dreg:$0xf]  }
0x13e: {  	[hbm4b:s17+s2] =	stream.linear.scatter [tilespmem:s12], [sflag:$0x4], $0x3800, $0x38;
	[tilespmem:$0xE800] =	vst v63  }
0x13f: {  	_ =	swait.ge [sflag:s6], $0x3800  }
0x140: {  	[sflag:s6] =	ssyncset.done $0x0  }
0x141: {  	[sflag:s6] =	ssyncadd.s32 $0xFFFFC800  }
0x142: {  	_ =	swait.ge [sflag:s6], $0x3800  }
0x143: {  	[sflag:s6] =	ssyncset.done $0x0  }
0x144: {  	[sflag:s6] =	ssyncadd.s32 $0xFFFFC800  }
0x145: {  	_ =	swait.ge [sflag:s7], $0x3800  }
0x146: {  	[sflag:s7] =	ssyncset.done $0x0  }
0x147: {  	[sflag:s7] =	ssyncadd.s32 $0xFFFFC800  }
0x148: {  	_ =	swait.ge [sflag:s7], $0x3800  }
0x149: {  	[sflag:s7] =	ssyncset.done $0x0  }
0x14a: {  	[sflag:s7] =	ssyncadd.s32 $0xFFFFC800  }
0x14b: {  	[tilespmem:s11], [sflag:$0x2] =	stream.indirect.gather [hbm4b:s3+s8], $0x80, s15, s8, $0xb8;
	[tilespmem:$0xE800] =	vst v63  }
0x14c: {  	_ = 	snop  }
0x14d: {  	[tilespmem:s12], [sflag:$0x2] =	stream.indirect.gather [hbm4b:s3+s8], $0x80, s16, s8, $0xb8;
	[tilespmem:$0xE800] =	vst v63  }
0x14e: {  	s0 =	rddreg [dreg:$0x10]  }
0x14f: {  	[hbm4b:s0+s2] =	stream.linear.scatter [tilespmem:s9], [sflag:$0x3], $0x3800, $0x38;
	[tilespmem:$0xE800] =	vst v63  }
0x150: {  	s17 =	rddreg [dreg:$0x11]  }
0x151: {  	[hbm4b:s17+s2] =	stream.linear.scatter [tilespmem:s10], [sflag:$0x3], $0x3800, $0x38;
	[tilespmem:$0xE800] =	vst v63  }
0x152: {  	_ =	swait.ge [sflag:s14], $0x3800  }
0x153: {  	[sflag:s14] =	ssyncset.done $0x0  }
0x154: {  	[sflag:s14] =	ssyncadd.s32 $0xFFFFC800  }
0x155: {  	_ =	swait.ge [sflag:s14], $0x3800  }
0x156: {  	[sflag:s14] =	ssyncset.done $0x0  }
0x157: {  	[sflag:s14] =	ssyncadd.s32 $0xFFFFC800  }
0x158: {  	_ =	swait.ge [sflag:s13], $0x3800  }
0x159: {  	[sflag:s13] =	ssyncset.done $0x0  }
0x15a: {  	[sflag:s13] =	ssyncadd.s32 $0xFFFFC800  }
0x15b: {  	_ =	swait.ge [sflag:s13], $0x3800  }
0x15c: {  	[sflag:s13] =	ssyncset.done $0x0  }
0x15d: {  	[sflag:s13] =	ssyncadd.s32 $0xFFFFC800  }
0x15e: {  	[tilespmem:s9], [sflag:$0x1] =	stream.indirect.gather [hbm4b:s3+s8], $0x80, s15, s8, $0xb8;
	[tilespmem:$0xE800] =	vst v63  }
0x15f: {  	_ = 	snop  }
0x160: {  	[tilespmem:s10], [sflag:$0x1] =	stream.indirect.gather [hbm4b:s3+s8], $0x80, s16, s8, $0xb8;
	[tilespmem:$0xE800] =	vst v63  }
0x161: {  	_ = 	snop  }
0x162: {  	[hbm4b:s4+s2] =	stream.linear.scatter [tilespmem:s11], [sflag:$0x4], $0x3800, $0x38;
	[tilespmem:$0xE800] =	vst v63  }
0x163: {  	_ = 	snop  }
0x164: {  	[hbm4b:s5+s2] =	stream.linear.scatter [tilespmem:s12], [sflag:$0x4], $0x3800, $0x38;
	[tilespmem:$0xE800] =	vst v63  }
0x165: {  	_ =	swait.ge [sflag:s6], $0x3800  }
0x166: {  	[sflag:s6] =	ssyncset.done $0x0  }
0x167: {  	[sflag:s6] =	ssyncadd.s32 $0xFFFFC800  }
0x168: {  	_ =	swait.ge [sflag:s6], $0x3800  }
0x169: {  	[sflag:s6] =	ssyncset.done $0x0  }
0x16a: {  	p1 =	sne.s32 s1, $0x1;
	[sflag:s6] =	ssyncadd.s32 $0xFFFFC800  }
.Ltmp2:
0x16b: {  	_ =	swait.ge [sflag:s7], $0x3800;
	(pc) =	sbr.rel @p1 .LBB2_4-.Ltmp2, $4  }
0x16c: {  	[sflag:s7] =	ssyncset.done $0x0  }
0x16d: {  	[sflag:s7] =	ssyncadd.s32 $0xFFFFC800  }
0x16e: {  	_ =	swait.ge [sflag:s7], $0x3800  }
0x16f: {  	s1 =	sadd.s32 $0xFFFFFFFF, s1;
	s0 =	rddreg [dreg:$0x2];
	[sflag:s7] =	ssyncset.done $0x0  }
0x170: {  	s28 =	simm.s32 $0x100  }
0x171: {  	s26 =	simm.s32 $0x500;
	s25 =	simm.s32 $0x180;
	s24 =	simm.s32 $0x580  }
0x172: {  	s23 =	simm.s32 $0x200;
	s22 =	simm.s32 $0x600;
	s21 =	simm.s32 $0x280  }
0x173: {  	s20 =	simm.s32 $0x680;
	s19 =	simm.s32 $0x300;
	s18 =	simm.s32 $0x700  }
0x174: {  	s17 =	stileid.u32;
	s1 =	simm.s32 $0x80;
	s29 =	simm.s32 $0x480  }
.LBB2_6:
0x175: {  	[sflag:s7] =	ssyncadd.s32 @p0 $0xFFFFC800  }
0x176: {  	[tilespmem:s2], [sflag:$0x5] =	stream.linear.gather [hbm4b:s0+s2], $0x400, $0x38;
	[tilespmem:$0xE800] =	vst v63  }
0x177: {  	_ =	swait.ge [sflag:s31], $0x400  }
0x178: {  	[sflag:s31] =	ssyncset.done $0x0  }
0x179: {  	s0 =	rddreg [dreg:$0x3];
	[sflag:s31] =	ssyncadd.s32 $0xFFFFFC00  }
0x17a: {  	[tilespmem:s30], [sflag:$0x5] =	stream.linear.gather [hbm4b:s0+s2], $0x400, $0x38;
	[tilespmem:$0xE800] =	vst v63  }
0x17b: {  	_ =	swait.ge [sflag:s31], $0x400  }
0x17c: {  	[sflag:s31] =	ssyncset.done $0x0  }
0x17d: {  	[sflag:s31] =	ssyncadd.s32 $0xFFFFFC00  }
0x17e: {  	[tilespmem:s9], [sflag:$0x1] =	stream.indirect.gather [hbm4b:s3+s8], $0x80, s2, s8, $0xb8;
	[tilespmem:$0xE800] =	vst v63  }
0x17f: {  	_ = 	snop  }
0x180: {  	[tilespmem:s10], [sflag:$0x1] =	stream.indirect.gather [hbm4b:s3+s8], $0x80, s30, s8, $0xb8;
	[tilespmem:$0xE800] =	vst v63  }
0x181: {  	_ =	swait.ge [sflag:s6], $0x3800  }
0x182: {  	[sflag:s6] =	ssyncset.done $0x0  }
0x183: {  	[sflag:s6] =	ssyncadd.s32 $0xFFFFC800  }
0x184: {  	_ =	swait.ge [sflag:s6], $0x3800  }
0x185: {  	[sflag:s6] =	ssyncset.done $0x0  }
0x186: {  	[sflag:s6] =	ssyncadd.s32 $0xFFFFC800  }
0x187: {  	[tilespmem:s11], [sflag:$0x2] =	stream.indirect.gather [hbm4b:s3+s8], $0x80, s1, s8, $0xb8;
	[tilespmem:$0xE800] =	vst v63  }
0x188: {  	_ = 	snop  }
0x189: {  	[tilespmem:s12], [sflag:$0x2] =	stream.indirect.gather [hbm4b:s3+s8], $0x80, s29, s8, $0xb8;
	[tilespmem:$0xE800] =	vst v63  }
0x18a: {  	s30 =	rddreg [dreg:$0x4]  }
0x18b: {  	[hbm4b:s30+s2] =	stream.linear.scatter [tilespmem:s9], [sflag:$0x3], $0x3800, $0x38;
	[tilespmem:$0xE800] =	vst v63  }
0x18c: {  	s31 =	rddreg [dreg:$0x5]  }
0x18d: {  	[hbm4b:s31+s2] =	stream.linear.scatter [tilespmem:s10], [sflag:$0x3], $0x3800, $0x38;
	[tilespmem:$0xE800] =	vst v63  }
0x18e: {  	_ =	swait.ge [sflag:s14], $0x3800  }
0x18f: {  	[sflag:s14] =	ssyncset.done $0x0  }
0x190: {  	[sflag:s14] =	ssyncadd.s32 $0xFFFFC800  }
0x191: {  	_ =	swait.ge [sflag:s14], $0x3800  }
0x192: {  	[sflag:s14] =	ssyncset.done $0x0  }
0x193: {  	[sflag:s14] =	ssyncadd.s32 $0xFFFFC800  }
0x194: {  	_ =	swait.ge [sflag:s13], $0x3800  }
0x195: {  	[sflag:s13] =	ssyncset.done $0x0  }
0x196: {  	[sflag:s13] =	ssyncadd.s32 $0xFFFFC800  }
0x197: {  	_ =	swait.ge [sflag:s13], $0x3800  }
0x198: {  	[sflag:s13] =	ssyncset.done $0x0  }
0x199: {  	[sflag:s13] =	ssyncadd.s32 $0xFFFFC800  }
0x19a: {  	[tilespmem:s9], [sflag:$0x1] =	stream.indirect.gather [hbm4b:s3+s8], $0x80, s28, s8, $0xb8;
	[tilespmem:$0xE800] =	vst v63  }
0x19b: {  	_ = 	snop  }
0x19c: {  	[tilespmem:s10], [sflag:$0x1] =	stream.indirect.gather [hbm4b:s3+s8], $0x80, s26, s8, $0xb8;
	[tilespmem:$0xE800] =	vst v63  }
0x19d: {  	s28 =	rddreg [dreg:$0x6]  }
0x19e: {  	[hbm4b:s28+s2] =	stream.linear.scatter [tilespmem:s11], [sflag:$0x4], $0x3800, $0x38;
	[tilespmem:$0xE800] =	vst v63  }
0x19f: {  	s29 =	rddreg [dreg:$0x7]  }
0x1a0: {  	[hbm4b:s29+s2] =	stream.linear.scatter [tilespmem:s12], [sflag:$0x4], $0x3800, $0x38;
	[tilespmem:$0xE800] =	vst v63  }
0x1a1: {  	_ =	swait.ge [sflag:s6], $0x3800  }
0x1a2: {  	[sflag:s6] =	ssyncset.done $0x0  }
0x1a3: {  	[sflag:s6] =	ssyncadd.s32 $0xFFFFC800  }
0x1a4: {  	_ =	swait.ge [sflag:s6], $0x3800  }
0x1a5: {  	[sflag:s6] =	ssyncset.done $0x0  }
0x1a6: {  	[sflag:s6] =	ssyncadd.s32 $0xFFFFC800  }
0x1a7: {  	_ =	swait.ge [sflag:s7], $0x3800  }
0x1a8: {  	[sflag:s7] =	ssyncset.done $0x0  }
0x1a9: {  	[sflag:s7] =	ssyncadd.s32 $0xFFFFC800  }
0x1aa: {  	_ =	swait.ge [sflag:s7], $0x3800  }
0x1ab: {  	[sflag:s7] =	ssyncset.done $0x0  }
0x1ac: {  	[sflag:s7] =	ssyncadd.s32 $0xFFFFC800  }
0x1ad: {  	[tilespmem:s11], [sflag:$0x2] =	stream.indirect.gather [hbm4b:s3+s8], $0x80, s25, s8, $0xb8;
	[tilespmem:$0xE800] =	vst v63  }
0x1ae: {  	_ = 	snop  }
0x1af: {  	[tilespmem:s12], [sflag:$0x2] =	stream.indirect.gather [hbm4b:s3+s8], $0x80, s24, s8, $0xb8;
	[tilespmem:$0xE800] =	vst v63  }
0x1b0: {  	s30 =	rddreg [dreg:$0x8]  }
0x1b1: {  	[hbm4b:s30+s2] =	stream.linear.scatter [tilespmem:s9], [sflag:$0x3], $0x3800, $0x38;
	[tilespmem:$0xE800] =	vst v63  }
0x1b2: {  	s31 =	rddreg [dreg:$0x9]  }
0x1b3: {  	[hbm4b:s31+s2] =	stream.linear.scatter [tilespmem:s10], [sflag:$0x3], $0x3800, $0x38;
	[tilespmem:$0xE800] =	vst v63  }
0x1b4: {  	_ =	swait.ge [sflag:s14], $0x3800  }
0x1b5: {  	[sflag:s14] =	ssyncset.done $0x0  }
0x1b6: {  	[sflag:s14] =	ssyncadd.s32 $0xFFFFC800  }
0x1b7: {  	_ =	swait.ge [sflag:s14], $0x3800  }
0x1b8: {  	[sflag:s14] =	ssyncset.done $0x0  }
0x1b9: {  	[sflag:s14] =	ssyncadd.s32 $0xFFFFC800  }
0x1ba: {  	_ =	swait.ge [sflag:s13], $0x3800  }
0x1bb: {  	[sflag:s13] =	ssyncset.done $0x0  }
0x1bc: {  	[sflag:s13] =	ssyncadd.s32 $0xFFFFC800  }
0x1bd: {  	_ =	swait.ge [sflag:s13], $0x3800  }
0x1be: {  	[sflag:s13] =	ssyncset.done $0x0  }
0x1bf: {  	[sflag:s13] =	ssyncadd.s32 $0xFFFFC800  }
0x1c0: {  	[tilespmem:s9], [sflag:$0x1] =	stream.indirect.gather [hbm4b:s3+s8], $0x80, s23, s8, $0xb8;
	[tilespmem:$0xE800] =	vst v63  }
0x1c1: {  	_ = 	snop  }
0x1c2: {  	[tilespmem:s10], [sflag:$0x1] =	stream.indirect.gather [hbm4b:s3+s8], $0x80, s22, s8, $0xb8;
	[tilespmem:$0xE800] =	vst v63  }
0x1c3: {  	s23 =	rddreg [dreg:$0xa]  }
0x1c4: {  	[hbm4b:s23+s2] =	stream.linear.scatter [tilespmem:s11], [sflag:$0x4], $0x3800, $0x38;
	[tilespmem:$0xE800] =	vst v63  }
0x1c5: {  	s24 =	rddreg [dreg:$0xb]  }
0x1c6: {  	[hbm4b:s24+s2] =	stream.linear.scatter [tilespmem:s12], [sflag:$0x4], $0x3800, $0x38;
	[tilespmem:$0xE800] =	vst v63  }
0x1c7: {  	_ =	swait.ge [sflag:s6], $0x3800  }
0x1c8: {  	[sflag:s6] =	ssyncset.done $0x0  }
0x1c9: {  	[sflag:s6] =	ssyncadd.s32 $0xFFFFC800  }
0x1ca: {  	_ =	swait.ge [sflag:s6], $0x3800  }
0x1cb: {  	[sflag:s6] =	ssyncset.done $0x0  }
0x1cc: {  	[sflag:s6] =	ssyncadd.s32 $0xFFFFC800  }
0x1cd: {  	_ =	swait.ge [sflag:s7], $0x3800  }
0x1ce: {  	[sflag:s7] =	ssyncset.done $0x0  }
0x1cf: {  	[sflag:s7] =	ssyncadd.s32 $0xFFFFC800  }
0x1d0: {  	_ =	swait.ge [sflag:s7], $0x3800  }
0x1d1: {  	[sflag:s7] =	ssyncset.done $0x0  }
0x1d2: {  	[sflag:s7] =	ssyncadd.s32 $0xFFFFC800  }
0x1d3: {  	[tilespmem:s11], [sflag:$0x2] =	stream.indirect.gather [hbm4b:s3+s8], $0x80, s21, s8, $0xb8;
	[tilespmem:$0xE800] =	vst v63  }
0x1d4: {  	_ = 	snop  }
0x1d5: {  	[tilespmem:s12], [sflag:$0x2] =	stream.indirect.gather [hbm4b:s3+s8], $0x80, s20, s8, $0xb8;
	[tilespmem:$0xE800] =	vst v63  }
0x1d6: {  	s25 =	rddreg [dreg:$0xc]  }
0x1d7: {  	[hbm4b:s25+s2] =	stream.linear.scatter [tilespmem:s9], [sflag:$0x3], $0x3800, $0x38;
	[tilespmem:$0xE800] =	vst v63  }
0x1d8: {  	s26 =	rddreg [dreg:$0xd]  }
0x1d9: {  	[hbm4b:s26+s2] =	stream.linear.scatter [tilespmem:s10], [sflag:$0x3], $0x3800, $0x38;
	[tilespmem:$0xE800] =	vst v63  }
0x1da: {  	_ =	swait.ge [sflag:s14], $0x3800  }
0x1db: {  	[sflag:s14] =	ssyncset.done $0x0  }
0x1dc: {  	[sflag:s14] =	ssyncadd.s32 $0xFFFFC800  }
0x1dd: {  	_ =	swait.ge [sflag:s14], $0x3800  }
0x1de: {  	[sflag:s14] =	ssyncset.done $0x0  }
0x1df: {  	[sflag:s14] =	ssyncadd.s32 $0xFFFFC800  }
0x1e0: {  	_ =	swait.ge [sflag:s13], $0x3800  }
0x1e1: {  	[sflag:s13] =	ssyncset.done $0x0  }
0x1e2: {  	[sflag:s13] =	ssyncadd.s32 $0xFFFFC800  }
0x1e3: {  	_ =	swait.ge [sflag:s13], $0x3800  }
0x1e4: {  	[sflag:s13] =	ssyncset.done $0x0  }
0x1e5: {  	[sflag:s13] =	ssyncadd.s32 $0xFFFFC800  }
0x1e6: {  	[tilespmem:s9], [sflag:$0x1] =	stream.indirect.gather [hbm4b:s3+s8], $0x80, s19, s8, $0xb8;
	[tilespmem:$0xE800] =	vst v63  }
0x1e7: {  	_ = 	snop  }
0x1e8: {  	[tilespmem:s10], [sflag:$0x1] =	stream.indirect.gather [hbm4b:s3+s8], $0x80, s18, s8, $0xb8;
	[tilespmem:$0xE800] =	vst v63  }
0x1e9: {  	s28 =	rddreg [dreg:$0xe]  }
0x1ea: {  	[hbm4b:s28+s2] =	stream.linear.scatter [tilespmem:s11], [sflag:$0x4], $0x3800, $0x38;
	[tilespmem:$0xE800] =	vst v63  }
0x1eb: {  	s29 =	rddreg [dreg:$0xf]  }
0x1ec: {  	[hbm4b:s29+s2] =	stream.linear.scatter [tilespmem:s12], [sflag:$0x4], $0x3800, $0x38;
	[tilespmem:$0xE800] =	vst v63  }
0x1ed: {  	_ =	swait.ge [sflag:s6], $0x3800  }
0x1ee: {  	[sflag:s6] =	ssyncset.done $0x0  }
0x1ef: {  	[sflag:s6] =	ssyncadd.s32 $0xFFFFC800  }
0x1f0: {  	_ =	swait.ge [sflag:s6], $0x3800  }
0x1f1: {  	[sflag:s6] =	ssyncset.done $0x0  }
0x1f2: {  	[sflag:s6] =	ssyncadd.s32 $0xFFFFC800  }
0x1f3: {  	_ =	swait.ge [sflag:s7], $0x3800  }
0x1f4: {  	[sflag:s7] =	ssyncset.done $0x0  }
0x1f5: {  	[sflag:s7] =	ssyncadd.s32 $0xFFFFC800  }
0x1f6: {  	_ =	swait.ge [sflag:s7], $0x3800  }
0x1f7: {  	[sflag:s7] =	ssyncset.done $0x0  }
0x1f8: {  	[sflag:s7] =	ssyncadd.s32 $0xFFFFC800  }
0x1f9: {  	[tilespmem:s11], [sflag:$0x2] =	stream.indirect.gather [hbm4b:s3+s8], $0x80, s15, s8, $0xb8;
	[tilespmem:$0xE800] =	vst v63  }
0x1fa: {  	_ = 	snop  }
0x1fb: {  	[tilespmem:s12], [sflag:$0x2] =	stream.indirect.gather [hbm4b:s3+s8], $0x80, s16, s8, $0xb8;
	[tilespmem:$0xE800] =	vst v63  }
0x1fc: {  	s30 =	rddreg [dreg:$0x10]  }
0x1fd: {  	[hbm4b:s30+s2] =	stream.linear.scatter [tilespmem:s9], [sflag:$0x3], $0x3800, $0x38;
	[tilespmem:$0xE800] =	vst v63  }
0x1fe: {  	s31 =	rddreg [dreg:$0x11]  }
0x1ff: {  	[hbm4b:s31+s2] =	stream.linear.scatter [tilespmem:s10], [sflag:$0x3], $0x3800, $0x38;
	[tilespmem:$0xE800] =	vst v63  }
0x200: {  	_ =	swait.ge [sflag:s14], $0x3800  }
0x201: {  	[sflag:s14] =	ssyncset.done $0x0  }
0x202: {  	[sflag:s14] =	ssyncadd.s32 $0xFFFFC800  }
0x203: {  	_ =	swait.ge [sflag:s14], $0x3800  }
0x204: {  	[sflag:s14] =	ssyncset.done $0x0  }
0x205: {  	[sflag:s14] =	ssyncadd.s32 $0xFFFFC800  }
0x206: {  	_ =	swait.ge [sflag:s13], $0x3800  }
0x207: {  	[sflag:s13] =	ssyncset.done $0x0  }
0x208: {  	[sflag:s13] =	ssyncadd.s32 $0xFFFFC800  }
0x209: {  	_ =	swait.ge [sflag:s13], $0x3800  }
0x20a: {  	[sflag:s13] =	ssyncset.done $0x0  }
0x20b: {  	[sflag:s13] =	ssyncadd.s32 $0xFFFFC800  }
0x20c: {  	[tilespmem:s9], [sflag:$0x1] =	stream.indirect.gather [hbm4b:s3+s8], $0x80, s15, s8, $0xb8;
	[tilespmem:$0xE800] =	vst v63  }
0x20d: {  	_ = 	snop  }
0x20e: {  	[tilespmem:s10], [sflag:$0x1] =	stream.indirect.gather [hbm4b:s3+s8], $0x80, s16, s8, $0xb8;
	[tilespmem:$0xE800] =	vst v63  }
0x20f: {  	_ = 	snop  }
0x210: {  	[hbm4b:s4+s2] =	stream.linear.scatter [tilespmem:s11], [sflag:$0x4], $0x3800, $0x38;
	[tilespmem:$0xE800] =	vst v63  }
0x211: {  	_ = 	snop  }
0x212: {  	[hbm4b:s5+s2] =	stream.linear.scatter [tilespmem:s12], [sflag:$0x4], $0x3800, $0x38;
	[tilespmem:$0xE800] =	vst v63  }
0x213: {  	_ =	swait.ge [sflag:s6], $0x3800  }
0x214: {  	[sflag:s6] =	ssyncset.done $0x0  }
0x215: {  	[sflag:s6] =	ssyncadd.s32 $0xFFFFC800  }
0x216: {  	_ =	swait.ge [sflag:s6], $0x3800  }
0x217: {  	[sflag:s6] =	ssyncset.done $0x0  }
0x218: {  	[sflag:s6] =	ssyncadd.s32 $0xFFFFC800  }
0x219: {  	_ =	swait.ge [sflag:s7], $0x3800  }
0x21a: {  	[sflag:s7] =	ssyncset.done $0x0  }
0x21b: {  	[sflag:s7] =	ssyncadd.s32 $0xFFFFC800  }
0x21c: {  	_ =	swait.ge [sflag:s7], $0x3800  }
0x21d: {  	[sflag:s7] =	ssyncset.done $0x0  }
0x21e: {  	[sflag:s7] =	ssyncadd.s32 $0xFFFFC800  }
0x21f: {  	_ =	sfence.sel $0x180000  }
0x220: {  	[bflag:$0x0] =	sbarrier.arrive $0xFFFF  }
0x221: {  	_ =	strace $0x9000004A  }
0x222: {  	[bflag:$0x2] =	sbarrier.arrive $0xFFFF  }
0x223: {  	p0 =	sne.s32 s17, $0x0;
	s0 =	rddreg [dreg:$0x1]  }
0x224: {  	s0 =	sadd.s32 @!p0 $0x100000, s0  }
0x225: {  	[sflag:s0] =	ssyncadd.tile.s32 @!p0 $0x1;
	_ =	shalt  }
.LBB2_1:
.Ltmp3:
0x226: {  	(pc) =	sbr.rel .LBB2_6-.Ltmp3, $4  }
0x227: {  	s28 =	simm.s32 $0x100  }
0x228: {  	s26 =	simm.s32 $0x500;
	s25 =	simm.s32 $0x180;
	s24 =	simm.s32 $0x580  }
0x229: {  	s23 =	simm.s32 $0x200;
	s22 =	simm.s32 $0x600;
	s21 =	simm.s32 $0x280  }
0x22a: {  	s20 =	simm.s32 $0x680;
	s19 =	simm.s32 $0x300;
	s18 =	simm.s32 $0x700  }
.LBB2_3:
.Ltmp4:
0x22b: {  	s28 =	simm.s32 $0x100;
	(pc) =	sbr.rel .LBB2_6-.Ltmp4, $4  }
0x22c: {  	s26 =	simm.s32 $0x500;
	s25 =	simm.s32 $0x180;
	s24 =	simm.s32 $0x580  }
0x22d: {  	s23 =	simm.s32 $0x200;
	s22 =	simm.s32 $0x600;
	s21 =	simm.s32 $0x280  }
0x22e: {  	s20 =	simm.s32 $0x680;
	s19 =	simm.s32 $0x300;
	s18 =	simm.s32 $0x700  }
0x22f: {  	s17 =	stileid.u32;
	s1 =	simm.s32 $0x80;
	s29 =	simm.s32 $0x480  }
.Lfunc_end2:
_tile_overlayer_lowered:
.L_overlay_start_2:
0x230: {  	(tag) =	ssettag $0x2  }
0x231: {  	s0 =	rddreg [dreg:$0x0];
	s2 =	stileid.u32  }
0x232: {  	s1 =	rddreg [dreg:$0x1];
	p0 =	sne.s32 s2, $0x0  }
0x233: {  	s3 =	rddreg [dreg:$0x2];
	[bflag:$0x3] =	sbarrier.arrive $0xFFFF;
	s2 =	simm.s32 @!p0 $0x1C05  }
0x234: {  	[timem:s3], [sflag:s2] =	dma.local @!p0 [hbm:s0], s1  }
0x235: {  	s0 =	simm.s32 @!p0 $0x5  }
0x236: {  	_ =	swait.ge @!p0 [sflag:s0], s1  }
0x237: {  	s1 =	ssub.s32 @!p0 $0x0, s1;
	[sflag:s0] =	ssyncset.done @!p0 $0x0  }
0x238: {  	[sflag:s0] =	ssyncadd.s32 @!p0 s1  }
0x239: {  	[bflag:$0x3] =	sbarrier.arrive $0xFFFF  }
0x23a: {  	_ =	shalt  }

// kernel: kernel.17.cloned.1.call-start
scs
__scs_entry_jumppad:
0x0: {  	(pc) =	sbr.rel $0x88, $3  }
0x1: {  	(tag) =	ssettag $0x0;
	lr =	simm.s32 $0x1  }
0x2: {  	[smem:$0x3F98] =	sst lr;
	_ =	strace $0xD0000000  }
0x3: {  	_ = 	snop  }
0x4: {  	_ = 	snop  }
0x5: {  	_ = 	snop  }
0x6: {  	_ = 	snop  }
0x7: {  	_ = 	snop  }
__scs_overlays_trampoline_lowered:
0x8: {  	[smem:$0x3FA7] =	sst s0  }
0x9: {  	[smem:$0x3FA8] =	sst s1  }
0xa: {  	[smem:$0x3FA9] =	sst s2  }
0xb: {  	[smem:$0x3FAA] =	sst s3  }
0xc: {  	[smem:$0x3FAB] =	sst s4  }
0xd: {  	[smem:$0x3FAC] =	sst s5  }
0xe: {  	[smem:$0x3FAD] =	sst s6  }
0xf: {  	[smem:$0x3FAE] =	sst s7  }
0x10: {  	[smem:$0x3FAF] =	sst s8  }
0x11: {  	[smem:$0x3FB0] =	sst s9;
	s0 =	simm.s32 @!p0 $0x0  }
0x12: {  	s1 =	sld [smem:$0x3F96];
	s0 =	simm.s32 @p0 $0x1  }
0x13: {  	[smem:$0x3FB1] =	sst s0;
	s0 =	simm.s32 @!p1 $0x0  }
0x14: {  	s2 =	sld [smem:$0x3F95];
	s0 =	simm.s32 @p1 $0x1  }
0x15: {  	[smem:$0x3FB2] =	sst s0;
	s0 =	simm.s32 @!p2 $0x0  }
0x16: {  	s3 =	sld [smem:$0x3FDB];
	s0 =	simm.s32 @p2 $0x1  }
0x17: {  	s4 =	simm.s32 $0x1BF5;
	[smem:$0x3FB4] =	sst s0  }
0x18: {  	s0 =	sld [smem:$0x3F97];
	_ =	swait.ge [sflag:s4], $0x0  }
0x19: {  	s7 =	sld [smem:$0x3F98]  }
0x1a: {  	s8 =	sadd.s32 $0xFFFFE003, lr  }
0x1b: {  	s9 =	sadd.s32 $0xFFFFFEF7, lr;
	s5 =	simm.s32 $0xFFFFFFFF;
	p2 =	slt.u32 s8, $0xFFFFF086  }
0x1c: {  	p1 =	slt.u32 s9, $0xF7A;
	s5 =	simm.s32 @!p2 $0x0  }
0x1d: {  	s5 =	simm.s32 @p1 $0x1;
	p0 =	seq.s32 s7, s2  }
0x1e: {  	s7 =	smul.u32 @!p0 $0xF7A, s2;
	p2 =	seq.s32 @!p0 s5, $0x0  }
0x1f: {  	s9 =	smul.u32 $0xF7A, s1;
	s8 =	simm.s32 @!p0 $0x1BF5;
	p2 =	por !p2, p0  }
0x20: {  	[sflag:s8] =	ssyncset.s32 @!p0 $0xFFFFF086;
	s6 =	sadd.s32 @!p0 s3, s7;
	s7 =	simm.s32 @!p0 $0x108  }
0x21: {  	s3 =	sadd.s32 s3, s9;
	s6 =	sadd.s32 @!p0 $0x88, s6;
	s7 =	simm.s32 @p2 $0x1082  }
0x22: {  	[simem:s7], [sflag:s8] =	dma.local @!p0 [hbm:s6], $0xF7A  }
0x23: {  	s9 =	sor.u32 $0xD0000000, s2;
	s6 =	simm.s32 $0x108;
	_ =	swait.ge @!p0 [sflag:s8], $0x0  }
0x24: {  	s3 =	sadd.s32 $0x88, s3;
	s6 =	simm.s32 @!p1 $0x1082;
	[sflag:s4] =	ssyncset.s32 $0xFFFFF086  }
0x25: {  	[simem:s6], [sflag:s4] =	dma.local [hbm:s3], $0xF7A  }
0x26: {  	[smem:$0x3F98] =	sst s1;
	(tag) =	ssettag s2;
	_ =	strace s9  }
0x27: {  	s1 =	sld [smem:$0x3FA8]  }
0x28: {  	s2 =	sld [smem:$0x3FA9]  }
0x29: {  	s4 =	sld [smem:$0x3FAB]  }
0x2a: {  	p0 =	seq.s32 s5, $0x0;
	s5 =	sld [smem:$0x3FAC]  }
0x2b: {  	s6 =	sld [smem:$0x3FAD]  }
0x2c: {  	s7 =	sld [smem:$0x3FAE]  }
0x2d: {  	s3 =	simm.s32 $0x108;
	s8 =	sld [smem:$0x3FAF]  }
0x2e: {  	s3 =	simm.s32 @!p0 $0x1082;
	s9 =	sld [smem:$0x3FB0]  }
0x2f: {  	lr =	sadd.s32 s0, s3;
	s0 =	sld [smem:$0x3FA7]  }
0x30: {  	s3 =	sld [smem:$0x3FAA]  }
0x31: {  	[smem:$0x3FB3] =	sst s10  }
0x32: {  	s10 =	sld [smem:$0x3FB1];
	_ =	sdelay $0x3  }
0x33: {  	p0 =	seq.s32 s10, $0x1;
	s10 =	sld [smem:$0x3FB3];
	_ =	sdelay $0x3  }
0x34: {  	[smem:$0x3FB3] =	sst s10  }
0x35: {  	s10 =	sld [smem:$0x3FB2];
	_ =	sdelay $0x3  }
0x36: {  	p1 =	seq.s32 s10, $0x1;
	s10 =	sld [smem:$0x3FB3];
	_ =	sdelay $0x3  }
0x37: {  	[smem:$0x3FB3] =	sst s10  }
0x38: {  	s10 =	sld [smem:$0x3FB4]  }
0x39: {  	_ = 	snop;
	(pc) =	sbr.ind lr, $3  }
0x3a: {  	_ = 	snop  }
0x3b: {  	_ = 	snop  }
0x3c: {  	p2 =	seq.s32 s10, $0x1;
	s10 =	sld [smem:$0x3FB3]  }
0x3d: {  	_ =	shalt  }
0x3e: {  	_ =	shalt  }
0x3f: {  	_ =	shalt  }
0x40: {  	_ =	shalt  }
0x41: {  	_ =	shalt  }
0x42: {  	_ =	shalt  }
0x43: {  	_ =	shalt  }
0x44: {  	_ =	shalt  }
0x45: {  	_ =	shalt  }
0x46: {  	_ =	shalt  }
0x47: {  	_ =	shalt  }
0x48: {  	_ =	shalt  }
0x49: {  	_ =	shalt  }
0x4a: {  	_ =	shalt  }
0x4b: {  	_ =	shalt  }
0x4c: {  	_ =	shalt  }
0x4d: {  	_ =	shalt  }
0x4e: {  	_ =	shalt  }
0x4f: {  	_ =	shalt  }
0x50: {  	_ =	shalt  }
0x51: {  	_ =	shalt  }
0x52: {  	_ =	shalt  }
0x53: {  	_ =	shalt  }
0x54: {  	_ =	shalt  }
0x55: {  	_ =	shalt  }
0x56: {  	_ =	shalt  }
0x57: {  	_ =	shalt  }
0x58: {  	_ =	shalt  }
0x59: {  	_ =	shalt  }
0x5a: {  	_ =	shalt  }
0x5b: {  	_ =	shalt  }
0x5c: {  	_ =	shalt  }
0x5d: {  	_ =	shalt  }
0x5e: {  	_ =	shalt  }
0x5f: {  	_ =	shalt  }
0x60: {  	_ =	shalt  }
0x61: {  	_ =	shalt  }
0x62: {  	_ =	shalt  }
0x63: {  	_ =	shalt  }
0x64: {  	_ =	shalt  }
0x65: {  	_ =	shalt  }
0x66: {  	_ =	shalt  }
0x67: {  	_ =	shalt  }
0x68: {  	_ =	shalt  }
0x69: {  	_ =	shalt  }
0x6a: {  	_ =	shalt  }
0x6b: {  	_ =	shalt  }
0x6c: {  	_ =	shalt  }
0x6d: {  	_ =	shalt  }
0x6e: {  	_ =	shalt  }
0x6f: {  	_ =	shalt  }
0x70: {  	_ =	shalt  }
0x71: {  	_ =	shalt  }
0x72: {  	_ =	shalt  }
0x73: {  	_ =	shalt  }
0x74: {  	_ =	shalt  }
0x75: {  	_ =	shalt  }
0x76: {  	_ =	shalt  }
0x77: {  	_ =	shalt  }
0x78: {  	_ =	shalt  }
0x79: {  	_ =	shalt  }
0x7a: {  	_ =	shalt  }
0x7b: {  	_ =	shalt  }
0x7c: {  	_ =	shalt  }
0x7d: {  	_ =	shalt  }
0x7e: {  	_ =	shalt  }
0x7f: {  	_ =	shalt  }
0x80: {  	_ =	shalt  }
0x81: {  	_ =	shalt  }
0x82: {  	_ =	shalt  }
0x83: {  	_ =	shalt  }
0x84: {  	_ =	shalt  }
0x85: {  	_ =	shalt  }
0x86: {  	_ =	shalt  }
0x87: {  	_ =	shalt  }
.Lfunc_end0:
.L_simem_size_0:
called_computation.2_lowered:
.L_overlay_start_0:
0x88: {  	s2 =	sld [smem:$0x3FD9]  }
0x89: {  	s3 =	sld [smem:$0x3FFE];
	_ =	sdelay $0x1  }
0x8a: {  	s1 =	srdreg.scid  }
0x8b: {  	s0 =	sand.u32 $0x1, s1  }
0x8c: {  	s17 =	sshll.u32 s0, $0xA;
	s2 =	sadd.s32 s3, s2  }
0x8d: {  	s2 =	sadd.s32 s2, s17  }
0x8e: {  	[smem:$0x3FBF] =	sst s2  }
0x8f: {  	_ = 	snop  }
0x90: {  	(tm) =	ssettm $0x1  }
0x91: {  	s18 =	sld [smem:$0x3FFB];
	_ =	sdelay $0x3  }
0x92: {  	_ =	strace s18  }
0x93: {  	s2 =	sld [smem:$0x3FFC];
	_ =	sdelay $0x3  }
0x94: {  	_ =	strace s2  }
0x95: {  	s2 =	sld [smem:$0x3FFD];
	_ =	sdelay $0x3  }
0x96: {  	_ =	strace s2  }
0x97: {  	_ =	strace $0x8FFFFFFF  }
0x98: {  	s19 =	sld [smem:$0x3FDB];
	_ =	sdelay $0x1  }
0x99: {  	s20 =	simm.s32 $_scs_section_size  }
0x9a: {  	s4 =	simm.s32 $_size__tile_overlayer_lowered;
	s5 =	simm.s32 $_tile_overlayer_lowered  }
0x9b: {  	s6 =	simm.s32 $0x1BFF;
	s21 =	sshll.u32 s5, $0x1;
	s3 =	sadd.s32 s20, s19  }
0x9c: {  	s22 =	simm.s32 $0x0;
	s4 =	sshll.u32 s4, $0x1;
	s5 =	sadd.s32 s21, s3  }
0x9d: {  	[timem:s22], [sflag:s6] =	dma.local [hbm:s5], s4  }
0x9e: {  	_ =	swait.ge [sflag:s6], s4  }
0x9f: {  	s4 =	ssub.s32 $0x0, s4;
	[sflag:s6] =	ssyncset.done $0x0  }
0xa0: {  	[sflag:s6] =	ssyncadd.s32 s4;
	_ =	sdelay $0x1  }
0xa1: {  	s23 =	simm.s32 $0x1B8B  }
0xa2: {  	_ =	swait.ge [sflag:s23], $0x1  }
0xa3: {  	[sflag:s23] =	ssyncset.done $0x0  }
0xa4: {  	[sflag:s23] =	ssyncadd.s32 $0xFFFFFFFF  }
0xa5: {  	s4 =	sld [smem:$0x0]  }
0xa6: {  	s5 =	sand.u32 $0xFFFFFFFE, s1  }
0xa7: {  	p0 =	sne.s32 s1, s5  }
0xa8: {  	s5 =	sshll.u32 @p0 s5, $0xE  }
0xa9: {  	s5 =	sadd.s32 @p0 $0x11B8D, s5;
	s6 =	sshll.u32 @p0 s4, $0x11  }
0xaa: {  	s5 =	sor.u32 @p0 s6, s5  }
0xab: {  	[sflag:s5] =	ssyncadd.remote.s32 @p0 $0x1;
	_ =	sdelay $0x1  }
0xac: {  	s5 =	simm.s32 @p0 $0x1B8D  }
0xad: {  	_ =	swait.eq @p0 [sflag:s5], $0x1  }
0xae: {  	[sflag:s5] =	ssyncadd.s32 @p0 $0xFFFFFFFF  }
0xaf: {  	s6 =	sshll.u32 @!p0 s1, $0xE  }
0xb0: {  	s6 =	sor.u32 @!p0 $0x4000, s6;
	s5 =	simm.s32 @!p0 $0x1B8D  }
0xb1: {  	s4 =	sshll.u32 @!p0 s4, $0x11;
	s6 =	sadd.s32 @!p0 $0x11B8D, s6;
	_ =	swait.eq @!p0 [sflag:s5], $0x1  }
0xb2: {  	s4 =	sor.u32 @!p0 s4, s6;
	[sflag:s5] =	ssyncadd.s32 @!p0 $0xFFFFFFFF  }
0xb3: {  	s25 =	simm.s32 $0x1B8E;
	s24 =	sld [smem:$0x3FFE];
	[sflag:s4] =	ssyncadd.remote.s32 @!p0 $0x1  }
0xb4: {  	s26 =	simm.s32 $execute0_lowered;
	[smem:$0x3FD2] =	sst s25  }
0xb5: {  	s5 =	sshll.u32 s26, $0x1;
	_ =	strace $0x8000004C;
	[dreg:$0x1] =	wrdreg $0xFFFFFFFF  }
0xb6: {  	s28 =	simm.s32 $_size_execute0_lowered;
	s3 =	sadd.s32 s3, s5;
	[dreg:$0x0] =	wrdreg $0x0  }
0xb7: {  	s5 =	sshll.u32 s28, $0x1;
	[dreg:$0x2] =	wrdreg s3  }
0xb8: {  	[dreg:$0x3] =	wrdreg s5  }
0xb9: {  	[dreg:$0x4] =	wrdreg $0xC0  }
0xba: {  	_ =	task [dreg:s22], $0x5FFFF  }
0xbb: {  	[dreg:$0x1] =	wrdreg $0xFFFFFFFF  }
0xbc: {  	[dreg:$0x0] =	wrdreg $0x60  }
0xbd: {  	[dreg:$0x2] =	wrdreg s24  }
0xbe: {  	[dreg:$0x3] =	wrdreg $0xB  }
0xbf: {  	_ =	task.clear_ibuf [dreg:s22], $0x4FFFF;
	_ =	strace $0x9000004C  }
0xc0: {  	s29 =	simm.s32 $0xB;
	_ =	strace $0x8000004E  }
0xc1: {  	_ =	swait.ge [sflag:s29], $0x1  }
0xc2: {  	[sflag:s29] =	ssyncadd.s32 $0xFFFFFFFF  }
0xc3: {  	_ =	strace $0x9000004E  }
0xc4: {  	_ =	sfence  }
0xc5: {  	s30 =	sld [smem:$0x0];
	_ =	sdelay $0x2  }
0xc6: {  	s31 =	sshll.u32 s1, $0xD;
	s1 =	sshrl.u32 s1, $0x2  }
0xc7: {  	s4 =	sand.u32 $0x4000, s31;
	s1 =	sadd.s32 s1, s30  }
0xc8: {  	s0 =	sor.u32 s4, s0;
	s1 =	sshll.u32 s1, $0x11  }
0xc9: {  	s0 =	sor.u32 s1, s0  }
0xca: {  	s0 =	sadd.s32 $0x8F2B, s0  }
0xcb: {  	[sflag:s0] =	ssyncadd.remote.s32 $0x1  }
0xcc: {  	_ =	sfence.sel $0xFFFF  }
0xcd: {  	[dreg:$0x0] =	wrdreg $0xFFFFFFFF;
	(pc) =	sbr.abs _section_cstart, $3  }
0xce: {  	[dreg:$0x1] =	wrdreg $0xFFFFFFFF  }
0xcf: {  	_ =	task.clear_ibuf [dreg:s22], $0x2FFFF;
	_ =	strace $0x9FFFFFFF  }
0xd0: {  	(tm) =	ssettm $0x7FFFFFFF  }
0xd1: {  	_ =	shalt  }
tec
execute0_lowered:
.L_overlay_start_1:
0x0: {  	(tag) =	ssettag $0x1  }
0x1: {  	s0 =	srdreg.scid;
	s17 =	stileid.u32  }
0x2: {  	s1 =	rddreg [dreg:$0x0];
	s2 =	simm.s32 $0x0;
	s31 =	simm.s32 $0x5  }
0x3: {  	s30 =	simm.s32 $0x400;
	s29 =	simm.s32 $0x480;
	s28 =	simm.s32 $0x100  }
0x4: {  	p0 =	por $0x0, $0x0;
	s0 =	sand.u32 $0x1, s0;
	s3 =	sshll.u32 s17, $0x1  }
0x5: {  	[smem:$0x7FF] =	sst s2;
	s7 =	sadd.s32 $0x3C2800, s1;
	s3 =	sor.u32 s0, s3  }
0x6: {  	_ =	strace $0x8000004D;
	s0 =	ssub.s32 $0x2, s0;
	s4 =	sshll.u32 s3, $0x7  }
0x7: {  	s6 =	smul.u32 $0x3800, s3;
	s3 =	sadd.s32 $0x157E00, s1;
	s21 =	sshrl.u32 s0, $0x1  }
0x8: {  	s4 =	sadd.s32 s4, s1;
	s0 =	ssub.s32 s0, s21;
	s21 =	simm.s32 $0x280  }
0x9: {  	s5 =	sadd.s32 $0x3C0800, s4;
	s26 =	sadd.s32 $0x3C1800, s4;
	s4 =	sadd.s32 s7, s6  }
0xa: {  	s9 =	sor.u32 $0x700, s6;
	s12 =	sadd.s32 $0xE00, s6;
	s16 =	sadd.s32 $0x1C00, s6  }
0xb: {  	s20 =	sadd.s32 $0x2300, s6;
	s24 =	sadd.s32 $0x2A00, s6;
	[dreg:$0x2] =	wrdreg s5  }
0xc: {  	s0 =	smax.u32 s0, $0x1;
	s5 =	sadd.s32 $0x432800, s1;
	[dreg:$0x3] =	wrdreg s26  }
0xd: {  	[dreg:$0x4] =	wrdreg s4;
	s10 =	sadd.s32 s7, s9;
	s13 =	sadd.s32 s7, s12  }
0xe: {  	s18 =	sadd.s32 s7, s16;
	s22 =	sadd.s32 s7, s20;
	[dreg:$0x6] =	wrdreg s10  }
0xf: {  	s25 =	sadd.s32 s7, s24;
	s1 =	simm.s32 $0x80;
	[dreg:$0x8] =	wrdreg s13  }
0x10: {  	p1 =	sne.s32 s0, $0x1;
	s8 =	sadd.s32 s5, s6;
	[dreg:$0xc] =	wrdreg s18  }
0x11: {  	s11 =	sadd.s32 s5, s9;
	s4 =	sadd.s32 s5, s12;
	[dreg:$0xe] =	wrdreg s22  }
0x12: {  	s19 =	sadd.s32 s5, s16;
	s23 =	sadd.s32 s5, s20;
	[dreg:$0x10] =	wrdreg s25  }
0x13: {  	s26 =	sadd.s32 s5, s24;
	s9 =	simm.s32 $0x800;
	s10 =	simm.s32 $0x4000  }
0x14: {  	s12 =	simm.s32 $0xB000;
	s13 =	simm.s32 $0x3;
	[dreg:$0x5] =	wrdreg s8  }
0x15: {  	s25 =	simm.s32 $0x180;
	s24 =	simm.s32 $0x580;
	[dreg:$0x7] =	wrdreg s11  }
0x16: {  	s22 =	simm.s32 $0x600;
	s20 =	simm.s32 $0x680;
	[dreg:$0x9] =	wrdreg s4  }
0x17: {  	s18 =	simm.s32 $0x700;
	s16 =	simm.s32 $0x780;
	[dreg:$0xd] =	wrdreg s19  }
0x18: {  	s8 =	sadd.s32 $0x1500, s6;
	[dreg:$0xf] =	wrdreg s23;
	s6 =	sadd.s32 $0x3100, s6  }
0x19: {  	[dreg:$0x11] =	wrdreg s26;
	s11 =	simm.s32 $0x7800;
	s23 =	simm.s32 $0x200  }
.Ltmp0:
0x1a: {  	s26 =	sadd.s32 $0xFFFFFFFF, s0;
	s19 =	simm.s32 $0x300;
	(pc) =	sbr.rel @!p1 .LBB2_1-.Ltmp0, $4  }
0x1b: {  	s0 =	rddreg [dreg:$0x2];
	s14 =	sadd.s32 s7, s8;
	s15 =	sadd.s32 s5, s8  }
0x1c: {  	s4 =	sadd.s32 s7, s6;
	s5 =	sadd.s32 s5, s6;
	s8 =	simm.s32 $0x70  }
0x1d: {  	s6 =	simm.s32 $0x1;
	s7 =	simm.s32 $0x4;
	[dreg:$0xa] =	wrdreg s14  }
0x1e: {  	[dreg:$0xb] =	wrdreg s15;
	s14 =	simm.s32 $0x2;
	s15 =	simm.s32 $0x380  }
0x1f: {  	[tilespmem:s2], [sflag:$0x5] =	stream.linear.gather [hbm4b:s0+s2], $0x400, $0x38;
	[tilespmem:$0xE800] =	vst v63  }
0x20: {  	_ =	swait.ge [sflag:s31], $0x400  }
0x21: {  	[sflag:s31] =	ssyncset.done $0x0  }
0x22: {  	s17 =	rddreg [dreg:$0x3];
	[sflag:s31] =	ssyncadd.s32 $0xFFFFFC00  }
0x23: {  	[tilespmem:s30], [sflag:$0x5] =	stream.linear.gather [hbm4b:s17+s2], $0x400, $0x38;
	[tilespmem:$0xE800] =	vst v63  }
0x24: {  	_ =	swait.ge [sflag:s31], $0x400  }
0x25: {  	[sflag:s31] =	ssyncset.done $0x0  }
0x26: {  	[sflag:s31] =	ssyncadd.s32 $0xFFFFFC00  }
0x27: {  	[tilespmem:s9], [sflag:$0x1] =	stream.indirect.gather [hbm4b:s3+s8], $0x80, s2, s8, $0xb8;
	[tilespmem:$0xE800] =	vst v63  }
0x28: {  	_ = 	snop  }
0x29: {  	[tilespmem:s10], [sflag:$0x1] =	stream.indirect.gather [hbm4b:s3+s8], $0x80, s30, s8, $0xb8;
	[tilespmem:$0xE800] =	vst v63  }
0x2a: {  	_ =	swait.ge [sflag:s6], $0x3800  }
0x2b: {  	[sflag:s6] =	ssyncset.done $0x0  }
0x2c: {  	[sflag:s6] =	ssyncadd.s32 $0xFFFFC800  }
0x2d: {  	_ =	swait.ge [sflag:s6], $0x3800  }
0x2e: {  	[sflag:s6] =	ssyncset.done $0x0  }
0x2f: {  	[sflag:s6] =	ssyncadd.s32 $0xFFFFC800  }
0x30: {  	[tilespmem:s11], [sflag:$0x2] =	stream.indirect.gather [hbm4b:s3+s8], $0x80, s1, s8, $0xb8;
	[tilespmem:$0xE800] =	vst v63  }
0x31: {  	_ = 	snop  }
0x32: {  	[tilespmem:s12], [sflag:$0x2] =	stream.indirect.gather [hbm4b:s3+s8], $0x80, s29, s8, $0xb8;
	[tilespmem:$0xE800] =	vst v63  }
0x33: {  	s0 =	rddreg [dreg:$0x4]  }
0x34: {  	[hbm4b:s0+s2] =	stream.linear.scatter [tilespmem:s9], [sflag:$0x3], $0x3800, $0x38;
	[tilespmem:$0xE800] =	vst v63  }
0x35: {  	s1 =	rddreg [dreg:$0x5]  }
0x36: {  	[hbm4b:s1+s2] =	stream.linear.scatter [tilespmem:s10], [sflag:$0x3], $0x3800, $0x38;
	[tilespmem:$0xE800] =	vst v63  }
0x37: {  	_ =	swait.ge [sflag:s14], $0x3800  }
0x38: {  	[sflag:s14] =	ssyncset.done $0x0  }
0x39: {  	[sflag:s14] =	ssyncadd.s32 $0xFFFFC800  }
0x3a: {  	_ =	swait.ge [sflag:s14], $0x3800  }
0x3b: {  	[sflag:s14] =	ssyncset.done $0x0  }
0x3c: {  	[sflag:s14] =	ssyncadd.s32 $0xFFFFC800  }
0x3d: {  	_ =	swait.ge [sflag:s13], $0x3800  }
0x3e: {  	[sflag:s13] =	ssyncset.done $0x0  }
0x3f: {  	[sflag:s13] =	ssyncadd.s32 $0xFFFFC800  }
0x40: {  	_ =	swait.ge [sflag:s13], $0x3800  }
0x41: {  	[sflag:s13] =	ssyncset.done $0x0  }
0x42: {  	[sflag:s13] =	ssyncadd.s32 $0xFFFFC800  }
0x43: {  	[tilespmem:s9], [sflag:$0x1] =	stream.indirect.gather [hbm4b:s3+s8], $0x80, s28, s8, $0xb8;
	[tilespmem:$0xE800] =	vst v63  }
0x44: {  	s1 =	simm.s32 $0x500  }
0x45: {  	[tilespmem:s10], [sflag:$0x1] =	stream.indirect.gather [hbm4b:s3+s8], $0x80, s1, s8, $0xb8;
	[tilespmem:$0xE800] =	vst v63  }
0x46: {  	s0 =	rddreg [dreg:$0x6]  }
0x47: {  	[hbm4b:s0+s2] =	stream.linear.scatter [tilespmem:s11], [sflag:$0x4], $0x3800, $0x38;
	[tilespmem:$0xE800] =	vst v63  }
0x48: {  	s1 =	rddreg [dreg:$0x7]  }
0x49: {  	[hbm4b:s1+s2] =	stream.linear.scatter [tilespmem:s12], [sflag:$0x4], $0x3800, $0x38;
	[tilespmem:$0xE800] =	vst v63  }
0x4a: {  	_ =	swait.ge [sflag:s6], $0x3800  }
0x4b: {  	[sflag:s6] =	ssyncset.done $0x0  }
0x4c: {  	[sflag:s6] =	ssyncadd.s32 $0xFFFFC800  }
0x4d: {  	_ =	swait.ge [sflag:s6], $0x3800  }
0x4e: {  	[sflag:s6] =	ssyncset.done $0x0  }
0x4f: {  	[sflag:s6] =	ssyncadd.s32 $0xFFFFC800  }
0x50: {  	_ =	swait.ge [sflag:s7], $0x3800  }
0x51: {  	[sflag:s7] =	ssyncset.done $0x0  }
0x52: {  	[sflag:s7] =	ssyncadd.s32 $0xFFFFC800  }
0x53: {  	_ =	swait.ge [sflag:s7], $0x3800  }
0x54: {  	[sflag:s7] =	ssyncset.done $0x0  }
0x55: {  	[sflag:s7] =	ssyncadd.s32 $0xFFFFC800  }
0x56: {  	[tilespmem:s11], [sflag:$0x2] =	stream.indirect.gather [hbm4b:s3+s8], $0x80, s25, s8, $0xb8;
	[tilespmem:$0xE800] =	vst v63  }
0x57: {  	_ = 	snop  }
0x58: {  	[tilespmem:s12], [sflag:$0x2] =	stream.indirect.gather [hbm4b:s3+s8], $0x80, s24, s8, $0xb8;
	[tilespmem:$0xE800] =	vst v63  }
0x59: {  	s0 =	rddreg [dreg:$0x8]  }
0x5a: {  	[hbm4b:s0+s2] =	stream.linear.scatter [tilespmem:s9], [sflag:$0x3], $0x3800, $0x38;
	[tilespmem:$0xE800] =	vst v63  }
0x5b: {  	s1 =	rddreg [dreg:$0x9]  }
0x5c: {  	[hbm4b:s1+s2] =	stream.linear.scatter [tilespmem:s10], [sflag:$0x3], $0x3800, $0x38;
	[tilespmem:$0xE800] =	vst v63  }
0x5d: {  	_ =	swait.ge [sflag:s14], $0x3800  }
0x5e: {  	[sflag:s14] =	ssyncset.done $0x0  }
0x5f: {  	[sflag:s14] =	ssyncadd.s32 $0xFFFFC800  }
0x60: {  	_ =	swait.ge [sflag:s14], $0x3800  }
0x61: {  	[sflag:s14] =	ssyncset.done $0x0  }
0x62: {  	[sflag:s14] =	ssyncadd.s32 $0xFFFFC800  }
0x63: {  	_ =	swait.ge [sflag:s13], $0x3800  }
0x64: {  	[sflag:s13] =	ssyncset.done $0x0  }
0x65: {  	[sflag:s13] =	ssyncadd.s32 $0xFFFFC800  }
0x66: {  	_ =	swait.ge [sflag:s13], $0x3800  }
0x67: {  	[sflag:s13] =	ssyncset.done $0x0  }
0x68: {  	[sflag:s13] =	ssyncadd.s32 $0xFFFFC800  }
0x69: {  	[tilespmem:s9], [sflag:$0x1] =	stream.indirect.gather [hbm4b:s3+s8], $0x80, s23, s8, $0xb8;
	[tilespmem:$0xE800] =	vst v63  }
0x6a: {  	_ = 	snop  }
0x6b: {  	[tilespmem:s10], [sflag:$0x1] =	stream.indirect.gather [hbm4b:s3+s8], $0x80, s22, s8, $0xb8;
	[tilespmem:$0xE800] =	vst v63  }
0x6c: {  	s0 =	rddreg [dreg:$0xa]  }
0x6d: {  	[hbm4b:s0+s2] =	stream.linear.scatter [tilespmem:s11], [sflag:$0x4], $0x3800, $0x38;
	[tilespmem:$0xE800] =	vst v63  }
0x6e: {  	s1 =	rddreg [dreg:$0xb]  }
0x6f: {  	[hbm4b:s1+s2] =	stream.linear.scatter [tilespmem:s12], [sflag:$0x4], $0x3800, $0x38;
	[tilespmem:$0xE800] =	vst v63  }
0x70: {  	_ =	swait.ge [sflag:s6], $0x3800  }
0x71: {  	[sflag:s6] =	ssyncset.done $0x0  }
0x72: {  	[sflag:s6] =	ssyncadd.s32 $0xFFFFC800  }
0x73: {  	_ =	swait.ge [sflag:s6], $0x3800  }
0x74: {  	[sflag:s6] =	ssyncset.done $0x0  }
0x75: {  	[sflag:s6] =	ssyncadd.s32 $0xFFFFC800  }
0x76: {  	_ =	swait.ge [sflag:s7], $0x3800  }
0x77: {  	[sflag:s7] =	ssyncset.done $0x0  }
0x78: {  	[sflag:s7] =	ssyncadd.s32 $0xFFFFC800  }
0x79: {  	_ =	swait.ge [sflag:s7], $0x3800  }
0x7a: {  	[sflag:s7] =	ssyncset.done $0x0  }
0x7b: {  	[sflag:s7] =	ssyncadd.s32 $0xFFFFC800  }
0x7c: {  	[tilespmem:s11], [sflag:$0x2] =	stream.indirect.gather [hbm4b:s3+s8], $0x80, s21, s8, $0xb8;
	[tilespmem:$0xE800] =	vst v63  }
0x7d: {  	_ = 	snop  }
0x7e: {  	[tilespmem:s12], [sflag:$0x2] =	stream.indirect.gather [hbm4b:s3+s8], $0x80, s20, s8, $0xb8;
	[tilespmem:$0xE800] =	vst v63  }
0x7f: {  	s0 =	rddreg [dreg:$0xc]  }
0x80: {  	[hbm4b:s0+s2] =	stream.linear.scatter [tilespmem:s9], [sflag:$0x3], $0x3800, $0x38;
	[tilespmem:$0xE800] =	vst v63  }
0x81: {  	s1 =	rddreg [dreg:$0xd]  }
0x82: {  	[hbm4b:s1+s2] =	stream.linear.scatter [tilespmem:s10], [sflag:$0x3], $0x3800, $0x38;
	[tilespmem:$0xE800] =	vst v63  }
0x83: {  	_ =	swait.ge [sflag:s14], $0x3800  }
0x84: {  	[sflag:s14] =	ssyncset.done $0x0  }
0x85: {  	[sflag:s14] =	ssyncadd.s32 $0xFFFFC800  }
0x86: {  	_ =	swait.ge [sflag:s14], $0x3800  }
0x87: {  	[sflag:s14] =	ssyncset.done $0x0  }
0x88: {  	[sflag:s14] =	ssyncadd.s32 $0xFFFFC800  }
0x89: {  	_ =	swait.ge [sflag:s13], $0x3800  }
0x8a: {  	[sflag:s13] =	ssyncset.done $0x0  }
0x8b: {  	[sflag:s13] =	ssyncadd.s32 $0xFFFFC800  }
0x8c: {  	_ =	swait.ge [sflag:s13], $0x3800  }
0x8d: {  	[sflag:s13] =	ssyncset.done $0x0  }
0x8e: {  	[sflag:s13] =	ssyncadd.s32 $0xFFFFC800  }
0x8f: {  	[tilespmem:s9], [sflag:$0x1] =	stream.indirect.gather [hbm4b:s3+s8], $0x80, s19, s8, $0xb8;
	[tilespmem:$0xE800] =	vst v63  }
0x90: {  	_ = 	snop  }
0x91: {  	[tilespmem:s10], [sflag:$0x1] =	stream.indirect.gather [hbm4b:s3+s8], $0x80, s18, s8, $0xb8;
	[tilespmem:$0xE800] =	vst v63  }
0x92: {  	s0 =	rddreg [dreg:$0xe]  }
0x93: {  	[hbm4b:s0+s2] =	stream.linear.scatter [tilespmem:s11], [sflag:$0x4], $0x3800, $0x38;
	[tilespmem:$0xE800] =	vst v63  }
0x94: {  	s1 =	rddreg [dreg:$0xf]  }
0x95: {  	[hbm4b:s1+s2] =	stream.linear.scatter [tilespmem:s12], [sflag:$0x4], $0x3800, $0x38;
	[tilespmem:$0xE800] =	vst v63  }
0x96: {  	_ =	swait.ge [sflag:s6], $0x3800  }
0x97: {  	[sflag:s6] =	ssyncset.done $0x0  }
0x98: {  	[sflag:s6] =	ssyncadd.s32 $0xFFFFC800  }
0x99: {  	_ =	swait.ge [sflag:s6], $0x3800  }
0x9a: {  	[sflag:s6] =	ssyncset.done $0x0  }
0x9b: {  	[sflag:s6] =	ssyncadd.s32 $0xFFFFC800  }
0x9c: {  	_ =	swait.ge [sflag:s7], $0x3800  }
0x9d: {  	[sflag:s7] =	ssyncset.done $0x0  }
0x9e: {  	[sflag:s7] =	ssyncadd.s32 $0xFFFFC800  }
0x9f: {  	_ =	swait.ge [sflag:s7], $0x3800  }
0xa0: {  	[sflag:s7] =	ssyncset.done $0x0  }
0xa1: {  	[sflag:s7] =	ssyncadd.s32 $0xFFFFC800  }
0xa2: {  	[tilespmem:s11], [sflag:$0x2] =	stream.indirect.gather [hbm4b:s3+s8], $0x80, s15, s8, $0xb8;
	[tilespmem:$0xE800] =	vst v63  }
0xa3: {  	_ = 	snop  }
0xa4: {  	[tilespmem:s12], [sflag:$0x2] =	stream.indirect.gather [hbm4b:s3+s8], $0x80, s16, s8, $0xb8;
	[tilespmem:$0xE800] =	vst v63  }
0xa5: {  	s0 =	rddreg [dreg:$0x10]  }
0xa6: {  	[hbm4b:s0+s2] =	stream.linear.scatter [tilespmem:s9], [sflag:$0x3], $0x3800, $0x38;
	[tilespmem:$0xE800] =	vst v63  }
0xa7: {  	s1 =	rddreg [dreg:$0x11]  }
0xa8: {  	[hbm4b:s1+s2] =	stream.linear.scatter [tilespmem:s10], [sflag:$0x3], $0x3800, $0x38;
	[tilespmem:$0xE800] =	vst v63  }
0xa9: {  	_ =	swait.ge [sflag:s14], $0x3800  }
0xaa: {  	[sflag:s14] =	ssyncset.done $0x0  }
0xab: {  	[sflag:s14] =	ssyncadd.s32 $0xFFFFC800  }
0xac: {  	_ =	swait.ge [sflag:s14], $0x3800  }
0xad: {  	[sflag:s14] =	ssyncset.done $0x0  }
0xae: {  	[sflag:s14] =	ssyncadd.s32 $0xFFFFC800  }
0xaf: {  	_ =	swait.ge [sflag:s13], $0x3800  }
0xb0: {  	[sflag:s13] =	ssyncset.done $0x0  }
0xb1: {  	[sflag:s13] =	ssyncadd.s32 $0xFFFFC800  }
0xb2: {  	_ =	swait.ge [sflag:s13], $0x3800  }
0xb3: {  	[sflag:s13] =	ssyncset.done $0x0  }
0xb4: {  	[sflag:s13] =	ssyncadd.s32 $0xFFFFC800  }
0xb5: {  	[tilespmem:s9], [sflag:$0x1] =	stream.indirect.gather [hbm4b:s3+s8], $0x80, s15, s8, $0xb8;
	[tilespmem:$0xE800] =	vst v63  }
0xb6: {  	_ = 	snop  }
0xb7: {  	[tilespmem:s10], [sflag:$0x1] =	stream.indirect.gather [hbm4b:s3+s8], $0x80, s16, s8, $0xb8;
	[tilespmem:$0xE800] =	vst v63  }
0xb8: {  	_ = 	snop  }
0xb9: {  	[hbm4b:s4+s2] =	stream.linear.scatter [tilespmem:s11], [sflag:$0x4], $0x3800, $0x38;
	[tilespmem:$0xE800] =	vst v63  }
0xba: {  	_ = 	snop  }
0xbb: {  	[hbm4b:s5+s2] =	stream.linear.scatter [tilespmem:s12], [sflag:$0x4], $0x3800, $0x38;
	[tilespmem:$0xE800] =	vst v63  }
0xbc: {  	_ =	swait.ge [sflag:s6], $0x3800  }
0xbd: {  	[sflag:s6] =	ssyncset.done $0x0  }
0xbe: {  	[sflag:s6] =	ssyncadd.s32 $0xFFFFC800  }
0xbf: {  	_ =	swait.ge [sflag:s6], $0x3800  }
0xc0: {  	s17 =	smov.u32 s26;
	[sflag:s6] =	ssyncset.done $0x0  }
0xc1: {  	p1 =	sne.s32 s17, $0x1;
	[sflag:s6] =	ssyncadd.s32 $0xFFFFC800  }
.Ltmp1:
0xc2: {  	_ =	swait.ge [sflag:s7], $0x3800;
	(pc) =	sbr.rel @!p1 .LBB2_3-.Ltmp1, $4  }
0xc3: {  	[sflag:s7] =	ssyncset.done $0x0  }
0xc4: {  	p0 =	por $0x1, $0x1;
	[sflag:s7] =	ssyncadd.s32 $0xFFFFC800  }
0xc5: {  	s26 =	simm.s32 $0x480;
	s29 =	simm.s32 $0x80;
	_ =	swait.ge [sflag:s7], $0x3800  }
0xc6: {  	s1 =	sadd.s32 $0xFFFFFFFF, s17;
	s0 =	rddreg [dreg:$0x2];
	[sflag:s7] =	ssyncset.done $0x0  }
.LBB2_4:
0xc7: {  	[sflag:s7] =	ssyncadd.s32 $0xFFFFC800  }
0xc8: {  	[tilespmem:s2], [sflag:$0x5] =	stream.linear.gather [hbm4b:s0+s2], $0x400, $0x38;
	[tilespmem:$0xE800] =	vst v63  }
0xc9: {  	_ =	swait.ge [sflag:s31], $0x400  }
0xca: {  	[sflag:s31] =	ssyncset.done $0x0  }
0xcb: {  	s17 =	rddreg [dreg:$0x3];
	[sflag:s31] =	ssyncadd.s32 $0xFFFFFC00  }
0xcc: {  	[tilespmem:s30], [sflag:$0x5] =	stream.linear.gather [hbm4b:s17+s2], $0x400, $0x38;
	[tilespmem:$0xE800] =	vst v63  }
0xcd: {  	_ =	swait.ge [sflag:s31], $0x400  }
0xce: {  	[sflag:s31] =	ssyncset.done $0x0  }
0xcf: {  	[sflag:s31] =	ssyncadd.s32 $0xFFFFFC00  }
0xd0: {  	[tilespmem:s9], [sflag:$0x1] =	stream.indirect.gather [hbm4b:s3+s8], $0x80, s2, s8, $0xb8;
	[tilespmem:$0xE800] =	vst v63  }
0xd1: {  	_ = 	snop  }
0xd2: {  	[tilespmem:s10], [sflag:$0x1] =	stream.indirect.gather [hbm4b:s3+s8], $0x80, s30, s8, $0xb8;
	[tilespmem:$0xE800] =	vst v63  }
0xd3: {  	_ =	swait.ge [sflag:s6], $0x3800  }
0xd4: {  	[sflag:s6] =	ssyncset.done $0x0  }
0xd5: {  	[sflag:s6] =	ssyncadd.s32 $0xFFFFC800  }
0xd6: {  	_ =	swait.ge [sflag:s6], $0x3800  }
0xd7: {  	[sflag:s6] =	ssyncset.done $0x0  }
0xd8: {  	[sflag:s6] =	ssyncadd.s32 $0xFFFFC800  }
0xd9: {  	[tilespmem:s11], [sflag:$0x2] =	stream.indirect.gather [hbm4b:s3+s8], $0x80, s29, s8, $0xb8;
	[tilespmem:$0xE800] =	vst v63  }
0xda: {  	_ = 	snop  }
0xdb: {  	[tilespmem:s12], [sflag:$0x2] =	stream.indirect.gather [hbm4b:s3+s8], $0x80, s26, s8, $0xb8;
	[tilespmem:$0xE800] =	vst v63  }
0xdc: {  	s0 =	rddreg [dreg:$0x4]  }
0xdd: {  	[hbm4b:s0+s2] =	stream.linear.scatter [tilespmem:s9], [sflag:$0x3], $0x3800, $0x38;
	[tilespmem:$0xE800] =	vst v63  }
0xde: {  	s17 =	rddreg [dreg:$0x5]  }
0xdf: {  	[hbm4b:s17+s2] =	stream.linear.scatter [tilespmem:s10], [sflag:$0x3], $0x3800, $0x38;
	[tilespmem:$0xE800] =	vst v63  }
0xe0: {  	_ =	swait.ge [sflag:s14], $0x3800  }
0xe1: {  	[sflag:s14] =	ssyncset.done $0x0  }
0xe2: {  	[sflag:s14] =	ssyncadd.s32 $0xFFFFC800  }
0xe3: {  	_ =	swait.ge [sflag:s14], $0x3800  }
0xe4: {  	[sflag:s14] =	ssyncset.done $0x0  }
0xe5: {  	[sflag:s14] =	ssyncadd.s32 $0xFFFFC800  }
0xe6: {  	_ =	swait.ge [sflag:s13], $0x3800  }
0xe7: {  	[sflag:s13] =	ssyncset.done $0x0  }
0xe8: {  	[sflag:s13] =	ssyncadd.s32 $0xFFFFC800  }
0xe9: {  	_ =	swait.ge [sflag:s13], $0x3800  }
0xea: {  	[sflag:s13] =	ssyncset.done $0x0  }
0xeb: {  	[sflag:s13] =	ssyncadd.s32 $0xFFFFC800  }
0xec: {  	[tilespmem:s9], [sflag:$0x1] =	stream.indirect.gather [hbm4b:s3+s8], $0x80, s28, s8, $0xb8;
	[tilespmem:$0xE800] =	vst v63  }
0xed: {  	s17 =	simm.s32 $0x500  }
0xee: {  	[tilespmem:s10], [sflag:$0x1] =	stream.indirect.gather [hbm4b:s3+s8], $0x80, s17, s8, $0xb8;
	[tilespmem:$0xE800] =	vst v63  }
0xef: {  	s0 =	rddreg [dreg:$0x6]  }
0xf0: {  	[hbm4b:s0+s2] =	stream.linear.scatter [tilespmem:s11], [sflag:$0x4], $0x3800, $0x38;
	[tilespmem:$0xE800] =	vst v63  }
0xf1: {  	s17 =	rddreg [dreg:$0x7]  }
0xf2: {  	[hbm4b:s17+s2] =	stream.linear.scatter [tilespmem:s12], [sflag:$0x4], $0x3800, $0x38;
	[tilespmem:$0xE800] =	vst v63  }
0xf3: {  	_ =	swait.ge [sflag:s6], $0x3800  }
0xf4: {  	[sflag:s6] =	ssyncset.done $0x0  }
0xf5: {  	[sflag:s6] =	ssyncadd.s32 $0xFFFFC800  }
0xf6: {  	_ =	swait.ge [sflag:s6], $0x3800  }
0xf7: {  	[sflag:s6] =	ssyncset.done $0x0  }
0xf8: {  	[sflag:s6] =	ssyncadd.s32 $0xFFFFC800  }
0xf9: {  	_ =	swait.ge [sflag:s7], $0x3800  }
0xfa: {  	[sflag:s7] =	ssyncset.done $0x0  }
0xfb: {  	[sflag:s7] =	ssyncadd.s32 $0xFFFFC800  }
0xfc: {  	_ =	swait.ge [sflag:s7], $0x3800  }
0xfd: {  	[sflag:s7] =	ssyncset.done $0x0  }
0xfe: {  	[sflag:s7] =	ssyncadd.s32 $0xFFFFC800  }
0xff: {  	[tilespmem:s11], [sflag:$0x2] =	stream.indirect.gather [hbm4b:s3+s8], $0x80, s25, s8, $0xb8;
	[tilespmem:$0xE800] =	vst v63  }
0x100: {  	_ = 	snop  }
0x101: {  	[tilespmem:s12], [sflag:$0x2] =	stream.indirect.gather [hbm4b:s3+s8], $0x80, s24, s8, $0xb8;
	[tilespmem:$0xE800] =	vst v63  }
0x102: {  	s0 =	rddreg [dreg:$0x8]  }
0x103: {  	[hbm4b:s0+s2] =	stream.linear.scatter [tilespmem:s9], [sflag:$0x3], $0x3800, $0x38;
	[tilespmem:$0xE800] =	vst v63  }
0x104: {  	s17 =	rddreg [dreg:$0x9]  }
0x105: {  	[hbm4b:s17+s2] =	stream.linear.scatter [tilespmem:s10], [sflag:$0x3], $0x3800, $0x38;
	[tilespmem:$0xE800] =	vst v63  }
0x106: {  	_ =	swait.ge [sflag:s14], $0x3800  }
0x107: {  	[sflag:s14] =	ssyncset.done $0x0  }
0x108: {  	[sflag:s14] =	ssyncadd.s32 $0xFFFFC800  }
0x109: {  	_ =	swait.ge [sflag:s14], $0x3800  }
0x10a: {  	[sflag:s14] =	ssyncset.done $0x0  }
0x10b: {  	[sflag:s14] =	ssyncadd.s32 $0xFFFFC800  }
0x10c: {  	_ =	swait.ge [sflag:s13], $0x3800  }
0x10d: {  	[sflag:s13] =	ssyncset.done $0x0  }
0x10e: {  	[sflag:s13] =	ssyncadd.s32 $0xFFFFC800  }
0x10f: {  	_ =	swait.ge [sflag:s13], $0x3800  }
0x110: {  	[sflag:s13] =	ssyncset.done $0x0  }
0x111: {  	[sflag:s13] =	ssyncadd.s32 $0xFFFFC800  }
0x112: {  	[tilespmem:s9], [sflag:$0x1] =	stream.indirect.gather [hbm4b:s3+s8], $0x80, s23, s8, $0xb8;
	[tilespmem:$0xE800] =	vst v63  }
0x113: {  	_ = 	snop  }
0x114: {  	[tilespmem:s10], [sflag:$0x1] =	stream.indirect.gather [hbm4b:s3+s8], $0x80, s22, s8, $0xb8;
	[tilespmem:$0xE800] =	vst v63  }
0x115: {  	s0 =	rddreg [dreg:$0xa]  }
0x116: {  	[hbm4b:s0+s2] =	stream.linear.scatter [tilespmem:s11], [sflag:$0x4], $0x3800, $0x38;
	[tilespmem:$0xE800] =	vst v63  }
0x117: {  	s17 =	rddreg [dreg:$0xb]  }
0x118: {  	[hbm4b:s17+s2] =	stream.linear.scatter [tilespmem:s12], [sflag:$0x4], $0x3800, $0x38;
	[tilespmem:$0xE800] =	vst v63  }
0x119: {  	_ =	swait.ge [sflag:s6], $0x3800  }
0x11a: {  	[sflag:s6] =	ssyncset.done $0x0  }
0x11b: {  	[sflag:s6] =	ssyncadd.s32 $0xFFFFC800  }
0x11c: {  	_ =	swait.ge [sflag:s6], $0x3800  }
0x11d: {  	[sflag:s6] =	ssyncset.done $0x0  }
0x11e: {  	[sflag:s6] =	ssyncadd.s32 $0xFFFFC800  }
0x11f: {  	_ =	swait.ge [sflag:s7], $0x3800  }
0x120: {  	[sflag:s7] =	ssyncset.done $0x0  }
0x121: {  	[sflag:s7] =	ssyncadd.s32 $0xFFFFC800  }
0x122: {  	_ =	swait.ge [sflag:s7], $0x3800  }
0x123: {  	[sflag:s7] =	ssyncset.done $0x0  }
0x124: {  	[sflag:s7] =	ssyncadd.s32 $0xFFFFC800  }
0x125: {  	[tilespmem:s11], [sflag:$0x2] =	stream.indirect.gather [hbm4b:s3+s8], $0x80, s21, s8, $0xb8;
	[tilespmem:$0xE800] =	vst v63  }
0x126: {  	_ = 	snop  }
0x127: {  	[tilespmem:s12], [sflag:$0x2] =	stream.indirect.gather [hbm4b:s3+s8], $0x80, s20, s8, $0xb8;
	[tilespmem:$0xE800] =	vst v63  }
0x128: {  	s0 =	rddreg [dreg:$0xc]  }
0x129: {  	[hbm4b:s0+s2] =	stream.linear.scatter [tilespmem:s9], [sflag:$0x3], $0x3800, $0x38;
	[tilespmem:$0xE800] =	vst v63  }
0x12a: {  	s17 =	rddreg [dreg:$0xd]  }
0x12b: {  	[hbm4b:s17+s2] =	stream.linear.scatter [tilespmem:s10], [sflag:$0x3], $0x3800, $0x38;
	[tilespmem:$0xE800] =	vst v63  }
0x12c: {  	_ =	swait.ge [sflag:s14], $0x3800  }
0x12d: {  	[sflag:s14] =	ssyncset.done $0x0  }
0x12e: {  	[sflag:s14] =	ssyncadd.s32 $0xFFFFC800  }
0x12f: {  	_ =	swait.ge [sflag:s14], $0x3800  }
0x130: {  	[sflag:s14] =	ssyncset.done $0x0  }
0x131: {  	[sflag:s14] =	ssyncadd.s32 $0xFFFFC800  }
0x132: {  	_ =	swait.ge [sflag:s13], $0x3800  }
0x133: {  	[sflag:s13] =	ssyncset.done $0x0  }
0x134: {  	[sflag:s13] =	ssyncadd.s32 $0xFFFFC800  }
0x135: {  	_ =	swait.ge [sflag:s13], $0x3800  }
0x136: {  	[sflag:s13] =	ssyncset.done $0x0  }
0x137: {  	[sflag:s13] =	ssyncadd.s32 $0xFFFFC800  }
0x138: {  	[tilespmem:s9], [sflag:$0x1] =	stream.indirect.gather [hbm4b:s3+s8], $0x80, s19, s8, $0xb8;
	[tilespmem:$0xE800] =	vst v63  }
0x139: {  	_ = 	snop  }
0x13a: {  	[tilespmem:s10], [sflag:$0x1] =	stream.indirect.gather [hbm4b:s3+s8], $0x80, s18, s8, $0xb8;
	[tilespmem:$0xE800] =	vst v63  }
0x13b: {  	s0 =	rddreg [dreg:$0xe]  }
0x13c: {  	[hbm4b:s0+s2] =	stream.linear.scatter [tilespmem:s11], [sflag:$0x4], $0x3800, $0x38;
	[tilespmem:$0xE800] =	vst v63  }
0x13d: {  	s17 =	rddreg [dreg:$0xf]  }
0x13e: {  	[hbm4b:s17+s2] =	stream.linear.scatter [tilespmem:s12], [sflag:$0x4], $0x3800, $0x38;
	[tilespmem:$0xE800] =	vst v63  }
0x13f: {  	_ =	swait.ge [sflag:s6], $0x3800  }
0x140: {  	[sflag:s6] =	ssyncset.done $0x0  }
0x141: {  	[sflag:s6] =	ssyncadd.s32 $0xFFFFC800  }
0x142: {  	_ =	swait.ge [sflag:s6], $0x3800  }
0x143: {  	[sflag:s6] =	ssyncset.done $0x0  }
0x144: {  	[sflag:s6] =	ssyncadd.s32 $0xFFFFC800  }
0x145: {  	_ =	swait.ge [sflag:s7], $0x3800  }
0x146: {  	[sflag:s7] =	ssyncset.done $0x0  }
0x147: {  	[sflag:s7] =	ssyncadd.s32 $0xFFFFC800  }
0x148: {  	_ =	swait.ge [sflag:s7], $0x3800  }
0x149: {  	[sflag:s7] =	ssyncset.done $0x0  }
0x14a: {  	[sflag:s7] =	ssyncadd.s32 $0xFFFFC800  }
0x14b: {  	[tilespmem:s11], [sflag:$0x2] =	stream.indirect.gather [hbm4b:s3+s8], $0x80, s15, s8, $0xb8;
	[tilespmem:$0xE800] =	vst v63  }
0x14c: {  	_ = 	snop  }
0x14d: {  	[tilespmem:s12], [sflag:$0x2] =	stream.indirect.gather [hbm4b:s3+s8], $0x80, s16, s8, $0xb8;
	[tilespmem:$0xE800] =	vst v63  }
0x14e: {  	s0 =	rddreg [dreg:$0x10]  }
0x14f: {  	[hbm4b:s0+s2] =	stream.linear.scatter [tilespmem:s9], [sflag:$0x3], $0x3800, $0x38;
	[tilespmem:$0xE800] =	vst v63  }
0x150: {  	s17 =	rddreg [dreg:$0x11]  }
0x151: {  	[hbm4b:s17+s2] =	stream.linear.scatter [tilespmem:s10], [sflag:$0x3], $0x3800, $0x38;
	[tilespmem:$0xE800] =	vst v63  }
0x152: {  	_ =	swait.ge [sflag:s14], $0x3800  }
0x153: {  	[sflag:s14] =	ssyncset.done $0x0  }
0x154: {  	[sflag:s14] =	ssyncadd.s32 $0xFFFFC800  }
0x155: {  	_ =	swait.ge [sflag:s14], $0x3800  }
0x156: {  	[sflag:s14] =	ssyncset.done $0x0  }
0x157: {  	[sflag:s14] =	ssyncadd.s32 $0xFFFFC800  }
0x158: {  	_ =	swait.ge [sflag:s13], $0x3800  }
0x159: {  	[sflag:s13] =	ssyncset.done $0x0  }
0x15a: {  	[sflag:s13] =	ssyncadd.s32 $0xFFFFC800  }
0x15b: {  	_ =	swait.ge [sflag:s13], $0x3800  }
0x15c: {  	[sflag:s13] =	ssyncset.done $0x0  }
0x15d: {  	[sflag:s13] =	ssyncadd.s32 $0xFFFFC800  }
0x15e: {  	[tilespmem:s9], [sflag:$0x1] =	stream.indirect.gather [hbm4b:s3+s8], $0x80, s15, s8, $0xb8;
	[tilespmem:$0xE800] =	vst v63  }
0x15f: {  	_ = 	snop  }
0x160: {  	[tilespmem:s10], [sflag:$0x1] =	stream.indirect.gather [hbm4b:s3+s8], $0x80, s16, s8, $0xb8;
	[tilespmem:$0xE800] =	vst v63  }
0x161: {  	_ = 	snop  }
0x162: {  	[hbm4b:s4+s2] =	stream.linear.scatter [tilespmem:s11], [sflag:$0x4], $0x3800, $0x38;
	[tilespmem:$0xE800] =	vst v63  }
0x163: {  	_ = 	snop  }
0x164: {  	[hbm4b:s5+s2] =	stream.linear.scatter [tilespmem:s12], [sflag:$0x4], $0x3800, $0x38;
	[tilespmem:$0xE800] =	vst v63  }
0x165: {  	_ =	swait.ge [sflag:s6], $0x3800  }
0x166: {  	[sflag:s6] =	ssyncset.done $0x0  }
0x167: {  	[sflag:s6] =	ssyncadd.s32 $0xFFFFC800  }
0x168: {  	_ =	swait.ge [sflag:s6], $0x3800  }
0x169: {  	[sflag:s6] =	ssyncset.done $0x0  }
0x16a: {  	p1 =	sne.s32 s1, $0x1;
	[sflag:s6] =	ssyncadd.s32 $0xFFFFC800  }
.Ltmp2:
0x16b: {  	_ =	swait.ge [sflag:s7], $0x3800;
	(pc) =	sbr.rel @p1 .LBB2_4-.Ltmp2, $4  }
0x16c: {  	[sflag:s7] =	ssyncset.done $0x0  }
0x16d: {  	[sflag:s7] =	ssyncadd.s32 $0xFFFFC800  }
0x16e: {  	_ =	swait.ge [sflag:s7], $0x3800  }
0x16f: {  	s1 =	sadd.s32 $0xFFFFFFFF, s1;
	s0 =	rddreg [dreg:$0x2];
	[sflag:s7] =	ssyncset.done $0x0  }
0x170: {  	s28 =	simm.s32 $0x100  }
0x171: {  	s26 =	simm.s32 $0x500;
	s25 =	simm.s32 $0x180;
	s24 =	simm.s32 $0x580  }
0x172: {  	s23 =	simm.s32 $0x200;
	s22 =	simm.s32 $0x600;
	s21 =	simm.s32 $0x280  }
0x173: {  	s20 =	simm.s32 $0x680;
	s19 =	simm.s32 $0x300;
	s18 =	simm.s32 $0x700  }
0x174: {  	s17 =	stileid.u32;
	s1 =	simm.s32 $0x80;
	s29 =	simm.s32 $0x480  }
.LBB2_6:
0x175: {  	[sflag:s7] =	ssyncadd.s32 @p0 $0xFFFFC800  }
0x176: {  	[tilespmem:s2], [sflag:$0x5] =	stream.linear.gather [hbm4b:s0+s2], $0x400, $0x38;
	[tilespmem:$0xE800] =	vst v63  }
0x177: {  	_ =	swait.ge [sflag:s31], $0x400  }
0x178: {  	[sflag:s31] =	ssyncset.done $0x0  }
0x179: {  	s0 =	rddreg [dreg:$0x3];
	[sflag:s31] =	ssyncadd.s32 $0xFFFFFC00  }
0x17a: {  	[tilespmem:s30], [sflag:$0x5] =	stream.linear.gather [hbm4b:s0+s2], $0x400, $0x38;
	[tilespmem:$0xE800] =	vst v63  }
0x17b: {  	_ =	swait.ge [sflag:s31], $0x400  }
0x17c: {  	[sflag:s31] =	ssyncset.done $0x0  }
0x17d: {  	[sflag:s31] =	ssyncadd.s32 $0xFFFFFC00  }
0x17e: {  	[tilespmem:s9], [sflag:$0x1] =	stream.indirect.gather [hbm4b:s3+s8], $0x80, s2, s8, $0xb8;
	[tilespmem:$0xE800] =	vst v63  }
0x17f: {  	_ = 	snop  }
0x180: {  	[tilespmem:s10], [sflag:$0x1] =	stream.indirect.gather [hbm4b:s3+s8], $0x80, s30, s8, $0xb8;
	[tilespmem:$0xE800] =	vst v63  }
0x181: {  	_ =	swait.ge [sflag:s6], $0x3800  }
0x182: {  	[sflag:s6] =	ssyncset.done $0x0  }
0x183: {  	[sflag:s6] =	ssyncadd.s32 $0xFFFFC800  }
0x184: {  	_ =	swait.ge [sflag:s6], $0x3800  }
0x185: {  	[sflag:s6] =	ssyncset.done $0x0  }
0x186: {  	[sflag:s6] =	ssyncadd.s32 $0xFFFFC800  }
0x187: {  	[tilespmem:s11], [sflag:$0x2] =	stream.indirect.gather [hbm4b:s3+s8], $0x80, s1, s8, $0xb8;
	[tilespmem:$0xE800] =	vst v63  }
0x188: {  	_ = 	snop  }
0x189: {  	[tilespmem:s12], [sflag:$0x2] =	stream.indirect.gather [hbm4b:s3+s8], $0x80, s29, s8, $0xb8;
	[tilespmem:$0xE800] =	vst v63  }
0x18a: {  	s30 =	rddreg [dreg:$0x4]  }
0x18b: {  	[hbm4b:s30+s2] =	stream.linear.scatter [tilespmem:s9], [sflag:$0x3], $0x3800, $0x38;
	[tilespmem:$0xE800] =	vst v63  }
0x18c: {  	s31 =	rddreg [dreg:$0x5]  }
0x18d: {  	[hbm4b:s31+s2] =	stream.linear.scatter [tilespmem:s10], [sflag:$0x3], $0x3800, $0x38;
	[tilespmem:$0xE800] =	vst v63  }
0x18e: {  	_ =	swait.ge [sflag:s14], $0x3800  }
0x18f: {  	[sflag:s14] =	ssyncset.done $0x0  }
0x190: {  	[sflag:s14] =	ssyncadd.s32 $0xFFFFC800  }
0x191: {  	_ =	swait.ge [sflag:s14], $0x3800  }
0x192: {  	[sflag:s14] =	ssyncset.done $0x0  }
0x193: {  	[sflag:s14] =	ssyncadd.s32 $0xFFFFC800  }
0x194: {  	_ =	swait.ge [sflag:s13], $0x3800  }
0x195: {  	[sflag:s13] =	ssyncset.done $0x0  }
0x196: {  	[sflag:s13] =	ssyncadd.s32 $0xFFFFC800  }
0x197: {  	_ =	swait.ge [sflag:s13], $0x3800  }
0x198: {  	[sflag:s13] =	ssyncset.done $0x0  }
0x199: {  	[sflag:s13] =	ssyncadd.s32 $0xFFFFC800  }
0x19a: {  	[tilespmem:s9], [sflag:$0x1] =	stream.indirect.gather [hbm4b:s3+s8], $0x80, s28, s8, $0xb8;
	[tilespmem:$0xE800] =	vst v63  }
0x19b: {  	_ = 	snop  }
0x19c: {  	[tilespmem:s10], [sflag:$0x1] =	stream.indirect.gather [hbm4b:s3+s8], $0x80, s26, s8, $0xb8;
	[tilespmem:$0xE800] =	vst v63  }
0x19d: {  	s28 =	rddreg [dreg:$0x6]  }
0x19e: {  	[hbm4b:s28+s2] =	stream.linear.scatter [tilespmem:s11], [sflag:$0x4], $0x3800, $0x38;
	[tilespmem:$0xE800] =	vst v63  }
0x19f: {  	s29 =	rddreg [dreg:$0x7]  }
0x1a0: {  	[hbm4b:s29+s2] =	stream.linear.scatter [tilespmem:s12], [sflag:$0x4], $0x3800, $0x38;
	[tilespmem:$0xE800] =	vst v63  }
0x1a1: {  	_ =	swait.ge [sflag:s6], $0x3800  }
0x1a2: {  	[sflag:s6] =	ssyncset.done $0x0  }
0x1a3: {  	[sflag:s6] =	ssyncadd.s32 $0xFFFFC800  }
0x1a4: {  	_ =	swait.ge [sflag:s6], $0x3800  }
0x1a5: {  	[sflag:s6] =	ssyncset.done $0x0  }
0x1a6: {  	[sflag:s6] =	ssyncadd.s32 $0xFFFFC800  }
0x1a7: {  	_ =	swait.ge [sflag:s7], $0x3800  }
0x1a8: {  	[sflag:s7] =	ssyncset.done $0x0  }
0x1a9: {  	[sflag:s7] =	ssyncadd.s32 $0xFFFFC800  }
0x1aa: {  	_ =	swait.ge [sflag:s7], $0x3800  }
0x1ab: {  	[sflag:s7] =	ssyncset.done $0x0  }
0x1ac: {  	[sflag:s7] =	ssyncadd.s32 $0xFFFFC800  }
0x1ad: {  	[tilespmem:s11], [sflag:$0x2] =	stream.indirect.gather [hbm4b:s3+s8], $0x80, s25, s8, $0xb8;
	[tilespmem:$0xE800] =	vst v63  }
0x1ae: {  	_ = 	snop  }
0x1af: {  	[tilespmem:s12], [sflag:$0x2] =	stream.indirect.gather [hbm4b:s3+s8], $0x80, s24, s8, $0xb8;
	[tilespmem:$0xE800] =	vst v63  }
0x1b0: {  	s30 =	rddreg [dreg:$0x8]  }
0x1b1: {  	[hbm4b:s30+s2] =	stream.linear.scatter [tilespmem:s9], [sflag:$0x3], $0x3800, $0x38;
	[tilespmem:$0xE800] =	vst v63  }
0x1b2: {  	s31 =	rddreg [dreg:$0x9]  }
0x1b3: {  	[hbm4b:s31+s2] =	stream.linear.scatter [tilespmem:s10], [sflag:$0x3], $0x3800, $0x38;
	[tilespmem:$0xE800] =	vst v63  }
0x1b4: {  	_ =	swait.ge [sflag:s14], $0x3800  }
0x1b5: {  	[sflag:s14] =	ssyncset.done $0x0  }
0x1b6: {  	[sflag:s14] =	ssyncadd.s32 $0xFFFFC800  }
0x1b7: {  	_ =	swait.ge [sflag:s14], $0x3800  }
0x1b8: {  	[sflag:s14] =	ssyncset.done $0x0  }
0x1b9: {  	[sflag:s14] =	ssyncadd.s32 $0xFFFFC800  }
0x1ba: {  	_ =	swait.ge [sflag:s13], $0x3800  }
0x1bb: {  	[sflag:s13] =	ssyncset.done $0x0  }
0x1bc: {  	[sflag:s13] =	ssyncadd.s32 $0xFFFFC800  }
0x1bd: {  	_ =	swait.ge [sflag:s13], $0x3800  }
0x1be: {  	[sflag:s13] =	ssyncset.done $0x0  }
0x1bf: {  	[sflag:s13] =	ssyncadd.s32 $0xFFFFC800  }
0x1c0: {  	[tilespmem:s9], [sflag:$0x1] =	stream.indirect.gather [hbm4b:s3+s8], $0x80, s23, s8, $0xb8;
	[tilespmem:$0xE800] =	vst v63  }
0x1c1: {  	_ = 	snop  }
0x1c2: {  	[tilespmem:s10], [sflag:$0x1] =	stream.indirect.gather [hbm4b:s3+s8], $0x80, s22, s8, $0xb8;
	[tilespmem:$0xE800] =	vst v63  }
0x1c3: {  	s23 =	rddreg [dreg:$0xa]  }
0x1c4: {  	[hbm4b:s23+s2] =	stream.linear.scatter [tilespmem:s11], [sflag:$0x4], $0x3800, $0x38;
	[tilespmem:$0xE800] =	vst v63  }
0x1c5: {  	s24 =	rddreg [dreg:$0xb]  }
0x1c6: {  	[hbm4b:s24+s2] =	stream.linear.scatter [tilespmem:s12], [sflag:$0x4], $0x3800, $0x38;
	[tilespmem:$0xE800] =	vst v63  }
0x1c7: {  	_ =	swait.ge [sflag:s6], $0x3800  }
0x1c8: {  	[sflag:s6] =	ssyncset.done $0x0  }
0x1c9: {  	[sflag:s6] =	ssyncadd.s32 $0xFFFFC800  }
0x1ca: {  	_ =	swait.ge [sflag:s6], $0x3800  }
0x1cb: {  	[sflag:s6] =	ssyncset.done $0x0  }
0x1cc: {  	[sflag:s6] =	ssyncadd.s32 $0xFFFFC800  }
0x1cd: {  	_ =	swait.ge [sflag:s7], $0x3800  }
0x1ce: {  	[sflag:s7] =	ssyncset.done $0x0  }
0x1cf: {  	[sflag:s7] =	ssyncadd.s32 $0xFFFFC800  }
0x1d0: {  	_ =	swait.ge [sflag:s7], $0x3800  }
0x1d1: {  	[sflag:s7] =	ssyncset.done $0x0  }
0x1d2: {  	[sflag:s7] =	ssyncadd.s32 $0xFFFFC800  }
0x1d3: {  	[tilespmem:s11], [sflag:$0x2] =	stream.indirect.gather [hbm4b:s3+s8], $0x80, s21, s8, $0xb8;
	[tilespmem:$0xE800] =	vst v63  }
0x1d4: {  	_ = 	snop  }
0x1d5: {  	[tilespmem:s12], [sflag:$0x2] =	stream.indirect.gather [hbm4b:s3+s8], $0x80, s20, s8, $0xb8;
	[tilespmem:$0xE800] =	vst v63  }
0x1d6: {  	s25 =	rddreg [dreg:$0xc]  }
0x1d7: {  	[hbm4b:s25+s2] =	stream.linear.scatter [tilespmem:s9], [sflag:$0x3], $0x3800, $0x38;
	[tilespmem:$0xE800] =	vst v63  }
0x1d8: {  	s26 =	rddreg [dreg:$0xd]  }
0x1d9: {  	[hbm4b:s26+s2] =	stream.linear.scatter [tilespmem:s10], [sflag:$0x3], $0x3800, $0x38;
	[tilespmem:$0xE800] =	vst v63  }
0x1da: {  	_ =	swait.ge [sflag:s14], $0x3800  }
0x1db: {  	[sflag:s14] =	ssyncset.done $0x0  }
0x1dc: {  	[sflag:s14] =	ssyncadd.s32 $0xFFFFC800  }
0x1dd: {  	_ =	swait.ge [sflag:s14], $0x3800  }
0x1de: {  	[sflag:s14] =	ssyncset.done $0x0  }
0x1df: {  	[sflag:s14] =	ssyncadd.s32 $0xFFFFC800  }
0x1e0: {  	_ =	swait.ge [sflag:s13], $0x3800  }
0x1e1: {  	[sflag:s13] =	ssyncset.done $0x0  }
0x1e2: {  	[sflag:s13] =	ssyncadd.s32 $0xFFFFC800  }
0x1e3: {  	_ =	swait.ge [sflag:s13], $0x3800  }
0x1e4: {  	[sflag:s13] =	ssyncset.done $0x0  }
0x1e5: {  	[sflag:s13] =	ssyncadd.s32 $0xFFFFC800  }
0x1e6: {  	[tilespmem:s9], [sflag:$0x1] =	stream.indirect.gather [hbm4b:s3+s8], $0x80, s19, s8, $0xb8;
	[tilespmem:$0xE800] =	vst v63  }
0x1e7: {  	_ = 	snop  }
0x1e8: {  	[tilespmem:s10], [sflag:$0x1] =	stream.indirect.gather [hbm4b:s3+s8], $0x80, s18, s8, $0xb8;
	[tilespmem:$0xE800] =	vst v63  }
0x1e9: {  	s28 =	rddreg [dreg:$0xe]  }
0x1ea: {  	[hbm4b:s28+s2] =	stream.linear.scatter [tilespmem:s11], [sflag:$0x4], $0x3800, $0x38;
	[tilespmem:$0xE800] =	vst v63  }
0x1eb: {  	s29 =	rddreg [dreg:$0xf]  }
0x1ec: {  	[hbm4b:s29+s2] =	stream.linear.scatter [tilespmem:s12], [sflag:$0x4], $0x3800, $0x38;
	[tilespmem:$0xE800] =	vst v63  }
0x1ed: {  	_ =	swait.ge [sflag:s6], $0x3800  }
0x1ee: {  	[sflag:s6] =	ssyncset.done $0x0  }
0x1ef: {  	[sflag:s6] =	ssyncadd.s32 $0xFFFFC800  }
0x1f0: {  	_ =	swait.ge [sflag:s6], $0x3800  }
0x1f1: {  	[sflag:s6] =	ssyncset.done $0x0  }
0x1f2: {  	[sflag:s6] =	ssyncadd.s32 $0xFFFFC800  }
0x1f3: {  	_ =	swait.ge [sflag:s7], $0x3800  }
0x1f4: {  	[sflag:s7] =	ssyncset.done $0x0  }
0x1f5: {  	[sflag:s7] =	ssyncadd.s32 $0xFFFFC800  }
0x1f6: {  	_ =	swait.ge [sflag:s7], $0x3800  }
0x1f7: {  	[sflag:s7] =	ssyncset.done $0x0  }
0x1f8: {  	[sflag:s7] =	ssyncadd.s32 $0xFFFFC800  }
0x1f9: {  	[tilespmem:s11], [sflag:$0x2] =	stream.indirect.gather [hbm4b:s3+s8], $0x80, s15, s8, $0xb8;
	[tilespmem:$0xE800] =	vst v63  }
0x1fa: {  	_ = 	snop  }
0x1fb: {  	[tilespmem:s12], [sflag:$0x2] =	stream.indirect.gather [hbm4b:s3+s8], $0x80, s16, s8, $0xb8;
	[tilespmem:$0xE800] =	vst v63  }
0x1fc: {  	s30 =	rddreg [dreg:$0x10]  }
0x1fd: {  	[hbm4b:s30+s2] =	stream.linear.scatter [tilespmem:s9], [sflag:$0x3], $0x3800, $0x38;
	[tilespmem:$0xE800] =	vst v63  }
0x1fe: {  	s31 =	rddreg [dreg:$0x11]  }
0x1ff: {  	[hbm4b:s31+s2] =	stream.linear.scatter [tilespmem:s10], [sflag:$0x3], $0x3800, $0x38;
	[tilespmem:$0xE800] =	vst v63  }
0x200: {  	_ =	swait.ge [sflag:s14], $0x3800  }
0x201: {  	[sflag:s14] =	ssyncset.done $0x0  }
0x202: {  	[sflag:s14] =	ssyncadd.s32 $0xFFFFC800  }
0x203: {  	_ =	swait.ge [sflag:s14], $0x3800  }
0x204: {  	[sflag:s14] =	ssyncset.done $0x0  }
0x205: {  	[sflag:s14] =	ssyncadd.s32 $0xFFFFC800  }
0x206: {  	_ =	swait.ge [sflag:s13], $0x3800  }
0x207: {  	[sflag:s13] =	ssyncset.done $0x0  }
0x208: {  	[sflag:s13] =	ssyncadd.s32 $0xFFFFC800  }
0x209: {  	_ =	swait.ge [sflag:s13], $0x3800  }
0x20a: {  	[sflag:s13] =	ssyncset.done $0x0  }
0x20b: {  	[sflag:s13] =	ssyncadd.s32 $0xFFFFC800  }
0x20c: {  	[tilespmem:s9], [sflag:$0x1] =	stream.indirect.gather [hbm4b:s3+s8], $0x80, s15, s8, $0xb8;
	[tilespmem:$0xE800] =	vst v63  }
0x20d: {  	_ = 	snop  }
0x20e: {  	[tilespmem:s10], [sflag:$0x1] =	stream.indirect.gather [hbm4b:s3+s8], $0x80, s16, s8, $0xb8;
	[tilespmem:$0xE800] =	vst v63  }
0x20f: {  	_ = 	snop  }
0x210: {  	[hbm4b:s4+s2] =	stream.linear.scatter [tilespmem:s11], [sflag:$0x4], $0x3800, $0x38;
	[tilespmem:$0xE800] =	vst v63  }
0x211: {  	_ = 	snop  }
0x212: {  	[hbm4b:s5+s2] =	stream.linear.scatter [tilespmem:s12], [sflag:$0x4], $0x3800, $0x38;
	[tilespmem:$0xE800] =	vst v63  }
0x213: {  	_ =	swait.ge [sflag:s6], $0x3800  }
0x214: {  	[sflag:s6] =	ssyncset.done $0x0  }
0x215: {  	[sflag:s6] =	ssyncadd.s32 $0xFFFFC800  }
0x216: {  	_ =	swait.ge [sflag:s6], $0x3800  }
0x217: {  	[sflag:s6] =	ssyncset.done $0x0  }
0x218: {  	[sflag:s6] =	ssyncadd.s32 $0xFFFFC800  }
0x219: {  	_ =	swait.ge [sflag:s7], $0x3800  }
0x21a: {  	[sflag:s7] =	ssyncset.done $0x0  }
0x21b: {  	[sflag:s7] =	ssyncadd.s32 $0xFFFFC800  }
0x21c: {  	_ =	swait.ge [sflag:s7], $0x3800  }
0x21d: {  	[sflag:s7] =	ssyncset.done $0x0  }
0x21e: {  	[sflag:s7] =	ssyncadd.s32 $0xFFFFC800  }
0x21f: {  	_ =	sfence.sel $0x180000  }
0x220: {  	[bflag:$0x0] =	sbarrier.arrive $0xFFFF  }
0x221: {  	_ =	strace $0x9000004D  }
0x222: {  	[bflag:$0x2] =	sbarrier.arrive $0xFFFF  }
0x223: {  	p0 =	sne.s32 s17, $0x0;
	s0 =	rddreg [dreg:$0x1]  }
0x224: {  	s0 =	sadd.s32 @!p0 $0x100000, s0  }
0x225: {  	[sflag:s0] =	ssyncadd.tile.s32 @!p0 $0x1;
	_ =	shalt  }
.LBB2_1:
.Ltmp3:
0x226: {  	(pc) =	sbr.rel .LBB2_6-.Ltmp3, $4  }
0x227: {  	s28 =	simm.s32 $0x100  }
0x228: {  	s26 =	simm.s32 $0x500;
	s25 =	simm.s32 $0x180;
	s24 =	simm.s32 $0x580  }
0x229: {  	s23 =	simm.s32 $0x200;
	s22 =	simm.s32 $0x600;
	s21 =	simm.s32 $0x280  }
0x22a: {  	s20 =	simm.s32 $0x680;
	s19 =	simm.s32 $0x300;
	s18 =	simm.s32 $0x700  }
.LBB2_3:
.Ltmp4:
0x22b: {  	s28 =	simm.s32 $0x100;
	(pc) =	sbr.rel .LBB2_6-.Ltmp4, $4  }
0x22c: {  	s26 =	simm.s32 $0x500;
	s25 =	simm.s32 $0x180;
	s24 =	simm.s32 $0x580  }
0x22d: {  	s23 =	simm.s32 $0x200;
	s22 =	simm.s32 $0x600;
	s21 =	simm.s32 $0x280  }
0x22e: {  	s20 =	simm.s32 $0x680;
	s19 =	simm.s32 $0x300;
	s18 =	simm.s32 $0x700  }
0x22f: {  	s17 =	stileid.u32;
	s1 =	simm.s32 $0x80;
	s29 =	simm.s32 $0x480  }
.Lfunc_end2:
_tile_overlayer_lowered:
.L_overlay_start_2:
0x230: {  	(tag) =	ssettag $0x2  }
0x231: {  	s0 =	rddreg [dreg:$0x0];
	s2 =	stileid.u32  }
0x232: {  	s1 =	rddreg [dreg:$0x1];
	p0 =	sne.s32 s2, $0x0  }
0x233: {  	s3 =	rddreg [dreg:$0x2];
	[bflag:$0x3] =	sbarrier.arrive $0xFFFF;
	s2 =	simm.s32 @!p0 $0x1C05  }
0x234: {  	[timem:s3], [sflag:s2] =	dma.local @!p0 [hbm:s0], s1  }
0x235: {  	s0 =	simm.s32 @!p0 $0x5  }
0x236: {  	_ =	swait.ge @!p0 [sflag:s0], s1  }
0x237: {  	s1 =	ssub.s32 @!p0 $0x0, s1;
	[sflag:s0] =	ssyncset.done @!p0 $0x0  }
0x238: {  	[sflag:s0] =	ssyncadd.s32 @!p0 s1  }
0x239: {  	[bflag:$0x3] =	sbarrier.arrive $0xFFFF  }
0x23a: {  	_ =	shalt  }

// kernel: kernel.20.cloned.1.call-start
scs
__scs_entry_jumppad:
0x0: {  	(pc) =	sbr.rel $0x88, $3  }
0x1: {  	(tag) =	ssettag $0x0;
	lr =	simm.s32 $0x1  }
0x2: {  	[smem:$0x3F98] =	sst lr;
	_ =	strace $0xD0000000  }
0x3: {  	_ = 	snop  }
0x4: {  	_ = 	snop  }
0x5: {  	_ = 	snop  }
0x6: {  	_ = 	snop  }
0x7: {  	_ = 	snop  }
__scs_overlays_trampoline_lowered:
0x8: {  	[smem:$0x3FA7] =	sst s0  }
0x9: {  	[smem:$0x3FA8] =	sst s1  }
0xa: {  	[smem:$0x3FA9] =	sst s2  }
0xb: {  	[smem:$0x3FAA] =	sst s3  }
0xc: {  	[smem:$0x3FAB] =	sst s4  }
0xd: {  	[smem:$0x3FAC] =	sst s5  }
0xe: {  	[smem:$0x3FAD] =	sst s6  }
0xf: {  	[smem:$0x3FAE] =	sst s7  }
0x10: {  	[smem:$0x3FAF] =	sst s8  }
0x11: {  	[smem:$0x3FB0] =	sst s9;
	s0 =	simm.s32 @!p0 $0x0  }
0x12: {  	s1 =	sld [smem:$0x3F96];
	s0 =	simm.s32 @p0 $0x1  }
0x13: {  	[smem:$0x3FB1] =	sst s0;
	s0 =	simm.s32 @!p1 $0x0  }
0x14: {  	s2 =	sld [smem:$0x3F95];
	s0 =	simm.s32 @p1 $0x1  }
0x15: {  	[smem:$0x3FB2] =	sst s0;
	s0 =	simm.s32 @!p2 $0x0  }
0x16: {  	s3 =	sld [smem:$0x3FDB];
	s0 =	simm.s32 @p2 $0x1  }
0x17: {  	s4 =	simm.s32 $0x1BF5;
	[smem:$0x3FB4] =	sst s0  }
0x18: {  	s0 =	sld [smem:$0x3F97];
	_ =	swait.ge [sflag:s4], $0x0  }
0x19: {  	s7 =	sld [smem:$0x3F98]  }
0x1a: {  	s8 =	sadd.s32 $0xFFFFE003, lr  }
0x1b: {  	s9 =	sadd.s32 $0xFFFFFEF7, lr;
	s5 =	simm.s32 $0xFFFFFFFF;
	p2 =	slt.u32 s8, $0xFFFFF086  }
0x1c: {  	p1 =	slt.u32 s9, $0xF7A;
	s5 =	simm.s32 @!p2 $0x0  }
0x1d: {  	s5 =	simm.s32 @p1 $0x1;
	p0 =	seq.s32 s7, s2  }
0x1e: {  	s7 =	smul.u32 @!p0 $0xF7A, s2;
	p2 =	seq.s32 @!p0 s5, $0x0  }
0x1f: {  	s9 =	smul.u32 $0xF7A, s1;
	s8 =	simm.s32 @!p0 $0x1BF5;
	p2 =	por !p2, p0  }
0x20: {  	[sflag:s8] =	ssyncset.s32 @!p0 $0xFFFFF086;
	s6 =	sadd.s32 @!p0 s3, s7;
	s7 =	simm.s32 @!p0 $0x108  }
0x21: {  	s3 =	sadd.s32 s3, s9;
	s6 =	sadd.s32 @!p0 $0x88, s6;
	s7 =	simm.s32 @p2 $0x1082  }
0x22: {  	[simem:s7], [sflag:s8] =	dma.local @!p0 [hbm:s6], $0xF7A  }
0x23: {  	s9 =	sor.u32 $0xD0000000, s2;
	s6 =	simm.s32 $0x108;
	_ =	swait.ge @!p0 [sflag:s8], $0x0  }
0x24: {  	s3 =	sadd.s32 $0x88, s3;
	s6 =	simm.s32 @!p1 $0x1082;
	[sflag:s4] =	ssyncset.s32 $0xFFFFF086  }
0x25: {  	[simem:s6], [sflag:s4] =	dma.local [hbm:s3], $0xF7A  }
0x26: {  	[smem:$0x3F98] =	sst s1;
	(tag) =	ssettag s2;
	_ =	strace s9  }
0x27: {  	s1 =	sld [smem:$0x3FA8]  }
0x28: {  	s2 =	sld [smem:$0x3FA9]  }
0x29: {  	s4 =	sld [smem:$0x3FAB]  }
0x2a: {  	p0 =	seq.s32 s5, $0x0;
	s5 =	sld [smem:$0x3FAC]  }
0x2b: {  	s6 =	sld [smem:$0x3FAD]  }
0x2c: {  	s7 =	sld [smem:$0x3FAE]  }
0x2d: {  	s3 =	simm.s32 $0x108;
	s8 =	sld [smem:$0x3FAF]  }
0x2e: {  	s3 =	simm.s32 @!p0 $0x1082;
	s9 =	sld [smem:$0x3FB0]  }
0x2f: {  	lr =	sadd.s32 s0, s3;
	s0 =	sld [smem:$0x3FA7]  }
0x30: {  	s3 =	sld [smem:$0x3FAA]  }
0x31: {  	[smem:$0x3FB3] =	sst s10  }
0x32: {  	s10 =	sld [smem:$0x3FB1];
	_ =	sdelay $0x3  }
0x33: {  	p0 =	seq.s32 s10, $0x1;
	s10 =	sld [smem:$0x3FB3];
	_ =	sdelay $0x3  }
0x34: {  	[smem:$0x3FB3] =	sst s10  }
0x35: {  	s10 =	sld [smem:$0x3FB2];
	_ =	sdelay $0x3  }
0x36: {  	p1 =	seq.s32 s10, $0x1;
	s10 =	sld [smem:$0x3FB3];
	_ =	sdelay $0x3  }
0x37: {  	[smem:$0x3FB3] =	sst s10  }
0x38: {  	s10 =	sld [smem:$0x3FB4]  }
0x39: {  	_ = 	snop;
	(pc) =	sbr.ind lr, $3  }
0x3a: {  	_ = 	snop  }
0x3b: {  	_ = 	snop  }
0x3c: {  	p2 =	seq.s32 s10, $0x1;
	s10 =	sld [smem:$0x3FB3]  }
0x3d: {  	_ =	shalt  }
0x3e: {  	_ =	shalt  }
0x3f: {  	_ =	shalt  }
0x40: {  	_ =	shalt  }
0x41: {  	_ =	shalt  }
0x42: {  	_ =	shalt  }
0x43: {  	_ =	shalt  }
0x44: {  	_ =	shalt  }
0x45: {  	_ =	shalt  }
0x46: {  	_ =	shalt  }
0x47: {  	_ =	shalt  }
0x48: {  	_ =	shalt  }
0x49: {  	_ =	shalt  }
0x4a: {  	_ =	shalt  }
0x4b: {  	_ =	shalt  }
0x4c: {  	_ =	shalt  }
0x4d: {  	_ =	shalt  }
0x4e: {  	_ =	shalt  }
0x4f: {  	_ =	shalt  }
0x50: {  	_ =	shalt  }
0x51: {  	_ =	shalt  }
0x52: {  	_ =	shalt  }
0x53: {  	_ =	shalt  }
0x54: {  	_ =	shalt  }
0x55: {  	_ =	shalt  }
0x56: {  	_ =	shalt  }
0x57: {  	_ =	shalt  }
0x58: {  	_ =	shalt  }
0x59: {  	_ =	shalt  }
0x5a: {  	_ =	shalt  }
0x5b: {  	_ =	shalt  }
0x5c: {  	_ =	shalt  }
0x5d: {  	_ =	shalt  }
0x5e: {  	_ =	shalt  }
0x5f: {  	_ =	shalt  }
0x60: {  	_ =	shalt  }
0x61: {  	_ =	shalt  }
0x62: {  	_ =	shalt  }
0x63: {  	_ =	shalt  }
0x64: {  	_ =	shalt  }
0x65: {  	_ =	shalt  }
0x66: {  	_ =	shalt  }
0x67: {  	_ =	shalt  }
0x68: {  	_ =	shalt  }
0x69: {  	_ =	shalt  }
0x6a: {  	_ =	shalt  }
0x6b: {  	_ =	shalt  }
0x6c: {  	_ =	shalt  }
0x6d: {  	_ =	shalt  }
0x6e: {  	_ =	shalt  }
0x6f: {  	_ =	shalt  }
0x70: {  	_ =	shalt  }
0x71: {  	_ =	shalt  }
0x72: {  	_ =	shalt  }
0x73: {  	_ =	shalt  }
0x74: {  	_ =	shalt  }
0x75: {  	_ =	shalt  }
0x76: {  	_ =	shalt  }
0x77: {  	_ =	shalt  }
0x78: {  	_ =	shalt  }
0x79: {  	_ =	shalt  }
0x7a: {  	_ =	shalt  }
0x7b: {  	_ =	shalt  }
0x7c: {  	_ =	shalt  }
0x7d: {  	_ =	shalt  }
0x7e: {  	_ =	shalt  }
0x7f: {  	_ =	shalt  }
0x80: {  	_ =	shalt  }
0x81: {  	_ =	shalt  }
0x82: {  	_ =	shalt  }
0x83: {  	_ =	shalt  }
0x84: {  	_ =	shalt  }
0x85: {  	_ =	shalt  }
0x86: {  	_ =	shalt  }
0x87: {  	_ =	shalt  }
.Lfunc_end0:
.L_simem_size_0:
called_computation.3_lowered:
.L_overlay_start_0:
0x88: {  	s2 =	sld [smem:$0x3FD9]  }
0x89: {  	s3 =	sld [smem:$0x3FFE];
	_ =	sdelay $0x1  }
0x8a: {  	s1 =	srdreg.scid  }
0x8b: {  	s0 =	sand.u32 $0x1, s1  }
0x8c: {  	s17 =	sshll.u32 s0, $0xA;
	s2 =	sadd.s32 s3, s2  }
0x8d: {  	s2 =	sadd.s32 s2, s17  }
0x8e: {  	[smem:$0x3FBF] =	sst s2  }
0x8f: {  	_ = 	snop  }
0x90: {  	(tm) =	ssettm $0x1  }
0x91: {  	s18 =	sld [smem:$0x3FFB];
	_ =	sdelay $0x3  }
0x92: {  	_ =	strace s18  }
0x93: {  	s2 =	sld [smem:$0x3FFC];
	_ =	sdelay $0x3  }
0x94: {  	_ =	strace s2  }
0x95: {  	s2 =	sld [smem:$0x3FFD];
	_ =	sdelay $0x3  }
0x96: {  	_ =	strace s2  }
0x97: {  	_ =	strace $0x8FFFFFFF  }
0x98: {  	s19 =	sld [smem:$0x3FDB];
	_ =	sdelay $0x1  }
0x99: {  	s20 =	simm.s32 $_scs_section_size  }
0x9a: {  	s4 =	simm.s32 $_size__tile_overlayer_lowered;
	s5 =	simm.s32 $_tile_overlayer_lowered  }
0x9b: {  	s6 =	simm.s32 $0x1BFF;
	s21 =	sshll.u32 s5, $0x1;
	s3 =	sadd.s32 s20, s19  }
0x9c: {  	s22 =	simm.s32 $0x0;
	s4 =	sshll.u32 s4, $0x1;
	s5 =	sadd.s32 s21, s3  }
0x9d: {  	[timem:s22], [sflag:s6] =	dma.local [hbm:s5], s4  }
0x9e: {  	_ =	swait.ge [sflag:s6], s4  }
0x9f: {  	s4 =	ssub.s32 $0x0, s4;
	[sflag:s6] =	ssyncset.done $0x0  }
0xa0: {  	[sflag:s6] =	ssyncadd.s32 s4;
	_ =	sdelay $0x1  }
0xa1: {  	s23 =	simm.s32 $0x1B8B  }
0xa2: {  	_ =	swait.ge [sflag:s23], $0x1  }
0xa3: {  	[sflag:s23] =	ssyncset.done $0x0  }
0xa4: {  	[sflag:s23] =	ssyncadd.s32 $0xFFFFFFFF  }
0xa5: {  	s4 =	sld [smem:$0x0]  }
0xa6: {  	s5 =	sand.u32 $0xFFFFFFFE, s1  }
0xa7: {  	p0 =	sne.s32 s1, s5  }
0xa8: {  	s5 =	sshll.u32 @p0 s5, $0xE  }
0xa9: {  	s5 =	sadd.s32 @p0 $0x11B8D, s5;
	s6 =	sshll.u32 @p0 s4, $0x11  }
0xaa: {  	s5 =	sor.u32 @p0 s6, s5  }
0xab: {  	[sflag:s5] =	ssyncadd.remote.s32 @p0 $0x1;
	_ =	sdelay $0x1  }
0xac: {  	s5 =	simm.s32 @p0 $0x1B8D  }
0xad: {  	_ =	swait.eq @p0 [sflag:s5], $0x1  }
0xae: {  	[sflag:s5] =	ssyncadd.s32 @p0 $0xFFFFFFFF  }
0xaf: {  	s6 =	sshll.u32 @!p0 s1, $0xE  }
0xb0: {  	s6 =	sor.u32 @!p0 $0x4000, s6;
	s5 =	simm.s32 @!p0 $0x1B8D  }
0xb1: {  	s4 =	sshll.u32 @!p0 s4, $0x11;
	s6 =	sadd.s32 @!p0 $0x11B8D, s6;
	_ =	swait.eq @!p0 [sflag:s5], $0x1  }
0xb2: {  	s4 =	sor.u32 @!p0 s4, s6;
	[sflag:s5] =	ssyncadd.s32 @!p0 $0xFFFFFFFF  }
0xb3: {  	s25 =	simm.s32 $0x1B8E;
	s24 =	sld [smem:$0x3FFE];
	[sflag:s4] =	ssyncadd.remote.s32 @!p0 $0x1  }
0xb4: {  	s26 =	simm.s32 $execute0_lowered;
	[smem:$0x3FD2] =	sst s25  }
0xb5: {  	s5 =	sshll.u32 s26, $0x1;
	_ =	strace $0x8000004F;
	[dreg:$0x1] =	wrdreg $0xFFFFFFFF  }
0xb6: {  	s28 =	simm.s32 $_size_execute0_lowered;
	s3 =	sadd.s32 s3, s5;
	[dreg:$0x0] =	wrdreg $0x0  }
0xb7: {  	s5 =	sshll.u32 s28, $0x1;
	[dreg:$0x2] =	wrdreg s3  }
0xb8: {  	[dreg:$0x3] =	wrdreg s5  }
0xb9: {  	[dreg:$0x4] =	wrdreg $0xC0  }
0xba: {  	_ =	task [dreg:s22], $0x5FFFF  }
0xbb: {  	[dreg:$0x1] =	wrdreg $0xFFFFFFFF  }
0xbc: {  	[dreg:$0x0] =	wrdreg $0x60  }
0xbd: {  	[dreg:$0x2] =	wrdreg s24  }
0xbe: {  	[dreg:$0x3] =	wrdreg $0xC  }
0xbf: {  	_ =	task.clear_ibuf [dreg:s22], $0x4FFFF;
	_ =	strace $0x9000004F  }
0xc0: {  	s29 =	simm.s32 $0xC;
	_ =	strace $0x80000051  }
0xc1: {  	_ =	swait.ge [sflag:s29], $0x1  }
0xc2: {  	[sflag:s29] =	ssyncadd.s32 $0xFFFFFFFF  }
0xc3: {  	_ =	strace $0x90000051  }
0xc4: {  	_ =	sfence  }
0xc5: {  	s30 =	sld [smem:$0x0];
	_ =	sdelay $0x2  }
0xc6: {  	s31 =	sshll.u32 s1, $0xD;
	s1 =	sshrl.u32 s1, $0x2  }
0xc7: {  	s4 =	sand.u32 $0x4000, s31;
	s1 =	sadd.s32 s1, s30  }
0xc8: {  	s0 =	sor.u32 s4, s0;
	s1 =	sshll.u32 s1, $0x11  }
0xc9: {  	s0 =	sor.u32 s1, s0  }
0xca: {  	s0 =	sadd.s32 $0x8F2B, s0  }
0xcb: {  	[sflag:s0] =	ssyncadd.remote.s32 $0x1  }
0xcc: {  	_ =	sfence.sel $0xFFFF  }
0xcd: {  	[dreg:$0x0] =	wrdreg $0xFFFFFFFF;
	(pc) =	sbr.abs _section_cstart, $3  }
0xce: {  	[dreg:$0x1] =	wrdreg $0xFFFFFFFF  }
0xcf: {  	_ =	task.clear_ibuf [dreg:s22], $0x2FFFF;
	_ =	strace $0x9FFFFFFF  }
0xd0: {  	(tm) =	ssettm $0x7FFFFFFF  }
0xd1: {  	_ =	shalt  }
tec
execute0_lowered:
.L_overlay_start_1:
0x0: {  	(tag) =	ssettag $0x1  }
0x1: {  	s1 =	srdreg.scid  }
0x2: {  	s0 =	stileid.u32;
	s4 =	rddreg [dreg:$0x0];
	s2 =	simm.s32 $0x0  }
0x3: {  	s30 =	simm.s32 $0x5;
	s29 =	simm.s32 $0x200;
	s10 =	simm.s32 $0x3C00  }
0x4: {  	s11 =	simm.s32 $0x7400;
	s28 =	simm.s32 $0x280;
	s12 =	simm.s32 $0xAC00  }
0x5: {  	s16 =	simm.s32 $0x2;
	s15 =	simm.s32 $0x3;
	p0 =	por $0x0, $0x0  }
0x6: {  	s17 =	simm.s32 $0x180;
	s18 =	simm.s32 $0x380;
	s1 =	sand.u32 $0x1, s1  }
0x7: {  	s3 =	sshll.u32 s0, $0x1;
	[smem:$0x7FF] =	sst s2;
	s7 =	sadd.s32 $0x4A2800, s4  }
0x8: {  	s8 =	sadd.s32 $0x4DA800, s4;
	s5 =	sor.u32 s1, s3;
	_ =	strace $0x80000050  }
0x9: {  	s3 =	sadd.s32 $0x157E00, s4;
	s1 =	ssub.s32 $0x2, s1;
	s6 =	sshll.u32 s5, $0x6  }
0xa: {  	s24 =	sshrl.u32 s1, $0x1;
	s5 =	smul.u32 $0x1C00, s5;
	s6 =	sadd.s32 s6, s4  }
0xb: {  	s1 =	ssub.s32 s1, s24;
	s24 =	simm.s32 $0x100;
	s9 =	sadd.s32 $0x4200, s6  }
0xc: {  	s23 =	sadd.s32 $0x4A00, s6;
	s1 =	smax.u32 s1, $0x1;
	s21 =	sadd.s32 s7, s5  }
0xd: {  	s25 =	sadd.s32 $0x700, s5;
	s22 =	sadd.s32 s8, s5;
	s26 =	sadd.s32 $0xE00, s5  }
0xe: {  	s5 =	sadd.s32 $0x1500, s5;
	s6 =	simm.s32 $0x1;
	p1 =	sne.s32 s1, $0x1  }
.Ltmp0:
0xf: {  	[dreg:$0x2] =	wrdreg s9;
	s19 =	sadd.s32 s7, s25;
	(pc) =	sbr.rel @!p1 .LBB2_3-.Ltmp0, $4  }
0x10: {  	s20 =	sadd.s32 s8, s25;
	s13 =	sadd.s32 s7, s26;
	s14 =	sadd.s32 s8, s26  }
0x11: {  	s4 =	sadd.s32 s7, s5;
	s5 =	sadd.s32 s8, s5;
	s7 =	simm.s32 $0x70  }
0x12: {  	s9 =	simm.s32 $0x400;
	s26 =	simm.s32 $0x80;
	s31 =	sadd.s32 $0xFFFFFFFF, s1  }
0x13: {  	s25 =	simm.s32 $0x300;
	s8 =	simm.s32 $0x4;
	s1 =	rddreg [dreg:$0x2]  }
0x14: {  	[tilespmem:s2], [sflag:$0x5] =	stream.linear.gather [hbm4b:s1+s2], $0x200, $0x38;
	[tilespmem:$0xE400] =	vst v63  }
0x15: {  	_ =	swait.ge [sflag:s30], $0x200  }
0x16: {  	[sflag:s30] =	ssyncset.done $0x0  }
0x17: {  	[sflag:s30] =	ssyncadd.s32 $0xFFFFFE00  }
0x18: {  	[tilespmem:s29], [sflag:$0x5] =	stream.linear.gather [hbm4b:s23+s2], $0x200, $0x38;
	[tilespmem:$0xE400] =	vst v63  }
0x19: {  	_ =	swait.ge [sflag:s30], $0x200  }
0x1a: {  	[sflag:s30] =	ssyncset.done $0x0  }
0x1b: {  	[sflag:s30] =	ssyncadd.s32 $0xFFFFFE00  }
0x1c: {  	[tilespmem:s9], [sflag:$0x1] =	stream.indirect.gather [hbm4b:s3+s7], $0x80, s2, s7, $0xb8;
	[tilespmem:$0xE400] =	vst v63  }
0x1d: {  	_ = 	snop  }
0x1e: {  	[tilespmem:s10], [sflag:$0x1] =	stream.indirect.gather [hbm4b:s3+s7], $0x80, s29, s7, $0xb8;
	[tilespmem:$0xE400] =	vst v63  }
0x1f: {  	_ =	swait.ge [sflag:s6], $0x3800  }
0x20: {  	[sflag:s6] =	ssyncset.done $0x0  }
0x21: {  	[sflag:s6] =	ssyncadd.s32 $0xFFFFC800  }
0x22: {  	_ =	swait.ge [sflag:s6], $0x3800  }
0x23: {  	[sflag:s6] =	ssyncset.done $0x0  }
0x24: {  	[sflag:s6] =	ssyncadd.s32 $0xFFFFC800  }
0x25: {  	[tilespmem:s11], [sflag:$0x2] =	stream.indirect.gather [hbm4b:s3+s7], $0x80, s26, s7, $0xb8;
	[tilespmem:$0xE400] =	vst v63  }
0x26: {  	_ = 	snop  }
0x27: {  	[tilespmem:s12], [sflag:$0x2] =	stream.indirect.gather [hbm4b:s3+s7], $0x80, s28, s7, $0xb8;
	[tilespmem:$0xE400] =	vst v63  }
0x28: {  	_ = 	snop  }
0x29: {  	[hbm4b:s21+s2] =	stream.linear.scatter [tilespmem:s9], [sflag:$0x3], $0x3800, $0x38;
	[tilespmem:$0xE400] =	vst v63  }
0x2a: {  	_ = 	snop  }
0x2b: {  	[hbm4b:s22+s2] =	stream.linear.scatter [tilespmem:s10], [sflag:$0x3], $0x3800, $0x38;
	[tilespmem:$0xE400] =	vst v63  }
0x2c: {  	_ =	swait.ge [sflag:s16], $0x3800  }
0x2d: {  	[sflag:s16] =	ssyncset.done $0x0  }
0x2e: {  	[sflag:s16] =	ssyncadd.s32 $0xFFFFC800  }
0x2f: {  	_ =	swait.ge [sflag:s16], $0x3800  }
0x30: {  	[sflag:s16] =	ssyncset.done $0x0  }
0x31: {  	[sflag:s16] =	ssyncadd.s32 $0xFFFFC800  }
0x32: {  	_ =	swait.ge [sflag:s15], $0x3800  }
0x33: {  	[sflag:s15] =	ssyncset.done $0x0  }
0x34: {  	[sflag:s15] =	ssyncadd.s32 $0xFFFFC800  }
0x35: {  	_ =	swait.ge [sflag:s15], $0x3800  }
0x36: {  	[sflag:s15] =	ssyncset.done $0x0  }
0x37: {  	[sflag:s15] =	ssyncadd.s32 $0xFFFFC800  }
0x38: {  	[tilespmem:s9], [sflag:$0x1] =	stream.indirect.gather [hbm4b:s3+s7], $0x80, s24, s7, $0xb8;
	[tilespmem:$0xE400] =	vst v63  }
0x39: {  	_ = 	snop  }
0x3a: {  	[tilespmem:s10], [sflag:$0x1] =	stream.indirect.gather [hbm4b:s3+s7], $0x80, s25, s7, $0xb8;
	[tilespmem:$0xE400] =	vst v63  }
0x3b: {  	_ = 	snop  }
0x3c: {  	[hbm4b:s19+s2] =	stream.linear.scatter [tilespmem:s11], [sflag:$0x4], $0x3800, $0x38;
	[tilespmem:$0xE400] =	vst v63  }
0x3d: {  	_ = 	snop  }
0x3e: {  	[hbm4b:s20+s2] =	stream.linear.scatter [tilespmem:s12], [sflag:$0x4], $0x3800, $0x38;
	[tilespmem:$0xE400] =	vst v63  }
0x3f: {  	_ =	swait.ge [sflag:s6], $0x3800  }
0x40: {  	[sflag:s6] =	ssyncset.done $0x0  }
0x41: {  	[sflag:s6] =	ssyncadd.s32 $0xFFFFC800  }
0x42: {  	_ =	swait.ge [sflag:s6], $0x3800  }
0x43: {  	[sflag:s6] =	ssyncset.done $0x0  }
0x44: {  	[sflag:s6] =	ssyncadd.s32 $0xFFFFC800  }
0x45: {  	_ =	swait.ge [sflag:s8], $0x3800  }
0x46: {  	[sflag:s8] =	ssyncset.done $0x0  }
0x47: {  	[sflag:s8] =	ssyncadd.s32 $0xFFFFC800  }
0x48: {  	_ =	swait.ge [sflag:s8], $0x3800  }
0x49: {  	[sflag:s8] =	ssyncset.done $0x0  }
0x4a: {  	[sflag:s8] =	ssyncadd.s32 $0xFFFFC800  }
0x4b: {  	[tilespmem:s11], [sflag:$0x2] =	stream.indirect.gather [hbm4b:s3+s7], $0x80, s17, s7, $0xb8;
	[tilespmem:$0xE400] =	vst v63  }
0x4c: {  	_ = 	snop  }
0x4d: {  	[tilespmem:s12], [sflag:$0x2] =	stream.indirect.gather [hbm4b:s3+s7], $0x80, s18, s7, $0xb8;
	[tilespmem:$0xE400] =	vst v63  }
0x4e: {  	_ = 	snop  }
0x4f: {  	[hbm4b:s13+s2] =	stream.linear.scatter [tilespmem:s9], [sflag:$0x3], $0x3800, $0x38;
	[tilespmem:$0xE400] =	vst v63  }
0x50: {  	_ = 	snop  }
0x51: {  	[hbm4b:s14+s2] =	stream.linear.scatter [tilespmem:s10], [sflag:$0x3], $0x3800, $0x38;
	[tilespmem:$0xE400] =	vst v63  }
0x52: {  	_ =	swait.ge [sflag:s16], $0x3800  }
0x53: {  	[sflag:s16] =	ssyncset.done $0x0  }
0x54: {  	[sflag:s16] =	ssyncadd.s32 $0xFFFFC800  }
0x55: {  	_ =	swait.ge [sflag:s16], $0x3800  }
0x56: {  	[sflag:s16] =	ssyncset.done $0x0  }
0x57: {  	[sflag:s16] =	ssyncadd.s32 $0xFFFFC800  }
0x58: {  	_ =	swait.ge [sflag:s15], $0x3800  }
0x59: {  	[sflag:s15] =	ssyncset.done $0x0  }
0x5a: {  	[sflag:s15] =	ssyncadd.s32 $0xFFFFC800  }
0x5b: {  	_ =	swait.ge [sflag:s15], $0x3800  }
0x5c: {  	[sflag:s15] =	ssyncset.done $0x0  }
0x5d: {  	[sflag:s15] =	ssyncadd.s32 $0xFFFFC800  }
0x5e: {  	[tilespmem:s9], [sflag:$0x1] =	stream.indirect.gather [hbm4b:s3+s7], $0x80, s17, s7, $0xb8;
	[tilespmem:$0xE400] =	vst v63  }
0x5f: {  	_ = 	snop  }
0x60: {  	[tilespmem:s10], [sflag:$0x1] =	stream.indirect.gather [hbm4b:s3+s7], $0x80, s18, s7, $0xb8;
	[tilespmem:$0xE400] =	vst v63  }
0x61: {  	_ = 	snop  }
0x62: {  	[hbm4b:s4+s2] =	stream.linear.scatter [tilespmem:s11], [sflag:$0x4], $0x3800, $0x38;
	[tilespmem:$0xE400] =	vst v63  }
0x63: {  	_ = 	snop  }
0x64: {  	[hbm4b:s5+s2] =	stream.linear.scatter [tilespmem:s12], [sflag:$0x4], $0x3800, $0x38;
	[tilespmem:$0xE400] =	vst v63  }
0x65: {  	_ =	swait.ge [sflag:s6], $0x3800  }
0x66: {  	[sflag:s6] =	ssyncset.done $0x0  }
0x67: {  	[sflag:s6] =	ssyncadd.s32 $0xFFFFC800  }
0x68: {  	_ =	swait.ge [sflag:s6], $0x3800  }
0x69: {  	[sflag:s6] =	ssyncset.done $0x0  }
0x6a: {  	p1 =	sne.s32 s31, $0x1;
	[sflag:s6] =	ssyncadd.s32 $0xFFFFC800  }
.Ltmp1:
0x6b: {  	_ =	swait.ge [sflag:s8], $0x3800;
	(pc) =	sbr.rel @!p1 .LBB2_3-.Ltmp1, $4  }
0x6c: {  	[sflag:s8] =	ssyncset.done $0x0  }
0x6d: {  	[sflag:s8] =	ssyncadd.s32 $0xFFFFC800  }
0x6e: {  	s31 =	sadd.s32 $0xFFFFFFFF, s31;
	_ =	swait.ge [sflag:s8], $0x3800  }
0x6f: {  	p0 =	por $0x1, $0x1;
	s1 =	rddreg [dreg:$0x2];
	[sflag:s8] =	ssyncset.done $0x0  }
.LBB2_2:
0x70: {  	[sflag:s8] =	ssyncadd.s32 $0xFFFFC800  }
0x71: {  	[tilespmem:s2], [sflag:$0x5] =	stream.linear.gather [hbm4b:s1+s2], $0x200, $0x38;
	[tilespmem:$0xE400] =	vst v63  }
0x72: {  	_ =	swait.ge [sflag:s30], $0x200  }
0x73: {  	[sflag:s30] =	ssyncset.done $0x0  }
0x74: {  	[sflag:s30] =	ssyncadd.s32 $0xFFFFFE00  }
0x75: {  	[tilespmem:s29], [sflag:$0x5] =	stream.linear.gather [hbm4b:s23+s2], $0x200, $0x38;
	[tilespmem:$0xE400] =	vst v63  }
0x76: {  	_ =	swait.ge [sflag:s30], $0x200  }
0x77: {  	[sflag:s30] =	ssyncset.done $0x0  }
0x78: {  	[sflag:s30] =	ssyncadd.s32 $0xFFFFFE00  }
0x79: {  	[tilespmem:s9], [sflag:$0x1] =	stream.indirect.gather [hbm4b:s3+s7], $0x80, s2, s7, $0xb8;
	[tilespmem:$0xE400] =	vst v63  }
0x7a: {  	_ = 	snop  }
0x7b: {  	[tilespmem:s10], [sflag:$0x1] =	stream.indirect.gather [hbm4b:s3+s7], $0x80, s29, s7, $0xb8;
	[tilespmem:$0xE400] =	vst v63  }
0x7c: {  	_ =	swait.ge [sflag:s6], $0x3800  }
0x7d: {  	[sflag:s6] =	ssyncset.done $0x0  }
0x7e: {  	[sflag:s6] =	ssyncadd.s32 $0xFFFFC800  }
0x7f: {  	_ =	swait.ge [sflag:s6], $0x3800  }
0x80: {  	[sflag:s6] =	ssyncset.done $0x0  }
0x81: {  	[sflag:s6] =	ssyncadd.s32 $0xFFFFC800  }
0x82: {  	[tilespmem:s11], [sflag:$0x2] =	stream.indirect.gather [hbm4b:s3+s7], $0x80, s26, s7, $0xb8;
	[tilespmem:$0xE400] =	vst v63  }
0x83: {  	_ = 	snop  }
0x84: {  	[tilespmem:s12], [sflag:$0x2] =	stream.indirect.gather [hbm4b:s3+s7], $0x80, s28, s7, $0xb8;
	[tilespmem:$0xE400] =	vst v63  }
0x85: {  	_ = 	snop  }
0x86: {  	[hbm4b:s21+s2] =	stream.linear.scatter [tilespmem:s9], [sflag:$0x3], $0x3800, $0x38;
	[tilespmem:$0xE400] =	vst v63  }
0x87: {  	_ = 	snop  }
0x88: {  	[hbm4b:s22+s2] =	stream.linear.scatter [tilespmem:s10], [sflag:$0x3], $0x3800, $0x38;
	[tilespmem:$0xE400] =	vst v63  }
0x89: {  	_ =	swait.ge [sflag:s16], $0x3800  }
0x8a: {  	[sflag:s16] =	ssyncset.done $0x0  }
0x8b: {  	[sflag:s16] =	ssyncadd.s32 $0xFFFFC800  }
0x8c: {  	_ =	swait.ge [sflag:s16], $0x3800  }
0x8d: {  	[sflag:s16] =	ssyncset.done $0x0  }
0x8e: {  	[sflag:s16] =	ssyncadd.s32 $0xFFFFC800  }
0x8f: {  	_ =	swait.ge [sflag:s15], $0x3800  }
0x90: {  	[sflag:s15] =	ssyncset.done $0x0  }
0x91: {  	[sflag:s15] =	ssyncadd.s32 $0xFFFFC800  }
0x92: {  	_ =	swait.ge [sflag:s15], $0x3800  }
0x93: {  	[sflag:s15] =	ssyncset.done $0x0  }
0x94: {  	[sflag:s15] =	ssyncadd.s32 $0xFFFFC800  }
0x95: {  	[tilespmem:s9], [sflag:$0x1] =	stream.indirect.gather [hbm4b:s3+s7], $0x80, s24, s7, $0xb8;
	[tilespmem:$0xE400] =	vst v63  }
0x96: {  	_ = 	snop  }
0x97: {  	[tilespmem:s10], [sflag:$0x1] =	stream.indirect.gather [hbm4b:s3+s7], $0x80, s25, s7, $0xb8;
	[tilespmem:$0xE400] =	vst v63  }
0x98: {  	_ = 	snop  }
0x99: {  	[hbm4b:s19+s2] =	stream.linear.scatter [tilespmem:s11], [sflag:$0x4], $0x3800, $0x38;
	[tilespmem:$0xE400] =	vst v63  }
0x9a: {  	_ = 	snop  }
0x9b: {  	[hbm4b:s20+s2] =	stream.linear.scatter [tilespmem:s12], [sflag:$0x4], $0x3800, $0x38;
	[tilespmem:$0xE400] =	vst v63  }
0x9c: {  	_ =	swait.ge [sflag:s6], $0x3800  }
0x9d: {  	[sflag:s6] =	ssyncset.done $0x0  }
0x9e: {  	[sflag:s6] =	ssyncadd.s32 $0xFFFFC800  }
0x9f: {  	_ =	swait.ge [sflag:s6], $0x3800  }
0xa0: {  	[sflag:s6] =	ssyncset.done $0x0  }
0xa1: {  	[sflag:s6] =	ssyncadd.s32 $0xFFFFC800  }
0xa2: {  	_ =	swait.ge [sflag:s8], $0x3800  }
0xa3: {  	[sflag:s8] =	ssyncset.done $0x0  }
0xa4: {  	[sflag:s8] =	ssyncadd.s32 $0xFFFFC800  }
0xa5: {  	_ =	swait.ge [sflag:s8], $0x3800  }
0xa6: {  	[sflag:s8] =	ssyncset.done $0x0  }
0xa7: {  	[sflag:s8] =	ssyncadd.s32 $0xFFFFC800  }
0xa8: {  	[tilespmem:s11], [sflag:$0x2] =	stream.indirect.gather [hbm4b:s3+s7], $0x80, s17, s7, $0xb8;
	[tilespmem:$0xE400] =	vst v63  }
0xa9: {  	_ = 	snop  }
0xaa: {  	[tilespmem:s12], [sflag:$0x2] =	stream.indirect.gather [hbm4b:s3+s7], $0x80, s18, s7, $0xb8;
	[tilespmem:$0xE400] =	vst v63  }
0xab: {  	_ = 	snop  }
0xac: {  	[hbm4b:s13+s2] =	stream.linear.scatter [tilespmem:s9], [sflag:$0x3], $0x3800, $0x38;
	[tilespmem:$0xE400] =	vst v63  }
0xad: {  	_ = 	snop  }
0xae: {  	[hbm4b:s14+s2] =	stream.linear.scatter [tilespmem:s10], [sflag:$0x3], $0x3800, $0x38;
	[tilespmem:$0xE400] =	vst v63  }
0xaf: {  	_ =	swait.ge [sflag:s16], $0x3800  }
0xb0: {  	[sflag:s16] =	ssyncset.done $0x0  }
0xb1: {  	[sflag:s16] =	ssyncadd.s32 $0xFFFFC800  }
0xb2: {  	_ =	swait.ge [sflag:s16], $0x3800  }
0xb3: {  	[sflag:s16] =	ssyncset.done $0x0  }
0xb4: {  	[sflag:s16] =	ssyncadd.s32 $0xFFFFC800  }
0xb5: {  	_ =	swait.ge [sflag:s15], $0x3800  }
0xb6: {  	[sflag:s15] =	ssyncset.done $0x0  }
0xb7: {  	[sflag:s15] =	ssyncadd.s32 $0xFFFFC800  }
0xb8: {  	_ =	swait.ge [sflag:s15], $0x3800  }
0xb9: {  	[sflag:s15] =	ssyncset.done $0x0  }
0xba: {  	[sflag:s15] =	ssyncadd.s32 $0xFFFFC800  }
0xbb: {  	[tilespmem:s9], [sflag:$0x1] =	stream.indirect.gather [hbm4b:s3+s7], $0x80, s17, s7, $0xb8;
	[tilespmem:$0xE400] =	vst v63  }
0xbc: {  	_ = 	snop  }
0xbd: {  	[tilespmem:s10], [sflag:$0x1] =	stream.indirect.gather [hbm4b:s3+s7], $0x80, s18, s7, $0xb8;
	[tilespmem:$0xE400] =	vst v63  }
0xbe: {  	_ = 	snop  }
0xbf: {  	[hbm4b:s4+s2] =	stream.linear.scatter [tilespmem:s11], [sflag:$0x4], $0x3800, $0x38;
	[tilespmem:$0xE400] =	vst v63  }
0xc0: {  	_ = 	snop  }
0xc1: {  	[hbm4b:s5+s2] =	stream.linear.scatter [tilespmem:s12], [sflag:$0x4], $0x3800, $0x38;
	[tilespmem:$0xE400] =	vst v63  }
0xc2: {  	_ =	swait.ge [sflag:s6], $0x3800  }
0xc3: {  	[sflag:s6] =	ssyncset.done $0x0  }
0xc4: {  	[sflag:s6] =	ssyncadd.s32 $0xFFFFC800  }
0xc5: {  	_ =	swait.ge [sflag:s6], $0x3800  }
0xc6: {  	[sflag:s6] =	ssyncset.done $0x0  }
0xc7: {  	p1 =	sne.s32 s31, $0x1;
	[sflag:s6] =	ssyncadd.s32 $0xFFFFC800  }
.Ltmp2:
0xc8: {  	_ =	swait.ge [sflag:s8], $0x3800;
	(pc) =	sbr.rel @p1 .LBB2_2-.Ltmp2, $4  }
0xc9: {  	[sflag:s8] =	ssyncset.done $0x0  }
0xca: {  	[sflag:s8] =	ssyncadd.s32 $0xFFFFC800  }
0xcb: {  	_ =	swait.ge [sflag:s8], $0x3800  }
0xcc: {  	s31 =	sadd.s32 $0xFFFFFFFF, s31;
	s1 =	rddreg [dreg:$0x2];
	[sflag:s8] =	ssyncset.done $0x0  }
.LBB2_3:
0xcd: {  	[sflag:s8] =	ssyncadd.s32 @p0 $0xFFFFC800  }
0xce: {  	[tilespmem:s2], [sflag:$0x5] =	stream.linear.gather [hbm4b:s1+s2], $0x200, $0x38;
	[tilespmem:$0xE400] =	vst v63  }
0xcf: {  	_ =	swait.ge [sflag:s30], $0x200  }
0xd0: {  	[sflag:s30] =	ssyncset.done $0x0  }
0xd1: {  	[sflag:s30] =	ssyncadd.s32 $0xFFFFFE00  }
0xd2: {  	[tilespmem:s29], [sflag:$0x5] =	stream.linear.gather [hbm4b:s23+s2], $0x200, $0x38;
	[tilespmem:$0xE400] =	vst v63  }
0xd3: {  	_ =	swait.ge [sflag:s30], $0x200  }
0xd4: {  	[sflag:s30] =	ssyncset.done $0x0  }
0xd5: {  	[sflag:s30] =	ssyncadd.s32 $0xFFFFFE00  }
0xd6: {  	[tilespmem:s9], [sflag:$0x1] =	stream.indirect.gather [hbm4b:s3+s7], $0x80, s2, s7, $0xb8;
	[tilespmem:$0xE400] =	vst v63  }
0xd7: {  	_ = 	snop  }
0xd8: {  	[tilespmem:s10], [sflag:$0x1] =	stream.indirect.gather [hbm4b:s3+s7], $0x80, s29, s7, $0xb8;
	[tilespmem:$0xE400] =	vst v63  }
0xd9: {  	_ =	swait.ge [sflag:s6], $0x3800  }
0xda: {  	[sflag:s6] =	ssyncset.done $0x0  }
0xdb: {  	[sflag:s6] =	ssyncadd.s32 $0xFFFFC800  }
0xdc: {  	_ =	swait.ge [sflag:s6], $0x3800  }
0xdd: {  	[sflag:s6] =	ssyncset.done $0x0  }
0xde: {  	[sflag:s6] =	ssyncadd.s32 $0xFFFFC800  }
0xdf: {  	[tilespmem:s11], [sflag:$0x2] =	stream.indirect.gather [hbm4b:s3+s7], $0x80, s26, s7, $0xb8;
	[tilespmem:$0xE400] =	vst v63  }
0xe0: {  	_ = 	snop  }
0xe1: {  	[tilespmem:s12], [sflag:$0x2] =	stream.indirect.gather [hbm4b:s3+s7], $0x80, s28, s7, $0xb8;
	[tilespmem:$0xE400] =	vst v63  }
0xe2: {  	_ = 	snop  }
0xe3: {  	[hbm4b:s21+s2] =	stream.linear.scatter [tilespmem:s9], [sflag:$0x3], $0x3800, $0x38;
	[tilespmem:$0xE400] =	vst v63  }
0xe4: {  	_ = 	snop  }
0xe5: {  	[hbm4b:s22+s2] =	stream.linear.scatter [tilespmem:s10], [sflag:$0x3], $0x3800, $0x38;
	[tilespmem:$0xE400] =	vst v63  }
0xe6: {  	_ =	swait.ge [sflag:s16], $0x3800  }
0xe7: {  	[sflag:s16] =	ssyncset.done $0x0  }
0xe8: {  	[sflag:s16] =	ssyncadd.s32 $0xFFFFC800  }
0xe9: {  	_ =	swait.ge [sflag:s16], $0x3800  }
0xea: {  	[sflag:s16] =	ssyncset.done $0x0  }
0xeb: {  	[sflag:s16] =	ssyncadd.s32 $0xFFFFC800  }
0xec: {  	_ =	swait.ge [sflag:s15], $0x3800  }
0xed: {  	[sflag:s15] =	ssyncset.done $0x0  }
0xee: {  	[sflag:s15] =	ssyncadd.s32 $0xFFFFC800  }
0xef: {  	_ =	swait.ge [sflag:s15], $0x3800  }
0xf0: {  	[sflag:s15] =	ssyncset.done $0x0  }
0xf1: {  	[sflag:s15] =	ssyncadd.s32 $0xFFFFC800  }
0xf2: {  	[tilespmem:s9], [sflag:$0x1] =	stream.indirect.gather [hbm4b:s3+s7], $0x80, s24, s7, $0xb8;
	[tilespmem:$0xE400] =	vst v63  }
0xf3: {  	_ = 	snop  }
0xf4: {  	[tilespmem:s10], [sflag:$0x1] =	stream.indirect.gather [hbm4b:s3+s7], $0x80, s25, s7, $0xb8;
	[tilespmem:$0xE400] =	vst v63  }
0xf5: {  	_ = 	snop  }
0xf6: {  	[hbm4b:s19+s2] =	stream.linear.scatter [tilespmem:s11], [sflag:$0x4], $0x3800, $0x38;
	[tilespmem:$0xE400] =	vst v63  }
0xf7: {  	_ = 	snop  }
0xf8: {  	[hbm4b:s20+s2] =	stream.linear.scatter [tilespmem:s12], [sflag:$0x4], $0x3800, $0x38;
	[tilespmem:$0xE400] =	vst v63  }
0xf9: {  	_ =	swait.ge [sflag:s6], $0x3800  }
0xfa: {  	[sflag:s6] =	ssyncset.done $0x0  }
0xfb: {  	[sflag:s6] =	ssyncadd.s32 $0xFFFFC800  }
0xfc: {  	_ =	swait.ge [sflag:s6], $0x3800  }
0xfd: {  	[sflag:s6] =	ssyncset.done $0x0  }
0xfe: {  	[sflag:s6] =	ssyncadd.s32 $0xFFFFC800  }
0xff: {  	_ =	swait.ge [sflag:s8], $0x3800  }
0x100: {  	[sflag:s8] =	ssyncset.done $0x0  }
0x101: {  	[sflag:s8] =	ssyncadd.s32 $0xFFFFC800  }
0x102: {  	_ =	swait.ge [sflag:s8], $0x3800  }
0x103: {  	[sflag:s8] =	ssyncset.done $0x0  }
0x104: {  	[sflag:s8] =	ssyncadd.s32 $0xFFFFC800  }
0x105: {  	[tilespmem:s11], [sflag:$0x2] =	stream.indirect.gather [hbm4b:s3+s7], $0x80, s17, s7, $0xb8;
	[tilespmem:$0xE400] =	vst v63  }
0x106: {  	_ = 	snop  }
0x107: {  	[tilespmem:s12], [sflag:$0x2] =	stream.indirect.gather [hbm4b:s3+s7], $0x80, s18, s7, $0xb8;
	[tilespmem:$0xE400] =	vst v63  }
0x108: {  	_ = 	snop  }
0x109: {  	[hbm4b:s13+s2] =	stream.linear.scatter [tilespmem:s9], [sflag:$0x3], $0x3800, $0x38;
	[tilespmem:$0xE400] =	vst v63  }
0x10a: {  	_ = 	snop  }
0x10b: {  	[hbm4b:s14+s2] =	stream.linear.scatter [tilespmem:s10], [sflag:$0x3], $0x3800, $0x38;
	[tilespmem:$0xE400] =	vst v63  }
0x10c: {  	_ =	swait.ge [sflag:s16], $0x3800  }
0x10d: {  	[sflag:s16] =	ssyncset.done $0x0  }
0x10e: {  	[sflag:s16] =	ssyncadd.s32 $0xFFFFC800  }
0x10f: {  	_ =	swait.ge [sflag:s16], $0x3800  }
0x110: {  	[sflag:s16] =	ssyncset.done $0x0  }
0x111: {  	[sflag:s16] =	ssyncadd.s32 $0xFFFFC800  }
0x112: {  	_ =	swait.ge [sflag:s15], $0x3800  }
0x113: {  	[sflag:s15] =	ssyncset.done $0x0  }
0x114: {  	[sflag:s15] =	ssyncadd.s32 $0xFFFFC800  }
0x115: {  	_ =	swait.ge [sflag:s15], $0x3800  }
0x116: {  	[sflag:s15] =	ssyncset.done $0x0  }
0x117: {  	[sflag:s15] =	ssyncadd.s32 $0xFFFFC800  }
0x118: {  	[tilespmem:s9], [sflag:$0x1] =	stream.indirect.gather [hbm4b:s3+s7], $0x80, s17, s7, $0xb8;
	[tilespmem:$0xE400] =	vst v63  }
0x119: {  	_ = 	snop  }
0x11a: {  	[tilespmem:s10], [sflag:$0x1] =	stream.indirect.gather [hbm4b:s3+s7], $0x80, s18, s7, $0xb8;
	[tilespmem:$0xE400] =	vst v63  }
0x11b: {  	_ = 	snop  }
0x11c: {  	[hbm4b:s4+s2] =	stream.linear.scatter [tilespmem:s11], [sflag:$0x4], $0x3800, $0x38;
	[tilespmem:$0xE400] =	vst v63  }
0x11d: {  	_ = 	snop  }
0x11e: {  	[hbm4b:s5+s2] =	stream.linear.scatter [tilespmem:s12], [sflag:$0x4], $0x3800, $0x38;
	[tilespmem:$0xE400] =	vst v63  }
0x11f: {  	_ =	swait.ge [sflag:s6], $0x3800  }
0x120: {  	[sflag:s6] =	ssyncset.done $0x0  }
0x121: {  	[sflag:s6] =	ssyncadd.s32 $0xFFFFC800  }
0x122: {  	_ =	swait.ge [sflag:s6], $0x3800  }
0x123: {  	[sflag:s6] =	ssyncset.done $0x0  }
0x124: {  	[sflag:s6] =	ssyncadd.s32 $0xFFFFC800  }
0x125: {  	_ =	swait.ge [sflag:s8], $0x3800  }
0x126: {  	[sflag:s8] =	ssyncset.done $0x0  }
0x127: {  	[sflag:s8] =	ssyncadd.s32 $0xFFFFC800  }
0x128: {  	_ =	swait.ge [sflag:s8], $0x3800  }
0x129: {  	[sflag:s8] =	ssyncset.done $0x0  }
0x12a: {  	[sflag:s8] =	ssyncadd.s32 $0xFFFFC800  }
0x12b: {  	_ =	sfence.sel $0x180000  }
0x12c: {  	[bflag:$0x0] =	sbarrier.arrive $0xFFFF  }
0x12d: {  	_ =	strace $0x90000050  }
0x12e: {  	[bflag:$0x2] =	sbarrier.arrive $0xFFFF  }
0x12f: {  	p0 =	sne.s32 s0, $0x0;
	s0 =	rddreg [dreg:$0x1]  }
0x130: {  	s0 =	sadd.s32 @!p0 $0x100000, s0  }
0x131: {  	[sflag:s0] =	ssyncadd.tile.s32 @!p0 $0x1;
	_ =	shalt  }
.Lfunc_end2:
_tile_overlayer_lowered:
.L_overlay_start_2:
0x132: {  	(tag) =	ssettag $0x2  }
0x133: {  	s0 =	rddreg [dreg:$0x0];
	s2 =	stileid.u32  }
0x134: {  	s1 =	rddreg [dreg:$0x1];
	p0 =	sne.s32 s2, $0x0  }
0x135: {  	s3 =	rddreg [dreg:$0x2];
	[bflag:$0x3] =	sbarrier.arrive $0xFFFF;
	s2 =	simm.s32 @!p0 $0x1C05  }
0x136: {  	[timem:s3], [sflag:s2] =	dma.local @!p0 [hbm:s0], s1  }
0x137: {  	s0 =	simm.s32 @!p0 $0x5  }
0x138: {  	_ =	swait.ge @!p0 [sflag:s0], s1  }
0x139: {  	s1 =	ssub.s32 @!p0 $0x0, s1;
	[sflag:s0] =	ssyncset.done @!p0 $0x0  }
0x13a: {  	[sflag:s0] =	ssyncadd.s32 @!p0 s1  }
0x13b: {  	[bflag:$0x3] =	sbarrier.arrive $0xFFFF  }
0x13c: {  	_ =	shalt  }

</sc_bundles>
